<compile_context>
chip_gen: v7x
topology: tpu7x:2x2x1
jax: 0.10.2.dev20260603
libtpu: 0.0.44.dev20260713+nightly
codegen_flags: <defaults>
</compile_context>

<pallas_src>
import functools

import jax
import jax.numpy as jnp
from jax import lax
from jax.experimental import pallas as pl
from jax.experimental.pallas import tpu as pltpu
from jax.experimental.pallas import tpu_sc as plsc

NC = 2
NS = 16
NGRAPHS = 64



@functools.cache
def _make_scatter(n, e, d):
    NW = NC * NS
    EPW = e // NW
    CH = 100
    NCH = EPW // CH
    NBUF = 10
    ROUNDS = NCH // NBUF
    assert EPW * NW == e and CH * NCH == EPW and NBUF * ROUNDS == NCH
    RPT = (n // NS) // 8 * 8
    REM = n - RPT * NS
    assert RPT % 8 == 0 and REM % 8 == 0

    mesh = plsc.VectorSubcoreMesh(
        core_axis_name="c", subcore_axis_name="s",
        num_cores=NC, num_subcores=NS)
    ZR = 208
    NZC = RPT // ZR
    assert NZC * ZR == RPT and REM <= ZR

    scratch = [
        pltpu.VMEM((NCH, CH), jnp.int32),
        pltpu.VMEM((NCH, CH), jnp.int32),
        pltpu.VMEM((NBUF, CH, d), jnp.float32),
        pltpu.VMEM((ZR, d), jnp.float32),
        pltpu.VMEM_SHARED((n, d), jnp.float32),
    ] + [pltpu.SemaphoreType.DMA] * (2 * NBUF + 2)

    @functools.partial(
        pl.kernel,
        out_type=jax.ShapeDtypeStruct((NC, n, d), jnp.float32),
        mesh=mesh,
        scratch_types=scratch,
        compiler_params=pltpu.CompilerParams(use_tc_tiling_on_sc=False),
    )
    def scatter_kernel(y_hbm, ei_hbm, out_hbm,
                       src_v, dst_v, bufs, zblk, acc, *sems):
        cid = lax.axis_index("c")
        sid = lax.axis_index("s")
        wid = cid * NS + sid
        gsem = sems[:NBUF]
        ssem = sems[NBUF:2 * NBUF]
        isem = sems[2 * NBUF]
        jsem = sems[2 * NBUF + 1]

        pltpu.async_copy(ei_hbm.at[0, wid], src_v, isem)
        pltpu.async_copy(ei_hbm.at[1, wid], dst_v, jsem)
        r0 = sid * RPT

        @pl.when(cid == 0)
        def _():
            pltpu.sync_copy(y_hbm.at[pl.ds(r0, RPT)], acc.at[pl.ds(r0, RPT)])
            if REM:
                @pl.when(sid == NS - 1)
                def _():
                    pltpu.sync_copy(y_hbm.at[pl.ds(RPT * NS, REM)],
                                    acc.at[pl.ds(RPT * NS, REM)])

        @pl.when(cid != 0)
        def _():
            zv = jnp.zeros((16,), jnp.float32)

            @pl.loop(0, ZR)
            def _zrow(rr):
                for cc in range(d // 16):
                    zblk[rr, pl.ds(cc * 16, 16)] = zv

            for k in range(NZC):
                pltpu.sync_copy(zblk, acc.at[pl.ds(r0 + k * ZR, ZR)])
            if REM:
                @pl.when(sid == NS - 1)
                def _():
                    pltpu.sync_copy(zblk.at[pl.ds(0, REM)],
                                    acc.at[pl.ds(RPT * NS, REM)])

        pltpu.make_async_copy(ei_hbm.at[0, wid], src_v, isem).wait()
        pltpu.make_async_copy(ei_hbm.at[1, wid], dst_v, jsem).wait()
        plsc.subcore_barrier()

        for b in range(NBUF):
            pltpu.async_copy(y_hbm.at[src_v.at[b]], bufs.at[b], gsem[b])

        LAG = 2

        @pl.loop(0, ROUNDS)
        def _round(r):
            for b in range(NBUF):
                j = r * NBUF + b
                pltpu.make_async_copy(
                    y_hbm.at[src_v.at[j]], bufs.at[b], gsem[b]).wait()
                pltpu.async_copy(
                    bufs.at[b], acc.at[dst_v.at[j]], ssem[b], add=True)
                bb = (b - LAG) % NBUF
                jj = j - LAG

                @pl.when(jnp.logical_and(jj >= 0, jj + NBUF < NCH))
                def _():
                    pltpu.make_async_copy(
                        bufs.at[bb], acc.at[dst_v.at[jj]], ssem[bb]).wait()
                    pltpu.async_copy(
                        y_hbm.at[src_v.at[jj + NBUF]], bufs.at[bb], gsem[bb])

        for b in range(NBUF):
            jj = NCH - NBUF + b
            pltpu.make_async_copy(
                bufs.at[b], acc.at[dst_v.at[jj]], ssem[b]).wait()
        plsc.subcore_barrier()
        pltpu.sync_copy(acc.at[pl.ds(r0, RPT)],
                        out_hbm.at[cid, pl.ds(r0, RPT)])
        if REM:
            @pl.when(sid == NS - 1)
            def _():
                pltpu.sync_copy(acc.at[pl.ds(RPT * NS, REM)],
                                out_hbm.at[cid, pl.ds(RPT * NS, REM)])

    return scatter_kernel



_TC_PARAMS = pltpu.CompilerParams(vmem_limit_bytes=100 * 1024 * 1024)


def _mm_body(h_ref, w_ref, o_ref):
    o_ref[...] = jnp.dot(h_ref[...], w_ref[...],
                         preferred_element_type=jnp.float32)


def _mm(h, w):
    n, din = h.shape
    dout = w.shape[1]
    return pl.pallas_call(
        _mm_body,
        out_shape=jax.ShapeDtypeStruct((n, dout), jnp.float32),
        compiler_params=_TC_PARAMS,
    )(h, w)


def _rep(v_ref, pk):
    v = v_ref[...]
    return jnp.concatenate([v] * pk, axis=1) if pk > 1 else v


def _bn_relu_packed(z, g_ref, bt_ref, n, pk, d):
    s = jnp.sum(z, axis=0, keepdims=True)
    s2 = jnp.sum(z * z, axis=0, keepdims=True)
    sf = s[:, 0:d]
    s2f = s2[:, 0:d]
    for k in range(1, pk):
        sf = sf + s[:, k * d:(k + 1) * d]
        s2f = s2f + s2[:, k * d:(k + 1) * d]
    mu = sf * (1.0 / n)
    var = s2f * (1.0 / n) - mu * mu
    rstd = lax.rsqrt(var + 1e-5)
    mur = jnp.concatenate([mu] * pk, axis=1)
    rstdr = jnp.concatenate([rstd] * pk, axis=1)
    return jnp.maximum((z - mur) * (rstdr * _rep(g_ref, pk)) +
                       _rep(bt_ref, pk), 0.0)


def _packed_mm(r, w_ref, pk, d):
    w = w_ref[...]
    outs = [jnp.dot(r[:, s * d:(s + 1) * d], w,
                    preferred_element_type=jnp.float32) for s in range(pk)]
    return jnp.concatenate(outs, axis=1) if pk > 1 else outs[0]


def _seg_body(p_ref, b1_ref, g1_ref, bt1_ref, w2_ref, b2_ref, g2_ref,
              bt2_ref, wn_ref, o_ref, *, n, pk, d):
    q = p_ref[0] + p_ref[1] + _rep(b1_ref, pk)
    r = _bn_relu_packed(q, g1_ref, bt1_ref, n, pk, d)
    t = _packed_mm(r, w2_ref, pk, d) + _rep(b2_ref, pk)
    r2 = _bn_relu_packed(t, g2_ref, bt2_ref, n, pk, d)
    o_ref[...] = _packed_mm(r2, wn_ref, pk, d)


def _segment(p, b1, g1, bt1, w2, b2, g2, bt2, wn, n, pk, d):
    m = p.shape[1]
    dout = pk * wn.shape[1]
    return pl.pallas_call(
        functools.partial(_seg_body, n=n, pk=pk, d=d),
        out_shape=jax.ShapeDtypeStruct((m, dout), jnp.float32),
        compiler_params=_TC_PARAMS,
    )(p, b1.reshape(1, d), g1.reshape(1, d), bt1.reshape(1, d), w2,
      b2.reshape(1, d), g2.reshape(1, d), bt2.reshape(1, d), wn)


def _final_body(p_ref, b1_ref, g1_ref, bt1_ref, w2_ref, b2_ref, g2_ref,
                bt2_ref, seg_ref, wfc_ref, bfc_ref, o_ref, *, n, pk, d):
    q = p_ref[0] + p_ref[1] + _rep(b1_ref, pk)
    r = _bn_relu_packed(q, g1_ref, bt1_ref, n, pk, d)
    t = _packed_mm(r, w2_ref, pk, d) + _rep(b2_ref, pk)
    r2 = _bn_relu_packed(t, g2_ref, bt2_ref, n, pk, d)
    m = r2.shape[0]
    ids = lax.broadcasted_iota(jnp.int32, (NGRAPHS, m), 0)
    ones = jnp.ones((m, 1), jnp.float32)
    acc = jnp.zeros((NGRAPHS, d + 1), jnp.float32)
    for s in range(pk):
        oh = (seg_ref[s, :][None, :] == ids).astype(jnp.float32)
        ra = jnp.concatenate([r2[:, s * d:(s + 1) * d], ones], axis=1)
        acc = acc + jnp.dot(oh, ra, preferred_element_type=jnp.float32)
    pooled = acc[:, :d]
    cnt = acc[:, d:d + 1]
    mean = pooled / jnp.maximum(cnt, 1.0)
    o_ref[...] = jnp.dot(mean, wfc_ref[...],
                         preferred_element_type=jnp.float32) + bfc_ref[...]


def _final(p, b1, g1, bt1, w2, b2, g2, bt2, segT, wfc, bfc, n, pk, d):
    ncls = wfc.shape[1]
    return pl.pallas_call(
        functools.partial(_final_body, n=n, pk=pk, d=d),
        out_shape=jax.ShapeDtypeStruct((NGRAPHS, ncls), jnp.float32),
        compiler_params=_TC_PARAMS,
    )(p, b1.reshape(1, d), g1.reshape(1, d), bt1.reshape(1, d), w2,
      b2.reshape(1, d), g2.reshape(1, d), bt2.reshape(1, d), segT,
      wfc, bfc.reshape(1, ncls))



def kernel(x, edge_index, batch,
           W1_1, b1_1, g1_1, bt1_1, W1_2, b1_2, g1_2, bt1_2,
           W2_1, b2_1, g2_1, bt2_1, W2_2, b2_2, g2_2, bt2_2,
           W3_1, b3_1, g3_1, bt3_1, W3_2, b3_2, g3_2, bt3_2,
           Wfc, bfc):
    n = x.shape[0]
    e = edge_index.shape[1]

    NW = NC * NS
    EPW = e // NW
    CH = 100
    NCH = EPW // CH
    ei3 = edge_index.reshape(2, NW, NCH, CH)
    segT = batch.reshape(n // 4, 4).T

    scat64 = _make_scatter(n, e, 64)
    scat32 = _make_scatter(n, e, 32)

    y = _mm(x, W1_1)
    p = scat64(y, ei3)
    y = _segment(p.reshape(2, n // 2, 128), b1_1, g1_1, bt1_1, W1_2,
                 b1_2, g1_2, bt1_2, W2_1, n, 2, 64)
    p = scat64(y.reshape(n, 64), ei3)
    y = _segment(p.reshape(2, n // 2, 128), b2_1, g2_1, bt2_1, W2_2,
                 b2_2, g2_2, bt2_2, W3_1, n, 2, 64)
    p = scat32(y.reshape(n, 32), ei3)
    return _final(p.reshape(2, n // 4, 128), b3_1, g3_1, bt3_1, W3_2,
                  b3_2, g3_2, bt3_2, segT, Wfc, bfc, n, 4, 32)

# --- scband reference (transcript-rebuilt; emitter-appended) ---
"""Pipeline reference for scband-ginclassification-33114197852228 (READ-ONLY COPY).

The authoritative reference and input builder live on the scoring server;
editing this copy changes nothing except your own understanding.
"""

import jax, jax.numpy as jnp
import numpy as np

N = 10000
E = 160000
D = 256
G = 64
C = 10

def _bn(h, g, b):
    mu = jnp.mean(h, axis=0)
    var = jnp.var(h, axis=0)
    return (h - mu) * jax.lax.rsqrt(var + 1e-5) * g + b

def _gin(x, src, dst, W1, b1, g1, bt1, W2, b2, g2, bt2):
    agg = jax.ops.segment_sum(x[src], dst, num_segments=x.shape[0])
    h = x + agg
    h = jax.nn.relu(_bn(h @ W1 + b1, g1, bt1))
    h = jax.nn.relu(_bn(h @ W2 + b2, g2, bt2))
    return h

def setup_inputs(seed: int = 0):
    key = jax.random.key(seed)
    ks = [jax.random.fold_in(key, i) for i in range(16)]
    inp = {}
    inp['x'] = jax.random.normal(ks[0], (N, D), dtype=jnp.float32)
    inp['edge_index'] = jax.random.randint(ks[1], (2, E), 0, N, dtype=jnp.int32)
    inp['batch'] = jnp.sort(jax.random.randint(ks[2], (N,), 0, G, dtype=jnp.int32))
    layer_dims = {1: [(D, 64), (64, 64)], 2: [(64, 64), (64, 64)], 3: [(64, 32), (32, 32)]}
    ki = 3
    for li in (1, 2, 3):
        for si, (din, dout) in enumerate(layer_dims[li], start=1):
            inp['W%d_%d' % (li, si)] = jax.random.normal(ks[ki], (din, dout), dtype=jnp.float32) * (2.0 / din) ** 0.5
            ki += 1
            inp['b%d_%d' % (li, si)] = jnp.zeros((dout,), jnp.float32)
            inp['g%d_%d' % (li, si)] = jnp.ones((dout,), jnp.float32)
            inp['bt%d_%d' % (li, si)] = jnp.zeros((dout,), jnp.float32)
    inp['Wfc'] = jax.random.normal(ks[ki], (32, C), dtype=jnp.float32) * (2.0 / 32) ** 0.5
    inp['bfc'] = jnp.zeros((C,), jnp.float32)
    return inp

def reference(x, edge_index, batch, W1_1, b1_1, g1_1, bt1_1, W1_2, b1_2, g1_2, bt1_2, W2_1, b2_1, g2_1, bt2_1, W2_2, b2_2, g2_2, bt2_2, W3_1, b3_1, g3_1, bt3_1, W3_2, b3_2, g3_2, bt3_2, Wfc, bfc):
    src = edge_index[0]
    dst = edge_index[1]
    h = _gin(x, src, dst, W1_1, b1_1, g1_1, bt1_1, W1_2, b1_2, g1_2, bt1_2)
    h = _gin(h, src, dst, W2_1, b2_1, g2_1, bt2_1, W2_2, b2_2, g2_2, bt2_2)
    h = _gin(h, src, dst, W3_1, b3_1, g3_1, bt3_1, W3_2, b3_2, g3_2, bt3_2)
    summed = jax.ops.segment_sum(h, batch, num_segments=G)
    counts = jax.ops.segment_sum(jnp.ones((h.shape[0],), jnp.float32), batch, num_segments=G)
    pooled = summed / jnp.maximum(counts, 1.0)[:, None]
    return pooled @ Wfc + bfc

if __name__ == "__main__":
    import jax
    _d = setup_inputs()
    print(jax.jit(kernel)(*tuple(_d.values())))

</pallas_src>

<mosaic_0001>
#map = affine_map<(d0, d1) -> (0, 0)>
#map1 = affine_map<(d0, d1) -> (0, 0, 0, 0)>
#map2 = affine_map<(d0, d1) -> (0, 0, 0)>
module attributes {stable_mosaic.version = 14 : i64} {
  func.func @scatter_kernel(%arg0: i32, %arg1: i32, %arg2: memref<10000x32xf32, #tpu.memory_space<hbm>>, %arg3: memref<2x32x50x100xi32, #tpu.memory_space<hbm>>, %arg4: memref<2x10000x32xf32, #tpu.memory_space<hbm>>, %arg5: memref<50x100xi32, #tpu.memory_space<vmem>>, %arg6: memref<50x100xi32, #tpu.memory_space<vmem>>, %arg7: memref<10x100x32xf32, #tpu.memory_space<vmem>>, %arg8: memref<208x32xf32, #tpu.memory_space<vmem>>, %arg9: memref<10000x32xf32, #tpu.memory_space<vmem_shared>>, %arg10: memref<!tpu.dma_semaphore, #tpu.memory_space<semaphore_mem>>, %arg11: memref<!tpu.dma_semaphore, #tpu.memory_space<semaphore_mem>>, %arg12: memref<!tpu.dma_semaphore, #tpu.memory_space<semaphore_mem>>, %arg13: memref<!tpu.dma_semaphore, #tpu.memory_space<semaphore_mem>>, %arg14: memref<!tpu.dma_semaphore, #tpu.memory_space<semaphore_mem>>, %arg15: memref<!tpu.dma_semaphore, #tpu.memory_space<semaphore_mem>>, %arg16: memref<!tpu.dma_semaphore, #tpu.memory_space<semaphore_mem>>, %arg17: memref<!tpu.dma_semaphore, #tpu.memory_space<semaphore_mem>>, %arg18: memref<!tpu.dma_semaphore, #tpu.memory_space<semaphore_mem>>, %arg19: memref<!tpu.dma_semaphore, #tpu.memory_space<semaphore_mem>>, %arg20: memref<!tpu.dma_semaphore, #tpu.memory_space<semaphore_mem>>, %arg21: memref<!tpu.dma_semaphore, #tpu.memory_space<semaphore_mem>>, %arg22: memref<!tpu.dma_semaphore, #tpu.memory_space<semaphore_mem>>, %arg23: memref<!tpu.dma_semaphore, #tpu.memory_space<semaphore_mem>>, %arg24: memref<!tpu.dma_semaphore, #tpu.memory_space<semaphore_mem>>, %arg25: memref<!tpu.dma_semaphore, #tpu.memory_space<semaphore_mem>>, %arg26: memref<!tpu.dma_semaphore, #tpu.memory_space<semaphore_mem>>, %arg27: memref<!tpu.dma_semaphore, #tpu.memory_space<semaphore_mem>>, %arg28: memref<!tpu.dma_semaphore, #tpu.memory_space<semaphore_mem>>, %arg29: memref<!tpu.dma_semaphore, #tpu.memory_space<semaphore_mem>>, %arg30: memref<!tpu.dma_semaphore, #tpu.memory_space<semaphore_mem>>, %arg31: memref<!tpu.dma_semaphore, #tpu.memory_space<semaphore_mem>>) attributes {dimension_semantics = [#tpu.dimension_semantics<core_parallel>, #tpu.dimension_semantics<subcore_parallel>], iteration_bounds = array<i64: 2, 16>, scalar_prefetch = 0 : i64, scratch_operands = 27 : i64, tpu.core_type = #tpu.core_type<sc_vector_subcore>, window_params = [{transform_indices = #map}, {transform_indices = #map1}, {transform_indices = #map2}]} {
    %mul3A = arith.constant 16 : i32
    %mul3A_0 = arith.muli %arg0, %mul3A : i32
    %add3A = arith.addi %mul3A_0, %arg1 : i32
    %dma_start3A = arith.constant 0 : i32
    %dma_start3A_1 = arith.constant 0 : i32
    %dma_start3A_2 = arith.constant 0 : i32
    %dma_start3A_3 = tpu.memref_slice %arg3[%dma_start3A, %add3A, %dma_start3A_1, %dma_start3A_2] : memref<2x32x50x100xi32, #tpu.memory_space<hbm>> -> memref<1x1x50x100xi32, #tpu.memory_space<hbm>>
    %dma_start3A_4 = tpu.memref_squeeze %dma_start3A_3 : memref<1x1x50x100xi32, #tpu.memory_space<hbm>> -> memref<50x100xi32, #tpu.memory_space<hbm>>
    %dma_start3A_5 = arith.constant 0 : i32
    %dma_start3A_6 = arith.constant 0 : i32
    %dma_start3A_7 = tpu.memref_slice %arg3[%dma_start3A, %add3A, %dma_start3A_5, %dma_start3A_6] : memref<2x32x50x100xi32, #tpu.memory_space<hbm>> -> memref<1x1x50x100xi32, #tpu.memory_space<hbm>>
    %dma_start3A_8 = tpu.memref_squeeze %dma_start3A_7 : memref<1x1x50x100xi32, #tpu.memory_space<hbm>> -> memref<50x100xi32, #tpu.memory_space<hbm>>
    tpu.enqueue_dma source(%dma_start3A_8 : memref<50x100xi32, #tpu.memory_space<hbm>>) target(%arg5 : memref<50x100xi32, #tpu.memory_space<vmem>>) target_semaphore(%arg30 : memref<!tpu.dma_semaphore, #tpu.memory_space<semaphore_mem>>)
    %dma_start3A_9 = arith.constant 1 : i32
    %dma_start3A_10 = arith.constant 0 : i32
    %dma_start3A_11 = arith.constant 0 : i32
    %dma_start3A_12 = tpu.memref_slice %arg3[%dma_start3A_9, %add3A, %dma_start3A_10, %dma_start3A_11] : memref<2x32x50x100xi32, #tpu.memory_space<hbm>> -> memref<1x1x50x100xi32, #tpu.memory_space<hbm>>
    %dma_start3A_13 = tpu.memref_squeeze %dma_start3A_12 : memref<1x1x50x100xi32, #tpu.memory_space<hbm>> -> memref<50x100xi32, #tpu.memory_space<hbm>>
    %dma_start3A_14 = arith.constant 0 : i32
    %dma_start3A_15 = arith.constant 0 : i32
    %dma_start3A_16 = tpu.memref_slice %arg3[%dma_start3A_9, %add3A, %dma_start3A_14, %dma_start3A_15] : memref<2x32x50x100xi32, #tpu.memory_space<hbm>> -> memref<1x1x50x100xi32, #tpu.memory_space<hbm>>
    %dma_start3A_17 = tpu.memref_squeeze %dma_start3A_16 : memref<1x1x50x100xi32, #tpu.memory_space<hbm>> -> memref<50x100xi32, #tpu.memory_space<hbm>>
    tpu.enqueue_dma source(%dma_start3A_17 : memref<50x100xi32, #tpu.memory_space<hbm>>) target(%arg6 : memref<50x100xi32, #tpu.memory_space<vmem>>) target_semaphore(%arg31 : memref<!tpu.dma_semaphore, #tpu.memory_space<semaphore_mem>>)
    %mul3A_18 = arith.constant 624 : i32
    %mul3A_19 = arith.muli %arg1, %mul3A_18 : i32
    %eq3A = arith.constant 0 : i32
    %eq3A_20 = arith.cmpi eq, %arg0, %eq3A : i32
    %convert_element_type3A = arith.extui %eq3A_20 : i1 to i32
    %cond3A = arith.constant 0 : i32
    %cond3A_21 = arith.cmpi ne, %convert_element_type3A, %cond3A : i32
    scf.if %cond3A_21 {
      "tpu.region"() ({
        %run_scoped3A = tpu.sem_alloc : memref<!tpu.dma_semaphore, #tpu.memory_space<semaphore_mem>>
        %dma_start3A_298 = arith.constant 0 : i32
        %dma_start3A_299 = tpu.memref_slice %arg9[%mul3A_19, %dma_start3A_298] : memref<10000x32xf32, #tpu.memory_space<vmem_shared>> -> memref<624x32xf32, #tpu.memory_space<vmem_shared>>
        %dma_start3A_300 = arith.constant 0 : i32
        %dma_start3A_301 = tpu.memref_slice %arg2[%mul3A_19, %dma_start3A_300] : memref<10000x32xf32, #tpu.memory_space<hbm>> -> memref<624x32xf32, #tpu.memory_space<hbm>>
        tpu.enqueue_dma source(%dma_start3A_301 : memref<624x32xf32, #tpu.memory_space<hbm>>) target(%dma_start3A_299 : memref<624x32xf32, #tpu.memory_space<vmem_shared>>) target_semaphore(%run_scoped3A : memref<!tpu.dma_semaphore, #tpu.memory_space<semaphore_mem>>)
        %dma_wait3A_302 = arith.constant 0 : i32
        %dma_wait3A_303 = tpu.memref_slice %arg9[%mul3A_19, %dma_wait3A_302] : memref<10000x32xf32, #tpu.memory_space<vmem_shared>> -> memref<624x32xf32, #tpu.memory_space<vmem_shared>>
        %dma_wait3A_304 = arith.constant 0 : i32
        %dma_wait3A_305 = tpu.memref_slice %arg2[%mul3A_19, %dma_wait3A_304] : memref<10000x32xf32, #tpu.memory_space<hbm>> -> memref<624x32xf32, #tpu.memory_space<hbm>>
        tpu.wait_dma2 semaphore(%run_scoped3A : memref<!tpu.dma_semaphore, #tpu.memory_space<semaphore_mem>>) src(%dma_wait3A_305 : memref<624x32xf32, #tpu.memory_space<hbm>>) dst(%dma_wait3A_303 : memref<624x32xf32, #tpu.memory_space<vmem_shared>>)
        tpu.yield
      }) : () -> ()
      %eq3A_293 = arith.constant 15 : i32
      %eq3A_294 = arith.cmpi eq, %arg1, %eq3A_293 : i32
      %convert_element_type3A_295 = arith.extui %eq3A_294 : i1 to i32
      %cond3A_296 = arith.constant 0 : i32
      %cond3A_297 = arith.cmpi ne, %convert_element_type3A_295, %cond3A_296 : i32
      scf.if %cond3A_297 {
        "tpu.region"() ({
          %run_scoped3A = tpu.sem_alloc : memref<!tpu.dma_semaphore, #tpu.memory_space<semaphore_mem>>
          %dma_start3A_298 = arith.constant 9984 : i32
          %dma_start3A_299 = arith.constant 0 : i32
          %dma_start3A_300 = tpu.memref_slice %arg9[%dma_start3A_298, %dma_start3A_299] : memref<10000x32xf32, #tpu.memory_space<vmem_shared>> -> memref<16x32xf32, #tpu.memory_space<vmem_shared>>
          %dma_start3A_301 = arith.constant 9984 : i32
          %dma_start3A_302 = arith.constant 0 : i32
          %dma_start3A_303 = tpu.memref_slice %arg2[%dma_start3A_301, %dma_start3A_302] : memref<10000x32xf32, #tpu.memory_space<hbm>> -> memref<16x32xf32, #tpu.memory_space<hbm>>
          tpu.enqueue_dma source(%dma_start3A_303 : memref<16x32xf32, #tpu.memory_space<hbm>>) target(%dma_start3A_300 : memref<16x32xf32, #tpu.memory_space<vmem_shared>>) target_semaphore(%run_scoped3A : memref<!tpu.dma_semaphore, #tpu.memory_space<semaphore_mem>>)
          %dma_wait3A_304 = arith.constant 9984 : i32
          %dma_wait3A_305 = arith.constant 0 : i32
          %dma_wait3A_306 = tpu.memref_slice %arg9[%dma_wait3A_304, %dma_wait3A_305] : memref<10000x32xf32, #tpu.memory_space<vmem_shared>> -> memref<16x32xf32, #tpu.memory_space<vmem_shared>>
          %dma_wait3A_307 = arith.constant 9984 : i32
          %dma_wait3A_308 = arith.constant 0 : i32
          %dma_wait3A_309 = tpu.memref_slice %arg2[%dma_wait3A_307, %dma_wait3A_308] : memref<10000x32xf32, #tpu.memory_space<hbm>> -> memref<16x32xf32, #tpu.memory_space<hbm>>
          tpu.wait_dma2 semaphore(%run_scoped3A : memref<!tpu.dma_semaphore, #tpu.memory_space<semaphore_mem>>) src(%dma_wait3A_309 : memref<16x32xf32, #tpu.memory_space<hbm>>) dst(%dma_wait3A_306 : memref<16x32xf32, #tpu.memory_space<vmem_shared>>)
          tpu.yield
        }) : () -> ()
      } else {
      }
    } else {
    }
    %ne3A = arith.constant 0 : i32
    %ne3A_22 = arith.cmpi ne, %arg0, %ne3A : i32
    %convert_element_type3A_23 = arith.extui %ne3A_22 : i1 to i32
    %cond3A_24 = arith.constant 0 : i32
    %cond3A_25 = arith.cmpi ne, %convert_element_type3A_23, %cond3A_24 : i32
    scf.if %cond3A_25 {
      %broadcast_in_dim3A = arith.constant 0.000000e+00 : f32
      %broadcast_in_dim3A_293 = vector.broadcast %broadcast_in_dim3A : f32 to vector<16xf32>
      %scan3A_294 = arith.constant 0 : i32
      %scan3A_295 = arith.constant 208 : i32
      %scan3A_296 = arith.addi %scan3A_294, %scan3A_295 : i32
      %scan3A_297 = arith.constant 1 : i32
      scf.for %scan3A_310 = %scan3A_294 to %scan3A_296 step %scan3A_297  : i32 {
        %mul3A_311 = arith.constant 1 : i32
        %mul3A_312 = arith.muli %scan3A_310, %mul3A_311 : i32
        %add3A_313 = arith.constant 0 : i32
        %add3A_314 = arith.addi %add3A_313, %mul3A_312 : i32
        %swap3A = arith.index_cast %add3A_314 : i32 to index
        %swap3A_315 = arith.constant 0 : index
        %swap3A_316 = tpu.vector_load %arg8[%swap3A, %swap3A_315] {strides = array<i32>} : memref<208x32xf32, #tpu.memory_space<vmem>>, vector<1x16xf32>,
        %swap3A_317 = vector.shape_cast %swap3A_316 : vector<1x16xf32> to vector<16xf32>
        %swap3A_318 = vector.shape_cast %broadcast_in_dim3A_293 : vector<16xf32> to vector<1x16xf32>
        tpu.vector_store %arg8[%swap3A, %swap3A_315], %swap3A_318 {strides = array<i32>} : memref<208x32xf32, #tpu.memory_space<vmem>>, vector<1x16xf32>,
        %swap3A_319 = arith.index_cast %add3A_314 : i32 to index
        %swap3A_320 = arith.constant 16 : index
        %swap3A_321 = tpu.vector_load %arg8[%swap3A_319, %swap3A_320] {strides = array<i32>} : memref<208x32xf32, #tpu.memory_space<vmem>>, vector<1x16xf32>,
        %swap3A_322 = vector.shape_cast %swap3A_321 : vector<1x16xf32> to vector<16xf32>
        %swap3A_323 = vector.shape_cast %broadcast_in_dim3A_293 : vector<16xf32> to vector<1x16xf32>
        tpu.vector_store %arg8[%swap3A_319, %swap3A_320], %swap3A_323 {strides = array<i32>} : memref<208x32xf32, #tpu.memory_space<vmem>>, vector<1x16xf32>,
      }
      %scan3A_298 = arith.constant 208 : i32
      %add3A_299 = arith.constant 0 : i32
      %add3A_300 = arith.addi %mul3A_19, %add3A_299 : i32
      "tpu.region"() ({
        %run_scoped3A = tpu.sem_alloc : memref<!tpu.dma_semaphore, #tpu.memory_space<semaphore_mem>>
        %dma_start3A_310 = arith.constant 0 : i32
        %dma_start3A_311 = tpu.memref_slice %arg9[%add3A_300, %dma_start3A_310] : memref<10000x32xf32, #tpu.memory_space<vmem_shared>> -> memref<208x32xf32, #tpu.memory_space<vmem_shared>>
        %dma_start3A_312 = arith.constant 0 : i32
        %dma_start3A_313 = tpu.memref_slice %arg9[%add3A_300, %dma_start3A_312] : memref<10000x32xf32, #tpu.memory_space<vmem_shared>> -> memref<208x32xf32, #tpu.memory_space<vmem_shared>>
        tpu.enqueue_dma source(%arg8 : memref<208x32xf32, #tpu.memory_space<vmem>>) target(%dma_start3A_313 : memref<208x32xf32, #tpu.memory_space<vmem_shared>>) target_semaphore(%run_scoped3A : memref<!tpu.dma_semaphore, #tpu.memory_space<semaphore_mem>>)
        %dma_wait3A_314 = arith.constant 0 : i32
        %dma_wait3A_315 = tpu.memref_slice %arg9[%add3A_300, %dma_wait3A_314] : memref<10000x32xf32, #tpu.memory_space<vmem_shared>> -> memref<208x32xf32, #tpu.memory_space<vmem_shared>>
        %dma_wait3A_316 = arith.constant 0 : i32
        %dma_wait3A_317 = tpu.memref_slice %arg9[%add3A_300, %dma_wait3A_316] : memref<10000x32xf32, #tpu.memory_space<vmem_shared>> -> memref<208x32xf32, #tpu.memory_space<vmem_shared>>
        tpu.wait_dma2 semaphore(%run_scoped3A : memref<!tpu.dma_semaphore, #tpu.memory_space<semaphore_mem>>) src(%arg8 : memref<208x32xf32, #tpu.memory_space<vmem>>) dst(%dma_wait3A_317 : memref<208x32xf32, #tpu.memory_space<vmem_shared>>)
        tpu.yield
      }) : () -> ()
      %add3A_301 = arith.constant 208 : i32
      %add3A_302 = arith.addi %mul3A_19, %add3A_301 : i32
      "tpu.region"() ({
        %run_scoped3A = tpu.sem_alloc : memref<!tpu.dma_semaphore, #tpu.memory_space<semaphore_mem>>
        %dma_start3A_310 = arith.constant 0 : i32
        %dma_start3A_311 = tpu.memref_slice %arg9[%add3A_302, %dma_start3A_310] : memref<10000x32xf32, #tpu.memory_space<vmem_shared>> -> memref<208x32xf32, #tpu.memory_space<vmem_shared>>
        %dma_start3A_312 = arith.constant 0 : i32
        %dma_start3A_313 = tpu.memref_slice %arg9[%add3A_302, %dma_start3A_312] : memref<10000x32xf32, #tpu.memory_space<vmem_shared>> -> memref<208x32xf32, #tpu.memory_space<vmem_shared>>
        tpu.enqueue_dma source(%arg8 : memref<208x32xf32, #tpu.memory_space<vmem>>) target(%dma_start3A_313 : memref<208x32xf32, #tpu.memory_space<vmem_shared>>) target_semaphore(%run_scoped3A : memref<!tpu.dma_semaphore, #tpu.memory_space<semaphore_mem>>)
        %dma_wait3A_314 = arith.constant 0 : i32
        %dma_wait3A_315 = tpu.memref_slice %arg9[%add3A_302, %dma_wait3A_314] : memref<10000x32xf32, #tpu.memory_space<vmem_shared>> -> memref<208x32xf32, #tpu.memory_space<vmem_shared>>
        %dma_wait3A_316 = arith.constant 0 : i32
        %dma_wait3A_317 = tpu.memref_slice %arg9[%add3A_302, %dma_wait3A_316] : memref<10000x32xf32, #tpu.memory_space<vmem_shared>> -> memref<208x32xf32, #tpu.memory_space<vmem_shared>>
        tpu.wait_dma2 semaphore(%run_scoped3A : memref<!tpu.dma_semaphore, #tpu.memory_space<semaphore_mem>>) src(%arg8 : memref<208x32xf32, #tpu.memory_space<vmem>>) dst(%dma_wait3A_317 : memref<208x32xf32, #tpu.memory_space<vmem_shared>>)
        tpu.yield
      }) : () -> ()
      %add3A_303 = arith.constant 416 : i32
      %add3A_304 = arith.addi %mul3A_19, %add3A_303 : i32
      "tpu.region"() ({
        %run_scoped3A = tpu.sem_alloc : memref<!tpu.dma_semaphore, #tpu.memory_space<semaphore_mem>>
        %dma_start3A_310 = arith.constant 0 : i32
        %dma_start3A_311 = tpu.memref_slice %arg9[%add3A_304, %dma_start3A_310] : memref<10000x32xf32, #tpu.memory_space<vmem_shared>> -> memref<208x32xf32, #tpu.memory_space<vmem_shared>>
        %dma_start3A_312 = arith.constant 0 : i32
        %dma_start3A_313 = tpu.memref_slice %arg9[%add3A_304, %dma_start3A_312] : memref<10000x32xf32, #tpu.memory_space<vmem_shared>> -> memref<208x32xf32, #tpu.memory_space<vmem_shared>>
        tpu.enqueue_dma source(%arg8 : memref<208x32xf32, #tpu.memory_space<vmem>>) target(%dma_start3A_313 : memref<208x32xf32, #tpu.memory_space<vmem_shared>>) target_semaphore(%run_scoped3A : memref<!tpu.dma_semaphore, #tpu.memory_space<semaphore_mem>>)
        %dma_wait3A_314 = arith.constant 0 : i32
        %dma_wait3A_315 = tpu.memref_slice %arg9[%add3A_304, %dma_wait3A_314] : memref<10000x32xf32, #tpu.memory_space<vmem_shared>> -> memref<208x32xf32, #tpu.memory_space<vmem_shared>>
        %dma_wait3A_316 = arith.constant 0 : i32
        %dma_wait3A_317 = tpu.memref_slice %arg9[%add3A_304, %dma_wait3A_316] : memref<10000x32xf32, #tpu.memory_space<vmem_shared>> -> memref<208x32xf32, #tpu.memory_space<vmem_shared>>
        tpu.wait_dma2 semaphore(%run_scoped3A : memref<!tpu.dma_semaphore, #tpu.memory_space<semaphore_mem>>) src(%arg8 : memref<208x32xf32, #tpu.memory_space<vmem>>) dst(%dma_wait3A_317 : memref<208x32xf32, #tpu.memory_space<vmem_shared>>)
        tpu.yield
      }) : () -> ()
      %eq3A_305 = arith.constant 15 : i32
      %eq3A_306 = arith.cmpi eq, %arg1, %eq3A_305 : i32
      %convert_element_type3A_307 = arith.extui %eq3A_306 : i1 to i32
      %cond3A_308 = arith.constant 0 : i32
      %cond3A_309 = arith.cmpi ne, %convert_element_type3A_307, %cond3A_308 : i32
      scf.if %cond3A_309 {
        "tpu.region"() ({
          %run_scoped3A = tpu.sem_alloc : memref<!tpu.dma_semaphore, #tpu.memory_space<semaphore_mem>>
          %dma_start3A_310 = arith.constant 0 : i32
          %dma_start3A_311 = arith.constant 0 : i32
          %dma_start3A_312 = tpu.memref_slice %arg8[%dma_start3A_310, %dma_start3A_311] : memref<208x32xf32, #tpu.memory_space<vmem>> -> memref<16x32xf32, #tpu.memory_space<vmem>>
          %dma_start3A_313 = arith.constant 9984 : i32
          %dma_start3A_314 = arith.constant 0 : i32
          %dma_start3A_315 = tpu.memref_slice %arg9[%dma_start3A_313, %dma_start3A_314] : memref<10000x32xf32, #tpu.memory_space<vmem_shared>> -> memref<16x32xf32, #tpu.memory_space<vmem_shared>>
          %dma_start3A_316 = arith.constant 9984 : i32
          %dma_start3A_317 = arith.constant 0 : i32
          %dma_start3A_318 = tpu.memref_slice %arg9[%dma_start3A_316, %dma_start3A_317] : memref<10000x32xf32, #tpu.memory_space<vmem_shared>> -> memref<16x32xf32, #tpu.memory_space<vmem_shared>>
          %dma_start3A_319 = arith.constant 0 : i32
          %dma_start3A_320 = arith.constant 0 : i32
          %dma_start3A_321 = tpu.memref_slice %arg8[%dma_start3A_319, %dma_start3A_320] : memref<208x32xf32, #tpu.memory_space<vmem>> -> memref<16x32xf32, #tpu.memory_space<vmem>>
          tpu.enqueue_dma source(%dma_start3A_321 : memref<16x32xf32, #tpu.memory_space<vmem>>) target(%dma_start3A_318 : memref<16x32xf32, #tpu.memory_space<vmem_shared>>) target_semaphore(%run_scoped3A : memref<!tpu.dma_semaphore, #tpu.memory_space<semaphore_mem>>)
          %dma_wait3A_322 = arith.constant 0 : i32
          %dma_wait3A_323 = arith.constant 0 : i32
          %dma_wait3A_324 = tpu.memref_slice %arg8[%dma_wait3A_322, %dma_wait3A_323] : memref<208x32xf32, #tpu.memory_space<vmem>> -> memref<16x32xf32, #tpu.memory_space<vmem>>
          %dma_wait3A_325 = arith.constant 9984 : i32
          %dma_wait3A_326 = arith.constant 0 : i32
          %dma_wait3A_327 = tpu.memref_slice %arg9[%dma_wait3A_325, %dma_wait3A_326] : memref<10000x32xf32, #tpu.memory_space<vmem_shared>> -> memref<16x32xf32, #tpu.memory_space<vmem_shared>>
          %dma_wait3A_328 = arith.constant 9984 : i32
          %dma_wait3A_329 = arith.constant 0 : i32
          %dma_wait3A_330 = tpu.memref_slice %arg9[%dma_wait3A_328, %dma_wait3A_329] : memref<10000x32xf32, #tpu.memory_space<vmem_shared>> -> memref<16x32xf32, #tpu.memory_space<vmem_shared>>
          %dma_wait3A_331 = arith.constant 0 : i32
          %dma_wait3A_332 = arith.constant 0 : i32
          %dma_wait3A_333 = tpu.memref_slice %arg8[%dma_wait3A_331, %dma_wait3A_332] : memref<208x32xf32, #tpu.memory_space<vmem>> -> memref<16x32xf32, #tpu.memory_space<vmem>>
          tpu.wait_dma2 semaphore(%run_scoped3A : memref<!tpu.dma_semaphore, #tpu.memory_space<semaphore_mem>>) src(%dma_wait3A_333 : memref<16x32xf32, #tpu.memory_space<vmem>>) dst(%dma_wait3A_330 : memref<16x32xf32, #tpu.memory_space<vmem_shared>>)
          tpu.yield
        }) : () -> ()
      } else {
      }
    } else {
    }
    %dma_wait3A = arith.constant 0 : i32
    %dma_wait3A_26 = arith.constant 0 : i32
    %dma_wait3A_27 = arith.constant 0 : i32
    %dma_wait3A_28 = tpu.memref_slice %arg3[%dma_wait3A, %add3A, %dma_wait3A_26, %dma_wait3A_27] : memref<2x32x50x100xi32, #tpu.memory_space<hbm>> -> memref<1x1x50x100xi32, #tpu.memory_space<hbm>>
    %dma_wait3A_29 = tpu.memref_squeeze %dma_wait3A_28 : memref<1x1x50x100xi32, #tpu.memory_space<hbm>> -> memref<50x100xi32, #tpu.memory_space<hbm>>
    %dma_wait3A_30 = arith.constant 0 : i32
    %dma_wait3A_31 = arith.constant 0 : i32
    %dma_wait3A_32 = tpu.memref_slice %arg3[%dma_wait3A, %add3A, %dma_wait3A_30, %dma_wait3A_31] : memref<2x32x50x100xi32, #tpu.memory_space<hbm>> -> memref<1x1x50x100xi32, #tpu.memory_space<hbm>>
    %dma_wait3A_33 = tpu.memref_squeeze %dma_wait3A_32 : memref<1x1x50x100xi32, #tpu.memory_space<hbm>> -> memref<50x100xi32, #tpu.memory_space<hbm>>
    tpu.wait_dma2 semaphore(%arg30 : memref<!tpu.dma_semaphore, #tpu.memory_space<semaphore_mem>>) src(%dma_wait3A_33 : memref<50x100xi32, #tpu.memory_space<hbm>>) dst(%arg5 : memref<50x100xi32, #tpu.memory_space<vmem>>)
    %dma_wait3A_34 = arith.constant 1 : i32
    %dma_wait3A_35 = arith.constant 0 : i32
    %dma_wait3A_36 = arith.constant 0 : i32
    %dma_wait3A_37 = tpu.memref_slice %arg3[%dma_wait3A_34, %add3A, %dma_wait3A_35, %dma_wait3A_36] : memref<2x32x50x100xi32, #tpu.memory_space<hbm>> -> memref<1x1x50x100xi32, #tpu.memory_space<hbm>>
    %dma_wait3A_38 = tpu.memref_squeeze %dma_wait3A_37 : memref<1x1x50x100xi32, #tpu.memory_space<hbm>> -> memref<50x100xi32, #tpu.memory_space<hbm>>
    %dma_wait3A_39 = arith.constant 0 : i32
    %dma_wait3A_40 = arith.constant 0 : i32
    %dma_wait3A_41 = tpu.memref_slice %arg3[%dma_wait3A_34, %add3A, %dma_wait3A_39, %dma_wait3A_40] : memref<2x32x50x100xi32, #tpu.memory_space<hbm>> -> memref<1x1x50x100xi32, #tpu.memory_space<hbm>>
    %dma_wait3A_42 = tpu.memref_squeeze %dma_wait3A_41 : memref<1x1x50x100xi32, #tpu.memory_space<hbm>> -> memref<50x100xi32, #tpu.memory_space<hbm>>
    tpu.wait_dma2 semaphore(%arg31 : memref<!tpu.dma_semaphore, #tpu.memory_space<semaphore_mem>>) src(%dma_wait3A_42 : memref<50x100xi32, #tpu.memory_space<hbm>>) dst(%arg6 : memref<50x100xi32, #tpu.memory_space<vmem>>)
    %barrier3A = arith.constant 0 : index
    tpu.barrier barrier_id(%barrier3A)
    %dma_start3A_43 = arith.constant 0 : i32
    %dma_start3A_44 = arith.constant 0 : i32
    %dma_start3A_45 = arith.constant 0 : i32
    %dma_start3A_46 = arith.constant 0 : i32
    %dma_start3A_47 = tpu.memref_slice %arg7[%dma_start3A_44, %dma_start3A_45, %dma_start3A_46] : memref<10x100x32xf32, #tpu.memory_space<vmem>> -> memref<1x100x32xf32, #tpu.memory_space<vmem>>
    %dma_start3A_48 = tpu.memref_squeeze %dma_start3A_47 : memref<1x100x32xf32, #tpu.memory_space<vmem>> -> memref<100x32xf32, #tpu.memory_space<vmem>>
    %dma_start3A_49 = arith.constant 0 : i32
    %dma_start3A_50 = tpu.memref_slice %arg5[%dma_start3A_43, %dma_start3A_49] : memref<50x100xi32, #tpu.memory_space<vmem>> -> memref<1x100xi32, #tpu.memory_space<vmem>>
    %dma_start3A_51 = tpu.memref_squeeze %dma_start3A_50 : memref<1x100xi32, #tpu.memory_space<vmem>> -> memref<100xi32, #tpu.memory_space<vmem>>
    %dma_start3A_52 = arith.constant 0 : i32
    %dma_start3A_53 = arith.constant 0 : i32
    %dma_start3A_54 = tpu.memref_slice %arg2[%dma_start3A_52, %dma_start3A_53] : memref<10000x32xf32, #tpu.memory_space<hbm>> -> memref<10000x32xf32, #tpu.memory_space<hbm>>
    tpu.enqueue_indirect_dma source(%dma_start3A_54 : memref<10000x32xf32, #tpu.memory_space<hbm>>) target(%dma_start3A_48 : memref<100x32xf32, #tpu.memory_space<vmem>>) offsets(%dma_start3A_51 : memref<100xi32, #tpu.memory_space<vmem>>) semaphore(%arg10 : memref<!tpu.dma_semaphore, #tpu.memory_space<semaphore_mem>>)
    %dma_start3A_55 = arith.constant 1 : i32
    %dma_start3A_56 = arith.constant 1 : i32
    %dma_start3A_57 = arith.constant 0 : i32
    %dma_start3A_58 = arith.constant 0 : i32
    %dma_start3A_59 = tpu.memref_slice %arg7[%dma_start3A_56, %dma_start3A_57, %dma_start3A_58] : memref<10x100x32xf32, #tpu.memory_space<vmem>> -> memref<1x100x32xf32, #tpu.memory_space<vmem>>
    %dma_start3A_60 = tpu.memref_squeeze %dma_start3A_59 : memref<1x100x32xf32, #tpu.memory_space<vmem>> -> memref<100x32xf32, #tpu.memory_space<vmem>>
    %dma_start3A_61 = arith.constant 0 : i32
    %dma_start3A_62 = tpu.memref_slice %arg5[%dma_start3A_55, %dma_start3A_61] : memref<50x100xi32, #tpu.memory_space<vmem>> -> memref<1x100xi32, #tpu.memory_space<vmem>>
    %dma_start3A_63 = tpu.memref_squeeze %dma_start3A_62 : memref<1x100xi32, #tpu.memory_space<vmem>> -> memref<100xi32, #tpu.memory_space<vmem>>
    %dma_start3A_64 = arith.constant 0 : i32
    %dma_start3A_65 = arith.constant 0 : i32
    %dma_start3A_66 = tpu.memref_slice %arg2[%dma_start3A_64, %dma_start3A_65] : memref<10000x32xf32, #tpu.memory_space<hbm>> -> memref<10000x32xf32, #tpu.memory_space<hbm>>
    tpu.enqueue_indirect_dma source(%dma_start3A_66 : memref<10000x32xf32, #tpu.memory_space<hbm>>) target(%dma_start3A_60 : memref<100x32xf32, #tpu.memory_space<vmem>>) offsets(%dma_start3A_63 : memref<100xi32, #tpu.memory_space<vmem>>) semaphore(%arg11 : memref<!tpu.dma_semaphore, #tpu.memory_space<semaphore_mem>>)
    %dma_start3A_67 = arith.constant 2 : i32
    %dma_start3A_68 = arith.constant 2 : i32
    %dma_start3A_69 = arith.constant 0 : i32
    %dma_start3A_70 = arith.constant 0 : i32
    %dma_start3A_71 = tpu.memref_slice %arg7[%dma_start3A_68, %dma_start3A_69, %dma_start3A_70] : memref<10x100x32xf32, #tpu.memory_space<vmem>> -> memref<1x100x32xf32, #tpu.memory_space<vmem>>
    %dma_start3A_72 = tpu.memref_squeeze %dma_start3A_71 : memref<1x100x32xf32, #tpu.memory_space<vmem>> -> memref<100x32xf32, #tpu.memory_space<vmem>>
    %dma_start3A_73 = arith.constant 0 : i32
    %dma_start3A_74 = tpu.memref_slice %arg5[%dma_start3A_67, %dma_start3A_73] : memref<50x100xi32, #tpu.memory_space<vmem>> -> memref<1x100xi32, #tpu.memory_space<vmem>>
    %dma_start3A_75 = tpu.memref_squeeze %dma_start3A_74 : memref<1x100xi32, #tpu.memory_space<vmem>> -> memref<100xi32, #tpu.memory_space<vmem>>
    %dma_start3A_76 = arith.constant 0 : i32
    %dma_start3A_77 = arith.constant 0 : i32
    %dma_start3A_78 = tpu.memref_slice %arg2[%dma_start3A_76, %dma_start3A_77] : memref<10000x32xf32, #tpu.memory_space<hbm>> -> memref<10000x32xf32, #tpu.memory_space<hbm>>
    tpu.enqueue_indirect_dma source(%dma_start3A_78 : memref<10000x32xf32, #tpu.memory_space<hbm>>) target(%dma_start3A_72 : memref<100x32xf32, #tpu.memory_space<vmem>>) offsets(%dma_start3A_75 : memref<100xi32, #tpu.memory_space<vmem>>) semaphore(%arg12 : memref<!tpu.dma_semaphore, #tpu.memory_space<semaphore_mem>>)
    %dma_start3A_79 = arith.constant 3 : i32
    %dma_start3A_80 = arith.constant 3 : i32
    %dma_start3A_81 = arith.constant 0 : i32
    %dma_start3A_82 = arith.constant 0 : i32
    %dma_start3A_83 = tpu.memref_slice %arg7[%dma_start3A_80, %dma_start3A_81, %dma_start3A_82] : memref<10x100x32xf32, #tpu.memory_space<vmem>> -> memref<1x100x32xf32, #tpu.memory_space<vmem>>
    %dma_start3A_84 = tpu.memref_squeeze %dma_start3A_83 : memref<1x100x32xf32, #tpu.memory_space<vmem>> -> memref<100x32xf32, #tpu.memory_space<vmem>>
    %dma_start3A_85 = arith.constant 0 : i32
    %dma_start3A_86 = tpu.memref_slice %arg5[%dma_start3A_79, %dma_start3A_85] : memref<50x100xi32, #tpu.memory_space<vmem>> -> memref<1x100xi32, #tpu.memory_space<vmem>>
    %dma_start3A_87 = tpu.memref_squeeze %dma_start3A_86 : memref<1x100xi32, #tpu.memory_space<vmem>> -> memref<100xi32, #tpu.memory_space<vmem>>
    %dma_start3A_88 = arith.constant 0 : i32
    %dma_start3A_89 = arith.constant 0 : i32
    %dma_start3A_90 = tpu.memref_slice %arg2[%dma_start3A_88, %dma_start3A_89] : memref<10000x32xf32, #tpu.memory_space<hbm>> -> memref<10000x32xf32, #tpu.memory_space<hbm>>
    tpu.enqueue_indirect_dma source(%dma_start3A_90 : memref<10000x32xf32, #tpu.memory_space<hbm>>) target(%dma_start3A_84 : memref<100x32xf32, #tpu.memory_space<vmem>>) offsets(%dma_start3A_87 : memref<100xi32, #tpu.memory_space<vmem>>) semaphore(%arg13 : memref<!tpu.dma_semaphore, #tpu.memory_space<semaphore_mem>>)
    %dma_start3A_91 = arith.constant 4 : i32
    %dma_start3A_92 = arith.constant 4 : i32
    %dma_start3A_93 = arith.constant 0 : i32
    %dma_start3A_94 = arith.constant 0 : i32
    %dma_start3A_95 = tpu.memref_slice %arg7[%dma_start3A_92, %dma_start3A_93, %dma_start3A_94] : memref<10x100x32xf32, #tpu.memory_space<vmem>> -> memref<1x100x32xf32, #tpu.memory_space<vmem>>
    %dma_start3A_96 = tpu.memref_squeeze %dma_start3A_95 : memref<1x100x32xf32, #tpu.memory_space<vmem>> -> memref<100x32xf32, #tpu.memory_space<vmem>>
    %dma_start3A_97 = arith.constant 0 : i32
    %dma_start3A_98 = tpu.memref_slice %arg5[%dma_start3A_91, %dma_start3A_97] : memref<50x100xi32, #tpu.memory_space<vmem>> -> memref<1x100xi32, #tpu.memory_space<vmem>>
    %dma_start3A_99 = tpu.memref_squeeze %dma_start3A_98 : memref<1x100xi32, #tpu.memory_space<vmem>> -> memref<100xi32, #tpu.memory_space<vmem>>
    %dma_start3A_100 = arith.constant 0 : i32
    %dma_start3A_101 = arith.constant 0 : i32
    %dma_start3A_102 = tpu.memref_slice %arg2[%dma_start3A_100, %dma_start3A_101] : memref<10000x32xf32, #tpu.memory_space<hbm>> -> memref<10000x32xf32, #tpu.memory_space<hbm>>
    tpu.enqueue_indirect_dma source(%dma_start3A_102 : memref<10000x32xf32, #tpu.memory_space<hbm>>) target(%dma_start3A_96 : memref<100x32xf32, #tpu.memory_space<vmem>>) offsets(%dma_start3A_99 : memref<100xi32, #tpu.memory_space<vmem>>) semaphore(%arg14 : memref<!tpu.dma_semaphore, #tpu.memory_space<semaphore_mem>>)
    %dma_start3A_103 = arith.constant 5 : i32
    %dma_start3A_104 = arith.constant 5 : i32
    %dma_start3A_105 = arith.constant 0 : i32
    %dma_start3A_106 = arith.constant 0 : i32
    %dma_start3A_107 = tpu.memref_slice %arg7[%dma_start3A_104, %dma_start3A_105, %dma_start3A_106] : memref<10x100x32xf32, #tpu.memory_space<vmem>> -> memref<1x100x32xf32, #tpu.memory_space<vmem>>
    %dma_start3A_108 = tpu.memref_squeeze %dma_start3A_107 : memref<1x100x32xf32, #tpu.memory_space<vmem>> -> memref<100x32xf32, #tpu.memory_space<vmem>>
    %dma_start3A_109 = arith.constant 0 : i32
    %dma_start3A_110 = tpu.memref_slice %arg5[%dma_start3A_103, %dma_start3A_109] : memref<50x100xi32, #tpu.memory_space<vmem>> -> memref<1x100xi32, #tpu.memory_space<vmem>>
    %dma_start3A_111 = tpu.memref_squeeze %dma_start3A_110 : memref<1x100xi32, #tpu.memory_space<vmem>> -> memref<100xi32, #tpu.memory_space<vmem>>
    %dma_start3A_112 = arith.constant 0 : i32
    %dma_start3A_113 = arith.constant 0 : i32
    %dma_start3A_114 = tpu.memref_slice %arg2[%dma_start3A_112, %dma_start3A_113] : memref<10000x32xf32, #tpu.memory_space<hbm>> -> memref<10000x32xf32, #tpu.memory_space<hbm>>
    tpu.enqueue_indirect_dma source(%dma_start3A_114 : memref<10000x32xf32, #tpu.memory_space<hbm>>) target(%dma_start3A_108 : memref<100x32xf32, #tpu.memory_space<vmem>>) offsets(%dma_start3A_111 : memref<100xi32, #tpu.memory_space<vmem>>) semaphore(%arg15 : memref<!tpu.dma_semaphore, #tpu.memory_space<semaphore_mem>>)
    %dma_start3A_115 = arith.constant 6 : i32
    %dma_start3A_116 = arith.constant 6 : i32
    %dma_start3A_117 = arith.constant 0 : i32
    %dma_start3A_118 = arith.constant 0 : i32
    %dma_start3A_119 = tpu.memref_slice %arg7[%dma_start3A_116, %dma_start3A_117, %dma_start3A_118] : memref<10x100x32xf32, #tpu.memory_space<vmem>> -> memref<1x100x32xf32, #tpu.memory_space<vmem>>
    %dma_start3A_120 = tpu.memref_squeeze %dma_start3A_119 : memref<1x100x32xf32, #tpu.memory_space<vmem>> -> memref<100x32xf32, #tpu.memory_space<vmem>>
    %dma_start3A_121 = arith.constant 0 : i32
    %dma_start3A_122 = tpu.memref_slice %arg5[%dma_start3A_115, %dma_start3A_121] : memref<50x100xi32, #tpu.memory_space<vmem>> -> memref<1x100xi32, #tpu.memory_space<vmem>>
    %dma_start3A_123 = tpu.memref_squeeze %dma_start3A_122 : memref<1x100xi32, #tpu.memory_space<vmem>> -> memref<100xi32, #tpu.memory_space<vmem>>
    %dma_start3A_124 = arith.constant 0 : i32
    %dma_start3A_125 = arith.constant 0 : i32
    %dma_start3A_126 = tpu.memref_slice %arg2[%dma_start3A_124, %dma_start3A_125] : memref<10000x32xf32, #tpu.memory_space<hbm>> -> memref<10000x32xf32, #tpu.memory_space<hbm>>
    tpu.enqueue_indirect_dma source(%dma_start3A_126 : memref<10000x32xf32, #tpu.memory_space<hbm>>) target(%dma_start3A_120 : memref<100x32xf32, #tpu.memory_space<vmem>>) offsets(%dma_start3A_123 : memref<100xi32, #tpu.memory_space<vmem>>) semaphore(%arg16 : memref<!tpu.dma_semaphore, #tpu.memory_space<semaphore_mem>>)
    %dma_start3A_127 = arith.constant 7 : i32
    %dma_start3A_128 = arith.constant 7 : i32
    %dma_start3A_129 = arith.constant 0 : i32
    %dma_start3A_130 = arith.constant 0 : i32
    %dma_start3A_131 = tpu.memref_slice %arg7[%dma_start3A_128, %dma_start3A_129, %dma_start3A_130] : memref<10x100x32xf32, #tpu.memory_space<vmem>> -> memref<1x100x32xf32, #tpu.memory_space<vmem>>
    %dma_start3A_132 = tpu.memref_squeeze %dma_start3A_131 : memref<1x100x32xf32, #tpu.memory_space<vmem>> -> memref<100x32xf32, #tpu.memory_space<vmem>>
    %dma_start3A_133 = arith.constant 0 : i32
    %dma_start3A_134 = tpu.memref_slice %arg5[%dma_start3A_127, %dma_start3A_133] : memref<50x100xi32, #tpu.memory_space<vmem>> -> memref<1x100xi32, #tpu.memory_space<vmem>>
    %dma_start3A_135 = tpu.memref_squeeze %dma_start3A_134 : memref<1x100xi32, #tpu.memory_space<vmem>> -> memref<100xi32, #tpu.memory_space<vmem>>
    %dma_start3A_136 = arith.constant 0 : i32
    %dma_start3A_137 = arith.constant 0 : i32
    %dma_start3A_138 = tpu.memref_slice %arg2[%dma_start3A_136, %dma_start3A_137] : memref<10000x32xf32, #tpu.memory_space<hbm>> -> memref<10000x32xf32, #tpu.memory_space<hbm>>
    tpu.enqueue_indirect_dma source(%dma_start3A_138 : memref<10000x32xf32, #tpu.memory_space<hbm>>) target(%dma_start3A_132 : memref<100x32xf32, #tpu.memory_space<vmem>>) offsets(%dma_start3A_135 : memref<100xi32, #tpu.memory_space<vmem>>) semaphore(%arg17 : memref<!tpu.dma_semaphore, #tpu.memory_space<semaphore_mem>>)
    %dma_start3A_139 = arith.constant 8 : i32
    %dma_start3A_140 = arith.constant 8 : i32
    %dma_start3A_141 = arith.constant 0 : i32
    %dma_start3A_142 = arith.constant 0 : i32
    %dma_start3A_143 = tpu.memref_slice %arg7[%dma_start3A_140, %dma_start3A_141, %dma_start3A_142] : memref<10x100x32xf32, #tpu.memory_space<vmem>> -> memref<1x100x32xf32, #tpu.memory_space<vmem>>
    %dma_start3A_144 = tpu.memref_squeeze %dma_start3A_143 : memref<1x100x32xf32, #tpu.memory_space<vmem>> -> memref<100x32xf32, #tpu.memory_space<vmem>>
    %dma_start3A_145 = arith.constant 0 : i32
    %dma_start3A_146 = tpu.memref_slice %arg5[%dma_start3A_139, %dma_start3A_145] : memref<50x100xi32, #tpu.memory_space<vmem>> -> memref<1x100xi32, #tpu.memory_space<vmem>>
    %dma_start3A_147 = tpu.memref_squeeze %dma_start3A_146 : memref<1x100xi32, #tpu.memory_space<vmem>> -> memref<100xi32, #tpu.memory_space<vmem>>
    %dma_start3A_148 = arith.constant 0 : i32
    %dma_start3A_149 = arith.constant 0 : i32
    %dma_start3A_150 = tpu.memref_slice %arg2[%dma_start3A_148, %dma_start3A_149] : memref<10000x32xf32, #tpu.memory_space<hbm>> -> memref<10000x32xf32, #tpu.memory_space<hbm>>
    tpu.enqueue_indirect_dma source(%dma_start3A_150 : memref<10000x32xf32, #tpu.memory_space<hbm>>) target(%dma_start3A_144 : memref<100x32xf32, #tpu.memory_space<vmem>>) offsets(%dma_start3A_147 : memref<100xi32, #tpu.memory_space<vmem>>) semaphore(%arg18 : memref<!tpu.dma_semaphore, #tpu.memory_space<semaphore_mem>>)
    %dma_start3A_151 = arith.constant 9 : i32
    %dma_start3A_152 = arith.constant 9 : i32
    %dma_start3A_153 = arith.constant 0 : i32
    %dma_start3A_154 = arith.constant 0 : i32
    %dma_start3A_155 = tpu.memref_slice %arg7[%dma_start3A_152, %dma_start3A_153, %dma_start3A_154] : memref<10x100x32xf32, #tpu.memory_space<vmem>> -> memref<1x100x32xf32, #tpu.memory_space<vmem>>
    %dma_start3A_156 = tpu.memref_squeeze %dma_start3A_155 : memref<1x100x32xf32, #tpu.memory_space<vmem>> -> memref<100x32xf32, #tpu.memory_space<vmem>>
    %dma_start3A_157 = arith.constant 0 : i32
    %dma_start3A_158 = tpu.memref_slice %arg5[%dma_start3A_151, %dma_start3A_157] : memref<50x100xi32, #tpu.memory_space<vmem>> -> memref<1x100xi32, #tpu.memory_space<vmem>>
    %dma_start3A_159 = tpu.memref_squeeze %dma_start3A_158 : memref<1x100xi32, #tpu.memory_space<vmem>> -> memref<100xi32, #tpu.memory_space<vmem>>
    %dma_start3A_160 = arith.constant 0 : i32
    %dma_start3A_161 = arith.constant 0 : i32
    %dma_start3A_162 = tpu.memref_slice %arg2[%dma_start3A_160, %dma_start3A_161] : memref<10000x32xf32, #tpu.memory_space<hbm>> -> memref<10000x32xf32, #tpu.memory_space<hbm>>
    tpu.enqueue_indirect_dma source(%dma_start3A_162 : memref<10000x32xf32, #tpu.memory_space<hbm>>) target(%dma_start3A_156 : memref<100x32xf32, #tpu.memory_space<vmem>>) offsets(%dma_start3A_159 : memref<100xi32, #tpu.memory_space<vmem>>) semaphore(%arg19 : memref<!tpu.dma_semaphore, #tpu.memory_space<semaphore_mem>>)
    %scan3A = arith.constant 0 : i32
    %scan3A_163 = arith.constant 5 : i32
    %scan3A_164 = arith.addi %scan3A, %scan3A_163 : i32
    %scan3A_165 = arith.constant 1 : i32
    scf.for %scan3A_293 = %scan3A to %scan3A_164 step %scan3A_165  : i32 {
      %mul3A_294 = arith.constant 1 : i32
      %mul3A_295 = arith.muli %scan3A_293, %mul3A_294 : i32
      %add3A_296 = arith.constant 0 : i32
      %add3A_297 = arith.addi %add3A_296, %mul3A_295 : i32
      %mul3A_298 = arith.constant 10 : i32
      %mul3A_299 = arith.muli %add3A_297, %mul3A_298 : i32
      %add3A_300 = arith.constant 0 : i32
      %add3A_301 = arith.addi %mul3A_299, %add3A_300 : i32
      %dma_wait3A_302 = arith.constant 0 : i32
      %dma_wait3A_303 = arith.constant 0 : i32
      %dma_wait3A_304 = arith.constant 0 : i32
      %dma_wait3A_305 = tpu.memref_slice %arg7[%dma_wait3A_302, %dma_wait3A_303, %dma_wait3A_304] : memref<10x100x32xf32, #tpu.memory_space<vmem>> -> memref<1x100x32xf32, #tpu.memory_space<vmem>>
      %dma_wait3A_306 = tpu.memref_squeeze %dma_wait3A_305 : memref<1x100x32xf32, #tpu.memory_space<vmem>> -> memref<100x32xf32, #tpu.memory_space<vmem>>
      %dma_wait3A_307 = arith.constant 0 : i32
      %dma_wait3A_308 = tpu.memref_slice %arg5[%add3A_301, %dma_wait3A_307] : memref<50x100xi32, #tpu.memory_space<vmem>> -> memref<1x100xi32, #tpu.memory_space<vmem>>
      %dma_wait3A_309 = tpu.memref_squeeze %dma_wait3A_308 : memref<1x100xi32, #tpu.memory_space<vmem>> -> memref<100xi32, #tpu.memory_space<vmem>>
      %dma_wait3A_310 = arith.constant 0 : i32
      %dma_wait3A_311 = arith.constant 0 : i32
      %dma_wait3A_312 = tpu.memref_slice %arg2[%dma_wait3A_310, %dma_wait3A_311] : memref<10000x32xf32, #tpu.memory_space<hbm>> -> memref<10000x32xf32, #tpu.memory_space<hbm>>
      tpu.wait_indirect_dma semaphore(%arg10 : memref<!tpu.dma_semaphore, #tpu.memory_space<semaphore_mem>>) src(%dma_wait3A_312 : memref<10000x32xf32, #tpu.memory_space<hbm>>) dst(%dma_wait3A_306 : memref<100x32xf32, #tpu.memory_space<vmem>>)
      %dma_start3A_313 = arith.constant 0 : i32
      %dma_start3A_314 = arith.constant 0 : i32
      %dma_start3A_315 = arith.constant 0 : i32
      %dma_start3A_316 = tpu.memref_slice %arg7[%dma_start3A_313, %dma_start3A_314, %dma_start3A_315] : memref<10x100x32xf32, #tpu.memory_space<vmem>> -> memref<1x100x32xf32, #tpu.memory_space<vmem>>
      %dma_start3A_317 = tpu.memref_squeeze %dma_start3A_316 : memref<1x100x32xf32, #tpu.memory_space<vmem>> -> memref<100x32xf32, #tpu.memory_space<vmem>>
      %dma_start3A_318 = arith.constant 0 : i32
      %dma_start3A_319 = tpu.memref_slice %arg6[%add3A_301, %dma_start3A_318] : memref<50x100xi32, #tpu.memory_space<vmem>> -> memref<1x100xi32, #tpu.memory_space<vmem>>
      %dma_start3A_320 = tpu.memref_squeeze %dma_start3A_319 : memref<1x100xi32, #tpu.memory_space<vmem>> -> memref<100xi32, #tpu.memory_space<vmem>>
      %dma_start3A_321 = arith.constant 0 : i32
      %dma_start3A_322 = arith.constant 0 : i32
      %dma_start3A_323 = tpu.memref_slice %arg9[%dma_start3A_321, %dma_start3A_322] : memref<10000x32xf32, #tpu.memory_space<vmem_shared>> -> memref<10000x32xf32, #tpu.memory_space<vmem_shared>>
      tpu.enqueue_indirect_dma source(%dma_start3A_317 : memref<100x32xf32, #tpu.memory_space<vmem>>) target(%dma_start3A_323 : memref<10000x32xf32, #tpu.memory_space<vmem_shared>>) offsets(%dma_start3A_320 : memref<100xi32, #tpu.memory_space<vmem>>) semaphore(%arg20 : memref<!tpu.dma_semaphore, #tpu.memory_space<semaphore_mem>>) {add = true}
      %sub3A = arith.constant 2 : i32
      %sub3A_324 = arith.subi %add3A_301, %sub3A : i32
      %ge3A = arith.constant 0 : i32
      %ge3A_325 = arith.cmpi sge, %sub3A_324, %ge3A : i32
      %add3A_326 = arith.constant 10 : i32
      %add3A_327 = arith.addi %sub3A_324, %add3A_326 : i32
      %lt3A = arith.constant 50 : i32
      %lt3A_328 = arith.cmpi slt, %add3A_327, %lt3A : i32
      %and3A = arith.andi %ge3A_325, %lt3A_328 : i1
      %convert_element_type3A_329 = arith.extui %and3A : i1 to i32
      %cond3A_330 = arith.constant 0 : i32
      %cond3A_331 = arith.cmpi ne, %convert_element_type3A_329, %cond3A_330 : i32
      scf.if %cond3A_331 {
        %dma_wait3A_674 = arith.constant 8 : i32
        %dma_wait3A_675 = arith.constant 0 : i32
        %dma_wait3A_676 = arith.constant 0 : i32
        %dma_wait3A_677 = tpu.memref_slice %arg7[%dma_wait3A_674, %dma_wait3A_675, %dma_wait3A_676] : memref<10x100x32xf32, #tpu.memory_space<vmem>> -> memref<1x100x32xf32, #tpu.memory_space<vmem>>
        %dma_wait3A_678 = tpu.memref_squeeze %dma_wait3A_677 : memref<1x100x32xf32, #tpu.memory_space<vmem>> -> memref<100x32xf32, #tpu.memory_space<vmem>>
        %dma_wait3A_679 = arith.constant 0 : i32
        %dma_wait3A_680 = tpu.memref_slice %arg6[%sub3A_324, %dma_wait3A_679] : memref<50x100xi32, #tpu.memory_space<vmem>> -> memref<1x100xi32, #tpu.memory_space<vmem>>
        %dma_wait3A_681 = tpu.memref_squeeze %dma_wait3A_680 : memref<1x100xi32, #tpu.memory_space<vmem>> -> memref<100xi32, #tpu.memory_space<vmem>>
        %dma_wait3A_682 = arith.constant 0 : i32
        %dma_wait3A_683 = arith.constant 0 : i32
        %dma_wait3A_684 = tpu.memref_slice %arg9[%dma_wait3A_682, %dma_wait3A_683] : memref<10000x32xf32, #tpu.memory_space<vmem_shared>> -> memref<10000x32xf32, #tpu.memory_space<vmem_shared>>
        tpu.wait_indirect_dma semaphore(%arg28 : memref<!tpu.dma_semaphore, #tpu.memory_space<semaphore_mem>>) src(%dma_wait3A_678 : memref<100x32xf32, #tpu.memory_space<vmem>>) dst(%dma_wait3A_684 : memref<10000x32xf32, #tpu.memory_space<vmem_shared>>)
        %add3A_685 = arith.constant 10 : i32
        %add3A_686 = arith.addi %sub3A_324, %add3A_685 : i32
        %dma_start3A_687 = arith.constant 8 : i32
        %dma_start3A_688 = arith.constant 0 : i32
        %dma_start3A_689 = arith.constant 0 : i32
        %dma_start3A_690 = tpu.memref_slice %arg7[%dma_start3A_687, %dma_start3A_688, %dma_start3A_689] : memref<10x100x32xf32, #tpu.memory_space<vmem>> -> memref<1x100x32xf32, #tpu.memory_space<vmem>>
        %dma_start3A_691 = tpu.memref_squeeze %dma_start3A_690 : memref<1x100x32xf32, #tpu.memory_space<vmem>> -> memref<100x32xf32, #tpu.memory_space<vmem>>
        %dma_start3A_692 = arith.constant 0 : i32
        %dma_start3A_693 = tpu.memref_slice %arg5[%add3A_686, %dma_start3A_692] : memref<50x100xi32, #tpu.memory_space<vmem>> -> memref<1x100xi32, #tpu.memory_space<vmem>>
        %dma_start3A_694 = tpu.memref_squeeze %dma_start3A_693 : memref<1x100xi32, #tpu.memory_space<vmem>> -> memref<100xi32, #tpu.memory_space<vmem>>
        %dma_start3A_695 = arith.constant 0 : i32
        %dma_start3A_696 = arith.constant 0 : i32
        %dma_start3A_697 = tpu.memref_slice %arg2[%dma_start3A_695, %dma_start3A_696] : memref<10000x32xf32, #tpu.memory_space<hbm>> -> memref<10000x32xf32, #tpu.memory_space<hbm>>
        tpu.enqueue_indirect_dma source(%dma_start3A_697 : memref<10000x32xf32, #tpu.memory_space<hbm>>) target(%dma_start3A_691 : memref<100x32xf32, #tpu.memory_space<vmem>>) offsets(%dma_start3A_694 : memref<100xi32, #tpu.memory_space<vmem>>) semaphore(%arg18 : memref<!tpu.dma_semaphore, #tpu.memory_space<semaphore_mem>>)
      } else {
      }
      %mul3A_332 = arith.constant 10 : i32
      %mul3A_333 = arith.muli %add3A_297, %mul3A_332 : i32
      %add3A_334 = arith.constant 1 : i32
      %add3A_335 = arith.addi %mul3A_333, %add3A_334 : i32
      %dma_wait3A_336 = arith.constant 1 : i32
      %dma_wait3A_337 = arith.constant 0 : i32
      %dma_wait3A_338 = arith.constant 0 : i32
      %dma_wait3A_339 = tpu.memref_slice %arg7[%dma_wait3A_336, %dma_wait3A_337, %dma_wait3A_338] : memref<10x100x32xf32, #tpu.memory_space<vmem>> -> memref<1x100x32xf32, #tpu.memory_space<vmem>>
      %dma_wait3A_340 = tpu.memref_squeeze %dma_wait3A_339 : memref<1x100x32xf32, #tpu.memory_space<vmem>> -> memref<100x32xf32, #tpu.memory_space<vmem>>
      %dma_wait3A_341 = arith.constant 0 : i32
      %dma_wait3A_342 = tpu.memref_slice %arg5[%add3A_335, %dma_wait3A_341] : memref<50x100xi32, #tpu.memory_space<vmem>> -> memref<1x100xi32, #tpu.memory_space<vmem>>
      %dma_wait3A_343 = tpu.memref_squeeze %dma_wait3A_342 : memref<1x100xi32, #tpu.memory_space<vmem>> -> memref<100xi32, #tpu.memory_space<vmem>>
      %dma_wait3A_344 = arith.constant 0 : i32
      %dma_wait3A_345 = arith.constant 0 : i32
      %dma_wait3A_346 = tpu.memref_slice %arg2[%dma_wait3A_344, %dma_wait3A_345] : memref<10000x32xf32, #tpu.memory_space<hbm>> -> memref<10000x32xf32, #tpu.memory_space<hbm>>
      tpu.wait_indirect_dma semaphore(%arg11 : memref<!tpu.dma_semaphore, #tpu.memory_space<semaphore_mem>>) src(%dma_wait3A_346 : memref<10000x32xf32, #tpu.memory_space<hbm>>) dst(%dma_wait3A_340 : memref<100x32xf32, #tpu.memory_space<vmem>>)
      %dma_start3A_347 = arith.constant 1 : i32
      %dma_start3A_348 = arith.constant 0 : i32
      %dma_start3A_349 = arith.constant 0 : i32
      %dma_start3A_350 = tpu.memref_slice %arg7[%dma_start3A_347, %dma_start3A_348, %dma_start3A_349] : memref<10x100x32xf32, #tpu.memory_space<vmem>> -> memref<1x100x32xf32, #tpu.memory_space<vmem>>
      %dma_start3A_351 = tpu.memref_squeeze %dma_start3A_350 : memref<1x100x32xf32, #tpu.memory_space<vmem>> -> memref<100x32xf32, #tpu.memory_space<vmem>>
      %dma_start3A_352 = arith.constant 0 : i32
      %dma_start3A_353 = tpu.memref_slice %arg6[%add3A_335, %dma_start3A_352] : memref<50x100xi32, #tpu.memory_space<vmem>> -> memref<1x100xi32, #tpu.memory_space<vmem>>
      %dma_start3A_354 = tpu.memref_squeeze %dma_start3A_353 : memref<1x100xi32, #tpu.memory_space<vmem>> -> memref<100xi32, #tpu.memory_space<vmem>>
      %dma_start3A_355 = arith.constant 0 : i32
      %dma_start3A_356 = arith.constant 0 : i32
      %dma_start3A_357 = tpu.memref_slice %arg9[%dma_start3A_355, %dma_start3A_356] : memref<10000x32xf32, #tpu.memory_space<vmem_shared>> -> memref<10000x32xf32, #tpu.memory_space<vmem_shared>>
      tpu.enqueue_indirect_dma source(%dma_start3A_351 : memref<100x32xf32, #tpu.memory_space<vmem>>) target(%dma_start3A_357 : memref<10000x32xf32, #tpu.memory_space<vmem_shared>>) offsets(%dma_start3A_354 : memref<100xi32, #tpu.memory_space<vmem>>) semaphore(%arg21 : memref<!tpu.dma_semaphore, #tpu.memory_space<semaphore_mem>>) {add = true}
      %sub3A_358 = arith.constant 2 : i32
      %sub3A_359 = arith.subi %add3A_335, %sub3A_358 : i32
      %ge3A_360 = arith.constant 0 : i32
      %ge3A_361 = arith.cmpi sge, %sub3A_359, %ge3A_360 : i32
      %add3A_362 = arith.constant 10 : i32
      %add3A_363 = arith.addi %sub3A_359, %add3A_362 : i32
      %lt3A_364 = arith.constant 50 : i32
      %lt3A_365 = arith.cmpi slt, %add3A_363, %lt3A_364 : i32
      %and3A_366 = arith.andi %ge3A_361, %lt3A_365 : i1
      %convert_element_type3A_367 = arith.extui %and3A_366 : i1 to i32
      %cond3A_368 = arith.constant 0 : i32
      %cond3A_369 = arith.cmpi ne, %convert_element_type3A_367, %cond3A_368 : i32
      scf.if %cond3A_369 {
        %dma_wait3A_674 = arith.constant 9 : i32
        %dma_wait3A_675 = arith.constant 0 : i32
        %dma_wait3A_676 = arith.constant 0 : i32
        %dma_wait3A_677 = tpu.memref_slice %arg7[%dma_wait3A_674, %dma_wait3A_675, %dma_wait3A_676] : memref<10x100x32xf32, #tpu.memory_space<vmem>> -> memref<1x100x32xf32, #tpu.memory_space<vmem>>
        %dma_wait3A_678 = tpu.memref_squeeze %dma_wait3A_677 : memref<1x100x32xf32, #tpu.memory_space<vmem>> -> memref<100x32xf32, #tpu.memory_space<vmem>>
        %dma_wait3A_679 = arith.constant 0 : i32
        %dma_wait3A_680 = tpu.memref_slice %arg6[%sub3A_359, %dma_wait3A_679] : memref<50x100xi32, #tpu.memory_space<vmem>> -> memref<1x100xi32, #tpu.memory_space<vmem>>
        %dma_wait3A_681 = tpu.memref_squeeze %dma_wait3A_680 : memref<1x100xi32, #tpu.memory_space<vmem>> -> memref<100xi32, #tpu.memory_space<vmem>>
        %dma_wait3A_682 = arith.constant 0 : i32
        %dma_wait3A_683 = arith.constant 0 : i32
        %dma_wait3A_684 = tpu.memref_slice %arg9[%dma_wait3A_682, %dma_wait3A_683] : memref<10000x32xf32, #tpu.memory_space<vmem_shared>> -> memref<10000x32xf32, #tpu.memory_space<vmem_shared>>
        tpu.wait_indirect_dma semaphore(%arg29 : memref<!tpu.dma_semaphore, #tpu.memory_space<semaphore_mem>>) src(%dma_wait3A_678 : memref<100x32xf32, #tpu.memory_space<vmem>>) dst(%dma_wait3A_684 : memref<10000x32xf32, #tpu.memory_space<vmem_shared>>)
        %add3A_685 = arith.constant 10 : i32
        %add3A_686 = arith.addi %sub3A_359, %add3A_685 : i32
        %dma_start3A_687 = arith.constant 9 : i32
        %dma_start3A_688 = arith.constant 0 : i32
        %dma_start3A_689 = arith.constant 0 : i32
        %dma_start3A_690 = tpu.memref_slice %arg7[%dma_start3A_687, %dma_start3A_688, %dma_start3A_689] : memref<10x100x32xf32, #tpu.memory_space<vmem>> -> memref<1x100x32xf32, #tpu.memory_space<vmem>>
        %dma_start3A_691 = tpu.memref_squeeze %dma_start3A_690 : memref<1x100x32xf32, #tpu.memory_space<vmem>> -> memref<100x32xf32, #tpu.memory_space<vmem>>
        %dma_start3A_692 = arith.constant 0 : i32
        %dma_start3A_693 = tpu.memref_slice %arg5[%add3A_686, %dma_start3A_692] : memref<50x100xi32, #tpu.memory_space<vmem>> -> memref<1x100xi32, #tpu.memory_space<vmem>>
        %dma_start3A_694 = tpu.memref_squeeze %dma_start3A_693 : memref<1x100xi32, #tpu.memory_space<vmem>> -> memref<100xi32, #tpu.memory_space<vmem>>
        %dma_start3A_695 = arith.constant 0 : i32
        %dma_start3A_696 = arith.constant 0 : i32
        %dma_start3A_697 = tpu.memref_slice %arg2[%dma_start3A_695, %dma_start3A_696] : memref<10000x32xf32, #tpu.memory_space<hbm>> -> memref<10000x32xf32, #tpu.memory_space<hbm>>
        tpu.enqueue_indirect_dma source(%dma_start3A_697 : memref<10000x32xf32, #tpu.memory_space<hbm>>) target(%dma_start3A_691 : memref<100x32xf32, #tpu.memory_space<vmem>>) offsets(%dma_start3A_694 : memref<100xi32, #tpu.memory_space<vmem>>) semaphore(%arg19 : memref<!tpu.dma_semaphore, #tpu.memory_space<semaphore_mem>>)
      } else {
      }
      %mul3A_370 = arith.constant 10 : i32
      %mul3A_371 = arith.muli %add3A_297, %mul3A_370 : i32
      %add3A_372 = arith.constant 2 : i32
      %add3A_373 = arith.addi %mul3A_371, %add3A_372 : i32
      %dma_wait3A_374 = arith.constant 2 : i32
      %dma_wait3A_375 = arith.constant 0 : i32
      %dma_wait3A_376 = arith.constant 0 : i32
      %dma_wait3A_377 = tpu.memref_slice %arg7[%dma_wait3A_374, %dma_wait3A_375, %dma_wait3A_376] : memref<10x100x32xf32, #tpu.memory_space<vmem>> -> memref<1x100x32xf32, #tpu.memory_space<vmem>>
      %dma_wait3A_378 = tpu.memref_squeeze %dma_wait3A_377 : memref<1x100x32xf32, #tpu.memory_space<vmem>> -> memref<100x32xf32, #tpu.memory_space<vmem>>
      %dma_wait3A_379 = arith.constant 0 : i32
      %dma_wait3A_380 = tpu.memref_slice %arg5[%add3A_373, %dma_wait3A_379] : memref<50x100xi32, #tpu.memory_space<vmem>> -> memref<1x100xi32, #tpu.memory_space<vmem>>
      %dma_wait3A_381 = tpu.memref_squeeze %dma_wait3A_380 : memref<1x100xi32, #tpu.memory_space<vmem>> -> memref<100xi32, #tpu.memory_space<vmem>>
      %dma_wait3A_382 = arith.constant 0 : i32
      %dma_wait3A_383 = arith.constant 0 : i32
      %dma_wait3A_384 = tpu.memref_slice %arg2[%dma_wait3A_382, %dma_wait3A_383] : memref<10000x32xf32, #tpu.memory_space<hbm>> -> memref<10000x32xf32, #tpu.memory_space<hbm>>
      tpu.wait_indirect_dma semaphore(%arg12 : memref<!tpu.dma_semaphore, #tpu.memory_space<semaphore_mem>>) src(%dma_wait3A_384 : memref<10000x32xf32, #tpu.memory_space<hbm>>) dst(%dma_wait3A_378 : memref<100x32xf32, #tpu.memory_space<vmem>>)
      %dma_start3A_385 = arith.constant 2 : i32
      %dma_start3A_386 = arith.constant 0 : i32
      %dma_start3A_387 = arith.constant 0 : i32
      %dma_start3A_388 = tpu.memref_slice %arg7[%dma_start3A_385, %dma_start3A_386, %dma_start3A_387] : memref<10x100x32xf32, #tpu.memory_space<vmem>> -> memref<1x100x32xf32, #tpu.memory_space<vmem>>
      %dma_start3A_389 = tpu.memref_squeeze %dma_start3A_388 : memref<1x100x32xf32, #tpu.memory_space<vmem>> -> memref<100x32xf32, #tpu.memory_space<vmem>>
      %dma_start3A_390 = arith.constant 0 : i32
      %dma_start3A_391 = tpu.memref_slice %arg6[%add3A_373, %dma_start3A_390] : memref<50x100xi32, #tpu.memory_space<vmem>> -> memref<1x100xi32, #tpu.memory_space<vmem>>
      %dma_start3A_392 = tpu.memref_squeeze %dma_start3A_391 : memref<1x100xi32, #tpu.memory_space<vmem>> -> memref<100xi32, #tpu.memory_space<vmem>>
      %dma_start3A_393 = arith.constant 0 : i32
      %dma_start3A_394 = arith.constant 0 : i32
      %dma_start3A_395 = tpu.memref_slice %arg9[%dma_start3A_393, %dma_start3A_394] : memref<10000x32xf32, #tpu.memory_space<vmem_shared>> -> memref<10000x32xf32, #tpu.memory_space<vmem_shared>>
      tpu.enqueue_indirect_dma source(%dma_start3A_389 : memref<100x32xf32, #tpu.memory_space<vmem>>) target(%dma_start3A_395 : memref<10000x32xf32, #tpu.memory_space<vmem_shared>>) offsets(%dma_start3A_392 : memref<100xi32, #tpu.memory_space<vmem>>) semaphore(%arg22 : memref<!tpu.dma_semaphore, #tpu.memory_space<semaphore_mem>>) {add = true}
      %sub3A_396 = arith.constant 2 : i32
      %sub3A_397 = arith.subi %add3A_373, %sub3A_396 : i32
      %ge3A_398 = arith.constant 0 : i32
      %ge3A_399 = arith.cmpi sge, %sub3A_397, %ge3A_398 : i32
      %add3A_400 = arith.constant 10 : i32
      %add3A_401 = arith.addi %sub3A_397, %add3A_400 : i32
      %lt3A_402 = arith.constant 50 : i32
      %lt3A_403 = arith.cmpi slt, %add3A_401, %lt3A_402 : i32
      %and3A_404 = arith.andi %ge3A_399, %lt3A_403 : i1
      %convert_element_type3A_405 = arith.extui %and3A_404 : i1 to i32
      %cond3A_406 = arith.constant 0 : i32
      %cond3A_407 = arith.cmpi ne, %convert_element_type3A_405, %cond3A_406 : i32
      scf.if %cond3A_407 {
        %dma_wait3A_674 = arith.constant 0 : i32
        %dma_wait3A_675 = arith.constant 0 : i32
        %dma_wait3A_676 = arith.constant 0 : i32
        %dma_wait3A_677 = tpu.memref_slice %arg7[%dma_wait3A_674, %dma_wait3A_675, %dma_wait3A_676] : memref<10x100x32xf32, #tpu.memory_space<vmem>> -> memref<1x100x32xf32, #tpu.memory_space<vmem>>
        %dma_wait3A_678 = tpu.memref_squeeze %dma_wait3A_677 : memref<1x100x32xf32, #tpu.memory_space<vmem>> -> memref<100x32xf32, #tpu.memory_space<vmem>>
        %dma_wait3A_679 = arith.constant 0 : i32
        %dma_wait3A_680 = tpu.memref_slice %arg6[%sub3A_397, %dma_wait3A_679] : memref<50x100xi32, #tpu.memory_space<vmem>> -> memref<1x100xi32, #tpu.memory_space<vmem>>
        %dma_wait3A_681 = tpu.memref_squeeze %dma_wait3A_680 : memref<1x100xi32, #tpu.memory_space<vmem>> -> memref<100xi32, #tpu.memory_space<vmem>>
        %dma_wait3A_682 = arith.constant 0 : i32
        %dma_wait3A_683 = arith.constant 0 : i32
        %dma_wait3A_684 = tpu.memref_slice %arg9[%dma_wait3A_682, %dma_wait3A_683] : memref<10000x32xf32, #tpu.memory_space<vmem_shared>> -> memref<10000x32xf32, #tpu.memory_space<vmem_shared>>
        tpu.wait_indirect_dma semaphore(%arg20 : memref<!tpu.dma_semaphore, #tpu.memory_space<semaphore_mem>>) src(%dma_wait3A_678 : memref<100x32xf32, #tpu.memory_space<vmem>>) dst(%dma_wait3A_684 : memref<10000x32xf32, #tpu.memory_space<vmem_shared>>)
        %add3A_685 = arith.constant 10 : i32
        %add3A_686 = arith.addi %sub3A_397, %add3A_685 : i32
        %dma_start3A_687 = arith.constant 0 : i32
        %dma_start3A_688 = arith.constant 0 : i32
        %dma_start3A_689 = arith.constant 0 : i32
        %dma_start3A_690 = tpu.memref_slice %arg7[%dma_start3A_687, %dma_start3A_688, %dma_start3A_689] : memref<10x100x32xf32, #tpu.memory_space<vmem>> -> memref<1x100x32xf32, #tpu.memory_space<vmem>>
        %dma_start3A_691 = tpu.memref_squeeze %dma_start3A_690 : memref<1x100x32xf32, #tpu.memory_space<vmem>> -> memref<100x32xf32, #tpu.memory_space<vmem>>
        %dma_start3A_692 = arith.constant 0 : i32
        %dma_start3A_693 = tpu.memref_slice %arg5[%add3A_686, %dma_start3A_692] : memref<50x100xi32, #tpu.memory_space<vmem>> -> memref<1x100xi32, #tpu.memory_space<vmem>>
        %dma_start3A_694 = tpu.memref_squeeze %dma_start3A_693 : memref<1x100xi32, #tpu.memory_space<vmem>> -> memref<100xi32, #tpu.memory_space<vmem>>
        %dma_start3A_695 = arith.constant 0 : i32
        %dma_start3A_696 = arith.constant 0 : i32
        %dma_start3A_697 = tpu.memref_slice %arg2[%dma_start3A_695, %dma_start3A_696] : memref<10000x32xf32, #tpu.memory_space<hbm>> -> memref<10000x32xf32, #tpu.memory_space<hbm>>
        tpu.enqueue_indirect_dma source(%dma_start3A_697 : memref<10000x32xf32, #tpu.memory_space<hbm>>) target(%dma_start3A_691 : memref<100x32xf32, #tpu.memory_space<vmem>>) offsets(%dma_start3A_694 : memref<100xi32, #tpu.memory_space<vmem>>) semaphore(%arg10 : memref<!tpu.dma_semaphore, #tpu.memory_space<semaphore_mem>>)
      } else {
      }
      %mul3A_408 = arith.constant 10 : i32
      %mul3A_409 = arith.muli %add3A_297, %mul3A_408 : i32
      %add3A_410 = arith.constant 3 : i32
      %add3A_411 = arith.addi %mul3A_409, %add3A_410 : i32
      %dma_wait3A_412 = arith.constant 3 : i32
      %dma_wait3A_413 = arith.constant 0 : i32
      %dma_wait3A_414 = arith.constant 0 : i32
      %dma_wait3A_415 = tpu.memref_slice %arg7[%dma_wait3A_412, %dma_wait3A_413, %dma_wait3A_414] : memref<10x100x32xf32, #tpu.memory_space<vmem>> -> memref<1x100x32xf32, #tpu.memory_space<vmem>>
      %dma_wait3A_416 = tpu.memref_squeeze %dma_wait3A_415 : memref<1x100x32xf32, #tpu.memory_space<vmem>> -> memref<100x32xf32, #tpu.memory_space<vmem>>
      %dma_wait3A_417 = arith.constant 0 : i32
      %dma_wait3A_418 = tpu.memref_slice %arg5[%add3A_411, %dma_wait3A_417] : memref<50x100xi32, #tpu.memory_space<vmem>> -> memref<1x100xi32, #tpu.memory_space<vmem>>
      %dma_wait3A_419 = tpu.memref_squeeze %dma_wait3A_418 : memref<1x100xi32, #tpu.memory_space<vmem>> -> memref<100xi32, #tpu.memory_space<vmem>>
      %dma_wait3A_420 = arith.constant 0 : i32
      %dma_wait3A_421 = arith.constant 0 : i32
      %dma_wait3A_422 = tpu.memref_slice %arg2[%dma_wait3A_420, %dma_wait3A_421] : memref<10000x32xf32, #tpu.memory_space<hbm>> -> memref<10000x32xf32, #tpu.memory_space<hbm>>
      tpu.wait_indirect_dma semaphore(%arg13 : memref<!tpu.dma_semaphore, #tpu.memory_space<semaphore_mem>>) src(%dma_wait3A_422 : memref<10000x32xf32, #tpu.memory_space<hbm>>) dst(%dma_wait3A_416 : memref<100x32xf32, #tpu.memory_space<vmem>>)
      %dma_start3A_423 = arith.constant 3 : i32
      %dma_start3A_424 = arith.constant 0 : i32
      %dma_start3A_425 = arith.constant 0 : i32
      %dma_start3A_426 = tpu.memref_slice %arg7[%dma_start3A_423, %dma_start3A_424, %dma_start3A_425] : memref<10x100x32xf32, #tpu.memory_space<vmem>> -> memref<1x100x32xf32, #tpu.memory_space<vmem>>
      %dma_start3A_427 = tpu.memref_squeeze %dma_start3A_426 : memref<1x100x32xf32, #tpu.memory_space<vmem>> -> memref<100x32xf32, #tpu.memory_space<vmem>>
      %dma_start3A_428 = arith.constant 0 : i32
      %dma_start3A_429 = tpu.memref_slice %arg6[%add3A_411, %dma_start3A_428] : memref<50x100xi32, #tpu.memory_space<vmem>> -> memref<1x100xi32, #tpu.memory_space<vmem>>
      %dma_start3A_430 = tpu.memref_squeeze %dma_start3A_429 : memref<1x100xi32, #tpu.memory_space<vmem>> -> memref<100xi32, #tpu.memory_space<vmem>>
      %dma_start3A_431 = arith.constant 0 : i32
      %dma_start3A_432 = arith.constant 0 : i32
      %dma_start3A_433 = tpu.memref_slice %arg9[%dma_start3A_431, %dma_start3A_432] : memref<10000x32xf32, #tpu.memory_space<vmem_shared>> -> memref<10000x32xf32, #tpu.memory_space<vmem_shared>>
      tpu.enqueue_indirect_dma source(%dma_start3A_427 : memref<100x32xf32, #tpu.memory_space<vmem>>) target(%dma_start3A_433 : memref<10000x32xf32, #tpu.memory_space<vmem_shared>>) offsets(%dma_start3A_430 : memref<100xi32, #tpu.memory_space<vmem>>) semaphore(%arg23 : memref<!tpu.dma_semaphore, #tpu.memory_space<semaphore_mem>>) {add = true}
      %sub3A_434 = arith.constant 2 : i32
      %sub3A_435 = arith.subi %add3A_411, %sub3A_434 : i32
      %ge3A_436 = arith.constant 0 : i32
      %ge3A_437 = arith.cmpi sge, %sub3A_435, %ge3A_436 : i32
      %add3A_438 = arith.constant 10 : i32
      %add3A_439 = arith.addi %sub3A_435, %add3A_438 : i32
      %lt3A_440 = arith.constant 50 : i32
      %lt3A_441 = arith.cmpi slt, %add3A_439, %lt3A_440 : i32
      %and3A_442 = arith.andi %ge3A_437, %lt3A_441 : i1
      %convert_element_type3A_443 = arith.extui %and3A_442 : i1 to i32
      %cond3A_444 = arith.constant 0 : i32
      %cond3A_445 = arith.cmpi ne, %convert_element_type3A_443, %cond3A_444 : i32
      scf.if %cond3A_445 {
        %dma_wait3A_674 = arith.constant 1 : i32
        %dma_wait3A_675 = arith.constant 0 : i32
        %dma_wait3A_676 = arith.constant 0 : i32
        %dma_wait3A_677 = tpu.memref_slice %arg7[%dma_wait3A_674, %dma_wait3A_675, %dma_wait3A_676] : memref<10x100x32xf32, #tpu.memory_space<vmem>> -> memref<1x100x32xf32, #tpu.memory_space<vmem>>
        %dma_wait3A_678 = tpu.memref_squeeze %dma_wait3A_677 : memref<1x100x32xf32, #tpu.memory_space<vmem>> -> memref<100x32xf32, #tpu.memory_space<vmem>>
        %dma_wait3A_679 = arith.constant 0 : i32
        %dma_wait3A_680 = tpu.memref_slice %arg6[%sub3A_435, %dma_wait3A_679] : memref<50x100xi32, #tpu.memory_space<vmem>> -> memref<1x100xi32, #tpu.memory_space<vmem>>
        %dma_wait3A_681 = tpu.memref_squeeze %dma_wait3A_680 : memref<1x100xi32, #tpu.memory_space<vmem>> -> memref<100xi32, #tpu.memory_space<vmem>>
        %dma_wait3A_682 = arith.constant 0 : i32
        %dma_wait3A_683 = arith.constant 0 : i32
        %dma_wait3A_684 = tpu.memref_slice %arg9[%dma_wait3A_682, %dma_wait3A_683] : memref<10000x32xf32, #tpu.memory_space<vmem_shared>> -> memref<10000x32xf32, #tpu.memory_space<vmem_shared>>
        tpu.wait_indirect_dma semaphore(%arg21 : memref<!tpu.dma_semaphore, #tpu.memory_space<semaphore_mem>>) src(%dma_wait3A_678 : memref<100x32xf32, #tpu.memory_space<vmem>>) dst(%dma_wait3A_684 : memref<10000x32xf32, #tpu.memory_space<vmem_shared>>)
        %add3A_685 = arith.constant 10 : i32
        %add3A_686 = arith.addi %sub3A_435, %add3A_685 : i32
        %dma_start3A_687 = arith.constant 1 : i32
        %dma_start3A_688 = arith.constant 0 : i32
        %dma_start3A_689 = arith.constant 0 : i32
        %dma_start3A_690 = tpu.memref_slice %arg7[%dma_start3A_687, %dma_start3A_688, %dma_start3A_689] : memref<10x100x32xf32, #tpu.memory_space<vmem>> -> memref<1x100x32xf32, #tpu.memory_space<vmem>>
        %dma_start3A_691 = tpu.memref_squeeze %dma_start3A_690 : memref<1x100x32xf32, #tpu.memory_space<vmem>> -> memref<100x32xf32, #tpu.memory_space<vmem>>
        %dma_start3A_692 = arith.constant 0 : i32
        %dma_start3A_693 = tpu.memref_slice %arg5[%add3A_686, %dma_start3A_692] : memref<50x100xi32, #tpu.memory_space<vmem>> -> memref<1x100xi32, #tpu.memory_space<vmem>>
        %dma_start3A_694 = tpu.memref_squeeze %dma_start3A_693 : memref<1x100xi32, #tpu.memory_space<vmem>> -> memref<100xi32, #tpu.memory_space<vmem>>
        %dma_start3A_695 = arith.constant 0 : i32
        %dma_start3A_696 = arith.constant 0 : i32
        %dma_start3A_697 = tpu.memref_slice %arg2[%dma_start3A_695, %dma_start3A_696] : memref<10000x32xf32, #tpu.memory_space<hbm>> -> memref<10000x32xf32, #tpu.memory_space<hbm>>
        tpu.enqueue_indirect_dma source(%dma_start3A_697 : memref<10000x32xf32, #tpu.memory_space<hbm>>) target(%dma_start3A_691 : memref<100x32xf32, #tpu.memory_space<vmem>>) offsets(%dma_start3A_694 : memref<100xi32, #tpu.memory_space<vmem>>) semaphore(%arg11 : memref<!tpu.dma_semaphore, #tpu.memory_space<semaphore_mem>>)
      } else {
      }
      %mul3A_446 = arith.constant 10 : i32
      %mul3A_447 = arith.muli %add3A_297, %mul3A_446 : i32
      %add3A_448 = arith.constant 4 : i32
      %add3A_449 = arith.addi %mul3A_447, %add3A_448 : i32
      %dma_wait3A_450 = arith.constant 4 : i32
      %dma_wait3A_451 = arith.constant 0 : i32
      %dma_wait3A_452 = arith.constant 0 : i32
      %dma_wait3A_453 = tpu.memref_slice %arg7[%dma_wait3A_450, %dma_wait3A_451, %dma_wait3A_452] : memref<10x100x32xf32, #tpu.memory_space<vmem>> -> memref<1x100x32xf32, #tpu.memory_space<vmem>>
      %dma_wait3A_454 = tpu.memref_squeeze %dma_wait3A_453 : memref<1x100x32xf32, #tpu.memory_space<vmem>> -> memref<100x32xf32, #tpu.memory_space<vmem>>
      %dma_wait3A_455 = arith.constant 0 : i32
      %dma_wait3A_456 = tpu.memref_slice %arg5[%add3A_449, %dma_wait3A_455] : memref<50x100xi32, #tpu.memory_space<vmem>> -> memref<1x100xi32, #tpu.memory_space<vmem>>
      %dma_wait3A_457 = tpu.memref_squeeze %dma_wait3A_456 : memref<1x100xi32, #tpu.memory_space<vmem>> -> memref<100xi32, #tpu.memory_space<vmem>>
      %dma_wait3A_458 = arith.constant 0 : i32
      %dma_wait3A_459 = arith.constant 0 : i32
      %dma_wait3A_460 = tpu.memref_slice %arg2[%dma_wait3A_458, %dma_wait3A_459] : memref<10000x32xf32, #tpu.memory_space<hbm>> -> memref<10000x32xf32, #tpu.memory_space<hbm>>
      tpu.wait_indirect_dma semaphore(%arg14 : memref<!tpu.dma_semaphore, #tpu.memory_space<semaphore_mem>>) src(%dma_wait3A_460 : memref<10000x32xf32, #tpu.memory_space<hbm>>) dst(%dma_wait3A_454 : memref<100x32xf32, #tpu.memory_space<vmem>>)
      %dma_start3A_461 = arith.constant 4 : i32
      %dma_start3A_462 = arith.constant 0 : i32
      %dma_start3A_463 = arith.constant 0 : i32
      %dma_start3A_464 = tpu.memref_slice %arg7[%dma_start3A_461, %dma_start3A_462, %dma_start3A_463] : memref<10x100x32xf32, #tpu.memory_space<vmem>> -> memref<1x100x32xf32, #tpu.memory_space<vmem>>
      %dma_start3A_465 = tpu.memref_squeeze %dma_start3A_464 : memref<1x100x32xf32, #tpu.memory_space<vmem>> -> memref<100x32xf32, #tpu.memory_space<vmem>>
      %dma_start3A_466 = arith.constant 0 : i32
      %dma_start3A_467 = tpu.memref_slice %arg6[%add3A_449, %dma_start3A_466] : memref<50x100xi32, #tpu.memory_space<vmem>> -> memref<1x100xi32, #tpu.memory_space<vmem>>
      %dma_start3A_468 = tpu.memref_squeeze %dma_start3A_467 : memref<1x100xi32, #tpu.memory_space<vmem>> -> memref<100xi32, #tpu.memory_space<vmem>>
      %dma_start3A_469 = arith.constant 0 : i32
      %dma_start3A_470 = arith.constant 0 : i32
      %dma_start3A_471 = tpu.memref_slice %arg9[%dma_start3A_469, %dma_start3A_470] : memref<10000x32xf32, #tpu.memory_space<vmem_shared>> -> memref<10000x32xf32, #tpu.memory_space<vmem_shared>>
      tpu.enqueue_indirect_dma source(%dma_start3A_465 : memref<100x32xf32, #tpu.memory_space<vmem>>) target(%dma_start3A_471 : memref<10000x32xf32, #tpu.memory_space<vmem_shared>>) offsets(%dma_start3A_468 : memref<100xi32, #tpu.memory_space<vmem>>) semaphore(%arg24 : memref<!tpu.dma_semaphore, #tpu.memory_space<semaphore_mem>>) {add = true}
      %sub3A_472 = arith.constant 2 : i32
      %sub3A_473 = arith.subi %add3A_449, %sub3A_472 : i32
      %ge3A_474 = arith.constant 0 : i32
      %ge3A_475 = arith.cmpi sge, %sub3A_473, %ge3A_474 : i32
      %add3A_476 = arith.constant 10 : i32
      %add3A_477 = arith.addi %sub3A_473, %add3A_476 : i32
      %lt3A_478 = arith.constant 50 : i32
      %lt3A_479 = arith.cmpi slt, %add3A_477, %lt3A_478 : i32
      %and3A_480 = arith.andi %ge3A_475, %lt3A_479 : i1
      %convert_element_type3A_481 = arith.extui %and3A_480 : i1 to i32
      %cond3A_482 = arith.constant 0 : i32
      %cond3A_483 = arith.cmpi ne, %convert_element_type3A_481, %cond3A_482 : i32
      scf.if %cond3A_483 {
        %dma_wait3A_674 = arith.constant 2 : i32
        %dma_wait3A_675 = arith.constant 0 : i32
        %dma_wait3A_676 = arith.constant 0 : i32
        %dma_wait3A_677 = tpu.memref_slice %arg7[%dma_wait3A_674, %dma_wait3A_675, %dma_wait3A_676] : memref<10x100x32xf32, #tpu.memory_space<vmem>> -> memref<1x100x32xf32, #tpu.memory_space<vmem>>
        %dma_wait3A_678 = tpu.memref_squeeze %dma_wait3A_677 : memref<1x100x32xf32, #tpu.memory_space<vmem>> -> memref<100x32xf32, #tpu.memory_space<vmem>>
        %dma_wait3A_679 = arith.constant 0 : i32
        %dma_wait3A_680 = tpu.memref_slice %arg6[%sub3A_473, %dma_wait3A_679] : memref<50x100xi32, #tpu.memory_space<vmem>> -> memref<1x100xi32, #tpu.memory_space<vmem>>
        %dma_wait3A_681 = tpu.memref_squeeze %dma_wait3A_680 : memref<1x100xi32, #tpu.memory_space<vmem>> -> memref<100xi32, #tpu.memory_space<vmem>>
        %dma_wait3A_682 = arith.constant 0 : i32
        %dma_wait3A_683 = arith.constant 0 : i32
        %dma_wait3A_684 = tpu.memref_slice %arg9[%dma_wait3A_682, %dma_wait3A_683] : memref<10000x32xf32, #tpu.memory_space<vmem_shared>> -> memref<10000x32xf32, #tpu.memory_space<vmem_shared>>
        tpu.wait_indirect_dma semaphore(%arg22 : memref<!tpu.dma_semaphore, #tpu.memory_space<semaphore_mem>>) src(%dma_wait3A_678 : memref<100x32xf32, #tpu.memory_space<vmem>>) dst(%dma_wait3A_684 : memref<10000x32xf32, #tpu.memory_space<vmem_shared>>)
        %add3A_685 = arith.constant 10 : i32
        %add3A_686 = arith.addi %sub3A_473, %add3A_685 : i32
        %dma_start3A_687 = arith.constant 2 : i32
        %dma_start3A_688 = arith.constant 0 : i32
        %dma_start3A_689 = arith.constant 0 : i32
        %dma_start3A_690 = tpu.memref_slice %arg7[%dma_start3A_687, %dma_start3A_688, %dma_start3A_689] : memref<10x100x32xf32, #tpu.memory_space<vmem>> -> memref<1x100x32xf32, #tpu.memory_space<vmem>>
        %dma_start3A_691 = tpu.memref_squeeze %dma_start3A_690 : memref<1x100x32xf32, #tpu.memory_space<vmem>> -> memref<100x32xf32, #tpu.memory_space<vmem>>
        %dma_start3A_692 = arith.constant 0 : i32
        %dma_start3A_693 = tpu.memref_slice %arg5[%add3A_686, %dma_start3A_692] : memref<50x100xi32, #tpu.memory_space<vmem>> -> memref<1x100xi32, #tpu.memory_space<vmem>>
        %dma_start3A_694 = tpu.memref_squeeze %dma_start3A_693 : memref<1x100xi32, #tpu.memory_space<vmem>> -> memref<100xi32, #tpu.memory_space<vmem>>
        %dma_start3A_695 = arith.constant 0 : i32
        %dma_start3A_696 = arith.constant 0 : i32
        %dma_start3A_697 = tpu.memref_slice %arg2[%dma_start3A_695, %dma_start3A_696] : memref<10000x32xf32, #tpu.memory_space<hbm>> -> memref<10000x32xf32, #tpu.memory_space<hbm>>
        tpu.enqueue_indirect_dma source(%dma_start3A_697 : memref<10000x32xf32, #tpu.memory_space<hbm>>) target(%dma_start3A_691 : memref<100x32xf32, #tpu.memory_space<vmem>>) offsets(%dma_start3A_694 : memref<100xi32, #tpu.memory_space<vmem>>) semaphore(%arg12 : memref<!tpu.dma_semaphore, #tpu.memory_space<semaphore_mem>>)
      } else {
      }
      %mul3A_484 = arith.constant 10 : i32
      %mul3A_485 = arith.muli %add3A_297, %mul3A_484 : i32
      %add3A_486 = arith.constant 5 : i32
      %add3A_487 = arith.addi %mul3A_485, %add3A_486 : i32
      %dma_wait3A_488 = arith.constant 5 : i32
      %dma_wait3A_489 = arith.constant 0 : i32
      %dma_wait3A_490 = arith.constant 0 : i32
      %dma_wait3A_491 = tpu.memref_slice %arg7[%dma_wait3A_488, %dma_wait3A_489, %dma_wait3A_490] : memref<10x100x32xf32, #tpu.memory_space<vmem>> -> memref<1x100x32xf32, #tpu.memory_space<vmem>>
      %dma_wait3A_492 = tpu.memref_squeeze %dma_wait3A_491 : memref<1x100x32xf32, #tpu.memory_space<vmem>> -> memref<100x32xf32, #tpu.memory_space<vmem>>
      %dma_wait3A_493 = arith.constant 0 : i32
      %dma_wait3A_494 = tpu.memref_slice %arg5[%add3A_487, %dma_wait3A_493] : memref<50x100xi32, #tpu.memory_space<vmem>> -> memref<1x100xi32, #tpu.memory_space<vmem>>
      %dma_wait3A_495 = tpu.memref_squeeze %dma_wait3A_494 : memref<1x100xi32, #tpu.memory_space<vmem>> -> memref<100xi32, #tpu.memory_space<vmem>>
      %dma_wait3A_496 = arith.constant 0 : i32
      %dma_wait3A_497 = arith.constant 0 : i32
      %dma_wait3A_498 = tpu.memref_slice %arg2[%dma_wait3A_496, %dma_wait3A_497] : memref<10000x32xf32, #tpu.memory_space<hbm>> -> memref<10000x32xf32, #tpu.memory_space<hbm>>
      tpu.wait_indirect_dma semaphore(%arg15 : memref<!tpu.dma_semaphore, #tpu.memory_space<semaphore_mem>>) src(%dma_wait3A_498 : memref<10000x32xf32, #tpu.memory_space<hbm>>) dst(%dma_wait3A_492 : memref<100x32xf32, #tpu.memory_space<vmem>>)
      %dma_start3A_499 = arith.constant 5 : i32
      %dma_start3A_500 = arith.constant 0 : i32
      %dma_start3A_501 = arith.constant 0 : i32
      %dma_start3A_502 = tpu.memref_slice %arg7[%dma_start3A_499, %dma_start3A_500, %dma_start3A_501] : memref<10x100x32xf32, #tpu.memory_space<vmem>> -> memref<1x100x32xf32, #tpu.memory_space<vmem>>
      %dma_start3A_503 = tpu.memref_squeeze %dma_start3A_502 : memref<1x100x32xf32, #tpu.memory_space<vmem>> -> memref<100x32xf32, #tpu.memory_space<vmem>>
      %dma_start3A_504 = arith.constant 0 : i32
      %dma_start3A_505 = tpu.memref_slice %arg6[%add3A_487, %dma_start3A_504] : memref<50x100xi32, #tpu.memory_space<vmem>> -> memref<1x100xi32, #tpu.memory_space<vmem>>
      %dma_start3A_506 = tpu.memref_squeeze %dma_start3A_505 : memref<1x100xi32, #tpu.memory_space<vmem>> -> memref<100xi32, #tpu.memory_space<vmem>>
      %dma_start3A_507 = arith.constant 0 : i32
      %dma_start3A_508 = arith.constant 0 : i32
      %dma_start3A_509 = tpu.memref_slice %arg9[%dma_start3A_507, %dma_start3A_508] : memref<10000x32xf32, #tpu.memory_space<vmem_shared>> -> memref<10000x32xf32, #tpu.memory_space<vmem_shared>>
      tpu.enqueue_indirect_dma source(%dma_start3A_503 : memref<100x32xf32, #tpu.memory_space<vmem>>) target(%dma_start3A_509 : memref<10000x32xf32, #tpu.memory_space<vmem_shared>>) offsets(%dma_start3A_506 : memref<100xi32, #tpu.memory_space<vmem>>) semaphore(%arg25 : memref<!tpu.dma_semaphore, #tpu.memory_space<semaphore_mem>>) {add = true}
      %sub3A_510 = arith.constant 2 : i32
      %sub3A_511 = arith.subi %add3A_487, %sub3A_510 : i32
      %ge3A_512 = arith.constant 0 : i32
      %ge3A_513 = arith.cmpi sge, %sub3A_511, %ge3A_512 : i32
      %add3A_514 = arith.constant 10 : i32
      %add3A_515 = arith.addi %sub3A_511, %add3A_514 : i32
      %lt3A_516 = arith.constant 50 : i32
      %lt3A_517 = arith.cmpi slt, %add3A_515, %lt3A_516 : i32
      %and3A_518 = arith.andi %ge3A_513, %lt3A_517 : i1
      %convert_element_type3A_519 = arith.extui %and3A_518 : i1 to i32
      %cond3A_520 = arith.constant 0 : i32
      %cond3A_521 = arith.cmpi ne, %convert_element_type3A_519, %cond3A_520 : i32
      scf.if %cond3A_521 {
        %dma_wait3A_674 = arith.constant 3 : i32
        %dma_wait3A_675 = arith.constant 0 : i32
        %dma_wait3A_676 = arith.constant 0 : i32
        %dma_wait3A_677 = tpu.memref_slice %arg7[%dma_wait3A_674, %dma_wait3A_675, %dma_wait3A_676] : memref<10x100x32xf32, #tpu.memory_space<vmem>> -> memref<1x100x32xf32, #tpu.memory_space<vmem>>
        %dma_wait3A_678 = tpu.memref_squeeze %dma_wait3A_677 : memref<1x100x32xf32, #tpu.memory_space<vmem>> -> memref<100x32xf32, #tpu.memory_space<vmem>>
        %dma_wait3A_679 = arith.constant 0 : i32
        %dma_wait3A_680 = tpu.memref_slice %arg6[%sub3A_511, %dma_wait3A_679] : memref<50x100xi32, #tpu.memory_space<vmem>> -> memref<1x100xi32, #tpu.memory_space<vmem>>
        %dma_wait3A_681 = tpu.memref_squeeze %dma_wait3A_680 : memref<1x100xi32, #tpu.memory_space<vmem>> -> memref<100xi32, #tpu.memory_space<vmem>>
        %dma_wait3A_682 = arith.constant 0 : i32
        %dma_wait3A_683 = arith.constant 0 : i32
        %dma_wait3A_684 = tpu.memref_slice %arg9[%dma_wait3A_682, %dma_wait3A_683] : memref<10000x32xf32, #tpu.memory_space<vmem_shared>> -> memref<10000x32xf32, #tpu.memory_space<vmem_shared>>
        tpu.wait_indirect_dma semaphore(%arg23 : memref<!tpu.dma_semaphore, #tpu.memory_space<semaphore_mem>>) src(%dma_wait3A_678 : memref<100x32xf32, #tpu.memory_space<vmem>>) dst(%dma_wait3A_684 : memref<10000x32xf32, #tpu.memory_space<vmem_shared>>)
        %add3A_685 = arith.constant 10 : i32
        %add3A_686 = arith.addi %sub3A_511, %add3A_685 : i32
        %dma_start3A_687 = arith.constant 3 : i32
        %dma_start3A_688 = arith.constant 0 : i32
        %dma_start3A_689 = arith.constant 0 : i32
        %dma_start3A_690 = tpu.memref_slice %arg7[%dma_start3A_687, %dma_start3A_688, %dma_start3A_689] : memref<10x100x32xf32, #tpu.memory_space<vmem>> -> memref<1x100x32xf32, #tpu.memory_space<vmem>>
        %dma_start3A_691 = tpu.memref_squeeze %dma_start3A_690 : memref<1x100x32xf32, #tpu.memory_space<vmem>> -> memref<100x32xf32, #tpu.memory_space<vmem>>
        %dma_start3A_692 = arith.constant 0 : i32
        %dma_start3A_693 = tpu.memref_slice %arg5[%add3A_686, %dma_start3A_692] : memref<50x100xi32, #tpu.memory_space<vmem>> -> memref<1x100xi32, #tpu.memory_space<vmem>>
        %dma_start3A_694 = tpu.memref_squeeze %dma_start3A_693 : memref<1x100xi32, #tpu.memory_space<vmem>> -> memref<100xi32, #tpu.memory_space<vmem>>
        %dma_start3A_695 = arith.constant 0 : i32
        %dma_start3A_696 = arith.constant 0 : i32
        %dma_start3A_697 = tpu.memref_slice %arg2[%dma_start3A_695, %dma_start3A_696] : memref<10000x32xf32, #tpu.memory_space<hbm>> -> memref<10000x32xf32, #tpu.memory_space<hbm>>
        tpu.enqueue_indirect_dma source(%dma_start3A_697 : memref<10000x32xf32, #tpu.memory_space<hbm>>) target(%dma_start3A_691 : memref<100x32xf32, #tpu.memory_space<vmem>>) offsets(%dma_start3A_694 : memref<100xi32, #tpu.memory_space<vmem>>) semaphore(%arg13 : memref<!tpu.dma_semaphore, #tpu.memory_space<semaphore_mem>>)
      } else {
      }
      %mul3A_522 = arith.constant 10 : i32
      %mul3A_523 = arith.muli %add3A_297, %mul3A_522 : i32
      %add3A_524 = arith.constant 6 : i32
      %add3A_525 = arith.addi %mul3A_523, %add3A_524 : i32
      %dma_wait3A_526 = arith.constant 6 : i32
      %dma_wait3A_527 = arith.constant 0 : i32
      %dma_wait3A_528 = arith.constant 0 : i32
      %dma_wait3A_529 = tpu.memref_slice %arg7[%dma_wait3A_526, %dma_wait3A_527, %dma_wait3A_528] : memref<10x100x32xf32, #tpu.memory_space<vmem>> -> memref<1x100x32xf32, #tpu.memory_space<vmem>>
      %dma_wait3A_530 = tpu.memref_squeeze %dma_wait3A_529 : memref<1x100x32xf32, #tpu.memory_space<vmem>> -> memref<100x32xf32, #tpu.memory_space<vmem>>
      %dma_wait3A_531 = arith.constant 0 : i32
      %dma_wait3A_532 = tpu.memref_slice %arg5[%add3A_525, %dma_wait3A_531] : memref<50x100xi32, #tpu.memory_space<vmem>> -> memref<1x100xi32, #tpu.memory_space<vmem>>
      %dma_wait3A_533 = tpu.memref_squeeze %dma_wait3A_532 : memref<1x100xi32, #tpu.memory_space<vmem>> -> memref<100xi32, #tpu.memory_space<vmem>>
      %dma_wait3A_534 = arith.constant 0 : i32
      %dma_wait3A_535 = arith.constant 0 : i32
      %dma_wait3A_536 = tpu.memref_slice %arg2[%dma_wait3A_534, %dma_wait3A_535] : memref<10000x32xf32, #tpu.memory_space<hbm>> -> memref<10000x32xf32, #tpu.memory_space<hbm>>
      tpu.wait_indirect_dma semaphore(%arg16 : memref<!tpu.dma_semaphore, #tpu.memory_space<semaphore_mem>>) src(%dma_wait3A_536 : memref<10000x32xf32, #tpu.memory_space<hbm>>) dst(%dma_wait3A_530 : memref<100x32xf32, #tpu.memory_space<vmem>>)
      %dma_start3A_537 = arith.constant 6 : i32
      %dma_start3A_538 = arith.constant 0 : i32
      %dma_start3A_539 = arith.constant 0 : i32
      %dma_start3A_540 = tpu.memref_slice %arg7[%dma_start3A_537, %dma_start3A_538, %dma_start3A_539] : memref<10x100x32xf32, #tpu.memory_space<vmem>> -> memref<1x100x32xf32, #tpu.memory_space<vmem>>
      %dma_start3A_541 = tpu.memref_squeeze %dma_start3A_540 : memref<1x100x32xf32, #tpu.memory_space<vmem>> -> memref<100x32xf32, #tpu.memory_space<vmem>>
      %dma_start3A_542 = arith.constant 0 : i32
      %dma_start3A_543 = tpu.memref_slice %arg6[%add3A_525, %dma_start3A_542] : memref<50x100xi32, #tpu.memory_space<vmem>> -> memref<1x100xi32, #tpu.memory_space<vmem>>
      %dma_start3A_544 = tpu.memref_squeeze %dma_start3A_543 : memref<1x100xi32, #tpu.memory_space<vmem>> -> memref<100xi32, #tpu.memory_space<vmem>>
      %dma_start3A_545 = arith.constant 0 : i32
      %dma_start3A_546 = arith.constant 0 : i32
      %dma_start3A_547 = tpu.memref_slice %arg9[%dma_start3A_545, %dma_start3A_546] : memref<10000x32xf32, #tpu.memory_space<vmem_shared>> -> memref<10000x32xf32, #tpu.memory_space<vmem_shared>>
      tpu.enqueue_indirect_dma source(%dma_start3A_541 : memref<100x32xf32, #tpu.memory_space<vmem>>) target(%dma_start3A_547 : memref<10000x32xf32, #tpu.memory_space<vmem_shared>>) offsets(%dma_start3A_544 : memref<100xi32, #tpu.memory_space<vmem>>) semaphore(%arg26 : memref<!tpu.dma_semaphore, #tpu.memory_space<semaphore_mem>>) {add = true}
      %sub3A_548 = arith.constant 2 : i32
      %sub3A_549 = arith.subi %add3A_525, %sub3A_548 : i32
      %ge3A_550 = arith.constant 0 : i32
      %ge3A_551 = arith.cmpi sge, %sub3A_549, %ge3A_550 : i32
      %add3A_552 = arith.constant 10 : i32
      %add3A_553 = arith.addi %sub3A_549, %add3A_552 : i32
      %lt3A_554 = arith.constant 50 : i32
      %lt3A_555 = arith.cmpi slt, %add3A_553, %lt3A_554 : i32
      %and3A_556 = arith.andi %ge3A_551, %lt3A_555 : i1
      %convert_element_type3A_557 = arith.extui %and3A_556 : i1 to i32
      %cond3A_558 = arith.constant 0 : i32
      %cond3A_559 = arith.cmpi ne, %convert_element_type3A_557, %cond3A_558 : i32
      scf.if %cond3A_559 {
        %dma_wait3A_674 = arith.constant 4 : i32
        %dma_wait3A_675 = arith.constant 0 : i32
        %dma_wait3A_676 = arith.constant 0 : i32
        %dma_wait3A_677 = tpu.memref_slice %arg7[%dma_wait3A_674, %dma_wait3A_675, %dma_wait3A_676] : memref<10x100x32xf32, #tpu.memory_space<vmem>> -> memref<1x100x32xf32, #tpu.memory_space<vmem>>
        %dma_wait3A_678 = tpu.memref_squeeze %dma_wait3A_677 : memref<1x100x32xf32, #tpu.memory_space<vmem>> -> memref<100x32xf32, #tpu.memory_space<vmem>>
        %dma_wait3A_679 = arith.constant 0 : i32
        %dma_wait3A_680 = tpu.memref_slice %arg6[%sub3A_549, %dma_wait3A_679] : memref<50x100xi32, #tpu.memory_space<vmem>> -> memref<1x100xi32, #tpu.memory_space<vmem>>
        %dma_wait3A_681 = tpu.memref_squeeze %dma_wait3A_680 : memref<1x100xi32, #tpu.memory_space<vmem>> -> memref<100xi32, #tpu.memory_space<vmem>>
        %dma_wait3A_682 = arith.constant 0 : i32
        %dma_wait3A_683 = arith.constant 0 : i32
        %dma_wait3A_684 = tpu.memref_slice %arg9[%dma_wait3A_682, %dma_wait3A_683] : memref<10000x32xf32, #tpu.memory_space<vmem_shared>> -> memref<10000x32xf32, #tpu.memory_space<vmem_shared>>
        tpu.wait_indirect_dma semaphore(%arg24 : memref<!tpu.dma_semaphore, #tpu.memory_space<semaphore_mem>>) src(%dma_wait3A_678 : memref<100x32xf32, #tpu.memory_space<vmem>>) dst(%dma_wait3A_684 : memref<10000x32xf32, #tpu.memory_space<vmem_shared>>)
        %add3A_685 = arith.constant 10 : i32
        %add3A_686 = arith.addi %sub3A_549, %add3A_685 : i32
        %dma_start3A_687 = arith.constant 4 : i32
        %dma_start3A_688 = arith.constant 0 : i32
        %dma_start3A_689 = arith.constant 0 : i32
        %dma_start3A_690 = tpu.memref_slice %arg7[%dma_start3A_687, %dma_start3A_688, %dma_start3A_689] : memref<10x100x32xf32, #tpu.memory_space<vmem>> -> memref<1x100x32xf32, #tpu.memory_space<vmem>>
        %dma_start3A_691 = tpu.memref_squeeze %dma_start3A_690 : memref<1x100x32xf32, #tpu.memory_space<vmem>> -> memref<100x32xf32, #tpu.memory_space<vmem>>
        %dma_start3A_692 = arith.constant 0 : i32
        %dma_start3A_693 = tpu.memref_slice %arg5[%add3A_686, %dma_start3A_692] : memref<50x100xi32, #tpu.memory_space<vmem>> -> memref<1x100xi32, #tpu.memory_space<vmem>>
        %dma_start3A_694 = tpu.memref_squeeze %dma_start3A_693 : memref<1x100xi32, #tpu.memory_space<vmem>> -> memref<100xi32, #tpu.memory_space<vmem>>
        %dma_start3A_695 = arith.constant 0 : i32
        %dma_start3A_696 = arith.constant 0 : i32
        %dma_start3A_697 = tpu.memref_slice %arg2[%dma_start3A_695, %dma_start3A_696] : memref<10000x32xf32, #tpu.memory_space<hbm>> -> memref<10000x32xf32, #tpu.memory_space<hbm>>
        tpu.enqueue_indirect_dma source(%dma_start3A_697 : memref<10000x32xf32, #tpu.memory_space<hbm>>) target(%dma_start3A_691 : memref<100x32xf32, #tpu.memory_space<vmem>>) offsets(%dma_start3A_694 : memref<100xi32, #tpu.memory_space<vmem>>) semaphore(%arg14 : memref<!tpu.dma_semaphore, #tpu.memory_space<semaphore_mem>>)
      } else {
      }
      %mul3A_560 = arith.constant 10 : i32
      %mul3A_561 = arith.muli %add3A_297, %mul3A_560 : i32
      %add3A_562 = arith.constant 7 : i32
      %add3A_563 = arith.addi %mul3A_561, %add3A_562 : i32
      %dma_wait3A_564 = arith.constant 7 : i32
      %dma_wait3A_565 = arith.constant 0 : i32
      %dma_wait3A_566 = arith.constant 0 : i32
      %dma_wait3A_567 = tpu.memref_slice %arg7[%dma_wait3A_564, %dma_wait3A_565, %dma_wait3A_566] : memref<10x100x32xf32, #tpu.memory_space<vmem>> -> memref<1x100x32xf32, #tpu.memory_space<vmem>>
      %dma_wait3A_568 = tpu.memref_squeeze %dma_wait3A_567 : memref<1x100x32xf32, #tpu.memory_space<vmem>> -> memref<100x32xf32, #tpu.memory_space<vmem>>
      %dma_wait3A_569 = arith.constant 0 : i32
      %dma_wait3A_570 = tpu.memref_slice %arg5[%add3A_563, %dma_wait3A_569] : memref<50x100xi32, #tpu.memory_space<vmem>> -> memref<1x100xi32, #tpu.memory_space<vmem>>
      %dma_wait3A_571 = tpu.memref_squeeze %dma_wait3A_570 : memref<1x100xi32, #tpu.memory_space<vmem>> -> memref<100xi32, #tpu.memory_space<vmem>>
      %dma_wait3A_572 = arith.constant 0 : i32
      %dma_wait3A_573 = arith.constant 0 : i32
      %dma_wait3A_574 = tpu.memref_slice %arg2[%dma_wait3A_572, %dma_wait3A_573] : memref<10000x32xf32, #tpu.memory_space<hbm>> -> memref<10000x32xf32, #tpu.memory_space<hbm>>
      tpu.wait_indirect_dma semaphore(%arg17 : memref<!tpu.dma_semaphore, #tpu.memory_space<semaphore_mem>>) src(%dma_wait3A_574 : memref<10000x32xf32, #tpu.memory_space<hbm>>) dst(%dma_wait3A_568 : memref<100x32xf32, #tpu.memory_space<vmem>>)
      %dma_start3A_575 = arith.constant 7 : i32
      %dma_start3A_576 = arith.constant 0 : i32
      %dma_start3A_577 = arith.constant 0 : i32
      %dma_start3A_578 = tpu.memref_slice %arg7[%dma_start3A_575, %dma_start3A_576, %dma_start3A_577] : memref<10x100x32xf32, #tpu.memory_space<vmem>> -> memref<1x100x32xf32, #tpu.memory_space<vmem>>
      %dma_start3A_579 = tpu.memref_squeeze %dma_start3A_578 : memref<1x100x32xf32, #tpu.memory_space<vmem>> -> memref<100x32xf32, #tpu.memory_space<vmem>>
      %dma_start3A_580 = arith.constant 0 : i32
      %dma_start3A_581 = tpu.memref_slice %arg6[%add3A_563, %dma_start3A_580] : memref<50x100xi32, #tpu.memory_space<vmem>> -> memref<1x100xi32, #tpu.memory_space<vmem>>
      %dma_start3A_582 = tpu.memref_squeeze %dma_start3A_581 : memref<1x100xi32, #tpu.memory_space<vmem>> -> memref<100xi32, #tpu.memory_space<vmem>>
      %dma_start3A_583 = arith.constant 0 : i32
      %dma_start3A_584 = arith.constant 0 : i32
      %dma_start3A_585 = tpu.memref_slice %arg9[%dma_start3A_583, %dma_start3A_584] : memref<10000x32xf32, #tpu.memory_space<vmem_shared>> -> memref<10000x32xf32, #tpu.memory_space<vmem_shared>>
      tpu.enqueue_indirect_dma source(%dma_start3A_579 : memref<100x32xf32, #tpu.memory_space<vmem>>) target(%dma_start3A_585 : memref<10000x32xf32, #tpu.memory_space<vmem_shared>>) offsets(%dma_start3A_582 : memref<100xi32, #tpu.memory_space<vmem>>) semaphore(%arg27 : memref<!tpu.dma_semaphore, #tpu.memory_space<semaphore_mem>>) {add = true}
      %sub3A_586 = arith.constant 2 : i32
      %sub3A_587 = arith.subi %add3A_563, %sub3A_586 : i32
      %ge3A_588 = arith.constant 0 : i32
      %ge3A_589 = arith.cmpi sge, %sub3A_587, %ge3A_588 : i32
      %add3A_590 = arith.constant 10 : i32
      %add3A_591 = arith.addi %sub3A_587, %add3A_590 : i32
      %lt3A_592 = arith.constant 50 : i32
      %lt3A_593 = arith.cmpi slt, %add3A_591, %lt3A_592 : i32
      %and3A_594 = arith.andi %ge3A_589, %lt3A_593 : i1
      %convert_element_type3A_595 = arith.extui %and3A_594 : i1 to i32
      %cond3A_596 = arith.constant 0 : i32
      %cond3A_597 = arith.cmpi ne, %convert_element_type3A_595, %cond3A_596 : i32
      scf.if %cond3A_597 {
        %dma_wait3A_674 = arith.constant 5 : i32
        %dma_wait3A_675 = arith.constant 0 : i32
        %dma_wait3A_676 = arith.constant 0 : i32
        %dma_wait3A_677 = tpu.memref_slice %arg7[%dma_wait3A_674, %dma_wait3A_675, %dma_wait3A_676] : memref<10x100x32xf32, #tpu.memory_space<vmem>> -> memref<1x100x32xf32, #tpu.memory_space<vmem>>
        %dma_wait3A_678 = tpu.memref_squeeze %dma_wait3A_677 : memref<1x100x32xf32, #tpu.memory_space<vmem>> -> memref<100x32xf32, #tpu.memory_space<vmem>>
        %dma_wait3A_679 = arith.constant 0 : i32
        %dma_wait3A_680 = tpu.memref_slice %arg6[%sub3A_587, %dma_wait3A_679] : memref<50x100xi32, #tpu.memory_space<vmem>> -> memref<1x100xi32, #tpu.memory_space<vmem>>
        %dma_wait3A_681 = tpu.memref_squeeze %dma_wait3A_680 : memref<1x100xi32, #tpu.memory_space<vmem>> -> memref<100xi32, #tpu.memory_space<vmem>>
        %dma_wait3A_682 = arith.constant 0 : i32
        %dma_wait3A_683 = arith.constant 0 : i32
        %dma_wait3A_684 = tpu.memref_slice %arg9[%dma_wait3A_682, %dma_wait3A_683] : memref<10000x32xf32, #tpu.memory_space<vmem_shared>> -> memref<10000x32xf32, #tpu.memory_space<vmem_shared>>
        tpu.wait_indirect_dma semaphore(%arg25 : memref<!tpu.dma_semaphore, #tpu.memory_space<semaphore_mem>>) src(%dma_wait3A_678 : memref<100x32xf32, #tpu.memory_space<vmem>>) dst(%dma_wait3A_684 : memref<10000x32xf32, #tpu.memory_space<vmem_shared>>)
        %add3A_685 = arith.constant 10 : i32
        %add3A_686 = arith.addi %sub3A_587, %add3A_685 : i32
        %dma_start3A_687 = arith.constant 5 : i32
        %dma_start3A_688 = arith.constant 0 : i32
        %dma_start3A_689 = arith.constant 0 : i32
        %dma_start3A_690 = tpu.memref_slice %arg7[%dma_start3A_687, %dma_start3A_688, %dma_start3A_689] : memref<10x100x32xf32, #tpu.memory_space<vmem>> -> memref<1x100x32xf32, #tpu.memory_space<vmem>>
        %dma_start3A_691 = tpu.memref_squeeze %dma_start3A_690 : memref<1x100x32xf32, #tpu.memory_space<vmem>> -> memref<100x32xf32, #tpu.memory_space<vmem>>
        %dma_start3A_692 = arith.constant 0 : i32
        %dma_start3A_693 = tpu.memref_slice %arg5[%add3A_686, %dma_start3A_692] : memref<50x100xi32, #tpu.memory_space<vmem>> -> memref<1x100xi32, #tpu.memory_space<vmem>>
        %dma_start3A_694 = tpu.memref_squeeze %dma_start3A_693 : memref<1x100xi32, #tpu.memory_space<vmem>> -> memref<100xi32, #tpu.memory_space<vmem>>
        %dma_start3A_695 = arith.constant 0 : i32
        %dma_start3A_696 = arith.constant 0 : i32
        %dma_start3A_697 = tpu.memref_slice %arg2[%dma_start3A_695, %dma_start3A_696] : memref<10000x32xf32, #tpu.memory_space<hbm>> -> memref<10000x32xf32, #tpu.memory_space<hbm>>
        tpu.enqueue_indirect_dma source(%dma_start3A_697 : memref<10000x32xf32, #tpu.memory_space<hbm>>) target(%dma_start3A_691 : memref<100x32xf32, #tpu.memory_space<vmem>>) offsets(%dma_start3A_694 : memref<100xi32, #tpu.memory_space<vmem>>) semaphore(%arg15 : memref<!tpu.dma_semaphore, #tpu.memory_space<semaphore_mem>>)
      } else {
      }
      %mul3A_598 = arith.constant 10 : i32
      %mul3A_599 = arith.muli %add3A_297, %mul3A_598 : i32
      %add3A_600 = arith.constant 8 : i32
      %add3A_601 = arith.addi %mul3A_599, %add3A_600 : i32
      %dma_wait3A_602 = arith.constant 8 : i32
      %dma_wait3A_603 = arith.constant 0 : i32
      %dma_wait3A_604 = arith.constant 0 : i32
      %dma_wait3A_605 = tpu.memref_slice %arg7[%dma_wait3A_602, %dma_wait3A_603, %dma_wait3A_604] : memref<10x100x32xf32, #tpu.memory_space<vmem>> -> memref<1x100x32xf32, #tpu.memory_space<vmem>>
      %dma_wait3A_606 = tpu.memref_squeeze %dma_wait3A_605 : memref<1x100x32xf32, #tpu.memory_space<vmem>> -> memref<100x32xf32, #tpu.memory_space<vmem>>
      %dma_wait3A_607 = arith.constant 0 : i32
      %dma_wait3A_608 = tpu.memref_slice %arg5[%add3A_601, %dma_wait3A_607] : memref<50x100xi32, #tpu.memory_space<vmem>> -> memref<1x100xi32, #tpu.memory_space<vmem>>
      %dma_wait3A_609 = tpu.memref_squeeze %dma_wait3A_608 : memref<1x100xi32, #tpu.memory_space<vmem>> -> memref<100xi32, #tpu.memory_space<vmem>>
      %dma_wait3A_610 = arith.constant 0 : i32
      %dma_wait3A_611 = arith.constant 0 : i32
      %dma_wait3A_612 = tpu.memref_slice %arg2[%dma_wait3A_610, %dma_wait3A_611] : memref<10000x32xf32, #tpu.memory_space<hbm>> -> memref<10000x32xf32, #tpu.memory_space<hbm>>
      tpu.wait_indirect_dma semaphore(%arg18 : memref<!tpu.dma_semaphore, #tpu.memory_space<semaphore_mem>>) src(%dma_wait3A_612 : memref<10000x32xf32, #tpu.memory_space<hbm>>) dst(%dma_wait3A_606 : memref<100x32xf32, #tpu.memory_space<vmem>>)
      %dma_start3A_613 = arith.constant 8 : i32
      %dma_start3A_614 = arith.constant 0 : i32
      %dma_start3A_615 = arith.constant 0 : i32
      %dma_start3A_616 = tpu.memref_slice %arg7[%dma_start3A_613, %dma_start3A_614, %dma_start3A_615] : memref<10x100x32xf32, #tpu.memory_space<vmem>> -> memref<1x100x32xf32, #tpu.memory_space<vmem>>
      %dma_start3A_617 = tpu.memref_squeeze %dma_start3A_616 : memref<1x100x32xf32, #tpu.memory_space<vmem>> -> memref<100x32xf32, #tpu.memory_space<vmem>>
      %dma_start3A_618 = arith.constant 0 : i32
      %dma_start3A_619 = tpu.memref_slice %arg6[%add3A_601, %dma_start3A_618] : memref<50x100xi32, #tpu.memory_space<vmem>> -> memref<1x100xi32, #tpu.memory_space<vmem>>
      %dma_start3A_620 = tpu.memref_squeeze %dma_start3A_619 : memref<1x100xi32, #tpu.memory_space<vmem>> -> memref<100xi32, #tpu.memory_space<vmem>>
      %dma_start3A_621 = arith.constant 0 : i32
      %dma_start3A_622 = arith.constant 0 : i32
      %dma_start3A_623 = tpu.memref_slice %arg9[%dma_start3A_621, %dma_start3A_622] : memref<10000x32xf32, #tpu.memory_space<vmem_shared>> -> memref<10000x32xf32, #tpu.memory_space<vmem_shared>>
      tpu.enqueue_indirect_dma source(%dma_start3A_617 : memref<100x32xf32, #tpu.memory_space<vmem>>) target(%dma_start3A_623 : memref<10000x32xf32, #tpu.memory_space<vmem_shared>>) offsets(%dma_start3A_620 : memref<100xi32, #tpu.memory_space<vmem>>) semaphore(%arg28 : memref<!tpu.dma_semaphore, #tpu.memory_space<semaphore_mem>>) {add = true}
      %sub3A_624 = arith.constant 2 : i32
      %sub3A_625 = arith.subi %add3A_601, %sub3A_624 : i32
      %ge3A_626 = arith.constant 0 : i32
      %ge3A_627 = arith.cmpi sge, %sub3A_625, %ge3A_626 : i32
      %add3A_628 = arith.constant 10 : i32
      %add3A_629 = arith.addi %sub3A_625, %add3A_628 : i32
      %lt3A_630 = arith.constant 50 : i32
      %lt3A_631 = arith.cmpi slt, %add3A_629, %lt3A_630 : i32
      %and3A_632 = arith.andi %ge3A_627, %lt3A_631 : i1
      %convert_element_type3A_633 = arith.extui %and3A_632 : i1 to i32
      %cond3A_634 = arith.constant 0 : i32
      %cond3A_635 = arith.cmpi ne, %convert_element_type3A_633, %cond3A_634 : i32
      scf.if %cond3A_635 {
        %dma_wait3A_674 = arith.constant 6 : i32
        %dma_wait3A_675 = arith.constant 0 : i32
        %dma_wait3A_676 = arith.constant 0 : i32
        %dma_wait3A_677 = tpu.memref_slice %arg7[%dma_wait3A_674, %dma_wait3A_675, %dma_wait3A_676] : memref<10x100x32xf32, #tpu.memory_space<vmem>> -> memref<1x100x32xf32, #tpu.memory_space<vmem>>
        %dma_wait3A_678 = tpu.memref_squeeze %dma_wait3A_677 : memref<1x100x32xf32, #tpu.memory_space<vmem>> -> memref<100x32xf32, #tpu.memory_space<vmem>>
        %dma_wait3A_679 = arith.constant 0 : i32
        %dma_wait3A_680 = tpu.memref_slice %arg6[%sub3A_625, %dma_wait3A_679] : memref<50x100xi32, #tpu.memory_space<vmem>> -> memref<1x100xi32, #tpu.memory_space<vmem>>
        %dma_wait3A_681 = tpu.memref_squeeze %dma_wait3A_680 : memref<1x100xi32, #tpu.memory_space<vmem>> -> memref<100xi32, #tpu.memory_space<vmem>>
        %dma_wait3A_682 = arith.constant 0 : i32
        %dma_wait3A_683 = arith.constant 0 : i32
        %dma_wait3A_684 = tpu.memref_slice %arg9[%dma_wait3A_682, %dma_wait3A_683] : memref<10000x32xf32, #tpu.memory_space<vmem_shared>> -> memref<10000x32xf32, #tpu.memory_space<vmem_shared>>
        tpu.wait_indirect_dma semaphore(%arg26 : memref<!tpu.dma_semaphore, #tpu.memory_space<semaphore_mem>>) src(%dma_wait3A_678 : memref<100x32xf32, #tpu.memory_space<vmem>>) dst(%dma_wait3A_684 : memref<10000x32xf32, #tpu.memory_space<vmem_shared>>)
        %add3A_685 = arith.constant 10 : i32
        %add3A_686 = arith.addi %sub3A_625, %add3A_685 : i32
        %dma_start3A_687 = arith.constant 6 : i32
        %dma_start3A_688 = arith.constant 0 : i32
        %dma_start3A_689 = arith.constant 0 : i32
        %dma_start3A_690 = tpu.memref_slice %arg7[%dma_start3A_687, %dma_start3A_688, %dma_start3A_689] : memref<10x100x32xf32, #tpu.memory_space<vmem>> -> memref<1x100x32xf32, #tpu.memory_space<vmem>>
        %dma_start3A_691 = tpu.memref_squeeze %dma_start3A_690 : memref<1x100x32xf32, #tpu.memory_space<vmem>> -> memref<100x32xf32, #tpu.memory_space<vmem>>
        %dma_start3A_692 = arith.constant 0 : i32
        %dma_start3A_693 = tpu.memref_slice %arg5[%add3A_686, %dma_start3A_692] : memref<50x100xi32, #tpu.memory_space<vmem>> -> memref<1x100xi32, #tpu.memory_space<vmem>>
        %dma_start3A_694 = tpu.memref_squeeze %dma_start3A_693 : memref<1x100xi32, #tpu.memory_space<vmem>> -> memref<100xi32, #tpu.memory_space<vmem>>
        %dma_start3A_695 = arith.constant 0 : i32
        %dma_start3A_696 = arith.constant 0 : i32
        %dma_start3A_697 = tpu.memref_slice %arg2[%dma_start3A_695, %dma_start3A_696] : memref<10000x32xf32, #tpu.memory_space<hbm>> -> memref<10000x32xf32, #tpu.memory_space<hbm>>
        tpu.enqueue_indirect_dma source(%dma_start3A_697 : memref<10000x32xf32, #tpu.memory_space<hbm>>) target(%dma_start3A_691 : memref<100x32xf32, #tpu.memory_space<vmem>>) offsets(%dma_start3A_694 : memref<100xi32, #tpu.memory_space<vmem>>) semaphore(%arg16 : memref<!tpu.dma_semaphore, #tpu.memory_space<semaphore_mem>>)
      } else {
      }
      %mul3A_636 = arith.constant 10 : i32
      %mul3A_637 = arith.muli %add3A_297, %mul3A_636 : i32
      %add3A_638 = arith.constant 9 : i32
      %add3A_639 = arith.addi %mul3A_637, %add3A_638 : i32
      %dma_wait3A_640 = arith.constant 9 : i32
      %dma_wait3A_641 = arith.constant 0 : i32
      %dma_wait3A_642 = arith.constant 0 : i32
      %dma_wait3A_643 = tpu.memref_slice %arg7[%dma_wait3A_640, %dma_wait3A_641, %dma_wait3A_642] : memref<10x100x32xf32, #tpu.memory_space<vmem>> -> memref<1x100x32xf32, #tpu.memory_space<vmem>>
      %dma_wait3A_644 = tpu.memref_squeeze %dma_wait3A_643 : memref<1x100x32xf32, #tpu.memory_space<vmem>> -> memref<100x32xf32, #tpu.memory_space<vmem>>
      %dma_wait3A_645 = arith.constant 0 : i32
      %dma_wait3A_646 = tpu.memref_slice %arg5[%add3A_639, %dma_wait3A_645] : memref<50x100xi32, #tpu.memory_space<vmem>> -> memref<1x100xi32, #tpu.memory_space<vmem>>
      %dma_wait3A_647 = tpu.memref_squeeze %dma_wait3A_646 : memref<1x100xi32, #tpu.memory_space<vmem>> -> memref<100xi32, #tpu.memory_space<vmem>>
      %dma_wait3A_648 = arith.constant 0 : i32
      %dma_wait3A_649 = arith.constant 0 : i32
      %dma_wait3A_650 = tpu.memref_slice %arg2[%dma_wait3A_648, %dma_wait3A_649] : memref<10000x32xf32, #tpu.memory_space<hbm>> -> memref<10000x32xf32, #tpu.memory_space<hbm>>
      tpu.wait_indirect_dma semaphore(%arg19 : memref<!tpu.dma_semaphore, #tpu.memory_space<semaphore_mem>>) src(%dma_wait3A_650 : memref<10000x32xf32, #tpu.memory_space<hbm>>) dst(%dma_wait3A_644 : memref<100x32xf32, #tpu.memory_space<vmem>>)
      %dma_start3A_651 = arith.constant 9 : i32
      %dma_start3A_652 = arith.constant 0 : i32
      %dma_start3A_653 = arith.constant 0 : i32
      %dma_start3A_654 = tpu.memref_slice %arg7[%dma_start3A_651, %dma_start3A_652, %dma_start3A_653] : memref<10x100x32xf32, #tpu.memory_space<vmem>> -> memref<1x100x32xf32, #tpu.memory_space<vmem>>
      %dma_start3A_655 = tpu.memref_squeeze %dma_start3A_654 : memref<1x100x32xf32, #tpu.memory_space<vmem>> -> memref<100x32xf32, #tpu.memory_space<vmem>>
      %dma_start3A_656 = arith.constant 0 : i32
      %dma_start3A_657 = tpu.memref_slice %arg6[%add3A_639, %dma_start3A_656] : memref<50x100xi32, #tpu.memory_space<vmem>> -> memref<1x100xi32, #tpu.memory_space<vmem>>
      %dma_start3A_658 = tpu.memref_squeeze %dma_start3A_657 : memref<1x100xi32, #tpu.memory_space<vmem>> -> memref<100xi32, #tpu.memory_space<vmem>>
      %dma_start3A_659 = arith.constant 0 : i32
      %dma_start3A_660 = arith.constant 0 : i32
      %dma_start3A_661 = tpu.memref_slice %arg9[%dma_start3A_659, %dma_start3A_660] : memref<10000x32xf32, #tpu.memory_space<vmem_shared>> -> memref<10000x32xf32, #tpu.memory_space<vmem_shared>>
      tpu.enqueue_indirect_dma source(%dma_start3A_655 : memref<100x32xf32, #tpu.memory_space<vmem>>) target(%dma_start3A_661 : memref<10000x32xf32, #tpu.memory_space<vmem_shared>>) offsets(%dma_start3A_658 : memref<100xi32, #tpu.memory_space<vmem>>) semaphore(%arg29 : memref<!tpu.dma_semaphore, #tpu.memory_space<semaphore_mem>>) {add = true}
      %sub3A_662 = arith.constant 2 : i32
      %sub3A_663 = arith.subi %add3A_639, %sub3A_662 : i32
      %ge3A_664 = arith.constant 0 : i32
      %ge3A_665 = arith.cmpi sge, %sub3A_663, %ge3A_664 : i32
      %add3A_666 = arith.constant 10 : i32
      %add3A_667 = arith.addi %sub3A_663, %add3A_666 : i32
      %lt3A_668 = arith.constant 50 : i32
      %lt3A_669 = arith.cmpi slt, %add3A_667, %lt3A_668 : i32
      %and3A_670 = arith.andi %ge3A_665, %lt3A_669 : i1
      %convert_element_type3A_671 = arith.extui %and3A_670 : i1 to i32
      %cond3A_672 = arith.constant 0 : i32
      %cond3A_673 = arith.cmpi ne, %convert_element_type3A_671, %cond3A_672 : i32
      scf.if %cond3A_673 {
        %dma_wait3A_674 = arith.constant 7 : i32
        %dma_wait3A_675 = arith.constant 0 : i32
        %dma_wait3A_676 = arith.constant 0 : i32
        %dma_wait3A_677 = tpu.memref_slice %arg7[%dma_wait3A_674, %dma_wait3A_675, %dma_wait3A_676] : memref<10x100x32xf32, #tpu.memory_space<vmem>> -> memref<1x100x32xf32, #tpu.memory_space<vmem>>
        %dma_wait3A_678 = tpu.memref_squeeze %dma_wait3A_677 : memref<1x100x32xf32, #tpu.memory_space<vmem>> -> memref<100x32xf32, #tpu.memory_space<vmem>>
        %dma_wait3A_679 = arith.constant 0 : i32
        %dma_wait3A_680 = tpu.memref_slice %arg6[%sub3A_663, %dma_wait3A_679] : memref<50x100xi32, #tpu.memory_space<vmem>> -> memref<1x100xi32, #tpu.memory_space<vmem>>
        %dma_wait3A_681 = tpu.memref_squeeze %dma_wait3A_680 : memref<1x100xi32, #tpu.memory_space<vmem>> -> memref<100xi32, #tpu.memory_space<vmem>>
        %dma_wait3A_682 = arith.constant 0 : i32
        %dma_wait3A_683 = arith.constant 0 : i32
        %dma_wait3A_684 = tpu.memref_slice %arg9[%dma_wait3A_682, %dma_wait3A_683] : memref<10000x32xf32, #tpu.memory_space<vmem_shared>> -> memref<10000x32xf32, #tpu.memory_space<vmem_shared>>
        tpu.wait_indirect_dma semaphore(%arg27 : memref<!tpu.dma_semaphore, #tpu.memory_space<semaphore_mem>>) src(%dma_wait3A_678 : memref<100x32xf32, #tpu.memory_space<vmem>>) dst(%dma_wait3A_684 : memref<10000x32xf32, #tpu.memory_space<vmem_shared>>)
        %add3A_685 = arith.constant 10 : i32
        %add3A_686 = arith.addi %sub3A_663, %add3A_685 : i32
        %dma_start3A_687 = arith.constant 7 : i32
        %dma_start3A_688 = arith.constant 0 : i32
        %dma_start3A_689 = arith.constant 0 : i32
        %dma_start3A_690 = tpu.memref_slice %arg7[%dma_start3A_687, %dma_start3A_688, %dma_start3A_689] : memref<10x100x32xf32, #tpu.memory_space<vmem>> -> memref<1x100x32xf32, #tpu.memory_space<vmem>>
        %dma_start3A_691 = tpu.memref_squeeze %dma_start3A_690 : memref<1x100x32xf32, #tpu.memory_space<vmem>> -> memref<100x32xf32, #tpu.memory_space<vmem>>
        %dma_start3A_692 = arith.constant 0 : i32
        %dma_start3A_693 = tpu.memref_slice %arg5[%add3A_686, %dma_start3A_692] : memref<50x100xi32, #tpu.memory_space<vmem>> -> memref<1x100xi32, #tpu.memory_space<vmem>>
        %dma_start3A_694 = tpu.memref_squeeze %dma_start3A_693 : memref<1x100xi32, #tpu.memory_space<vmem>> -> memref<100xi32, #tpu.memory_space<vmem>>
        %dma_start3A_695 = arith.constant 0 : i32
        %dma_start3A_696 = arith.constant 0 : i32
        %dma_start3A_697 = tpu.memref_slice %arg2[%dma_start3A_695, %dma_start3A_696] : memref<10000x32xf32, #tpu.memory_space<hbm>> -> memref<10000x32xf32, #tpu.memory_space<hbm>>
        tpu.enqueue_indirect_dma source(%dma_start3A_697 : memref<10000x32xf32, #tpu.memory_space<hbm>>) target(%dma_start3A_691 : memref<100x32xf32, #tpu.memory_space<vmem>>) offsets(%dma_start3A_694 : memref<100xi32, #tpu.memory_space<vmem>>) semaphore(%arg17 : memref<!tpu.dma_semaphore, #tpu.memory_space<semaphore_mem>>)
      } else {
      }
    }
    %scan3A_166 = arith.constant 5 : i32
    %dma_wait3A_167 = arith.constant 0 : i32
    %dma_wait3A_168 = arith.constant 40 : i32
    %dma_wait3A_169 = arith.constant 0 : i32
    %dma_wait3A_170 = arith.constant 0 : i32
    %dma_wait3A_171 = tpu.memref_slice %arg7[%dma_wait3A_167, %dma_wait3A_169, %dma_wait3A_170] : memref<10x100x32xf32, #tpu.memory_space<vmem>> -> memref<1x100x32xf32, #tpu.memory_space<vmem>>
    %dma_wait3A_172 = tpu.memref_squeeze %dma_wait3A_171 : memref<1x100x32xf32, #tpu.memory_space<vmem>> -> memref<100x32xf32, #tpu.memory_space<vmem>>
    %dma_wait3A_173 = arith.constant 0 : i32
    %dma_wait3A_174 = tpu.memref_slice %arg6[%dma_wait3A_168, %dma_wait3A_173] : memref<50x100xi32, #tpu.memory_space<vmem>> -> memref<1x100xi32, #tpu.memory_space<vmem>>
    %dma_wait3A_175 = tpu.memref_squeeze %dma_wait3A_174 : memref<1x100xi32, #tpu.memory_space<vmem>> -> memref<100xi32, #tpu.memory_space<vmem>>
    %dma_wait3A_176 = arith.constant 0 : i32
    %dma_wait3A_177 = arith.constant 0 : i32
    %dma_wait3A_178 = tpu.memref_slice %arg9[%dma_wait3A_176, %dma_wait3A_177] : memref<10000x32xf32, #tpu.memory_space<vmem_shared>> -> memref<10000x32xf32, #tpu.memory_space<vmem_shared>>
    tpu.wait_indirect_dma semaphore(%arg20 : memref<!tpu.dma_semaphore, #tpu.memory_space<semaphore_mem>>) src(%dma_wait3A_172 : memref<100x32xf32, #tpu.memory_space<vmem>>) dst(%dma_wait3A_178 : memref<10000x32xf32, #tpu.memory_space<vmem_shared>>)
    %dma_wait3A_179 = arith.constant 1 : i32
    %dma_wait3A_180 = arith.constant 41 : i32
    %dma_wait3A_181 = arith.constant 0 : i32
    %dma_wait3A_182 = arith.constant 0 : i32
    %dma_wait3A_183 = tpu.memref_slice %arg7[%dma_wait3A_179, %dma_wait3A_181, %dma_wait3A_182] : memref<10x100x32xf32, #tpu.memory_space<vmem>> -> memref<1x100x32xf32, #tpu.memory_space<vmem>>
    %dma_wait3A_184 = tpu.memref_squeeze %dma_wait3A_183 : memref<1x100x32xf32, #tpu.memory_space<vmem>> -> memref<100x32xf32, #tpu.memory_space<vmem>>
    %dma_wait3A_185 = arith.constant 0 : i32
    %dma_wait3A_186 = tpu.memref_slice %arg6[%dma_wait3A_180, %dma_wait3A_185] : memref<50x100xi32, #tpu.memory_space<vmem>> -> memref<1x100xi32, #tpu.memory_space<vmem>>
    %dma_wait3A_187 = tpu.memref_squeeze %dma_wait3A_186 : memref<1x100xi32, #tpu.memory_space<vmem>> -> memref<100xi32, #tpu.memory_space<vmem>>
    %dma_wait3A_188 = arith.constant 0 : i32
    %dma_wait3A_189 = arith.constant 0 : i32
    %dma_wait3A_190 = tpu.memref_slice %arg9[%dma_wait3A_188, %dma_wait3A_189] : memref<10000x32xf32, #tpu.memory_space<vmem_shared>> -> memref<10000x32xf32, #tpu.memory_space<vmem_shared>>
    tpu.wait_indirect_dma semaphore(%arg21 : memref<!tpu.dma_semaphore, #tpu.memory_space<semaphore_mem>>) src(%dma_wait3A_184 : memref<100x32xf32, #tpu.memory_space<vmem>>) dst(%dma_wait3A_190 : memref<10000x32xf32, #tpu.memory_space<vmem_shared>>)
    %dma_wait3A_191 = arith.constant 2 : i32
    %dma_wait3A_192 = arith.constant 42 : i32
    %dma_wait3A_193 = arith.constant 0 : i32
    %dma_wait3A_194 = arith.constant 0 : i32
    %dma_wait3A_195 = tpu.memref_slice %arg7[%dma_wait3A_191, %dma_wait3A_193, %dma_wait3A_194] : memref<10x100x32xf32, #tpu.memory_space<vmem>> -> memref<1x100x32xf32, #tpu.memory_space<vmem>>
    %dma_wait3A_196 = tpu.memref_squeeze %dma_wait3A_195 : memref<1x100x32xf32, #tpu.memory_space<vmem>> -> memref<100x32xf32, #tpu.memory_space<vmem>>
    %dma_wait3A_197 = arith.constant 0 : i32
    %dma_wait3A_198 = tpu.memref_slice %arg6[%dma_wait3A_192, %dma_wait3A_197] : memref<50x100xi32, #tpu.memory_space<vmem>> -> memref<1x100xi32, #tpu.memory_space<vmem>>
    %dma_wait3A_199 = tpu.memref_squeeze %dma_wait3A_198 : memref<1x100xi32, #tpu.memory_space<vmem>> -> memref<100xi32, #tpu.memory_space<vmem>>
    %dma_wait3A_200 = arith.constant 0 : i32
    %dma_wait3A_201 = arith.constant 0 : i32
    %dma_wait3A_202 = tpu.memref_slice %arg9[%dma_wait3A_200, %dma_wait3A_201] : memref<10000x32xf32, #tpu.memory_space<vmem_shared>> -> memref<10000x32xf32, #tpu.memory_space<vmem_shared>>
    tpu.wait_indirect_dma semaphore(%arg22 : memref<!tpu.dma_semaphore, #tpu.memory_space<semaphore_mem>>) src(%dma_wait3A_196 : memref<100x32xf32, #tpu.memory_space<vmem>>) dst(%dma_wait3A_202 : memref<10000x32xf32, #tpu.memory_space<vmem_shared>>)
    %dma_wait3A_203 = arith.constant 3 : i32
    %dma_wait3A_204 = arith.constant 43 : i32
    %dma_wait3A_205 = arith.constant 0 : i32
    %dma_wait3A_206 = arith.constant 0 : i32
    %dma_wait3A_207 = tpu.memref_slice %arg7[%dma_wait3A_203, %dma_wait3A_205, %dma_wait3A_206] : memref<10x100x32xf32, #tpu.memory_space<vmem>> -> memref<1x100x32xf32, #tpu.memory_space<vmem>>
    %dma_wait3A_208 = tpu.memref_squeeze %dma_wait3A_207 : memref<1x100x32xf32, #tpu.memory_space<vmem>> -> memref<100x32xf32, #tpu.memory_space<vmem>>
    %dma_wait3A_209 = arith.constant 0 : i32
    %dma_wait3A_210 = tpu.memref_slice %arg6[%dma_wait3A_204, %dma_wait3A_209] : memref<50x100xi32, #tpu.memory_space<vmem>> -> memref<1x100xi32, #tpu.memory_space<vmem>>
    %dma_wait3A_211 = tpu.memref_squeeze %dma_wait3A_210 : memref<1x100xi32, #tpu.memory_space<vmem>> -> memref<100xi32, #tpu.memory_space<vmem>>
    %dma_wait3A_212 = arith.constant 0 : i32
    %dma_wait3A_213 = arith.constant 0 : i32
    %dma_wait3A_214 = tpu.memref_slice %arg9[%dma_wait3A_212, %dma_wait3A_213] : memref<10000x32xf32, #tpu.memory_space<vmem_shared>> -> memref<10000x32xf32, #tpu.memory_space<vmem_shared>>
    tpu.wait_indirect_dma semaphore(%arg23 : memref<!tpu.dma_semaphore, #tpu.memory_space<semaphore_mem>>) src(%dma_wait3A_208 : memref<100x32xf32, #tpu.memory_space<vmem>>) dst(%dma_wait3A_214 : memref<10000x32xf32, #tpu.memory_space<vmem_shared>>)
    %dma_wait3A_215 = arith.constant 4 : i32
    %dma_wait3A_216 = arith.constant 44 : i32
    %dma_wait3A_217 = arith.constant 0 : i32
    %dma_wait3A_218 = arith.constant 0 : i32
    %dma_wait3A_219 = tpu.memref_slice %arg7[%dma_wait3A_215, %dma_wait3A_217, %dma_wait3A_218] : memref<10x100x32xf32, #tpu.memory_space<vmem>> -> memref<1x100x32xf32, #tpu.memory_space<vmem>>
    %dma_wait3A_220 = tpu.memref_squeeze %dma_wait3A_219 : memref<1x100x32xf32, #tpu.memory_space<vmem>> -> memref<100x32xf32, #tpu.memory_space<vmem>>
    %dma_wait3A_221 = arith.constant 0 : i32
    %dma_wait3A_222 = tpu.memref_slice %arg6[%dma_wait3A_216, %dma_wait3A_221] : memref<50x100xi32, #tpu.memory_space<vmem>> -> memref<1x100xi32, #tpu.memory_space<vmem>>
    %dma_wait3A_223 = tpu.memref_squeeze %dma_wait3A_222 : memref<1x100xi32, #tpu.memory_space<vmem>> -> memref<100xi32, #tpu.memory_space<vmem>>
    %dma_wait3A_224 = arith.constant 0 : i32
    %dma_wait3A_225 = arith.constant 0 : i32
    %dma_wait3A_226 = tpu.memref_slice %arg9[%dma_wait3A_224, %dma_wait3A_225] : memref<10000x32xf32, #tpu.memory_space<vmem_shared>> -> memref<10000x32xf32, #tpu.memory_space<vmem_shared>>
    tpu.wait_indirect_dma semaphore(%arg24 : memref<!tpu.dma_semaphore, #tpu.memory_space<semaphore_mem>>) src(%dma_wait3A_220 : memref<100x32xf32, #tpu.memory_space<vmem>>) dst(%dma_wait3A_226 : memref<10000x32xf32, #tpu.memory_space<vmem_shared>>)
    %dma_wait3A_227 = arith.constant 5 : i32
    %dma_wait3A_228 = arith.constant 45 : i32
    %dma_wait3A_229 = arith.constant 0 : i32
    %dma_wait3A_230 = arith.constant 0 : i32
    %dma_wait3A_231 = tpu.memref_slice %arg7[%dma_wait3A_227, %dma_wait3A_229, %dma_wait3A_230] : memref<10x100x32xf32, #tpu.memory_space<vmem>> -> memref<1x100x32xf32, #tpu.memory_space<vmem>>
    %dma_wait3A_232 = tpu.memref_squeeze %dma_wait3A_231 : memref<1x100x32xf32, #tpu.memory_space<vmem>> -> memref<100x32xf32, #tpu.memory_space<vmem>>
    %dma_wait3A_233 = arith.constant 0 : i32
    %dma_wait3A_234 = tpu.memref_slice %arg6[%dma_wait3A_228, %dma_wait3A_233] : memref<50x100xi32, #tpu.memory_space<vmem>> -> memref<1x100xi32, #tpu.memory_space<vmem>>
    %dma_wait3A_235 = tpu.memref_squeeze %dma_wait3A_234 : memref<1x100xi32, #tpu.memory_space<vmem>> -> memref<100xi32, #tpu.memory_space<vmem>>
    %dma_wait3A_236 = arith.constant 0 : i32
    %dma_wait3A_237 = arith.constant 0 : i32
    %dma_wait3A_238 = tpu.memref_slice %arg9[%dma_wait3A_236, %dma_wait3A_237] : memref<10000x32xf32, #tpu.memory_space<vmem_shared>> -> memref<10000x32xf32, #tpu.memory_space<vmem_shared>>
    tpu.wait_indirect_dma semaphore(%arg25 : memref<!tpu.dma_semaphore, #tpu.memory_space<semaphore_mem>>) src(%dma_wait3A_232 : memref<100x32xf32, #tpu.memory_space<vmem>>) dst(%dma_wait3A_238 : memref<10000x32xf32, #tpu.memory_space<vmem_shared>>)
    %dma_wait3A_239 = arith.constant 6 : i32
    %dma_wait3A_240 = arith.constant 46 : i32
    %dma_wait3A_241 = arith.constant 0 : i32
    %dma_wait3A_242 = arith.constant 0 : i32
    %dma_wait3A_243 = tpu.memref_slice %arg7[%dma_wait3A_239, %dma_wait3A_241, %dma_wait3A_242] : memref<10x100x32xf32, #tpu.memory_space<vmem>> -> memref<1x100x32xf32, #tpu.memory_space<vmem>>
    %dma_wait3A_244 = tpu.memref_squeeze %dma_wait3A_243 : memref<1x100x32xf32, #tpu.memory_space<vmem>> -> memref<100x32xf32, #tpu.memory_space<vmem>>
    %dma_wait3A_245 = arith.constant 0 : i32
    %dma_wait3A_246 = tpu.memref_slice %arg6[%dma_wait3A_240, %dma_wait3A_245] : memref<50x100xi32, #tpu.memory_space<vmem>> -> memref<1x100xi32, #tpu.memory_space<vmem>>
    %dma_wait3A_247 = tpu.memref_squeeze %dma_wait3A_246 : memref<1x100xi32, #tpu.memory_space<vmem>> -> memref<100xi32, #tpu.memory_space<vmem>>
    %dma_wait3A_248 = arith.constant 0 : i32
    %dma_wait3A_249 = arith.constant 0 : i32
    %dma_wait3A_250 = tpu.memref_slice %arg9[%dma_wait3A_248, %dma_wait3A_249] : memref<10000x32xf32, #tpu.memory_space<vmem_shared>> -> memref<10000x32xf32, #tpu.memory_space<vmem_shared>>
    tpu.wait_indirect_dma semaphore(%arg26 : memref<!tpu.dma_semaphore, #tpu.memory_space<semaphore_mem>>) src(%dma_wait3A_244 : memref<100x32xf32, #tpu.memory_space<vmem>>) dst(%dma_wait3A_250 : memref<10000x32xf32, #tpu.memory_space<vmem_shared>>)
    %dma_wait3A_251 = arith.constant 7 : i32
    %dma_wait3A_252 = arith.constant 47 : i32
    %dma_wait3A_253 = arith.constant 0 : i32
    %dma_wait3A_254 = arith.constant 0 : i32
    %dma_wait3A_255 = tpu.memref_slice %arg7[%dma_wait3A_251, %dma_wait3A_253, %dma_wait3A_254] : memref<10x100x32xf32, #tpu.memory_space<vmem>> -> memref<1x100x32xf32, #tpu.memory_space<vmem>>
    %dma_wait3A_256 = tpu.memref_squeeze %dma_wait3A_255 : memref<1x100x32xf32, #tpu.memory_space<vmem>> -> memref<100x32xf32, #tpu.memory_space<vmem>>
    %dma_wait3A_257 = arith.constant 0 : i32
    %dma_wait3A_258 = tpu.memref_slice %arg6[%dma_wait3A_252, %dma_wait3A_257] : memref<50x100xi32, #tpu.memory_space<vmem>> -> memref<1x100xi32, #tpu.memory_space<vmem>>
    %dma_wait3A_259 = tpu.memref_squeeze %dma_wait3A_258 : memref<1x100xi32, #tpu.memory_space<vmem>> -> memref<100xi32, #tpu.memory_space<vmem>>
    %dma_wait3A_260 = arith.constant 0 : i32
    %dma_wait3A_261 = arith.constant 0 : i32
    %dma_wait3A_262 = tpu.memref_slice %arg9[%dma_wait3A_260, %dma_wait3A_261] : memref<10000x32xf32, #tpu.memory_space<vmem_shared>> -> memref<10000x32xf32, #tpu.memory_space<vmem_shared>>
    tpu.wait_indirect_dma semaphore(%arg27 : memref<!tpu.dma_semaphore, #tpu.memory_space<semaphore_mem>>) src(%dma_wait3A_256 : memref<100x32xf32, #tpu.memory_space<vmem>>) dst(%dma_wait3A_262 : memref<10000x32xf32, #tpu.memory_space<vmem_shared>>)
    %dma_wait3A_263 = arith.constant 8 : i32
    %dma_wait3A_264 = arith.constant 48 : i32
    %dma_wait3A_265 = arith.constant 0 : i32
    %dma_wait3A_266 = arith.constant 0 : i32
    %dma_wait3A_267 = tpu.memref_slice %arg7[%dma_wait3A_263, %dma_wait3A_265, %dma_wait3A_266] : memref<10x100x32xf32, #tpu.memory_space<vmem>> -> memref<1x100x32xf32, #tpu.memory_space<vmem>>
    %dma_wait3A_268 = tpu.memref_squeeze %dma_wait3A_267 : memref<1x100x32xf32, #tpu.memory_space<vmem>> -> memref<100x32xf32, #tpu.memory_space<vmem>>
    %dma_wait3A_269 = arith.constant 0 : i32
    %dma_wait3A_270 = tpu.memref_slice %arg6[%dma_wait3A_264, %dma_wait3A_269] : memref<50x100xi32, #tpu.memory_space<vmem>> -> memref<1x100xi32, #tpu.memory_space<vmem>>
    %dma_wait3A_271 = tpu.memref_squeeze %dma_wait3A_270 : memref<1x100xi32, #tpu.memory_space<vmem>> -> memref<100xi32, #tpu.memory_space<vmem>>
    %dma_wait3A_272 = arith.constant 0 : i32
    %dma_wait3A_273 = arith.constant 0 : i32
    %dma_wait3A_274 = tpu.memref_slice %arg9[%dma_wait3A_272, %dma_wait3A_273] : memref<10000x32xf32, #tpu.memory_space<vmem_shared>> -> memref<10000x32xf32, #tpu.memory_space<vmem_shared>>
    tpu.wait_indirect_dma semaphore(%arg28 : memref<!tpu.dma_semaphore, #tpu.memory_space<semaphore_mem>>) src(%dma_wait3A_268 : memref<100x32xf32, #tpu.memory_space<vmem>>) dst(%dma_wait3A_274 : memref<10000x32xf32, #tpu.memory_space<vmem_shared>>)
    %dma_wait3A_275 = arith.constant 9 : i32
    %dma_wait3A_276 = arith.constant 49 : i32
    %dma_wait3A_277 = arith.constant 0 : i32
    %dma_wait3A_278 = arith.constant 0 : i32
    %dma_wait3A_279 = tpu.memref_slice %arg7[%dma_wait3A_275, %dma_wait3A_277, %dma_wait3A_278] : memref<10x100x32xf32, #tpu.memory_space<vmem>> -> memref<1x100x32xf32, #tpu.memory_space<vmem>>
    %dma_wait3A_280 = tpu.memref_squeeze %dma_wait3A_279 : memref<1x100x32xf32, #tpu.memory_space<vmem>> -> memref<100x32xf32, #tpu.memory_space<vmem>>
    %dma_wait3A_281 = arith.constant 0 : i32
    %dma_wait3A_282 = tpu.memref_slice %arg6[%dma_wait3A_276, %dma_wait3A_281] : memref<50x100xi32, #tpu.memory_space<vmem>> -> memref<1x100xi32, #tpu.memory_space<vmem>>
    %dma_wait3A_283 = tpu.memref_squeeze %dma_wait3A_282 : memref<1x100xi32, #tpu.memory_space<vmem>> -> memref<100xi32, #tpu.memory_space<vmem>>
    %dma_wait3A_284 = arith.constant 0 : i32
    %dma_wait3A_285 = arith.constant 0 : i32
    %dma_wait3A_286 = tpu.memref_slice %arg9[%dma_wait3A_284, %dma_wait3A_285] : memref<10000x32xf32, #tpu.memory_space<vmem_shared>> -> memref<10000x32xf32, #tpu.memory_space<vmem_shared>>
    tpu.wait_indirect_dma semaphore(%arg29 : memref<!tpu.dma_semaphore, #tpu.memory_space<semaphore_mem>>) src(%dma_wait3A_280 : memref<100x32xf32, #tpu.memory_space<vmem>>) dst(%dma_wait3A_286 : memref<10000x32xf32, #tpu.memory_space<vmem_shared>>)
    %barrier3A_287 = arith.constant 0 : index
    tpu.barrier barrier_id(%barrier3A_287)
    "tpu.region"() ({
      %run_scoped3A = tpu.sem_alloc : memref<!tpu.dma_semaphore, #tpu.memory_space<semaphore_mem>>
      %dma_start3A_293 = arith.constant 0 : i32
      %dma_start3A_294 = tpu.memref_slice %arg4[%arg0, %mul3A_19, %dma_start3A_293] : memref<2x10000x32xf32, #tpu.memory_space<hbm>> -> memref<1x624x32xf32, #tpu.memory_space<hbm>>
      %dma_start3A_295 = tpu.memref_squeeze %dma_start3A_294 : memref<1x624x32xf32, #tpu.memory_space<hbm>> -> memref<624x32xf32, #tpu.memory_space<hbm>>
      %dma_start3A_296 = arith.constant 0 : i32
      %dma_start3A_297 = tpu.memref_slice %arg9[%mul3A_19, %dma_start3A_296] : memref<10000x32xf32, #tpu.memory_space<vmem_shared>> -> memref<624x32xf32, #tpu.memory_space<vmem_shared>>
      tpu.enqueue_dma source(%dma_start3A_297 : memref<624x32xf32, #tpu.memory_space<vmem_shared>>) target(%dma_start3A_295 : memref<624x32xf32, #tpu.memory_space<hbm>>) target_semaphore(%run_scoped3A : memref<!tpu.dma_semaphore, #tpu.memory_space<semaphore_mem>>)
      %dma_wait3A_298 = arith.constant 0 : i32
      %dma_wait3A_299 = tpu.memref_slice %arg4[%arg0, %mul3A_19, %dma_wait3A_298] : memref<2x10000x32xf32, #tpu.memory_space<hbm>> -> memref<1x624x32xf32, #tpu.memory_space<hbm>>
      %dma_wait3A_300 = tpu.memref_squeeze %dma_wait3A_299 : memref<1x624x32xf32, #tpu.memory_space<hbm>> -> memref<624x32xf32, #tpu.memory_space<hbm>>
      %dma_wait3A_301 = arith.constant 0 : i32
      %dma_wait3A_302 = tpu.memref_slice %arg9[%mul3A_19, %dma_wait3A_301] : memref<10000x32xf32, #tpu.memory_space<vmem_shared>> -> memref<624x32xf32, #tpu.memory_space<vmem_shared>>
      tpu.wait_dma2 semaphore(%run_scoped3A : memref<!tpu.dma_semaphore, #tpu.memory_space<semaphore_mem>>) src(%dma_wait3A_302 : memref<624x32xf32, #tpu.memory_space<vmem_shared>>) dst(%dma_wait3A_300 : memref<624x32xf32, #tpu.memory_space<hbm>>)
      tpu.yield
    }) : () -> ()
    %eq3A_288 = arith.constant 15 : i32
    %eq3A_289 = arith.cmpi eq, %arg1, %eq3A_288 : i32
    %convert_element_type3A_290 = arith.extui %eq3A_289 : i1 to i32
    %cond3A_291 = arith.constant 0 : i32
    %cond3A_292 = arith.cmpi ne, %convert_element_type3A_290, %cond3A_291 : i32
    scf.if %cond3A_292 {
      "tpu.region"() ({
        %run_scoped3A = tpu.sem_alloc : memref<!tpu.dma_semaphore, #tpu.memory_space<semaphore_mem>>
        %dma_start3A_293 = arith.constant 9984 : i32
        %dma_start3A_294 = arith.constant 0 : i32
        %dma_start3A_295 = tpu.memref_slice %arg4[%arg0, %dma_start3A_293, %dma_start3A_294] : memref<2x10000x32xf32, #tpu.memory_space<hbm>> -> memref<1x16x32xf32, #tpu.memory_space<hbm>>
        %dma_start3A_296 = tpu.memref_squeeze %dma_start3A_295 : memref<1x16x32xf32, #tpu.memory_space<hbm>> -> memref<16x32xf32, #tpu.memory_space<hbm>>
        %dma_start3A_297 = arith.constant 9984 : i32
        %dma_start3A_298 = arith.constant 0 : i32
        %dma_start3A_299 = tpu.memref_slice %arg9[%dma_start3A_297, %dma_start3A_298] : memref<10000x32xf32, #tpu.memory_space<vmem_shared>> -> memref<16x32xf32, #tpu.memory_space<vmem_shared>>
        tpu.enqueue_dma source(%dma_start3A_299 : memref<16x32xf32, #tpu.memory_space<vmem_shared>>) target(%dma_start3A_296 : memref<16x32xf32, #tpu.memory_space<hbm>>) target_semaphore(%run_scoped3A : memref<!tpu.dma_semaphore, #tpu.memory_space<semaphore_mem>>)
        %dma_wait3A_300 = arith.constant 9984 : i32
        %dma_wait3A_301 = arith.constant 0 : i32
        %dma_wait3A_302 = tpu.memref_slice %arg4[%arg0, %dma_wait3A_300, %dma_wait3A_301] : memref<2x10000x32xf32, #tpu.memory_space<hbm>> -> memref<1x16x32xf32, #tpu.memory_space<hbm>>
        %dma_wait3A_303 = tpu.memref_squeeze %dma_wait3A_302 : memref<1x16x32xf32, #tpu.memory_space<hbm>> -> memref<16x32xf32, #tpu.memory_space<hbm>>
        %dma_wait3A_304 = arith.constant 9984 : i32
        %dma_wait3A_305 = arith.constant 0 : i32
        %dma_wait3A_306 = tpu.memref_slice %arg9[%dma_wait3A_304, %dma_wait3A_305] : memref<10000x32xf32, #tpu.memory_space<vmem_shared>> -> memref<16x32xf32, #tpu.memory_space<vmem_shared>>
        tpu.wait_dma2 semaphore(%run_scoped3A : memref<!tpu.dma_semaphore, #tpu.memory_space<semaphore_mem>>) src(%dma_wait3A_306 : memref<16x32xf32, #tpu.memory_space<vmem_shared>>) dst(%dma_wait3A_303 : memref<16x32xf32, #tpu.memory_space<hbm>>)
        tpu.yield
      }) : () -> ()
    } else {
    }
    return
  }
}

#map = affine_map<(d0, d1) -> (0, 0)>
#map1 = affine_map<(d0, d1) -> (0, 0, 0, 0)>
#map2 = affine_map<(d0, d1) -> (0, 0, 0)>
module attributes {stable_mosaic.version = 14 : i64} {
  func.func @scatter_kernel(%arg0: i32, %arg1: i32, %arg2: memref<10000x64xf32, #tpu.memory_space<hbm>>, %arg3: memref<2x32x50x100xi32, #tpu.memory_space<hbm>>, %arg4: memref<2x10000x64xf32, #tpu.memory_space<hbm>>, %arg5: memref<50x100xi32, #tpu.memory_space<vmem>>, %arg6: memref<50x100xi32, #tpu.memory_space<vmem>>, %arg7: memref<10x100x64xf32, #tpu.memory_space<vmem>>, %arg8: memref<208x64xf32, #tpu.memory_space<vmem>>, %arg9: memref<10000x64xf32, #tpu.memory_space<vmem_shared>>, %arg10: memref<!tpu.dma_semaphore, #tpu.memory_space<semaphore_mem>>, %arg11: memref<!tpu.dma_semaphore, #tpu.memory_space<semaphore_mem>>, %arg12: memref<!tpu.dma_semaphore, #tpu.memory_space<semaphore_mem>>, %arg13: memref<!tpu.dma_semaphore, #tpu.memory_space<semaphore_mem>>, %arg14: memref<!tpu.dma_semaphore, #tpu.memory_space<semaphore_mem>>, %arg15: memref<!tpu.dma_semaphore, #tpu.memory_space<semaphore_mem>>, %arg16: memref<!tpu.dma_semaphore, #tpu.memory_space<semaphore_mem>>, %arg17: memref<!tpu.dma_semaphore, #tpu.memory_space<semaphore_mem>>, %arg18: memref<!tpu.dma_semaphore, #tpu.memory_space<semaphore_mem>>, %arg19: memref<!tpu.dma_semaphore, #tpu.memory_space<semaphore_mem>>, %arg20: memref<!tpu.dma_semaphore, #tpu.memory_space<semaphore_mem>>, %arg21: memref<!tpu.dma_semaphore, #tpu.memory_space<semaphore_mem>>, %arg22: memref<!tpu.dma_semaphore, #tpu.memory_space<semaphore_mem>>, %arg23: memref<!tpu.dma_semaphore, #tpu.memory_space<semaphore_mem>>, %arg24: memref<!tpu.dma_semaphore, #tpu.memory_space<semaphore_mem>>, %arg25: memref<!tpu.dma_semaphore, #tpu.memory_space<semaphore_mem>>, %arg26: memref<!tpu.dma_semaphore, #tpu.memory_space<semaphore_mem>>, %arg27: memref<!tpu.dma_semaphore, #tpu.memory_space<semaphore_mem>>, %arg28: memref<!tpu.dma_semaphore, #tpu.memory_space<semaphore_mem>>, %arg29: memref<!tpu.dma_semaphore, #tpu.memory_space<semaphore_mem>>, %arg30: memref<!tpu.dma_semaphore, #tpu.memory_space<semaphore_mem>>, %arg31: memref<!tpu.dma_semaphore, #tpu.memory_space<semaphore_mem>>) attributes {dimension_semantics = [#tpu.dimension_semantics<core_parallel>, #tpu.dimension_semantics<subcore_parallel>], iteration_bounds = array<i64: 2, 16>, scalar_prefetch = 0 : i64, scratch_operands = 27 : i64, tpu.core_type = #tpu.core_type<sc_vector_subcore>, window_params = [{transform_indices = #map}, {transform_indices = #map1}, {transform_indices = #map2}]} {
    %mul3A = arith.constant 16 : i32
    %mul3A_0 = arith.muli %arg0, %mul3A : i32
    %add3A = arith.addi %mul3A_0, %arg1 : i32
    %dma_start3A = arith.constant 0 : i32
    %dma_start3A_1 = arith.constant 0 : i32
    %dma_start3A_2 = arith.constant 0 : i32
    %dma_start3A_3 = tpu.memref_slice %arg3[%dma_start3A, %add3A, %dma_start3A_1, %dma_start3A_2] : memref<2x32x50x100xi32, #tpu.memory_space<hbm>> -> memref<1x1x50x100xi32, #tpu.memory_space<hbm>>
    %dma_start3A_4 = tpu.memref_squeeze %dma_start3A_3 : memref<1x1x50x100xi32, #tpu.memory_space<hbm>> -> memref<50x100xi32, #tpu.memory_space<hbm>>
    %dma_start3A_5 = arith.constant 0 : i32
    %dma_start3A_6 = arith.constant 0 : i32
    %dma_start3A_7 = tpu.memref_slice %arg3[%dma_start3A, %add3A, %dma_start3A_5, %dma_start3A_6] : memref<2x32x50x100xi32, #tpu.memory_space<hbm>> -> memref<1x1x50x100xi32, #tpu.memory_space<hbm>>
    %dma_start3A_8 = tpu.memref_squeeze %dma_start3A_7 : memref<1x1x50x100xi32, #tpu.memory_space<hbm>> -> memref<50x100xi32, #tpu.memory_space<hbm>>
    tpu.enqueue_dma source(%dma_start3A_8 : memref<50x100xi32, #tpu.memory_space<hbm>>) target(%arg5 : memref<50x100xi32, #tpu.memory_space<vmem>>) target_semaphore(%arg30 : memref<!tpu.dma_semaphore, #tpu.memory_space<semaphore_mem>>)
    %dma_start3A_9 = arith.constant 1 : i32
    %dma_start3A_10 = arith.constant 0 : i32
    %dma_start3A_11 = arith.constant 0 : i32
    %dma_start3A_12 = tpu.memref_slice %arg3[%dma_start3A_9, %add3A, %dma_start3A_10, %dma_start3A_11] : memref<2x32x50x100xi32, #tpu.memory_space<hbm>> -> memref<1x1x50x100xi32, #tpu.memory_space<hbm>>
    %dma_start3A_13 = tpu.memref_squeeze %dma_start3A_12 : memref<1x1x50x100xi32, #tpu.memory_space<hbm>> -> memref<50x100xi32, #tpu.memory_space<hbm>>
    %dma_start3A_14 = arith.constant 0 : i32
    %dma_start3A_15 = arith.constant 0 : i32
    %dma_start3A_16 = tpu.memref_slice %arg3[%dma_start3A_9, %add3A, %dma_start3A_14, %dma_start3A_15] : memref<2x32x50x100xi32, #tpu.memory_space<hbm>> -> memref<1x1x50x100xi32, #tpu.memory_space<hbm>>
    %dma_start3A_17 = tpu.memref_squeeze %dma_start3A_16 : memref<1x1x50x100xi32, #tpu.memory_space<hbm>> -> memref<50x100xi32, #tpu.memory_space<hbm>>
    tpu.enqueue_dma source(%dma_start3A_17 : memref<50x100xi32, #tpu.memory_space<hbm>>) target(%arg6 : memref<50x100xi32, #tpu.memory_space<vmem>>) target_semaphore(%arg31 : memref<!tpu.dma_semaphore, #tpu.memory_space<semaphore_mem>>)
    %mul3A_18 = arith.constant 624 : i32
    %mul3A_19 = arith.muli %arg1, %mul3A_18 : i32
    %eq3A = arith.constant 0 : i32
    %eq3A_20 = arith.cmpi eq, %arg0, %eq3A : i32
    %convert_element_type3A = arith.extui %eq3A_20 : i1 to i32
    %cond3A = arith.constant 0 : i32
    %cond3A_21 = arith.cmpi ne, %convert_element_type3A, %cond3A : i32
    scf.if %cond3A_21 {
      "tpu.region"() ({
        %run_scoped3A = tpu.sem_alloc : memref<!tpu.dma_semaphore, #tpu.memory_space<semaphore_mem>>
        %dma_start3A_298 = arith.constant 0 : i32
        %dma_start3A_299 = tpu.memref_slice %arg9[%mul3A_19, %dma_start3A_298] : memref<10000x64xf32, #tpu.memory_space<vmem_shared>> -> memref<624x64xf32, #tpu.memory_space<vmem_shared>>
        %dma_start3A_300 = arith.constant 0 : i32
        %dma_start3A_301 = tpu.memref_slice %arg2[%mul3A_19, %dma_start3A_300] : memref<10000x64xf32, #tpu.memory_space<hbm>> -> memref<624x64xf32, #tpu.memory_space<hbm>>
        tpu.enqueue_dma source(%dma_start3A_301 : memref<624x64xf32, #tpu.memory_space<hbm>>) target(%dma_start3A_299 : memref<624x64xf32, #tpu.memory_space<vmem_shared>>) target_semaphore(%run_scoped3A : memref<!tpu.dma_semaphore, #tpu.memory_space<semaphore_mem>>)
        %dma_wait3A_302 = arith.constant 0 : i32
        %dma_wait3A_303 = tpu.memref_slice %arg9[%mul3A_19, %dma_wait3A_302] : memref<10000x64xf32, #tpu.memory_space<vmem_shared>> -> memref<624x64xf32, #tpu.memory_space<vmem_shared>>
        %dma_wait3A_304 = arith.constant 0 : i32
        %dma_wait3A_305 = tpu.memref_slice %arg2[%mul3A_19, %dma_wait3A_304] : memref<10000x64xf32, #tpu.memory_space<hbm>> -> memref<624x64xf32, #tpu.memory_space<hbm>>
        tpu.wait_dma2 semaphore(%run_scoped3A : memref<!tpu.dma_semaphore, #tpu.memory_space<semaphore_mem>>) src(%dma_wait3A_305 : memref<624x64xf32, #tpu.memory_space<hbm>>) dst(%dma_wait3A_303 : memref<624x64xf32, #tpu.memory_space<vmem_shared>>)
        tpu.yield
      }) : () -> ()
      %eq3A_293 = arith.constant 15 : i32
      %eq3A_294 = arith.cmpi eq, %arg1, %eq3A_293 : i32
      %convert_element_type3A_295 = arith.extui %eq3A_294 : i1 to i32
      %cond3A_296 = arith.constant 0 : i32
      %cond3A_297 = arith.cmpi ne, %convert_element_type3A_295, %cond3A_296 : i32
      scf.if %cond3A_297 {
        "tpu.region"() ({
          %run_scoped3A = tpu.sem_alloc : memref<!tpu.dma_semaphore, #tpu.memory_space<semaphore_mem>>
          %dma_start3A_298 = arith.constant 9984 : i32
          %dma_start3A_299 = arith.constant 0 : i32
          %dma_start3A_300 = tpu.memref_slice %arg9[%dma_start3A_298, %dma_start3A_299] : memref<10000x64xf32, #tpu.memory_space<vmem_shared>> -> memref<16x64xf32, #tpu.memory_space<vmem_shared>>
          %dma_start3A_301 = arith.constant 9984 : i32
          %dma_start3A_302 = arith.constant 0 : i32
          %dma_start3A_303 = tpu.memref_slice %arg2[%dma_start3A_301, %dma_start3A_302] : memref<10000x64xf32, #tpu.memory_space<hbm>> -> memref<16x64xf32, #tpu.memory_space<hbm>>
          tpu.enqueue_dma source(%dma_start3A_303 : memref<16x64xf32, #tpu.memory_space<hbm>>) target(%dma_start3A_300 : memref<16x64xf32, #tpu.memory_space<vmem_shared>>) target_semaphore(%run_scoped3A : memref<!tpu.dma_semaphore, #tpu.memory_space<semaphore_mem>>)
          %dma_wait3A_304 = arith.constant 9984 : i32
          %dma_wait3A_305 = arith.constant 0 : i32
          %dma_wait3A_306 = tpu.memref_slice %arg9[%dma_wait3A_304, %dma_wait3A_305] : memref<10000x64xf32, #tpu.memory_space<vmem_shared>> -> memref<16x64xf32, #tpu.memory_space<vmem_shared>>
          %dma_wait3A_307 = arith.constant 9984 : i32
          %dma_wait3A_308 = arith.constant 0 : i32
          %dma_wait3A_309 = tpu.memref_slice %arg2[%dma_wait3A_307, %dma_wait3A_308] : memref<10000x64xf32, #tpu.memory_space<hbm>> -> memref<16x64xf32, #tpu.memory_space<hbm>>
          tpu.wait_dma2 semaphore(%run_scoped3A : memref<!tpu.dma_semaphore, #tpu.memory_space<semaphore_mem>>) src(%dma_wait3A_309 : memref<16x64xf32, #tpu.memory_space<hbm>>) dst(%dma_wait3A_306 : memref<16x64xf32, #tpu.memory_space<vmem_shared>>)
          tpu.yield
        }) : () -> ()
      } else {
      }
    } else {
    }
    %ne3A = arith.constant 0 : i32
    %ne3A_22 = arith.cmpi ne, %arg0, %ne3A : i32
    %convert_element_type3A_23 = arith.extui %ne3A_22 : i1 to i32
    %cond3A_24 = arith.constant 0 : i32
    %cond3A_25 = arith.cmpi ne, %convert_element_type3A_23, %cond3A_24 : i32
    scf.if %cond3A_25 {
      %broadcast_in_dim3A = arith.constant 0.000000e+00 : f32
      %broadcast_in_dim3A_293 = vector.broadcast %broadcast_in_dim3A : f32 to vector<16xf32>
      %scan3A_294 = arith.constant 0 : i32
      %scan3A_295 = arith.constant 208 : i32
      %scan3A_296 = arith.addi %scan3A_294, %scan3A_295 : i32
      %scan3A_297 = arith.constant 1 : i32
      scf.for %scan3A_310 = %scan3A_294 to %scan3A_296 step %scan3A_297  : i32 {
        %mul3A_311 = arith.constant 1 : i32
        %mul3A_312 = arith.muli %scan3A_310, %mul3A_311 : i32
        %add3A_313 = arith.constant 0 : i32
        %add3A_314 = arith.addi %add3A_313, %mul3A_312 : i32
        %swap3A = arith.index_cast %add3A_314 : i32 to index
        %swap3A_315 = arith.constant 0 : index
        %swap3A_316 = tpu.vector_load %arg8[%swap3A, %swap3A_315] {strides = array<i32>} : memref<208x64xf32, #tpu.memory_space<vmem>>, vector<1x16xf32>,
        %swap3A_317 = vector.shape_cast %swap3A_316 : vector<1x16xf32> to vector<16xf32>
        %swap3A_318 = vector.shape_cast %broadcast_in_dim3A_293 : vector<16xf32> to vector<1x16xf32>
        tpu.vector_store %arg8[%swap3A, %swap3A_315], %swap3A_318 {strides = array<i32>} : memref<208x64xf32, #tpu.memory_space<vmem>>, vector<1x16xf32>,
        %swap3A_319 = arith.index_cast %add3A_314 : i32 to index
        %swap3A_320 = arith.constant 16 : index
        %swap3A_321 = tpu.vector_load %arg8[%swap3A_319, %swap3A_320] {strides = array<i32>} : memref<208x64xf32, #tpu.memory_space<vmem>>, vector<1x16xf32>,
        %swap3A_322 = vector.shape_cast %swap3A_321 : vector<1x16xf32> to vector<16xf32>
        %swap3A_323 = vector.shape_cast %broadcast_in_dim3A_293 : vector<16xf32> to vector<1x16xf32>
        tpu.vector_store %arg8[%swap3A_319, %swap3A_320], %swap3A_323 {strides = array<i32>} : memref<208x64xf32, #tpu.memory_space<vmem>>, vector<1x16xf32>,
        %swap3A_324 = arith.index_cast %add3A_314 : i32 to index
        %swap3A_325 = arith.constant 32 : index
        %swap3A_326 = tpu.vector_load %arg8[%swap3A_324, %swap3A_325] {strides = array<i32>} : memref<208x64xf32, #tpu.memory_space<vmem>>, vector<1x16xf32>,
        %swap3A_327 = vector.shape_cast %swap3A_326 : vector<1x16xf32> to vector<16xf32>
        %swap3A_328 = vector.shape_cast %broadcast_in_dim3A_293 : vector<16xf32> to vector<1x16xf32>
        tpu.vector_store %arg8[%swap3A_324, %swap3A_325], %swap3A_328 {strides = array<i32>} : memref<208x64xf32, #tpu.memory_space<vmem>>, vector<1x16xf32>,
        %swap3A_329 = arith.index_cast %add3A_314 : i32 to index
        %swap3A_330 = arith.constant 48 : index
        %swap3A_331 = tpu.vector_load %arg8[%swap3A_329, %swap3A_330] {strides = array<i32>} : memref<208x64xf32, #tpu.memory_space<vmem>>, vector<1x16xf32>,
        %swap3A_332 = vector.shape_cast %swap3A_331 : vector<1x16xf32> to vector<16xf32>
        %swap3A_333 = vector.shape_cast %broadcast_in_dim3A_293 : vector<16xf32> to vector<1x16xf32>
        tpu.vector_store %arg8[%swap3A_329, %swap3A_330], %swap3A_333 {strides = array<i32>} : memref<208x64xf32, #tpu.memory_space<vmem>>, vector<1x16xf32>,
      }
      %scan3A_298 = arith.constant 208 : i32
      %add3A_299 = arith.constant 0 : i32
      %add3A_300 = arith.addi %mul3A_19, %add3A_299 : i32
      "tpu.region"() ({
        %run_scoped3A = tpu.sem_alloc : memref<!tpu.dma_semaphore, #tpu.memory_space<semaphore_mem>>
        %dma_start3A_310 = arith.constant 0 : i32
        %dma_start3A_311 = tpu.memref_slice %arg9[%add3A_300, %dma_start3A_310] : memref<10000x64xf32, #tpu.memory_space<vmem_shared>> -> memref<208x64xf32, #tpu.memory_space<vmem_shared>>
        %dma_start3A_312 = arith.constant 0 : i32
        %dma_start3A_313 = tpu.memref_slice %arg9[%add3A_300, %dma_start3A_312] : memref<10000x64xf32, #tpu.memory_space<vmem_shared>> -> memref<208x64xf32, #tpu.memory_space<vmem_shared>>
        tpu.enqueue_dma source(%arg8 : memref<208x64xf32, #tpu.memory_space<vmem>>) target(%dma_start3A_313 : memref<208x64xf32, #tpu.memory_space<vmem_shared>>) target_semaphore(%run_scoped3A : memref<!tpu.dma_semaphore, #tpu.memory_space<semaphore_mem>>)
        %dma_wait3A_314 = arith.constant 0 : i32
        %dma_wait3A_315 = tpu.memref_slice %arg9[%add3A_300, %dma_wait3A_314] : memref<10000x64xf32, #tpu.memory_space<vmem_shared>> -> memref<208x64xf32, #tpu.memory_space<vmem_shared>>
        %dma_wait3A_316 = arith.constant 0 : i32
        %dma_wait3A_317 = tpu.memref_slice %arg9[%add3A_300, %dma_wait3A_316] : memref<10000x64xf32, #tpu.memory_space<vmem_shared>> -> memref<208x64xf32, #tpu.memory_space<vmem_shared>>
        tpu.wait_dma2 semaphore(%run_scoped3A : memref<!tpu.dma_semaphore, #tpu.memory_space<semaphore_mem>>) src(%arg8 : memref<208x64xf32, #tpu.memory_space<vmem>>) dst(%dma_wait3A_317 : memref<208x64xf32, #tpu.memory_space<vmem_shared>>)
        tpu.yield
      }) : () -> ()
      %add3A_301 = arith.constant 208 : i32
      %add3A_302 = arith.addi %mul3A_19, %add3A_301 : i32
      "tpu.region"() ({
        %run_scoped3A = tpu.sem_alloc : memref<!tpu.dma_semaphore, #tpu.memory_space<semaphore_mem>>
        %dma_start3A_310 = arith.constant 0 : i32
        %dma_start3A_311 = tpu.memref_slice %arg9[%add3A_302, %dma_start3A_310] : memref<10000x64xf32, #tpu.memory_space<vmem_shared>> -> memref<208x64xf32, #tpu.memory_space<vmem_shared>>
        %dma_start3A_312 = arith.constant 0 : i32
        %dma_start3A_313 = tpu.memref_slice %arg9[%add3A_302, %dma_start3A_312] : memref<10000x64xf32, #tpu.memory_space<vmem_shared>> -> memref<208x64xf32, #tpu.memory_space<vmem_shared>>
        tpu.enqueue_dma source(%arg8 : memref<208x64xf32, #tpu.memory_space<vmem>>) target(%dma_start3A_313 : memref<208x64xf32, #tpu.memory_space<vmem_shared>>) target_semaphore(%run_scoped3A : memref<!tpu.dma_semaphore, #tpu.memory_space<semaphore_mem>>)
        %dma_wait3A_314 = arith.constant 0 : i32
        %dma_wait3A_315 = tpu.memref_slice %arg9[%add3A_302, %dma_wait3A_314] : memref<10000x64xf32, #tpu.memory_space<vmem_shared>> -> memref<208x64xf32, #tpu.memory_space<vmem_shared>>
        %dma_wait3A_316 = arith.constant 0 : i32
        %dma_wait3A_317 = tpu.memref_slice %arg9[%add3A_302, %dma_wait3A_316] : memref<10000x64xf32, #tpu.memory_space<vmem_shared>> -> memref<208x64xf32, #tpu.memory_space<vmem_shared>>
        tpu.wait_dma2 semaphore(%run_scoped3A : memref<!tpu.dma_semaphore, #tpu.memory_space<semaphore_mem>>) src(%arg8 : memref<208x64xf32, #tpu.memory_space<vmem>>) dst(%dma_wait3A_317 : memref<208x64xf32, #tpu.memory_space<vmem_shared>>)
        tpu.yield
      }) : () -> ()
      %add3A_303 = arith.constant 416 : i32
      %add3A_304 = arith.addi %mul3A_19, %add3A_303 : i32
      "tpu.region"() ({
        %run_scoped3A = tpu.sem_alloc : memref<!tpu.dma_semaphore, #tpu.memory_space<semaphore_mem>>
        %dma_start3A_310 = arith.constant 0 : i32
        %dma_start3A_311 = tpu.memref_slice %arg9[%add3A_304, %dma_start3A_310] : memref<10000x64xf32, #tpu.memory_space<vmem_shared>> -> memref<208x64xf32, #tpu.memory_space<vmem_shared>>
        %dma_start3A_312 = arith.constant 0 : i32
        %dma_start3A_313 = tpu.memref_slice %arg9[%add3A_304, %dma_start3A_312] : memref<10000x64xf32, #tpu.memory_space<vmem_shared>> -> memref<208x64xf32, #tpu.memory_space<vmem_shared>>
        tpu.enqueue_dma source(%arg8 : memref<208x64xf32, #tpu.memory_space<vmem>>) target(%dma_start3A_313 : memref<208x64xf32, #tpu.memory_space<vmem_shared>>) target_semaphore(%run_scoped3A : memref<!tpu.dma_semaphore, #tpu.memory_space<semaphore_mem>>)
        %dma_wait3A_314 = arith.constant 0 : i32
        %dma_wait3A_315 = tpu.memref_slice %arg9[%add3A_304, %dma_wait3A_314] : memref<10000x64xf32, #tpu.memory_space<vmem_shared>> -> memref<208x64xf32, #tpu.memory_space<vmem_shared>>
        %dma_wait3A_316 = arith.constant 0 : i32
        %dma_wait3A_317 = tpu.memref_slice %arg9[%add3A_304, %dma_wait3A_316] : memref<10000x64xf32, #tpu.memory_space<vmem_shared>> -> memref<208x64xf32, #tpu.memory_space<vmem_shared>>
        tpu.wait_dma2 semaphore(%run_scoped3A : memref<!tpu.dma_semaphore, #tpu.memory_space<semaphore_mem>>) src(%arg8 : memref<208x64xf32, #tpu.memory_space<vmem>>) dst(%dma_wait3A_317 : memref<208x64xf32, #tpu.memory_space<vmem_shared>>)
        tpu.yield
      }) : () -> ()
      %eq3A_305 = arith.constant 15 : i32
      %eq3A_306 = arith.cmpi eq, %arg1, %eq3A_305 : i32
      %convert_element_type3A_307 = arith.extui %eq3A_306 : i1 to i32
      %cond3A_308 = arith.constant 0 : i32
      %cond3A_309 = arith.cmpi ne, %convert_element_type3A_307, %cond3A_308 : i32
      scf.if %cond3A_309 {
        "tpu.region"() ({
          %run_scoped3A = tpu.sem_alloc : memref<!tpu.dma_semaphore, #tpu.memory_space<semaphore_mem>>
          %dma_start3A_310 = arith.constant 0 : i32
          %dma_start3A_311 = arith.constant 0 : i32
          %dma_start3A_312 = tpu.memref_slice %arg8[%dma_start3A_310, %dma_start3A_311] : memref<208x64xf32, #tpu.memory_space<vmem>> -> memref<16x64xf32, #tpu.memory_space<vmem>>
          %dma_start3A_313 = arith.constant 9984 : i32
          %dma_start3A_314 = arith.constant 0 : i32
          %dma_start3A_315 = tpu.memref_slice %arg9[%dma_start3A_313, %dma_start3A_314] : memref<10000x64xf32, #tpu.memory_space<vmem_shared>> -> memref<16x64xf32, #tpu.memory_space<vmem_shared>>
          %dma_start3A_316 = arith.constant 9984 : i32
          %dma_start3A_317 = arith.constant 0 : i32
          %dma_start3A_318 = tpu.memref_slice %arg9[%dma_start3A_316, %dma_start3A_317] : memref<10000x64xf32, #tpu.memory_space<vmem_shared>> -> memref<16x64xf32, #tpu.memory_space<vmem_shared>>
          %dma_start3A_319 = arith.constant 0 : i32
          %dma_start3A_320 = arith.constant 0 : i32
          %dma_start3A_321 = tpu.memref_slice %arg8[%dma_start3A_319, %dma_start3A_320] : memref<208x64xf32, #tpu.memory_space<vmem>> -> memref<16x64xf32, #tpu.memory_space<vmem>>
          tpu.enqueue_dma source(%dma_start3A_321 : memref<16x64xf32, #tpu.memory_space<vmem>>) target(%dma_start3A_318 : memref<16x64xf32, #tpu.memory_space<vmem_shared>>) target_semaphore(%run_scoped3A : memref<!tpu.dma_semaphore, #tpu.memory_space<semaphore_mem>>)
          %dma_wait3A_322 = arith.constant 0 : i32
          %dma_wait3A_323 = arith.constant 0 : i32
          %dma_wait3A_324 = tpu.memref_slice %arg8[%dma_wait3A_322, %dma_wait3A_323] : memref<208x64xf32, #tpu.memory_space<vmem>> -> memref<16x64xf32, #tpu.memory_space<vmem>>
          %dma_wait3A_325 = arith.constant 9984 : i32
          %dma_wait3A_326 = arith.constant 0 : i32
          %dma_wait3A_327 = tpu.memref_slice %arg9[%dma_wait3A_325, %dma_wait3A_326] : memref<10000x64xf32, #tpu.memory_space<vmem_shared>> -> memref<16x64xf32, #tpu.memory_space<vmem_shared>>
          %dma_wait3A_328 = arith.constant 9984 : i32
          %dma_wait3A_329 = arith.constant 0 : i32
          %dma_wait3A_330 = tpu.memref_slice %arg9[%dma_wait3A_328, %dma_wait3A_329] : memref<10000x64xf32, #tpu.memory_space<vmem_shared>> -> memref<16x64xf32, #tpu.memory_space<vmem_shared>>
          %dma_wait3A_331 = arith.constant 0 : i32
          %dma_wait3A_332 = arith.constant 0 : i32
          %dma_wait3A_333 = tpu.memref_slice %arg8[%dma_wait3A_331, %dma_wait3A_332] : memref<208x64xf32, #tpu.memory_space<vmem>> -> memref<16x64xf32, #tpu.memory_space<vmem>>
          tpu.wait_dma2 semaphore(%run_scoped3A : memref<!tpu.dma_semaphore, #tpu.memory_space<semaphore_mem>>) src(%dma_wait3A_333 : memref<16x64xf32, #tpu.memory_space<vmem>>) dst(%dma_wait3A_330 : memref<16x64xf32, #tpu.memory_space<vmem_shared>>)
          tpu.yield
        }) : () -> ()
      } else {
      }
    } else {
    }
    %dma_wait3A = arith.constant 0 : i32
    %dma_wait3A_26 = arith.constant 0 : i32
    %dma_wait3A_27 = arith.constant 0 : i32
    %dma_wait3A_28 = tpu.memref_slice %arg3[%dma_wait3A, %add3A, %dma_wait3A_26, %dma_wait3A_27] : memref<2x32x50x100xi32, #tpu.memory_space<hbm>> -> memref<1x1x50x100xi32, #tpu.memory_space<hbm>>
    %dma_wait3A_29 = tpu.memref_squeeze %dma_wait3A_28 : memref<1x1x50x100xi32, #tpu.memory_space<hbm>> -> memref<50x100xi32, #tpu.memory_space<hbm>>
    %dma_wait3A_30 = arith.constant 0 : i32
    %dma_wait3A_31 = arith.constant 0 : i32
    %dma_wait3A_32 = tpu.memref_slice %arg3[%dma_wait3A, %add3A, %dma_wait3A_30, %dma_wait3A_31] : memref<2x32x50x100xi32, #tpu.memory_space<hbm>> -> memref<1x1x50x100xi32, #tpu.memory_space<hbm>>
    %dma_wait3A_33 = tpu.memref_squeeze %dma_wait3A_32 : memref<1x1x50x100xi32, #tpu.memory_space<hbm>> -> memref<50x100xi32, #tpu.memory_space<hbm>>
    tpu.wait_dma2 semaphore(%arg30 : memref<!tpu.dma_semaphore, #tpu.memory_space<semaphore_mem>>) src(%dma_wait3A_33 : memref<50x100xi32, #tpu.memory_space<hbm>>) dst(%arg5 : memref<50x100xi32, #tpu.memory_space<vmem>>)
    %dma_wait3A_34 = arith.constant 1 : i32
    %dma_wait3A_35 = arith.constant 0 : i32
    %dma_wait3A_36 = arith.constant 0 : i32
    %dma_wait3A_37 = tpu.memref_slice %arg3[%dma_wait3A_34, %add3A, %dma_wait3A_35, %dma_wait3A_36] : memref<2x32x50x100xi32, #tpu.memory_space<hbm>> -> memref<1x1x50x100xi32, #tpu.memory_space<hbm>>
    %dma_wait3A_38 = tpu.memref_squeeze %dma_wait3A_37 : memref<1x1x50x100xi32, #tpu.memory_space<hbm>> -> memref<50x100xi32, #tpu.memory_space<hbm>>
    %dma_wait3A_39 = arith.constant 0 : i32
    %dma_wait3A_40 = arith.constant 0 : i32
    %dma_wait3A_41 = tpu.memref_slice %arg3[%dma_wait3A_34, %add3A, %dma_wait3A_39, %dma_wait3A_40] : memref<2x32x50x100xi32, #tpu.memory_space<hbm>> -> memref<1x1x50x100xi32, #tpu.memory_space<hbm>>
    %dma_wait3A_42 = tpu.memref_squeeze %dma_wait3A_41 : memref<1x1x50x100xi32, #tpu.memory_space<hbm>> -> memref<50x100xi32, #tpu.memory_space<hbm>>
    tpu.wait_dma2 semaphore(%arg31 : memref<!tpu.dma_semaphore, #tpu.memory_space<semaphore_mem>>) src(%dma_wait3A_42 : memref<50x100xi32, #tpu.memory_space<hbm>>) dst(%arg6 : memref<50x100xi32, #tpu.memory_space<vmem>>)
    %barrier3A = arith.constant 0 : index
    tpu.barrier barrier_id(%barrier3A)
    %dma_start3A_43 = arith.constant 0 : i32
    %dma_start3A_44 = arith.constant 0 : i32
    %dma_start3A_45 = arith.constant 0 : i32
    %dma_start3A_46 = arith.constant 0 : i32
    %dma_start3A_47 = tpu.memref_slice %arg7[%dma_start3A_44, %dma_start3A_45, %dma_start3A_46] : memref<10x100x64xf32, #tpu.memory_space<vmem>> -> memref<1x100x64xf32, #tpu.memory_space<vmem>>
    %dma_start3A_48 = tpu.memref_squeeze %dma_start3A_47 : memref<1x100x64xf32, #tpu.memory_space<vmem>> -> memref<100x64xf32, #tpu.memory_space<vmem>>
    %dma_start3A_49 = arith.constant 0 : i32
    %dma_start3A_50 = tpu.memref_slice %arg5[%dma_start3A_43, %dma_start3A_49] : memref<50x100xi32, #tpu.memory_space<vmem>> -> memref<1x100xi32, #tpu.memory_space<vmem>>
    %dma_start3A_51 = tpu.memref_squeeze %dma_start3A_50 : memref<1x100xi32, #tpu.memory_space<vmem>> -> memref<100xi32, #tpu.memory_space<vmem>>
    %dma_start3A_52 = arith.constant 0 : i32
    %dma_start3A_53 = arith.constant 0 : i32
    %dma_start3A_54 = tpu.memref_slice %arg2[%dma_start3A_52, %dma_start3A_53] : memref<10000x64xf32, #tpu.memory_space<hbm>> -> memref<10000x64xf32, #tpu.memory_space<hbm>>
    tpu.enqueue_indirect_dma source(%dma_start3A_54 : memref<10000x64xf32, #tpu.memory_space<hbm>>) target(%dma_start3A_48 : memref<100x64xf32, #tpu.memory_space<vmem>>) offsets(%dma_start3A_51 : memref<100xi32, #tpu.memory_space<vmem>>) semaphore(%arg10 : memref<!tpu.dma_semaphore, #tpu.memory_space<semaphore_mem>>)
    %dma_start3A_55 = arith.constant 1 : i32
    %dma_start3A_56 = arith.constant 1 : i32
    %dma_start3A_57 = arith.constant 0 : i32
    %dma_start3A_58 = arith.constant 0 : i32
    %dma_start3A_59 = tpu.memref_slice %arg7[%dma_start3A_56, %dma_start3A_57, %dma_start3A_58] : memref<10x100x64xf32, #tpu.memory_space<vmem>> -> memref<1x100x64xf32, #tpu.memory_space<vmem>>
    %dma_start3A_60 = tpu.memref_squeeze %dma_start3A_59 : memref<1x100x64xf32, #tpu.memory_space<vmem>> -> memref<100x64xf32, #tpu.memory_space<vmem>>
    %dma_start3A_61 = arith.constant 0 : i32
    %dma_start3A_62 = tpu.memref_slice %arg5[%dma_start3A_55, %dma_start3A_61] : memref<50x100xi32, #tpu.memory_space<vmem>> -> memref<1x100xi32, #tpu.memory_space<vmem>>
    %dma_start3A_63 = tpu.memref_squeeze %dma_start3A_62 : memref<1x100xi32, #tpu.memory_space<vmem>> -> memref<100xi32, #tpu.memory_space<vmem>>
    %dma_start3A_64 = arith.constant 0 : i32
    %dma_start3A_65 = arith.constant 0 : i32
    %dma_start3A_66 = tpu.memref_slice %arg2[%dma_start3A_64, %dma_start3A_65] : memref<10000x64xf32, #tpu.memory_space<hbm>> -> memref<10000x64xf32, #tpu.memory_space<hbm>>
    tpu.enqueue_indirect_dma source(%dma_start3A_66 : memref<10000x64xf32, #tpu.memory_space<hbm>>) target(%dma_start3A_60 : memref<100x64xf32, #tpu.memory_space<vmem>>) offsets(%dma_start3A_63 : memref<100xi32, #tpu.memory_space<vmem>>) semaphore(%arg11 : memref<!tpu.dma_semaphore, #tpu.memory_space<semaphore_mem>>)
    %dma_start3A_67 = arith.constant 2 : i32
    %dma_start3A_68 = arith.constant 2 : i32
    %dma_start3A_69 = arith.constant 0 : i32
    %dma_start3A_70 = arith.constant 0 : i32
    %dma_start3A_71 = tpu.memref_slice %arg7[%dma_start3A_68, %dma_start3A_69, %dma_start3A_70] : memref<10x100x64xf32, #tpu.memory_space<vmem>> -> memref<1x100x64xf32, #tpu.memory_space<vmem>>
    %dma_start3A_72 = tpu.memref_squeeze %dma_start3A_71 : memref<1x100x64xf32, #tpu.memory_space<vmem>> -> memref<100x64xf32, #tpu.memory_space<vmem>>
    %dma_start3A_73 = arith.constant 0 : i32
    %dma_start3A_74 = tpu.memref_slice %arg5[%dma_start3A_67, %dma_start3A_73] : memref<50x100xi32, #tpu.memory_space<vmem>> -> memref<1x100xi32, #tpu.memory_space<vmem>>
    %dma_start3A_75 = tpu.memref_squeeze %dma_start3A_74 : memref<1x100xi32, #tpu.memory_space<vmem>> -> memref<100xi32, #tpu.memory_space<vmem>>
    %dma_start3A_76 = arith.constant 0 : i32
    %dma_start3A_77 = arith.constant 0 : i32
    %dma_start3A_78 = tpu.memref_slice %arg2[%dma_start3A_76, %dma_start3A_77] : memref<10000x64xf32, #tpu.memory_space<hbm>> -> memref<10000x64xf32, #tpu.memory_space<hbm>>
    tpu.enqueue_indirect_dma source(%dma_start3A_78 : memref<10000x64xf32, #tpu.memory_space<hbm>>) target(%dma_start3A_72 : memref<100x64xf32, #tpu.memory_space<vmem>>) offsets(%dma_start3A_75 : memref<100xi32, #tpu.memory_space<vmem>>) semaphore(%arg12 : memref<!tpu.dma_semaphore, #tpu.memory_space<semaphore_mem>>)
    %dma_start3A_79 = arith.constant 3 : i32
    %dma_start3A_80 = arith.constant 3 : i32
    %dma_start3A_81 = arith.constant 0 : i32
    %dma_start3A_82 = arith.constant 0 : i32
    %dma_start3A_83 = tpu.memref_slice %arg7[%dma_start3A_80, %dma_start3A_81, %dma_start3A_82] : memref<10x100x64xf32, #tpu.memory_space<vmem>> -> memref<1x100x64xf32, #tpu.memory_space<vmem>>
    %dma_start3A_84 = tpu.memref_squeeze %dma_start3A_83 : memref<1x100x64xf32, #tpu.memory_space<vmem>> -> memref<100x64xf32, #tpu.memory_space<vmem>>
    %dma_start3A_85 = arith.constant 0 : i32
    %dma_start3A_86 = tpu.memref_slice %arg5[%dma_start3A_79, %dma_start3A_85] : memref<50x100xi32, #tpu.memory_space<vmem>> -> memref<1x100xi32, #tpu.memory_space<vmem>>
    %dma_start3A_87 = tpu.memref_squeeze %dma_start3A_86 : memref<1x100xi32, #tpu.memory_space<vmem>> -> memref<100xi32, #tpu.memory_space<vmem>>
    %dma_start3A_88 = arith.constant 0 : i32
    %dma_start3A_89 = arith.constant 0 : i32
    %dma_start3A_90 = tpu.memref_slice %arg2[%dma_start3A_88, %dma_start3A_89] : memref<10000x64xf32, #tpu.memory_space<hbm>> -> memref<10000x64xf32, #tpu.memory_space<hbm>>
    tpu.enqueue_indirect_dma source(%dma_start3A_90 : memref<10000x64xf32, #tpu.memory_space<hbm>>) target(%dma_start3A_84 : memref<100x64xf32, #tpu.memory_space<vmem>>) offsets(%dma_start3A_87 : memref<100xi32, #tpu.memory_space<vmem>>) semaphore(%arg13 : memref<!tpu.dma_semaphore, #tpu.memory_space<semaphore_mem>>)
    %dma_start3A_91 = arith.constant 4 : i32
    %dma_start3A_92 = arith.constant 4 : i32
    %dma_start3A_93 = arith.constant 0 : i32
    %dma_start3A_94 = arith.constant 0 : i32
    %dma_start3A_95 = tpu.memref_slice %arg7[%dma_start3A_92, %dma_start3A_93, %dma_start3A_94] : memref<10x100x64xf32, #tpu.memory_space<vmem>> -> memref<1x100x64xf32, #tpu.memory_space<vmem>>
    %dma_start3A_96 = tpu.memref_squeeze %dma_start3A_95 : memref<1x100x64xf32, #tpu.memory_space<vmem>> -> memref<100x64xf32, #tpu.memory_space<vmem>>
    %dma_start3A_97 = arith.constant 0 : i32
    %dma_start3A_98 = tpu.memref_slice %arg5[%dma_start3A_91, %dma_start3A_97] : memref<50x100xi32, #tpu.memory_space<vmem>> -> memref<1x100xi32, #tpu.memory_space<vmem>>
    %dma_start3A_99 = tpu.memref_squeeze %dma_start3A_98 : memref<1x100xi32, #tpu.memory_space<vmem>> -> memref<100xi32, #tpu.memory_space<vmem>>
    %dma_start3A_100 = arith.constant 0 : i32
    %dma_start3A_101 = arith.constant 0 : i32
    %dma_start3A_102 = tpu.memref_slice %arg2[%dma_start3A_100, %dma_start3A_101] : memref<10000x64xf32, #tpu.memory_space<hbm>> -> memref<10000x64xf32, #tpu.memory_space<hbm>>
    tpu.enqueue_indirect_dma source(%dma_start3A_102 : memref<10000x64xf32, #tpu.memory_space<hbm>>) target(%dma_start3A_96 : memref<100x64xf32, #tpu.memory_space<vmem>>) offsets(%dma_start3A_99 : memref<100xi32, #tpu.memory_space<vmem>>) semaphore(%arg14 : memref<!tpu.dma_semaphore, #tpu.memory_space<semaphore_mem>>)
    %dma_start3A_103 = arith.constant 5 : i32
    %dma_start3A_104 = arith.constant 5 : i32
    %dma_start3A_105 = arith.constant 0 : i32
    %dma_start3A_106 = arith.constant 0 : i32
    %dma_start3A_107 = tpu.memref_slice %arg7[%dma_start3A_104, %dma_start3A_105, %dma_start3A_106] : memref<10x100x64xf32, #tpu.memory_space<vmem>> -> memref<1x100x64xf32, #tpu.memory_space<vmem>>
    %dma_start3A_108 = tpu.memref_squeeze %dma_start3A_107 : memref<1x100x64xf32, #tpu.memory_space<vmem>> -> memref<100x64xf32, #tpu.memory_space<vmem>>
    %dma_start3A_109 = arith.constant 0 : i32
    %dma_start3A_110 = tpu.memref_slice %arg5[%dma_start3A_103, %dma_start3A_109] : memref<50x100xi32, #tpu.memory_space<vmem>> -> memref<1x100xi32, #tpu.memory_space<vmem>>
    %dma_start3A_111 = tpu.memref_squeeze %dma_start3A_110 : memref<1x100xi32, #tpu.memory_space<vmem>> -> memref<100xi32, #tpu.memory_space<vmem>>
    %dma_start3A_112 = arith.constant 0 : i32
    %dma_start3A_113 = arith.constant 0 : i32
    %dma_start3A_114 = tpu.memref_slice %arg2[%dma_start3A_112, %dma_start3A_113] : memref<10000x64xf32, #tpu.memory_space<hbm>> -> memref<10000x64xf32, #tpu.memory_space<hbm>>
    tpu.enqueue_indirect_dma source(%dma_start3A_114 : memref<10000x64xf32, #tpu.memory_space<hbm>>) target(%dma_start3A_108 : memref<100x64xf32, #tpu.memory_space<vmem>>) offsets(%dma_start3A_111 : memref<100xi32, #tpu.memory_space<vmem>>) semaphore(%arg15 : memref<!tpu.dma_semaphore, #tpu.memory_space<semaphore_mem>>)
    %dma_start3A_115 = arith.constant 6 : i32
    %dma_start3A_116 = arith.constant 6 : i32
    %dma_start3A_117 = arith.constant 0 : i32
    %dma_start3A_118 = arith.constant 0 : i32
    %dma_start3A_119 = tpu.memref_slice %arg7[%dma_start3A_116, %dma_start3A_117, %dma_start3A_118] : memref<10x100x64xf32, #tpu.memory_space<vmem>> -> memref<1x100x64xf32, #tpu.memory_space<vmem>>
    %dma_start3A_120 = tpu.memref_squeeze %dma_start3A_119 : memref<1x100x64xf32, #tpu.memory_space<vmem>> -> memref<100x64xf32, #tpu.memory_space<vmem>>
    %dma_start3A_121 = arith.constant 0 : i32
    %dma_start3A_122 = tpu.memref_slice %arg5[%dma_start3A_115, %dma_start3A_121] : memref<50x100xi32, #tpu.memory_space<vmem>> -> memref<1x100xi32, #tpu.memory_space<vmem>>
    %dma_start3A_123 = tpu.memref_squeeze %dma_start3A_122 : memref<1x100xi32, #tpu.memory_space<vmem>> -> memref<100xi32, #tpu.memory_space<vmem>>
    %dma_start3A_124 = arith.constant 0 : i32
    %dma_start3A_125 = arith.constant 0 : i32
    %dma_start3A_126 = tpu.memref_slice %arg2[%dma_start3A_124, %dma_start3A_125] : memref<10000x64xf32, #tpu.memory_space<hbm>> -> memref<10000x64xf32, #tpu.memory_space<hbm>>
    tpu.enqueue_indirect_dma source(%dma_start3A_126 : memref<10000x64xf32, #tpu.memory_space<hbm>>) target(%dma_start3A_120 : memref<100x64xf32, #tpu.memory_space<vmem>>) offsets(%dma_start3A_123 : memref<100xi32, #tpu.memory_space<vmem>>) semaphore(%arg16 : memref<!tpu.dma_semaphore, #tpu.memory_space<semaphore_mem>>)
    %dma_start3A_127 = arith.constant 7 : i32
    %dma_start3A_128 = arith.constant 7 : i32
    %dma_start3A_129 = arith.constant 0 : i32
    %dma_start3A_130 = arith.constant 0 : i32
    %dma_start3A_131 = tpu.memref_slice %arg7[%dma_start3A_128, %dma_start3A_129, %dma_start3A_130] : memref<10x100x64xf32, #tpu.memory_space<vmem>> -> memref<1x100x64xf32, #tpu.memory_space<vmem>>
    %dma_start3A_132 = tpu.memref_squeeze %dma_start3A_131 : memref<1x100x64xf32, #tpu.memory_space<vmem>> -> memref<100x64xf32, #tpu.memory_space<vmem>>
    %dma_start3A_133 = arith.constant 0 : i32
    %dma_start3A_134 = tpu.memref_slice %arg5[%dma_start3A_127, %dma_start3A_133] : memref<50x100xi32, #tpu.memory_space<vmem>> -> memref<1x100xi32, #tpu.memory_space<vmem>>
    %dma_start3A_135 = tpu.memref_squeeze %dma_start3A_134 : memref<1x100xi32, #tpu.memory_space<vmem>> -> memref<100xi32, #tpu.memory_space<vmem>>
    %dma_start3A_136 = arith.constant 0 : i32
    %dma_start3A_137 = arith.constant 0 : i32
    %dma_start3A_138 = tpu.memref_slice %arg2[%dma_start3A_136, %dma_start3A_137] : memref<10000x64xf32, #tpu.memory_space<hbm>> -> memref<10000x64xf32, #tpu.memory_space<hbm>>
    tpu.enqueue_indirect_dma source(%dma_start3A_138 : memref<10000x64xf32, #tpu.memory_space<hbm>>) target(%dma_start3A_132 : memref<100x64xf32, #tpu.memory_space<vmem>>) offsets(%dma_start3A_135 : memref<100xi32, #tpu.memory_space<vmem>>) semaphore(%arg17 : memref<!tpu.dma_semaphore, #tpu.memory_space<semaphore_mem>>)
    %dma_start3A_139 = arith.constant 8 : i32
    %dma_start3A_140 = arith.constant 8 : i32
    %dma_start3A_141 = arith.constant 0 : i32
    %dma_start3A_142 = arith.constant 0 : i32
    %dma_start3A_143 = tpu.memref_slice %arg7[%dma_start3A_140, %dma_start3A_141, %dma_start3A_142] : memref<10x100x64xf32, #tpu.memory_space<vmem>> -> memref<1x100x64xf32, #tpu.memory_space<vmem>>
    %dma_start3A_144 = tpu.memref_squeeze %dma_start3A_143 : memref<1x100x64xf32, #tpu.memory_space<vmem>> -> memref<100x64xf32, #tpu.memory_space<vmem>>
    %dma_start3A_145 = arith.constant 0 : i32
    %dma_start3A_146 = tpu.memref_slice %arg5[%dma_start3A_139, %dma_start3A_145] : memref<50x100xi32, #tpu.memory_space<vmem>> -> memref<1x100xi32, #tpu.memory_space<vmem>>
    %dma_start3A_147 = tpu.memref_squeeze %dma_start3A_146 : memref<1x100xi32, #tpu.memory_space<vmem>> -> memref<100xi32, #tpu.memory_space<vmem>>
    %dma_start3A_148 = arith.constant 0 : i32
    %dma_start3A_149 = arith.constant 0 : i32
    %dma_start3A_150 = tpu.memref_slice %arg2[%dma_start3A_148, %dma_start3A_149] : memref<10000x64xf32, #tpu.memory_space<hbm>> -> memref<10000x64xf32, #tpu.memory_space<hbm>>
    tpu.enqueue_indirect_dma source(%dma_start3A_150 : memref<10000x64xf32, #tpu.memory_space<hbm>>) target(%dma_start3A_144 : memref<100x64xf32, #tpu.memory_space<vmem>>) offsets(%dma_start3A_147 : memref<100xi32, #tpu.memory_space<vmem>>) semaphore(%arg18 : memref<!tpu.dma_semaphore, #tpu.memory_space<semaphore_mem>>)
    %dma_start3A_151 = arith.constant 9 : i32
    %dma_start3A_152 = arith.constant 9 : i32
    %dma_start3A_153 = arith.constant 0 : i32
    %dma_start3A_154 = arith.constant 0 : i32
    %dma_start3A_155 = tpu.memref_slice %arg7[%dma_start3A_152, %dma_start3A_153, %dma_start3A_154] : memref<10x100x64xf32, #tpu.memory_space<vmem>> -> memref<1x100x64xf32, #tpu.memory_space<vmem>>
    %dma_start3A_156 = tpu.memref_squeeze %dma_start3A_155 : memref<1x100x64xf32, #tpu.memory_space<vmem>> -> memref<100x64xf32, #tpu.memory_space<vmem>>
    %dma_start3A_157 = arith.constant 0 : i32
    %dma_start3A_158 = tpu.memref_slice %arg5[%dma_start3A_151, %dma_start3A_157] : memref<50x100xi32, #tpu.memory_space<vmem>> -> memref<1x100xi32, #tpu.memory_space<vmem>>
    %dma_start3A_159 = tpu.memref_squeeze %dma_start3A_158 : memref<1x100xi32, #tpu.memory_space<vmem>> -> memref<100xi32, #tpu.memory_space<vmem>>
    %dma_start3A_160 = arith.constant 0 : i32
    %dma_start3A_161 = arith.constant 0 : i32
    %dma_start3A_162 = tpu.memref_slice %arg2[%dma_start3A_160, %dma_start3A_161] : memref<10000x64xf32, #tpu.memory_space<hbm>> -> memref<10000x64xf32, #tpu.memory_space<hbm>>
    tpu.enqueue_indirect_dma source(%dma_start3A_162 : memref<10000x64xf32, #tpu.memory_space<hbm>>) target(%dma_start3A_156 : memref<100x64xf32, #tpu.memory_space<vmem>>) offsets(%dma_start3A_159 : memref<100xi32, #tpu.memory_space<vmem>>) semaphore(%arg19 : memref<!tpu.dma_semaphore, #tpu.memory_space<semaphore_mem>>)
    %scan3A = arith.constant 0 : i32
    %scan3A_163 = arith.constant 5 : i32
    %scan3A_164 = arith.addi %scan3A, %scan3A_163 : i32
    %scan3A_165 = arith.constant 1 : i32
    scf.for %scan3A_293 = %scan3A to %scan3A_164 step %scan3A_165  : i32 {
      %mul3A_294 = arith.constant 1 : i32
      %mul3A_295 = arith.muli %scan3A_293, %mul3A_294 : i32
      %add3A_296 = arith.constant 0 : i32
      %add3A_297 = arith.addi %add3A_296, %mul3A_295 : i32
      %mul3A_298 = arith.constant 10 : i32
      %mul3A_299 = arith.muli %add3A_297, %mul3A_298 : i32
      %add3A_300 = arith.constant 0 : i32
      %add3A_301 = arith.addi %mul3A_299, %add3A_300 : i32
      %dma_wait3A_302 = arith.constant 0 : i32
      %dma_wait3A_303 = arith.constant 0 : i32
      %dma_wait3A_304 = arith.constant 0 : i32
      %dma_wait3A_305 = tpu.memref_slice %arg7[%dma_wait3A_302, %dma_wait3A_303, %dma_wait3A_304] : memref<10x100x64xf32, #tpu.memory_space<vmem>> -> memref<1x100x64xf32, #tpu.memory_space<vmem>>
      %dma_wait3A_306 = tpu.memref_squeeze %dma_wait3A_305 : memref<1x100x64xf32, #tpu.memory_space<vmem>> -> memref<100x64xf32, #tpu.memory_space<vmem>>
      %dma_wait3A_307 = arith.constant 0 : i32
      %dma_wait3A_308 = tpu.memref_slice %arg5[%add3A_301, %dma_wait3A_307] : memref<50x100xi32, #tpu.memory_space<vmem>> -> memref<1x100xi32, #tpu.memory_space<vmem>>
      %dma_wait3A_309 = tpu.memref_squeeze %dma_wait3A_308 : memref<1x100xi32, #tpu.memory_space<vmem>> -> memref<100xi32, #tpu.memory_space<vmem>>
      %dma_wait3A_310 = arith.constant 0 : i32
      %dma_wait3A_311 = arith.constant 0 : i32
      %dma_wait3A_312 = tpu.memref_slice %arg2[%dma_wait3A_310, %dma_wait3A_311] : memref<10000x64xf32, #tpu.memory_space<hbm>> -> memref<10000x64xf32, #tpu.memory_space<hbm>>
      tpu.wait_indirect_dma semaphore(%arg10 : memref<!tpu.dma_semaphore, #tpu.memory_space<semaphore_mem>>) src(%dma_wait3A_312 : memref<10000x64xf32, #tpu.memory_space<hbm>>) dst(%dma_wait3A_306 : memref<100x64xf32, #tpu.memory_space<vmem>>)
      %dma_start3A_313 = arith.constant 0 : i32
      %dma_start3A_314 = arith.constant 0 : i32
      %dma_start3A_315 = arith.constant 0 : i32
      %dma_start3A_316 = tpu.memref_slice %arg7[%dma_start3A_313, %dma_start3A_314, %dma_start3A_315] : memref<10x100x64xf32, #tpu.memory_space<vmem>> -> memref<1x100x64xf32, #tpu.memory_space<vmem>>
      %dma_start3A_317 = tpu.memref_squeeze %dma_start3A_316 : memref<1x100x64xf32, #tpu.memory_space<vmem>> -> memref<100x64xf32, #tpu.memory_space<vmem>>
      %dma_start3A_318 = arith.constant 0 : i32
      %dma_start3A_319 = tpu.memref_slice %arg6[%add3A_301, %dma_start3A_318] : memref<50x100xi32, #tpu.memory_space<vmem>> -> memref<1x100xi32, #tpu.memory_space<vmem>>
      %dma_start3A_320 = tpu.memref_squeeze %dma_start3A_319 : memref<1x100xi32, #tpu.memory_space<vmem>> -> memref<100xi32, #tpu.memory_space<vmem>>
      %dma_start3A_321 = arith.constant 0 : i32
      %dma_start3A_322 = arith.constant 0 : i32
      %dma_start3A_323 = tpu.memref_slice %arg9[%dma_start3A_321, %dma_start3A_322] : memref<10000x64xf32, #tpu.memory_space<vmem_shared>> -> memref<10000x64xf32, #tpu.memory_space<vmem_shared>>
      tpu.enqueue_indirect_dma source(%dma_start3A_317 : memref<100x64xf32, #tpu.memory_space<vmem>>) target(%dma_start3A_323 : memref<10000x64xf32, #tpu.memory_space<vmem_shared>>) offsets(%dma_start3A_320 : memref<100xi32, #tpu.memory_space<vmem>>) semaphore(%arg20 : memref<!tpu.dma_semaphore, #tpu.memory_space<semaphore_mem>>) {add = true}
      %sub3A = arith.constant 2 : i32
      %sub3A_324 = arith.subi %add3A_301, %sub3A : i32
      %ge3A = arith.constant 0 : i32
      %ge3A_325 = arith.cmpi sge, %sub3A_324, %ge3A : i32
      %add3A_326 = arith.constant 10 : i32
      %add3A_327 = arith.addi %sub3A_324, %add3A_326 : i32
      %lt3A = arith.constant 50 : i32
      %lt3A_328 = arith.cmpi slt, %add3A_327, %lt3A : i32
      %and3A = arith.andi %ge3A_325, %lt3A_328 : i1
      %convert_element_type3A_329 = arith.extui %and3A : i1 to i32
      %cond3A_330 = arith.constant 0 : i32
      %cond3A_331 = arith.cmpi ne, %convert_element_type3A_329, %cond3A_330 : i32
      scf.if %cond3A_331 {
        %dma_wait3A_674 = arith.constant 8 : i32
        %dma_wait3A_675 = arith.constant 0 : i32
        %dma_wait3A_676 = arith.constant 0 : i32
        %dma_wait3A_677 = tpu.memref_slice %arg7[%dma_wait3A_674, %dma_wait3A_675, %dma_wait3A_676] : memref<10x100x64xf32, #tpu.memory_space<vmem>> -> memref<1x100x64xf32, #tpu.memory_space<vmem>>
        %dma_wait3A_678 = tpu.memref_squeeze %dma_wait3A_677 : memref<1x100x64xf32, #tpu.memory_space<vmem>> -> memref<100x64xf32, #tpu.memory_space<vmem>>
        %dma_wait3A_679 = arith.constant 0 : i32
        %dma_wait3A_680 = tpu.memref_slice %arg6[%sub3A_324, %dma_wait3A_679] : memref<50x100xi32, #tpu.memory_space<vmem>> -> memref<1x100xi32, #tpu.memory_space<vmem>>
        %dma_wait3A_681 = tpu.memref_squeeze %dma_wait3A_680 : memref<1x100xi32, #tpu.memory_space<vmem>> -> memref<100xi32, #tpu.memory_space<vmem>>
        %dma_wait3A_682 = arith.constant 0 : i32
        %dma_wait3A_683 = arith.constant 0 : i32
        %dma_wait3A_684 = tpu.memref_slice %arg9[%dma_wait3A_682, %dma_wait3A_683] : memref<10000x64xf32, #tpu.memory_space<vmem_shared>> -> memref<10000x64xf32, #tpu.memory_space<vmem_shared>>
        tpu.wait_indirect_dma semaphore(%arg28 : memref<!tpu.dma_semaphore, #tpu.memory_space<semaphore_mem>>) src(%dma_wait3A_678 : memref<100x64xf32, #tpu.memory_space<vmem>>) dst(%dma_wait3A_684 : memref<10000x64xf32, #tpu.memory_space<vmem_shared>>)
        %add3A_685 = arith.constant 10 : i32
        %add3A_686 = arith.addi %sub3A_324, %add3A_685 : i32
        %dma_start3A_687 = arith.constant 8 : i32
        %dma_start3A_688 = arith.constant 0 : i32
        %dma_start3A_689 = arith.constant 0 : i32
        %dma_start3A_690 = tpu.memref_slice %arg7[%dma_start3A_687, %dma_start3A_688, %dma_start3A_689] : memref<10x100x64xf32, #tpu.memory_space<vmem>> -> memref<1x100x64xf32, #tpu.memory_space<vmem>>
        %dma_start3A_691 = tpu.memref_squeeze %dma_start3A_690 : memref<1x100x64xf32, #tpu.memory_space<vmem>> -> memref<100x64xf32, #tpu.memory_space<vmem>>
        %dma_start3A_692 = arith.constant 0 : i32
        %dma_start3A_693 = tpu.memref_slice %arg5[%add3A_686, %dma_start3A_692] : memref<50x100xi32, #tpu.memory_space<vmem>> -> memref<1x100xi32, #tpu.memory_space<vmem>>
        %dma_start3A_694 = tpu.memref_squeeze %dma_start3A_693 : memref<1x100xi32, #tpu.memory_space<vmem>> -> memref<100xi32, #tpu.memory_space<vmem>>
        %dma_start3A_695 = arith.constant 0 : i32
        %dma_start3A_696 = arith.constant 0 : i32
        %dma_start3A_697 = tpu.memref_slice %arg2[%dma_start3A_695, %dma_start3A_696] : memref<10000x64xf32, #tpu.memory_space<hbm>> -> memref<10000x64xf32, #tpu.memory_space<hbm>>
        tpu.enqueue_indirect_dma source(%dma_start3A_697 : memref<10000x64xf32, #tpu.memory_space<hbm>>) target(%dma_start3A_691 : memref<100x64xf32, #tpu.memory_space<vmem>>) offsets(%dma_start3A_694 : memref<100xi32, #tpu.memory_space<vmem>>) semaphore(%arg18 : memref<!tpu.dma_semaphore, #tpu.memory_space<semaphore_mem>>)
      } else {
      }
      %mul3A_332 = arith.constant 10 : i32
      %mul3A_333 = arith.muli %add3A_297, %mul3A_332 : i32
      %add3A_334 = arith.constant 1 : i32
      %add3A_335 = arith.addi %mul3A_333, %add3A_334 : i32
      %dma_wait3A_336 = arith.constant 1 : i32
      %dma_wait3A_337 = arith.constant 0 : i32
      %dma_wait3A_338 = arith.constant 0 : i32
      %dma_wait3A_339 = tpu.memref_slice %arg7[%dma_wait3A_336, %dma_wait3A_337, %dma_wait3A_338] : memref<10x100x64xf32, #tpu.memory_space<vmem>> -> memref<1x100x64xf32, #tpu.memory_space<vmem>>
      %dma_wait3A_340 = tpu.memref_squeeze %dma_wait3A_339 : memref<1x100x64xf32, #tpu.memory_space<vmem>> -> memref<100x64xf32, #tpu.memory_space<vmem>>
      %dma_wait3A_341 = arith.constant 0 : i32
      %dma_wait3A_342 = tpu.memref_slice %arg5[%add3A_335, %dma_wait3A_341] : memref<50x100xi32, #tpu.memory_space<vmem>> -> memref<1x100xi32, #tpu.memory_space<vmem>>
      %dma_wait3A_343 = tpu.memref_squeeze %dma_wait3A_342 : memref<1x100xi32, #tpu.memory_space<vmem>> -> memref<100xi32, #tpu.memory_space<vmem>>
      %dma_wait3A_344 = arith.constant 0 : i32
      %dma_wait3A_345 = arith.constant 0 : i32
      %dma_wait3A_346 = tpu.memref_slice %arg2[%dma_wait3A_344, %dma_wait3A_345] : memref<10000x64xf32, #tpu.memory_space<hbm>> -> memref<10000x64xf32, #tpu.memory_space<hbm>>
      tpu.wait_indirect_dma semaphore(%arg11 : memref<!tpu.dma_semaphore, #tpu.memory_space<semaphore_mem>>) src(%dma_wait3A_346 : memref<10000x64xf32, #tpu.memory_space<hbm>>) dst(%dma_wait3A_340 : memref<100x64xf32, #tpu.memory_space<vmem>>)
      %dma_start3A_347 = arith.constant 1 : i32
      %dma_start3A_348 = arith.constant 0 : i32
      %dma_start3A_349 = arith.constant 0 : i32
      %dma_start3A_350 = tpu.memref_slice %arg7[%dma_start3A_347, %dma_start3A_348, %dma_start3A_349] : memref<10x100x64xf32, #tpu.memory_space<vmem>> -> memref<1x100x64xf32, #tpu.memory_space<vmem>>
      %dma_start3A_351 = tpu.memref_squeeze %dma_start3A_350 : memref<1x100x64xf32, #tpu.memory_space<vmem>> -> memref<100x64xf32, #tpu.memory_space<vmem>>
      %dma_start3A_352 = arith.constant 0 : i32
      %dma_start3A_353 = tpu.memref_slice %arg6[%add3A_335, %dma_start3A_352] : memref<50x100xi32, #tpu.memory_space<vmem>> -> memref<1x100xi32, #tpu.memory_space<vmem>>
      %dma_start3A_354 = tpu.memref_squeeze %dma_start3A_353 : memref<1x100xi32, #tpu.memory_space<vmem>> -> memref<100xi32, #tpu.memory_space<vmem>>
      %dma_start3A_355 = arith.constant 0 : i32
      %dma_start3A_356 = arith.constant 0 : i32
      %dma_start3A_357 = tpu.memref_slice %arg9[%dma_start3A_355, %dma_start3A_356] : memref<10000x64xf32, #tpu.memory_space<vmem_shared>> -> memref<10000x64xf32, #tpu.memory_space<vmem_shared>>
      tpu.enqueue_indirect_dma source(%dma_start3A_351 : memref<100x64xf32, #tpu.memory_space<vmem>>) target(%dma_start3A_357 : memref<10000x64xf32, #tpu.memory_space<vmem_shared>>) offsets(%dma_start3A_354 : memref<100xi32, #tpu.memory_space<vmem>>) semaphore(%arg21 : memref<!tpu.dma_semaphore, #tpu.memory_space<semaphore_mem>>) {add = true}
      %sub3A_358 = arith.constant 2 : i32
      %sub3A_359 = arith.subi %add3A_335, %sub3A_358 : i32
      %ge3A_360 = arith.constant 0 : i32
      %ge3A_361 = arith.cmpi sge, %sub3A_359, %ge3A_360 : i32
      %add3A_362 = arith.constant 10 : i32
      %add3A_363 = arith.addi %sub3A_359, %add3A_362 : i32
      %lt3A_364 = arith.constant 50 : i32
      %lt3A_365 = arith.cmpi slt, %add3A_363, %lt3A_364 : i32
      %and3A_366 = arith.andi %ge3A_361, %lt3A_365 : i1
      %convert_element_type3A_367 = arith.extui %and3A_366 : i1 to i32
      %cond3A_368 = arith.constant 0 : i32
      %cond3A_369 = arith.cmpi ne, %convert_element_type3A_367, %cond3A_368 : i32
      scf.if %cond3A_369 {
        %dma_wait3A_674 = arith.constant 9 : i32
        %dma_wait3A_675 = arith.constant 0 : i32
        %dma_wait3A_676 = arith.constant 0 : i32
        %dma_wait3A_677 = tpu.memref_slice %arg7[%dma_wait3A_674, %dma_wait3A_675, %dma_wait3A_676] : memref<10x100x64xf32, #tpu.memory_space<vmem>> -> memref<1x100x64xf32, #tpu.memory_space<vmem>>
        %dma_wait3A_678 = tpu.memref_squeeze %dma_wait3A_677 : memref<1x100x64xf32, #tpu.memory_space<vmem>> -> memref<100x64xf32, #tpu.memory_space<vmem>>
        %dma_wait3A_679 = arith.constant 0 : i32
        %dma_wait3A_680 = tpu.memref_slice %arg6[%sub3A_359, %dma_wait3A_679] : memref<50x100xi32, #tpu.memory_space<vmem>> -> memref<1x100xi32, #tpu.memory_space<vmem>>
        %dma_wait3A_681 = tpu.memref_squeeze %dma_wait3A_680 : memref<1x100xi32, #tpu.memory_space<vmem>> -> memref<100xi32, #tpu.memory_space<vmem>>
        %dma_wait3A_682 = arith.constant 0 : i32
        %dma_wait3A_683 = arith.constant 0 : i32
        %dma_wait3A_684 = tpu.memref_slice %arg9[%dma_wait3A_682, %dma_wait3A_683] : memref<10000x64xf32, #tpu.memory_space<vmem_shared>> -> memref<10000x64xf32, #tpu.memory_space<vmem_shared>>
        tpu.wait_indirect_dma semaphore(%arg29 : memref<!tpu.dma_semaphore, #tpu.memory_space<semaphore_mem>>) src(%dma_wait3A_678 : memref<100x64xf32, #tpu.memory_space<vmem>>) dst(%dma_wait3A_684 : memref<10000x64xf32, #tpu.memory_space<vmem_shared>>)
        %add3A_685 = arith.constant 10 : i32
        %add3A_686 = arith.addi %sub3A_359, %add3A_685 : i32
        %dma_start3A_687 = arith.constant 9 : i32
        %dma_start3A_688 = arith.constant 0 : i32
        %dma_start3A_689 = arith.constant 0 : i32
        %dma_start3A_690 = tpu.memref_slice %arg7[%dma_start3A_687, %dma_start3A_688, %dma_start3A_689] : memref<10x100x64xf32, #tpu.memory_space<vmem>> -> memref<1x100x64xf32, #tpu.memory_space<vmem>>
        %dma_start3A_691 = tpu.memref_squeeze %dma_start3A_690 : memref<1x100x64xf32, #tpu.memory_space<vmem>> -> memref<100x64xf32, #tpu.memory_space<vmem>>
        %dma_start3A_692 = arith.constant 0 : i32
        %dma_start3A_693 = tpu.memref_slice %arg5[%add3A_686, %dma_start3A_692] : memref<50x100xi32, #tpu.memory_space<vmem>> -> memref<1x100xi32, #tpu.memory_space<vmem>>
        %dma_start3A_694 = tpu.memref_squeeze %dma_start3A_693 : memref<1x100xi32, #tpu.memory_space<vmem>> -> memref<100xi32, #tpu.memory_space<vmem>>
        %dma_start3A_695 = arith.constant 0 : i32
        %dma_start3A_696 = arith.constant 0 : i32
        %dma_start3A_697 = tpu.memref_slice %arg2[%dma_start3A_695, %dma_start3A_696] : memref<10000x64xf32, #tpu.memory_space<hbm>> -> memref<10000x64xf32, #tpu.memory_space<hbm>>
        tpu.enqueue_indirect_dma source(%dma_start3A_697 : memref<10000x64xf32, #tpu.memory_space<hbm>>) target(%dma_start3A_691 : memref<100x64xf32, #tpu.memory_space<vmem>>) offsets(%dma_start3A_694 : memref<100xi32, #tpu.memory_space<vmem>>) semaphore(%arg19 : memref<!tpu.dma_semaphore, #tpu.memory_space<semaphore_mem>>)
      } else {
      }
      %mul3A_370 = arith.constant 10 : i32
      %mul3A_371 = arith.muli %add3A_297, %mul3A_370 : i32
      %add3A_372 = arith.constant 2 : i32
      %add3A_373 = arith.addi %mul3A_371, %add3A_372 : i32
      %dma_wait3A_374 = arith.constant 2 : i32
      %dma_wait3A_375 = arith.constant 0 : i32
      %dma_wait3A_376 = arith.constant 0 : i32
      %dma_wait3A_377 = tpu.memref_slice %arg7[%dma_wait3A_374, %dma_wait3A_375, %dma_wait3A_376] : memref<10x100x64xf32, #tpu.memory_space<vmem>> -> memref<1x100x64xf32, #tpu.memory_space<vmem>>
      %dma_wait3A_378 = tpu.memref_squeeze %dma_wait3A_377 : memref<1x100x64xf32, #tpu.memory_space<vmem>> -> memref<100x64xf32, #tpu.memory_space<vmem>>
      %dma_wait3A_379 = arith.constant 0 : i32
      %dma_wait3A_380 = tpu.memref_slice %arg5[%add3A_373, %dma_wait3A_379] : memref<50x100xi32, #tpu.memory_space<vmem>> -> memref<1x100xi32, #tpu.memory_space<vmem>>
      %dma_wait3A_381 = tpu.memref_squeeze %dma_wait3A_380 : memref<1x100xi32, #tpu.memory_space<vmem>> -> memref<100xi32, #tpu.memory_space<vmem>>
      %dma_wait3A_382 = arith.constant 0 : i32
      %dma_wait3A_383 = arith.constant 0 : i32
      %dma_wait3A_384 = tpu.memref_slice %arg2[%dma_wait3A_382, %dma_wait3A_383] : memref<10000x64xf32, #tpu.memory_space<hbm>> -> memref<10000x64xf32, #tpu.memory_space<hbm>>
      tpu.wait_indirect_dma semaphore(%arg12 : memref<!tpu.dma_semaphore, #tpu.memory_space<semaphore_mem>>) src(%dma_wait3A_384 : memref<10000x64xf32, #tpu.memory_space<hbm>>) dst(%dma_wait3A_378 : memref<100x64xf32, #tpu.memory_space<vmem>>)
      %dma_start3A_385 = arith.constant 2 : i32
      %dma_start3A_386 = arith.constant 0 : i32
      %dma_start3A_387 = arith.constant 0 : i32
      %dma_start3A_388 = tpu.memref_slice %arg7[%dma_start3A_385, %dma_start3A_386, %dma_start3A_387] : memref<10x100x64xf32, #tpu.memory_space<vmem>> -> memref<1x100x64xf32, #tpu.memory_space<vmem>>
      %dma_start3A_389 = tpu.memref_squeeze %dma_start3A_388 : memref<1x100x64xf32, #tpu.memory_space<vmem>> -> memref<100x64xf32, #tpu.memory_space<vmem>>
      %dma_start3A_390 = arith.constant 0 : i32
      %dma_start3A_391 = tpu.memref_slice %arg6[%add3A_373, %dma_start3A_390] : memref<50x100xi32, #tpu.memory_space<vmem>> -> memref<1x100xi32, #tpu.memory_space<vmem>>
      %dma_start3A_392 = tpu.memref_squeeze %dma_start3A_391 : memref<1x100xi32, #tpu.memory_space<vmem>> -> memref<100xi32, #tpu.memory_space<vmem>>
      %dma_start3A_393 = arith.constant 0 : i32
      %dma_start3A_394 = arith.constant 0 : i32
      %dma_start3A_395 = tpu.memref_slice %arg9[%dma_start3A_393, %dma_start3A_394] : memref<10000x64xf32, #tpu.memory_space<vmem_shared>> -> memref<10000x64xf32, #tpu.memory_space<vmem_shared>>
      tpu.enqueue_indirect_dma source(%dma_start3A_389 : memref<100x64xf32, #tpu.memory_space<vmem>>) target(%dma_start3A_395 : memref<10000x64xf32, #tpu.memory_space<vmem_shared>>) offsets(%dma_start3A_392 : memref<100xi32, #tpu.memory_space<vmem>>) semaphore(%arg22 : memref<!tpu.dma_semaphore, #tpu.memory_space<semaphore_mem>>) {add = true}
      %sub3A_396 = arith.constant 2 : i32
      %sub3A_397 = arith.subi %add3A_373, %sub3A_396 : i32
      %ge3A_398 = arith.constant 0 : i32
      %ge3A_399 = arith.cmpi sge, %sub3A_397, %ge3A_398 : i32
      %add3A_400 = arith.constant 10 : i32
      %add3A_401 = arith.addi %sub3A_397, %add3A_400 : i32
      %lt3A_402 = arith.constant 50 : i32
      %lt3A_403 = arith.cmpi slt, %add3A_401, %lt3A_402 : i32
      %and3A_404 = arith.andi %ge3A_399, %lt3A_403 : i1
      %convert_element_type3A_405 = arith.extui %and3A_404 : i1 to i32
      %cond3A_406 = arith.constant 0 : i32
      %cond3A_407 = arith.cmpi ne, %convert_element_type3A_405, %cond3A_406 : i32
      scf.if %cond3A_407 {
        %dma_wait3A_674 = arith.constant 0 : i32
        %dma_wait3A_675 = arith.constant 0 : i32
        %dma_wait3A_676 = arith.constant 0 : i32
        %dma_wait3A_677 = tpu.memref_slice %arg7[%dma_wait3A_674, %dma_wait3A_675, %dma_wait3A_676] : memref<10x100x64xf32, #tpu.memory_space<vmem>> -> memref<1x100x64xf32, #tpu.memory_space<vmem>>
        %dma_wait3A_678 = tpu.memref_squeeze %dma_wait3A_677 : memref<1x100x64xf32, #tpu.memory_space<vmem>> -> memref<100x64xf32, #tpu.memory_space<vmem>>
        %dma_wait3A_679 = arith.constant 0 : i32
        %dma_wait3A_680 = tpu.memref_slice %arg6[%sub3A_397, %dma_wait3A_679] : memref<50x100xi32, #tpu.memory_space<vmem>> -> memref<1x100xi32, #tpu.memory_space<vmem>>
        %dma_wait3A_681 = tpu.memref_squeeze %dma_wait3A_680 : memref<1x100xi32, #tpu.memory_space<vmem>> -> memref<100xi32, #tpu.memory_space<vmem>>
        %dma_wait3A_682 = arith.constant 0 : i32
        %dma_wait3A_683 = arith.constant 0 : i32
        %dma_wait3A_684 = tpu.memref_slice %arg9[%dma_wait3A_682, %dma_wait3A_683] : memref<10000x64xf32, #tpu.memory_space<vmem_shared>> -> memref<10000x64xf32, #tpu.memory_space<vmem_shared>>
        tpu.wait_indirect_dma semaphore(%arg20 : memref<!tpu.dma_semaphore, #tpu.memory_space<semaphore_mem>>) src(%dma_wait3A_678 : memref<100x64xf32, #tpu.memory_space<vmem>>) dst(%dma_wait3A_684 : memref<10000x64xf32, #tpu.memory_space<vmem_shared>>)
        %add3A_685 = arith.constant 10 : i32
        %add3A_686 = arith.addi %sub3A_397, %add3A_685 : i32
        %dma_start3A_687 = arith.constant 0 : i32
        %dma_start3A_688 = arith.constant 0 : i32
        %dma_start3A_689 = arith.constant 0 : i32
        %dma_start3A_690 = tpu.memref_slice %arg7[%dma_start3A_687, %dma_start3A_688, %dma_start3A_689] : memref<10x100x64xf32, #tpu.memory_space<vmem>> -> memref<1x100x64xf32, #tpu.memory_space<vmem>>
        %dma_start3A_691 = tpu.memref_squeeze %dma_start3A_690 : memref<1x100x64xf32, #tpu.memory_space<vmem>> -> memref<100x64xf32, #tpu.memory_space<vmem>>
        %dma_start3A_692 = arith.constant 0 : i32
        %dma_start3A_693 = tpu.memref_slice %arg5[%add3A_686, %dma_start3A_692] : memref<50x100xi32, #tpu.memory_space<vmem>> -> memref<1x100xi32, #tpu.memory_space<vmem>>
        %dma_start3A_694 = tpu.memref_squeeze %dma_start3A_693 : memref<1x100xi32, #tpu.memory_space<vmem>> -> memref<100xi32, #tpu.memory_space<vmem>>
        %dma_start3A_695 = arith.constant 0 : i32
        %dma_start3A_696 = arith.constant 0 : i32
        %dma_start3A_697 = tpu.memref_slice %arg2[%dma_start3A_695, %dma_start3A_696] : memref<10000x64xf32, #tpu.memory_space<hbm>> -> memref<10000x64xf32, #tpu.memory_space<hbm>>
        tpu.enqueue_indirect_dma source(%dma_start3A_697 : memref<10000x64xf32, #tpu.memory_space<hbm>>) target(%dma_start3A_691 : memref<100x64xf32, #tpu.memory_space<vmem>>) offsets(%dma_start3A_694 : memref<100xi32, #tpu.memory_space<vmem>>) semaphore(%arg10 : memref<!tpu.dma_semaphore, #tpu.memory_space<semaphore_mem>>)
      } else {
      }
      %mul3A_408 = arith.constant 10 : i32
      %mul3A_409 = arith.muli %add3A_297, %mul3A_408 : i32
      %add3A_410 = arith.constant 3 : i32
      %add3A_411 = arith.addi %mul3A_409, %add3A_410 : i32
      %dma_wait3A_412 = arith.constant 3 : i32
      %dma_wait3A_413 = arith.constant 0 : i32
      %dma_wait3A_414 = arith.constant 0 : i32
      %dma_wait3A_415 = tpu.memref_slice %arg7[%dma_wait3A_412, %dma_wait3A_413, %dma_wait3A_414] : memref<10x100x64xf32, #tpu.memory_space<vmem>> -> memref<1x100x64xf32, #tpu.memory_space<vmem>>
      %dma_wait3A_416 = tpu.memref_squeeze %dma_wait3A_415 : memref<1x100x64xf32, #tpu.memory_space<vmem>> -> memref<100x64xf32, #tpu.memory_space<vmem>>
      %dma_wait3A_417 = arith.constant 0 : i32
      %dma_wait3A_418 = tpu.memref_slice %arg5[%add3A_411, %dma_wait3A_417] : memref<50x100xi32, #tpu.memory_space<vmem>> -> memref<1x100xi32, #tpu.memory_space<vmem>>
      %dma_wait3A_419 = tpu.memref_squeeze %dma_wait3A_418 : memref<1x100xi32, #tpu.memory_space<vmem>> -> memref<100xi32, #tpu.memory_space<vmem>>
      %dma_wait3A_420 = arith.constant 0 : i32
      %dma_wait3A_421 = arith.constant 0 : i32
      %dma_wait3A_422 = tpu.memref_slice %arg2[%dma_wait3A_420, %dma_wait3A_421] : memref<10000x64xf32, #tpu.memory_space<hbm>> -> memref<10000x64xf32, #tpu.memory_space<hbm>>
      tpu.wait_indirect_dma semaphore(%arg13 : memref<!tpu.dma_semaphore, #tpu.memory_space<semaphore_mem>>) src(%dma_wait3A_422 : memref<10000x64xf32, #tpu.memory_space<hbm>>) dst(%dma_wait3A_416 : memref<100x64xf32, #tpu.memory_space<vmem>>)
      %dma_start3A_423 = arith.constant 3 : i32
      %dma_start3A_424 = arith.constant 0 : i32
      %dma_start3A_425 = arith.constant 0 : i32
      %dma_start3A_426 = tpu.memref_slice %arg7[%dma_start3A_423, %dma_start3A_424, %dma_start3A_425] : memref<10x100x64xf32, #tpu.memory_space<vmem>> -> memref<1x100x64xf32, #tpu.memory_space<vmem>>
      %dma_start3A_427 = tpu.memref_squeeze %dma_start3A_426 : memref<1x100x64xf32, #tpu.memory_space<vmem>> -> memref<100x64xf32, #tpu.memory_space<vmem>>
      %dma_start3A_428 = arith.constant 0 : i32
      %dma_start3A_429 = tpu.memref_slice %arg6[%add3A_411, %dma_start3A_428] : memref<50x100xi32, #tpu.memory_space<vmem>> -> memref<1x100xi32, #tpu.memory_space<vmem>>
      %dma_start3A_430 = tpu.memref_squeeze %dma_start3A_429 : memref<1x100xi32, #tpu.memory_space<vmem>> -> memref<100xi32, #tpu.memory_space<vmem>>
      %dma_start3A_431 = arith.constant 0 : i32
      %dma_start3A_432 = arith.constant 0 : i32
      %dma_start3A_433 = tpu.memref_slice %arg9[%dma_start3A_431, %dma_start3A_432] : memref<10000x64xf32, #tpu.memory_space<vmem_shared>> -> memref<10000x64xf32, #tpu.memory_space<vmem_shared>>
      tpu.enqueue_indirect_dma source(%dma_start3A_427 : memref<100x64xf32, #tpu.memory_space<vmem>>) target(%dma_start3A_433 : memref<10000x64xf32, #tpu.memory_space<vmem_shared>>) offsets(%dma_start3A_430 : memref<100xi32, #tpu.memory_space<vmem>>) semaphore(%arg23 : memref<!tpu.dma_semaphore, #tpu.memory_space<semaphore_mem>>) {add = true}
      %sub3A_434 = arith.constant 2 : i32
      %sub3A_435 = arith.subi %add3A_411, %sub3A_434 : i32
      %ge3A_436 = arith.constant 0 : i32
      %ge3A_437 = arith.cmpi sge, %sub3A_435, %ge3A_436 : i32
      %add3A_438 = arith.constant 10 : i32
      %add3A_439 = arith.addi %sub3A_435, %add3A_438 : i32
      %lt3A_440 = arith.constant 50 : i32
      %lt3A_441 = arith.cmpi slt, %add3A_439, %lt3A_440 : i32
      %and3A_442 = arith.andi %ge3A_437, %lt3A_441 : i1
      %convert_element_type3A_443 = arith.extui %and3A_442 : i1 to i32
      %cond3A_444 = arith.constant 0 : i32
      %cond3A_445 = arith.cmpi ne, %convert_element_type3A_443, %cond3A_444 : i32
      scf.if %cond3A_445 {
        %dma_wait3A_674 = arith.constant 1 : i32
        %dma_wait3A_675 = arith.constant 0 : i32
        %dma_wait3A_676 = arith.constant 0 : i32
        %dma_wait3A_677 = tpu.memref_slice %arg7[%dma_wait3A_674, %dma_wait3A_675, %dma_wait3A_676] : memref<10x100x64xf32, #tpu.memory_space<vmem>> -> memref<1x100x64xf32, #tpu.memory_space<vmem>>
        %dma_wait3A_678 = tpu.memref_squeeze %dma_wait3A_677 : memref<1x100x64xf32, #tpu.memory_space<vmem>> -> memref<100x64xf32, #tpu.memory_space<vmem>>
        %dma_wait3A_679 = arith.constant 0 : i32
        %dma_wait3A_680 = tpu.memref_slice %arg6[%sub3A_435, %dma_wait3A_679] : memref<50x100xi32, #tpu.memory_space<vmem>> -> memref<1x100xi32, #tpu.memory_space<vmem>>
        %dma_wait3A_681 = tpu.memref_squeeze %dma_wait3A_680 : memref<1x100xi32, #tpu.memory_space<vmem>> -> memref<100xi32, #tpu.memory_space<vmem>>
        %dma_wait3A_682 = arith.constant 0 : i32
        %dma_wait3A_683 = arith.constant 0 : i32
        %dma_wait3A_684 = tpu.memref_slice %arg9[%dma_wait3A_682, %dma_wait3A_683] : memref<10000x64xf32, #tpu.memory_space<vmem_shared>> -> memref<10000x64xf32, #tpu.memory_space<vmem_shared>>
        tpu.wait_indirect_dma semaphore(%arg21 : memref<!tpu.dma_semaphore, #tpu.memory_space<semaphore_mem>>) src(%dma_wait3A_678 : memref<100x64xf32, #tpu.memory_space<vmem>>) dst(%dma_wait3A_684 : memref<10000x64xf32, #tpu.memory_space<vmem_shared>>)
        %add3A_685 = arith.constant 10 : i32
        %add3A_686 = arith.addi %sub3A_435, %add3A_685 : i32
        %dma_start3A_687 = arith.constant 1 : i32
        %dma_start3A_688 = arith.constant 0 : i32
        %dma_start3A_689 = arith.constant 0 : i32
        %dma_start3A_690 = tpu.memref_slice %arg7[%dma_start3A_687, %dma_start3A_688, %dma_start3A_689] : memref<10x100x64xf32, #tpu.memory_space<vmem>> -> memref<1x100x64xf32, #tpu.memory_space<vmem>>
        %dma_start3A_691 = tpu.memref_squeeze %dma_start3A_690 : memref<1x100x64xf32, #tpu.memory_space<vmem>> -> memref<100x64xf32, #tpu.memory_space<vmem>>
        %dma_start3A_692 = arith.constant 0 : i32
        %dma_start3A_693 = tpu.memref_slice %arg5[%add3A_686, %dma_start3A_692] : memref<50x100xi32, #tpu.memory_space<vmem>> -> memref<1x100xi32, #tpu.memory_space<vmem>>
        %dma_start3A_694 = tpu.memref_squeeze %dma_start3A_693 : memref<1x100xi32, #tpu.memory_space<vmem>> -> memref<100xi32, #tpu.memory_space<vmem>>
        %dma_start3A_695 = arith.constant 0 : i32
        %dma_start3A_696 = arith.constant 0 : i32
        %dma_start3A_697 = tpu.memref_slice %arg2[%dma_start3A_695, %dma_start3A_696] : memref<10000x64xf32, #tpu.memory_space<hbm>> -> memref<10000x64xf32, #tpu.memory_space<hbm>>
        tpu.enqueue_indirect_dma source(%dma_start3A_697 : memref<10000x64xf32, #tpu.memory_space<hbm>>) target(%dma_start3A_691 : memref<100x64xf32, #tpu.memory_space<vmem>>) offsets(%dma_start3A_694 : memref<100xi32, #tpu.memory_space<vmem>>) semaphore(%arg11 : memref<!tpu.dma_semaphore, #tpu.memory_space<semaphore_mem>>)
      } else {
      }
      %mul3A_446 = arith.constant 10 : i32
      %mul3A_447 = arith.muli %add3A_297, %mul3A_446 : i32
      %add3A_448 = arith.constant 4 : i32
      %add3A_449 = arith.addi %mul3A_447, %add3A_448 : i32
      %dma_wait3A_450 = arith.constant 4 : i32
      %dma_wait3A_451 = arith.constant 0 : i32
      %dma_wait3A_452 = arith.constant 0 : i32
      %dma_wait3A_453 = tpu.memref_slice %arg7[%dma_wait3A_450, %dma_wait3A_451, %dma_wait3A_452] : memref<10x100x64xf32, #tpu.memory_space<vmem>> -> memref<1x100x64xf32, #tpu.memory_space<vmem>>
      %dma_wait3A_454 = tpu.memref_squeeze %dma_wait3A_453 : memref<1x100x64xf32, #tpu.memory_space<vmem>> -> memref<100x64xf32, #tpu.memory_space<vmem>>
      %dma_wait3A_455 = arith.constant 0 : i32
      %dma_wait3A_456 = tpu.memref_slice %arg5[%add3A_449, %dma_wait3A_455] : memref<50x100xi32, #tpu.memory_space<vmem>> -> memref<1x100xi32, #tpu.memory_space<vmem>>
      %dma_wait3A_457 = tpu.memref_squeeze %dma_wait3A_456 : memref<1x100xi32, #tpu.memory_space<vmem>> -> memref<100xi32, #tpu.memory_space<vmem>>
      %dma_wait3A_458 = arith.constant 0 : i32
      %dma_wait3A_459 = arith.constant 0 : i32
      %dma_wait3A_460 = tpu.memref_slice %arg2[%dma_wait3A_458, %dma_wait3A_459] : memref<10000x64xf32, #tpu.memory_space<hbm>> -> memref<10000x64xf32, #tpu.memory_space<hbm>>
      tpu.wait_indirect_dma semaphore(%arg14 : memref<!tpu.dma_semaphore, #tpu.memory_space<semaphore_mem>>) src(%dma_wait3A_460 : memref<10000x64xf32, #tpu.memory_space<hbm>>) dst(%dma_wait3A_454 : memref<100x64xf32, #tpu.memory_space<vmem>>)
      %dma_start3A_461 = arith.constant 4 : i32
      %dma_start3A_462 = arith.constant 0 : i32
      %dma_start3A_463 = arith.constant 0 : i32
      %dma_start3A_464 = tpu.memref_slice %arg7[%dma_start3A_461, %dma_start3A_462, %dma_start3A_463] : memref<10x100x64xf32, #tpu.memory_space<vmem>> -> memref<1x100x64xf32, #tpu.memory_space<vmem>>
      %dma_start3A_465 = tpu.memref_squeeze %dma_start3A_464 : memref<1x100x64xf32, #tpu.memory_space<vmem>> -> memref<100x64xf32, #tpu.memory_space<vmem>>
      %dma_start3A_466 = arith.constant 0 : i32
      %dma_start3A_467 = tpu.memref_slice %arg6[%add3A_449, %dma_start3A_466] : memref<50x100xi32, #tpu.memory_space<vmem>> -> memref<1x100xi32, #tpu.memory_space<vmem>>
      %dma_start3A_468 = tpu.memref_squeeze %dma_start3A_467 : memref<1x100xi32, #tpu.memory_space<vmem>> -> memref<100xi32, #tpu.memory_space<vmem>>
      %dma_start3A_469 = arith.constant 0 : i32
      %dma_start3A_470 = arith.constant 0 : i32
      %dma_start3A_471 = tpu.memref_slice %arg9[%dma_start3A_469, %dma_start3A_470] : memref<10000x64xf32, #tpu.memory_space<vmem_shared>> -> memref<10000x64xf32, #tpu.memory_space<vmem_shared>>
      tpu.enqueue_indirect_dma source(%dma_start3A_465 : memref<100x64xf32, #tpu.memory_space<vmem>>) target(%dma_start3A_471 : memref<10000x64xf32, #tpu.memory_space<vmem_shared>>) offsets(%dma_start3A_468 : memref<100xi32, #tpu.memory_space<vmem>>) semaphore(%arg24 : memref<!tpu.dma_semaphore, #tpu.memory_space<semaphore_mem>>) {add = true}
      %sub3A_472 = arith.constant 2 : i32
      %sub3A_473 = arith.subi %add3A_449, %sub3A_472 : i32
      %ge3A_474 = arith.constant 0 : i32
      %ge3A_475 = arith.cmpi sge, %sub3A_473, %ge3A_474 : i32
      %add3A_476 = arith.constant 10 : i32
      %add3A_477 = arith.addi %sub3A_473, %add3A_476 : i32
      %lt3A_478 = arith.constant 50 : i32
      %lt3A_479 = arith.cmpi slt, %add3A_477, %lt3A_478 : i32
      %and3A_480 = arith.andi %ge3A_475, %lt3A_479 : i1
      %convert_element_type3A_481 = arith.extui %and3A_480 : i1 to i32
      %cond3A_482 = arith.constant 0 : i32
      %cond3A_483 = arith.cmpi ne, %convert_element_type3A_481, %cond3A_482 : i32
      scf.if %cond3A_483 {
        %dma_wait3A_674 = arith.constant 2 : i32
        %dma_wait3A_675 = arith.constant 0 : i32
        %dma_wait3A_676 = arith.constant 0 : i32
        %dma_wait3A_677 = tpu.memref_slice %arg7[%dma_wait3A_674, %dma_wait3A_675, %dma_wait3A_676] : memref<10x100x64xf32, #tpu.memory_space<vmem>> -> memref<1x100x64xf32, #tpu.memory_space<vmem>>
        %dma_wait3A_678 = tpu.memref_squeeze %dma_wait3A_677 : memref<1x100x64xf32, #tpu.memory_space<vmem>> -> memref<100x64xf32, #tpu.memory_space<vmem>>
        %dma_wait3A_679 = arith.constant 0 : i32
        %dma_wait3A_680 = tpu.memref_slice %arg6[%sub3A_473, %dma_wait3A_679] : memref<50x100xi32, #tpu.memory_space<vmem>> -> memref<1x100xi32, #tpu.memory_space<vmem>>
        %dma_wait3A_681 = tpu.memref_squeeze %dma_wait3A_680 : memref<1x100xi32, #tpu.memory_space<vmem>> -> memref<100xi32, #tpu.memory_space<vmem>>
        %dma_wait3A_682 = arith.constant 0 : i32
        %dma_wait3A_683 = arith.constant 0 : i32
        %dma_wait3A_684 = tpu.memref_slice %arg9[%dma_wait3A_682, %dma_wait3A_683] : memref<10000x64xf32, #tpu.memory_space<vmem_shared>> -> memref<10000x64xf32, #tpu.memory_space<vmem_shared>>
        tpu.wait_indirect_dma semaphore(%arg22 : memref<!tpu.dma_semaphore, #tpu.memory_space<semaphore_mem>>) src(%dma_wait3A_678 : memref<100x64xf32, #tpu.memory_space<vmem>>) dst(%dma_wait3A_684 : memref<10000x64xf32, #tpu.memory_space<vmem_shared>>)
        %add3A_685 = arith.constant 10 : i32
        %add3A_686 = arith.addi %sub3A_473, %add3A_685 : i32
        %dma_start3A_687 = arith.constant 2 : i32
        %dma_start3A_688 = arith.constant 0 : i32
        %dma_start3A_689 = arith.constant 0 : i32
        %dma_start3A_690 = tpu.memref_slice %arg7[%dma_start3A_687, %dma_start3A_688, %dma_start3A_689] : memref<10x100x64xf32, #tpu.memory_space<vmem>> -> memref<1x100x64xf32, #tpu.memory_space<vmem>>
        %dma_start3A_691 = tpu.memref_squeeze %dma_start3A_690 : memref<1x100x64xf32, #tpu.memory_space<vmem>> -> memref<100x64xf32, #tpu.memory_space<vmem>>
        %dma_start3A_692 = arith.constant 0 : i32
        %dma_start3A_693 = tpu.memref_slice %arg5[%add3A_686, %dma_start3A_692] : memref<50x100xi32, #tpu.memory_space<vmem>> -> memref<1x100xi32, #tpu.memory_space<vmem>>
        %dma_start3A_694 = tpu.memref_squeeze %dma_start3A_693 : memref<1x100xi32, #tpu.memory_space<vmem>> -> memref<100xi32, #tpu.memory_space<vmem>>
        %dma_start3A_695 = arith.constant 0 : i32
        %dma_start3A_696 = arith.constant 0 : i32
        %dma_start3A_697 = tpu.memref_slice %arg2[%dma_start3A_695, %dma_start3A_696] : memref<10000x64xf32, #tpu.memory_space<hbm>> -> memref<10000x64xf32, #tpu.memory_space<hbm>>
        tpu.enqueue_indirect_dma source(%dma_start3A_697 : memref<10000x64xf32, #tpu.memory_space<hbm>>) target(%dma_start3A_691 : memref<100x64xf32, #tpu.memory_space<vmem>>) offsets(%dma_start3A_694 : memref<100xi32, #tpu.memory_space<vmem>>) semaphore(%arg12 : memref<!tpu.dma_semaphore, #tpu.memory_space<semaphore_mem>>)
      } else {
      }
      %mul3A_484 = arith.constant 10 : i32
      %mul3A_485 = arith.muli %add3A_297, %mul3A_484 : i32
      %add3A_486 = arith.constant 5 : i32
      %add3A_487 = arith.addi %mul3A_485, %add3A_486 : i32
      %dma_wait3A_488 = arith.constant 5 : i32
      %dma_wait3A_489 = arith.constant 0 : i32
      %dma_wait3A_490 = arith.constant 0 : i32
      %dma_wait3A_491 = tpu.memref_slice %arg7[%dma_wait3A_488, %dma_wait3A_489, %dma_wait3A_490] : memref<10x100x64xf32, #tpu.memory_space<vmem>> -> memref<1x100x64xf32, #tpu.memory_space<vmem>>
      %dma_wait3A_492 = tpu.memref_squeeze %dma_wait3A_491 : memref<1x100x64xf32, #tpu.memory_space<vmem>> -> memref<100x64xf32, #tpu.memory_space<vmem>>
      %dma_wait3A_493 = arith.constant 0 : i32
      %dma_wait3A_494 = tpu.memref_slice %arg5[%add3A_487, %dma_wait3A_493] : memref<50x100xi32, #tpu.memory_space<vmem>> -> memref<1x100xi32, #tpu.memory_space<vmem>>
      %dma_wait3A_495 = tpu.memref_squeeze %dma_wait3A_494 : memref<1x100xi32, #tpu.memory_space<vmem>> -> memref<100xi32, #tpu.memory_space<vmem>>
      %dma_wait3A_496 = arith.constant 0 : i32
      %dma_wait3A_497 = arith.constant 0 : i32
      %dma_wait3A_498 = tpu.memref_slice %arg2[%dma_wait3A_496, %dma_wait3A_497] : memref<10000x64xf32, #tpu.memory_space<hbm>> -> memref<10000x64xf32, #tpu.memory_space<hbm>>
      tpu.wait_indirect_dma semaphore(%arg15 : memref<!tpu.dma_semaphore, #tpu.memory_space<semaphore_mem>>) src(%dma_wait3A_498 : memref<10000x64xf32, #tpu.memory_space<hbm>>) dst(%dma_wait3A_492 : memref<100x64xf32, #tpu.memory_space<vmem>>)
      %dma_start3A_499 = arith.constant 5 : i32
      %dma_start3A_500 = arith.constant 0 : i32
      %dma_start3A_501 = arith.constant 0 : i32
      %dma_start3A_502 = tpu.memref_slice %arg7[%dma_start3A_499, %dma_start3A_500, %dma_start3A_501] : memref<10x100x64xf32, #tpu.memory_space<vmem>> -> memref<1x100x64xf32, #tpu.memory_space<vmem>>
      %dma_start3A_503 = tpu.memref_squeeze %dma_start3A_502 : memref<1x100x64xf32, #tpu.memory_space<vmem>> -> memref<100x64xf32, #tpu.memory_space<vmem>>
      %dma_start3A_504 = arith.constant 0 : i32
      %dma_start3A_505 = tpu.memref_slice %arg6[%add3A_487, %dma_start3A_504] : memref<50x100xi32, #tpu.memory_space<vmem>> -> memref<1x100xi32, #tpu.memory_space<vmem>>
      %dma_start3A_506 = tpu.memref_squeeze %dma_start3A_505 : memref<1x100xi32, #tpu.memory_space<vmem>> -> memref<100xi32, #tpu.memory_space<vmem>>
      %dma_start3A_507 = arith.constant 0 : i32
      %dma_start3A_508 = arith.constant 0 : i32
      %dma_start3A_509 = tpu.memref_slice %arg9[%dma_start3A_507, %dma_start3A_508] : memref<10000x64xf32, #tpu.memory_space<vmem_shared>> -> memref<10000x64xf32, #tpu.memory_space<vmem_shared>>
      tpu.enqueue_indirect_dma source(%dma_start3A_503 : memref<100x64xf32, #tpu.memory_space<vmem>>) target(%dma_start3A_509 : memref<10000x64xf32, #tpu.memory_space<vmem_shared>>) offsets(%dma_start3A_506 : memref<100xi32, #tpu.memory_space<vmem>>) semaphore(%arg25 : memref<!tpu.dma_semaphore, #tpu.memory_space<semaphore_mem>>) {add = true}
      %sub3A_510 = arith.constant 2 : i32
      %sub3A_511 = arith.subi %add3A_487, %sub3A_510 : i32
      %ge3A_512 = arith.constant 0 : i32
      %ge3A_513 = arith.cmpi sge, %sub3A_511, %ge3A_512 : i32
      %add3A_514 = arith.constant 10 : i32
      %add3A_515 = arith.addi %sub3A_511, %add3A_514 : i32
      %lt3A_516 = arith.constant 50 : i32
      %lt3A_517 = arith.cmpi slt, %add3A_515, %lt3A_516 : i32
      %and3A_518 = arith.andi %ge3A_513, %lt3A_517 : i1
      %convert_element_type3A_519 = arith.extui %and3A_518 : i1 to i32
      %cond3A_520 = arith.constant 0 : i32
      %cond3A_521 = arith.cmpi ne, %convert_element_type3A_519, %cond3A_520 : i32
      scf.if %cond3A_521 {
        %dma_wait3A_674 = arith.constant 3 : i32
        %dma_wait3A_675 = arith.constant 0 : i32
        %dma_wait3A_676 = arith.constant 0 : i32
        %dma_wait3A_677 = tpu.memref_slice %arg7[%dma_wait3A_674, %dma_wait3A_675, %dma_wait3A_676] : memref<10x100x64xf32, #tpu.memory_space<vmem>> -> memref<1x100x64xf32, #tpu.memory_space<vmem>>
        %dma_wait3A_678 = tpu.memref_squeeze %dma_wait3A_677 : memref<1x100x64xf32, #tpu.memory_space<vmem>> -> memref<100x64xf32, #tpu.memory_space<vmem>>
        %dma_wait3A_679 = arith.constant 0 : i32
        %dma_wait3A_680 = tpu.memref_slice %arg6[%sub3A_511, %dma_wait3A_679] : memref<50x100xi32, #tpu.memory_space<vmem>> -> memref<1x100xi32, #tpu.memory_space<vmem>>
        %dma_wait3A_681 = tpu.memref_squeeze %dma_wait3A_680 : memref<1x100xi32, #tpu.memory_space<vmem>> -> memref<100xi32, #tpu.memory_space<vmem>>
        %dma_wait3A_682 = arith.constant 0 : i32
        %dma_wait3A_683 = arith.constant 0 : i32
        %dma_wait3A_684 = tpu.memref_slice %arg9[%dma_wait3A_682, %dma_wait3A_683] : memref<10000x64xf32, #tpu.memory_space<vmem_shared>> -> memref<10000x64xf32, #tpu.memory_space<vmem_shared>>
        tpu.wait_indirect_dma semaphore(%arg23 : memref<!tpu.dma_semaphore, #tpu.memory_space<semaphore_mem>>) src(%dma_wait3A_678 : memref<100x64xf32, #tpu.memory_space<vmem>>) dst(%dma_wait3A_684 : memref<10000x64xf32, #tpu.memory_space<vmem_shared>>)
        %add3A_685 = arith.constant 10 : i32
        %add3A_686 = arith.addi %sub3A_511, %add3A_685 : i32
        %dma_start3A_687 = arith.constant 3 : i32
        %dma_start3A_688 = arith.constant 0 : i32
        %dma_start3A_689 = arith.constant 0 : i32
        %dma_start3A_690 = tpu.memref_slice %arg7[%dma_start3A_687, %dma_start3A_688, %dma_start3A_689] : memref<10x100x64xf32, #tpu.memory_space<vmem>> -> memref<1x100x64xf32, #tpu.memory_space<vmem>>
        %dma_start3A_691 = tpu.memref_squeeze %dma_start3A_690 : memref<1x100x64xf32, #tpu.memory_space<vmem>> -> memref<100x64xf32, #tpu.memory_space<vmem>>
        %dma_start3A_692 = arith.constant 0 : i32
        %dma_start3A_693 = tpu.memref_slice %arg5[%add3A_686, %dma_start3A_692] : memref<50x100xi32, #tpu.memory_space<vmem>> -> memref<1x100xi32, #tpu.memory_space<vmem>>
        %dma_start3A_694 = tpu.memref_squeeze %dma_start3A_693 : memref<1x100xi32, #tpu.memory_space<vmem>> -> memref<100xi32, #tpu.memory_space<vmem>>
        %dma_start3A_695 = arith.constant 0 : i32
        %dma_start3A_696 = arith.constant 0 : i32
        %dma_start3A_697 = tpu.memref_slice %arg2[%dma_start3A_695, %dma_start3A_696] : memref<10000x64xf32, #tpu.memory_space<hbm>> -> memref<10000x64xf32, #tpu.memory_space<hbm>>
        tpu.enqueue_indirect_dma source(%dma_start3A_697 : memref<10000x64xf32, #tpu.memory_space<hbm>>) target(%dma_start3A_691 : memref<100x64xf32, #tpu.memory_space<vmem>>) offsets(%dma_start3A_694 : memref<100xi32, #tpu.memory_space<vmem>>) semaphore(%arg13 : memref<!tpu.dma_semaphore, #tpu.memory_space<semaphore_mem>>)
      } else {
      }
      %mul3A_522 = arith.constant 10 : i32
      %mul3A_523 = arith.muli %add3A_297, %mul3A_522 : i32
      %add3A_524 = arith.constant 6 : i32
      %add3A_525 = arith.addi %mul3A_523, %add3A_524 : i32
      %dma_wait3A_526 = arith.constant 6 : i32
      %dma_wait3A_527 = arith.constant 0 : i32
      %dma_wait3A_528 = arith.constant 0 : i32
      %dma_wait3A_529 = tpu.memref_slice %arg7[%dma_wait3A_526, %dma_wait3A_527, %dma_wait3A_528] : memref<10x100x64xf32, #tpu.memory_space<vmem>> -> memref<1x100x64xf32, #tpu.memory_space<vmem>>
      %dma_wait3A_530 = tpu.memref_squeeze %dma_wait3A_529 : memref<1x100x64xf32, #tpu.memory_space<vmem>> -> memref<100x64xf32, #tpu.memory_space<vmem>>
      %dma_wait3A_531 = arith.constant 0 : i32
      %dma_wait3A_532 = tpu.memref_slice %arg5[%add3A_525, %dma_wait3A_531] : memref<50x100xi32, #tpu.memory_space<vmem>> -> memref<1x100xi32, #tpu.memory_space<vmem>>
      %dma_wait3A_533 = tpu.memref_squeeze %dma_wait3A_532 : memref<1x100xi32, #tpu.memory_space<vmem>> -> memref<100xi32, #tpu.memory_space<vmem>>
      %dma_wait3A_534 = arith.constant 0 : i32
      %dma_wait3A_535 = arith.constant 0 : i32
      %dma_wait3A_536 = tpu.memref_slice %arg2[%dma_wait3A_534, %dma_wait3A_535] : memref<10000x64xf32, #tpu.memory_space<hbm>> -> memref<10000x64xf32, #tpu.memory_space<hbm>>
      tpu.wait_indirect_dma semaphore(%arg16 : memref<!tpu.dma_semaphore, #tpu.memory_space<semaphore_mem>>) src(%dma_wait3A_536 : memref<10000x64xf32, #tpu.memory_space<hbm>>) dst(%dma_wait3A_530 : memref<100x64xf32, #tpu.memory_space<vmem>>)
      %dma_start3A_537 = arith.constant 6 : i32
      %dma_start3A_538 = arith.constant 0 : i32
      %dma_start3A_539 = arith.constant 0 : i32
      %dma_start3A_540 = tpu.memref_slice %arg7[%dma_start3A_537, %dma_start3A_538, %dma_start3A_539] : memref<10x100x64xf32, #tpu.memory_space<vmem>> -> memref<1x100x64xf32, #tpu.memory_space<vmem>>
      %dma_start3A_541 = tpu.memref_squeeze %dma_start3A_540 : memref<1x100x64xf32, #tpu.memory_space<vmem>> -> memref<100x64xf32, #tpu.memory_space<vmem>>
      %dma_start3A_542 = arith.constant 0 : i32
      %dma_start3A_543 = tpu.memref_slice %arg6[%add3A_525, %dma_start3A_542] : memref<50x100xi32, #tpu.memory_space<vmem>> -> memref<1x100xi32, #tpu.memory_space<vmem>>
      %dma_start3A_544 = tpu.memref_squeeze %dma_start3A_543 : memref<1x100xi32, #tpu.memory_space<vmem>> -> memref<100xi32, #tpu.memory_space<vmem>>
      %dma_start3A_545 = arith.constant 0 : i32
      %dma_start3A_546 = arith.constant 0 : i32
      %dma_start3A_547 = tpu.memref_slice %arg9[%dma_start3A_545, %dma_start3A_546] : memref<10000x64xf32, #tpu.memory_space<vmem_shared>> -> memref<10000x64xf32, #tpu.memory_space<vmem_shared>>
      tpu.enqueue_indirect_dma source(%dma_start3A_541 : memref<100x64xf32, #tpu.memory_space<vmem>>) target(%dma_start3A_547 : memref<10000x64xf32, #tpu.memory_space<vmem_shared>>) offsets(%dma_start3A_544 : memref<100xi32, #tpu.memory_space<vmem>>) semaphore(%arg26 : memref<!tpu.dma_semaphore, #tpu.memory_space<semaphore_mem>>) {add = true}
      %sub3A_548 = arith.constant 2 : i32
      %sub3A_549 = arith.subi %add3A_525, %sub3A_548 : i32
      %ge3A_550 = arith.constant 0 : i32
      %ge3A_551 = arith.cmpi sge, %sub3A_549, %ge3A_550 : i32
      %add3A_552 = arith.constant 10 : i32
      %add3A_553 = arith.addi %sub3A_549, %add3A_552 : i32
      %lt3A_554 = arith.constant 50 : i32
      %lt3A_555 = arith.cmpi slt, %add3A_553, %lt3A_554 : i32
      %and3A_556 = arith.andi %ge3A_551, %lt3A_555 : i1
      %convert_element_type3A_557 = arith.extui %and3A_556 : i1 to i32
      %cond3A_558 = arith.constant 0 : i32
      %cond3A_559 = arith.cmpi ne, %convert_element_type3A_557, %cond3A_558 : i32
      scf.if %cond3A_559 {
        %dma_wait3A_674 = arith.constant 4 : i32
        %dma_wait3A_675 = arith.constant 0 : i32
        %dma_wait3A_676 = arith.constant 0 : i32
        %dma_wait3A_677 = tpu.memref_slice %arg7[%dma_wait3A_674, %dma_wait3A_675, %dma_wait3A_676] : memref<10x100x64xf32, #tpu.memory_space<vmem>> -> memref<1x100x64xf32, #tpu.memory_space<vmem>>
        %dma_wait3A_678 = tpu.memref_squeeze %dma_wait3A_677 : memref<1x100x64xf32, #tpu.memory_space<vmem>> -> memref<100x64xf32, #tpu.memory_space<vmem>>
        %dma_wait3A_679 = arith.constant 0 : i32
        %dma_wait3A_680 = tpu.memref_slice %arg6[%sub3A_549, %dma_wait3A_679] : memref<50x100xi32, #tpu.memory_space<vmem>> -> memref<1x100xi32, #tpu.memory_space<vmem>>
        %dma_wait3A_681 = tpu.memref_squeeze %dma_wait3A_680 : memref<1x100xi32, #tpu.memory_space<vmem>> -> memref<100xi32, #tpu.memory_space<vmem>>
        %dma_wait3A_682 = arith.constant 0 : i32
        %dma_wait3A_683 = arith.constant 0 : i32
        %dma_wait3A_684 = tpu.memref_slice %arg9[%dma_wait3A_682, %dma_wait3A_683] : memref<10000x64xf32, #tpu.memory_space<vmem_shared>> -> memref<10000x64xf32, #tpu.memory_space<vmem_shared>>
        tpu.wait_indirect_dma semaphore(%arg24 : memref<!tpu.dma_semaphore, #tpu.memory_space<semaphore_mem>>) src(%dma_wait3A_678 : memref<100x64xf32, #tpu.memory_space<vmem>>) dst(%dma_wait3A_684 : memref<10000x64xf32, #tpu.memory_space<vmem_shared>>)
        %add3A_685 = arith.constant 10 : i32
        %add3A_686 = arith.addi %sub3A_549, %add3A_685 : i32
        %dma_start3A_687 = arith.constant 4 : i32
        %dma_start3A_688 = arith.constant 0 : i32
        %dma_start3A_689 = arith.constant 0 : i32
        %dma_start3A_690 = tpu.memref_slice %arg7[%dma_start3A_687, %dma_start3A_688, %dma_start3A_689] : memref<10x100x64xf32, #tpu.memory_space<vmem>> -> memref<1x100x64xf32, #tpu.memory_space<vmem>>
        %dma_start3A_691 = tpu.memref_squeeze %dma_start3A_690 : memref<1x100x64xf32, #tpu.memory_space<vmem>> -> memref<100x64xf32, #tpu.memory_space<vmem>>
        %dma_start3A_692 = arith.constant 0 : i32
        %dma_start3A_693 = tpu.memref_slice %arg5[%add3A_686, %dma_start3A_692] : memref<50x100xi32, #tpu.memory_space<vmem>> -> memref<1x100xi32, #tpu.memory_space<vmem>>
        %dma_start3A_694 = tpu.memref_squeeze %dma_start3A_693 : memref<1x100xi32, #tpu.memory_space<vmem>> -> memref<100xi32, #tpu.memory_space<vmem>>
        %dma_start3A_695 = arith.constant 0 : i32
        %dma_start3A_696 = arith.constant 0 : i32
        %dma_start3A_697 = tpu.memref_slice %arg2[%dma_start3A_695, %dma_start3A_696] : memref<10000x64xf32, #tpu.memory_space<hbm>> -> memref<10000x64xf32, #tpu.memory_space<hbm>>
        tpu.enqueue_indirect_dma source(%dma_start3A_697 : memref<10000x64xf32, #tpu.memory_space<hbm>>) target(%dma_start3A_691 : memref<100x64xf32, #tpu.memory_space<vmem>>) offsets(%dma_start3A_694 : memref<100xi32, #tpu.memory_space<vmem>>) semaphore(%arg14 : memref<!tpu.dma_semaphore, #tpu.memory_space<semaphore_mem>>)
      } else {
      }
      %mul3A_560 = arith.constant 10 : i32
      %mul3A_561 = arith.muli %add3A_297, %mul3A_560 : i32
      %add3A_562 = arith.constant 7 : i32
      %add3A_563 = arith.addi %mul3A_561, %add3A_562 : i32
      %dma_wait3A_564 = arith.constant 7 : i32
      %dma_wait3A_565 = arith.constant 0 : i32
      %dma_wait3A_566 = arith.constant 0 : i32
      %dma_wait3A_567 = tpu.memref_slice %arg7[%dma_wait3A_564, %dma_wait3A_565, %dma_wait3A_566] : memref<10x100x64xf32, #tpu.memory_space<vmem>> -> memref<1x100x64xf32, #tpu.memory_space<vmem>>
      %dma_wait3A_568 = tpu.memref_squeeze %dma_wait3A_567 : memref<1x100x64xf32, #tpu.memory_space<vmem>> -> memref<100x64xf32, #tpu.memory_space<vmem>>
      %dma_wait3A_569 = arith.constant 0 : i32
      %dma_wait3A_570 = tpu.memref_slice %arg5[%add3A_563, %dma_wait3A_569] : memref<50x100xi32, #tpu.memory_space<vmem>> -> memref<1x100xi32, #tpu.memory_space<vmem>>
      %dma_wait3A_571 = tpu.memref_squeeze %dma_wait3A_570 : memref<1x100xi32, #tpu.memory_space<vmem>> -> memref<100xi32, #tpu.memory_space<vmem>>
      %dma_wait3A_572 = arith.constant 0 : i32
      %dma_wait3A_573 = arith.constant 0 : i32
      %dma_wait3A_574 = tpu.memref_slice %arg2[%dma_wait3A_572, %dma_wait3A_573] : memref<10000x64xf32, #tpu.memory_space<hbm>> -> memref<10000x64xf32, #tpu.memory_space<hbm>>
      tpu.wait_indirect_dma semaphore(%arg17 : memref<!tpu.dma_semaphore, #tpu.memory_space<semaphore_mem>>) src(%dma_wait3A_574 : memref<10000x64xf32, #tpu.memory_space<hbm>>) dst(%dma_wait3A_568 : memref<100x64xf32, #tpu.memory_space<vmem>>)
      %dma_start3A_575 = arith.constant 7 : i32
      %dma_start3A_576 = arith.constant 0 : i32
      %dma_start3A_577 = arith.constant 0 : i32
      %dma_start3A_578 = tpu.memref_slice %arg7[%dma_start3A_575, %dma_start3A_576, %dma_start3A_577] : memref<10x100x64xf32, #tpu.memory_space<vmem>> -> memref<1x100x64xf32, #tpu.memory_space<vmem>>
      %dma_start3A_579 = tpu.memref_squeeze %dma_start3A_578 : memref<1x100x64xf32, #tpu.memory_space<vmem>> -> memref<100x64xf32, #tpu.memory_space<vmem>>
      %dma_start3A_580 = arith.constant 0 : i32
      %dma_start3A_581 = tpu.memref_slice %arg6[%add3A_563, %dma_start3A_580] : memref<50x100xi32, #tpu.memory_space<vmem>> -> memref<1x100xi32, #tpu.memory_space<vmem>>
      %dma_start3A_582 = tpu.memref_squeeze %dma_start3A_581 : memref<1x100xi32, #tpu.memory_space<vmem>> -> memref<100xi32, #tpu.memory_space<vmem>>
      %dma_start3A_583 = arith.constant 0 : i32
      %dma_start3A_584 = arith.constant 0 : i32
      %dma_start3A_585 = tpu.memref_slice %arg9[%dma_start3A_583, %dma_start3A_584] : memref<10000x64xf32, #tpu.memory_space<vmem_shared>> -> memref<10000x64xf32, #tpu.memory_space<vmem_shared>>
      tpu.enqueue_indirect_dma source(%dma_start3A_579 : memref<100x64xf32, #tpu.memory_space<vmem>>) target(%dma_start3A_585 : memref<10000x64xf32, #tpu.memory_space<vmem_shared>>) offsets(%dma_start3A_582 : memref<100xi32, #tpu.memory_space<vmem>>) semaphore(%arg27 : memref<!tpu.dma_semaphore, #tpu.memory_space<semaphore_mem>>) {add = true}
      %sub3A_586 = arith.constant 2 : i32
      %sub3A_587 = arith.subi %add3A_563, %sub3A_586 : i32
      %ge3A_588 = arith.constant 0 : i32
      %ge3A_589 = arith.cmpi sge, %sub3A_587, %ge3A_588 : i32
      %add3A_590 = arith.constant 10 : i32
      %add3A_591 = arith.addi %sub3A_587, %add3A_590 : i32
      %lt3A_592 = arith.constant 50 : i32
      %lt3A_593 = arith.cmpi slt, %add3A_591, %lt3A_592 : i32
      %and3A_594 = arith.andi %ge3A_589, %lt3A_593 : i1
      %convert_element_type3A_595 = arith.extui %and3A_594 : i1 to i32
      %cond3A_596 = arith.constant 0 : i32
      %cond3A_597 = arith.cmpi ne, %convert_element_type3A_595, %cond3A_596 : i32
      scf.if %cond3A_597 {
        %dma_wait3A_674 = arith.constant 5 : i32
        %dma_wait3A_675 = arith.constant 0 : i32
        %dma_wait3A_676 = arith.constant 0 : i32
        %dma_wait3A_677 = tpu.memref_slice %arg7[%dma_wait3A_674, %dma_wait3A_675, %dma_wait3A_676] : memref<10x100x64xf32, #tpu.memory_space<vmem>> -> memref<1x100x64xf32, #tpu.memory_space<vmem>>
        %dma_wait3A_678 = tpu.memref_squeeze %dma_wait3A_677 : memref<1x100x64xf32, #tpu.memory_space<vmem>> -> memref<100x64xf32, #tpu.memory_space<vmem>>
        %dma_wait3A_679 = arith.constant 0 : i32
        %dma_wait3A_680 = tpu.memref_slice %arg6[%sub3A_587, %dma_wait3A_679] : memref<50x100xi32, #tpu.memory_space<vmem>> -> memref<1x100xi32, #tpu.memory_space<vmem>>
        %dma_wait3A_681 = tpu.memref_squeeze %dma_wait3A_680 : memref<1x100xi32, #tpu.memory_space<vmem>> -> memref<100xi32, #tpu.memory_space<vmem>>
        %dma_wait3A_682 = arith.constant 0 : i32
        %dma_wait3A_683 = arith.constant 0 : i32
        %dma_wait3A_684 = tpu.memref_slice %arg9[%dma_wait3A_682, %dma_wait3A_683] : memref<10000x64xf32, #tpu.memory_space<vmem_shared>> -> memref<10000x64xf32, #tpu.memory_space<vmem_shared>>
        tpu.wait_indirect_dma semaphore(%arg25 : memref<!tpu.dma_semaphore, #tpu.memory_space<semaphore_mem>>) src(%dma_wait3A_678 : memref<100x64xf32, #tpu.memory_space<vmem>>) dst(%dma_wait3A_684 : memref<10000x64xf32, #tpu.memory_space<vmem_shared>>)
        %add3A_685 = arith.constant 10 : i32
        %add3A_686 = arith.addi %sub3A_587, %add3A_685 : i32
        %dma_start3A_687 = arith.constant 5 : i32
        %dma_start3A_688 = arith.constant 0 : i32
        %dma_start3A_689 = arith.constant 0 : i32
        %dma_start3A_690 = tpu.memref_slice %arg7[%dma_start3A_687, %dma_start3A_688, %dma_start3A_689] : memref<10x100x64xf32, #tpu.memory_space<vmem>> -> memref<1x100x64xf32, #tpu.memory_space<vmem>>
        %dma_start3A_691 = tpu.memref_squeeze %dma_start3A_690 : memref<1x100x64xf32, #tpu.memory_space<vmem>> -> memref<100x64xf32, #tpu.memory_space<vmem>>
        %dma_start3A_692 = arith.constant 0 : i32
        %dma_start3A_693 = tpu.memref_slice %arg5[%add3A_686, %dma_start3A_692] : memref<50x100xi32, #tpu.memory_space<vmem>> -> memref<1x100xi32, #tpu.memory_space<vmem>>
        %dma_start3A_694 = tpu.memref_squeeze %dma_start3A_693 : memref<1x100xi32, #tpu.memory_space<vmem>> -> memref<100xi32, #tpu.memory_space<vmem>>
        %dma_start3A_695 = arith.constant 0 : i32
        %dma_start3A_696 = arith.constant 0 : i32
        %dma_start3A_697 = tpu.memref_slice %arg2[%dma_start3A_695, %dma_start3A_696] : memref<10000x64xf32, #tpu.memory_space<hbm>> -> memref<10000x64xf32, #tpu.memory_space<hbm>>
        tpu.enqueue_indirect_dma source(%dma_start3A_697 : memref<10000x64xf32, #tpu.memory_space<hbm>>) target(%dma_start3A_691 : memref<100x64xf32, #tpu.memory_space<vmem>>) offsets(%dma_start3A_694 : memref<100xi32, #tpu.memory_space<vmem>>) semaphore(%arg15 : memref<!tpu.dma_semaphore, #tpu.memory_space<semaphore_mem>>)
      } else {
      }
      %mul3A_598 = arith.constant 10 : i32
      %mul3A_599 = arith.muli %add3A_297, %mul3A_598 : i32
      %add3A_600 = arith.constant 8 : i32
      %add3A_601 = arith.addi %mul3A_599, %add3A_600 : i32
      %dma_wait3A_602 = arith.constant 8 : i32
      %dma_wait3A_603 = arith.constant 0 : i32
      %dma_wait3A_604 = arith.constant 0 : i32
      %dma_wait3A_605 = tpu.memref_slice %arg7[%dma_wait3A_602, %dma_wait3A_603, %dma_wait3A_604] : memref<10x100x64xf32, #tpu.memory_space<vmem>> -> memref<1x100x64xf32, #tpu.memory_space<vmem>>
      %dma_wait3A_606 = tpu.memref_squeeze %dma_wait3A_605 : memref<1x100x64xf32, #tpu.memory_space<vmem>> -> memref<100x64xf32, #tpu.memory_space<vmem>>
      %dma_wait3A_607 = arith.constant 0 : i32
      %dma_wait3A_608 = tpu.memref_slice %arg5[%add3A_601, %dma_wait3A_607] : memref<50x100xi32, #tpu.memory_space<vmem>> -> memref<1x100xi32, #tpu.memory_space<vmem>>
      %dma_wait3A_609 = tpu.memref_squeeze %dma_wait3A_608 : memref<1x100xi32, #tpu.memory_space<vmem>> -> memref<100xi32, #tpu.memory_space<vmem>>
      %dma_wait3A_610 = arith.constant 0 : i32
      %dma_wait3A_611 = arith.constant 0 : i32
      %dma_wait3A_612 = tpu.memref_slice %arg2[%dma_wait3A_610, %dma_wait3A_611] : memref<10000x64xf32, #tpu.memory_space<hbm>> -> memref<10000x64xf32, #tpu.memory_space<hbm>>
      tpu.wait_indirect_dma semaphore(%arg18 : memref<!tpu.dma_semaphore, #tpu.memory_space<semaphore_mem>>) src(%dma_wait3A_612 : memref<10000x64xf32, #tpu.memory_space<hbm>>) dst(%dma_wait3A_606 : memref<100x64xf32, #tpu.memory_space<vmem>>)
      %dma_start3A_613 = arith.constant 8 : i32
      %dma_start3A_614 = arith.constant 0 : i32
      %dma_start3A_615 = arith.constant 0 : i32
      %dma_start3A_616 = tpu.memref_slice %arg7[%dma_start3A_613, %dma_start3A_614, %dma_start3A_615] : memref<10x100x64xf32, #tpu.memory_space<vmem>> -> memref<1x100x64xf32, #tpu.memory_space<vmem>>
      %dma_start3A_617 = tpu.memref_squeeze %dma_start3A_616 : memref<1x100x64xf32, #tpu.memory_space<vmem>> -> memref<100x64xf32, #tpu.memory_space<vmem>>
      %dma_start3A_618 = arith.constant 0 : i32
      %dma_start3A_619 = tpu.memref_slice %arg6[%add3A_601, %dma_start3A_618] : memref<50x100xi32, #tpu.memory_space<vmem>> -> memref<1x100xi32, #tpu.memory_space<vmem>>
      %dma_start3A_620 = tpu.memref_squeeze %dma_start3A_619 : memref<1x100xi32, #tpu.memory_space<vmem>> -> memref<100xi32, #tpu.memory_space<vmem>>
      %dma_start3A_621 = arith.constant 0 : i32
      %dma_start3A_622 = arith.constant 0 : i32
      %dma_start3A_623 = tpu.memref_slice %arg9[%dma_start3A_621, %dma_start3A_622] : memref<10000x64xf32, #tpu.memory_space<vmem_shared>> -> memref<10000x64xf32, #tpu.memory_space<vmem_shared>>
      tpu.enqueue_indirect_dma source(%dma_start3A_617 : memref<100x64xf32, #tpu.memory_space<vmem>>) target(%dma_start3A_623 : memref<10000x64xf32, #tpu.memory_space<vmem_shared>>) offsets(%dma_start3A_620 : memref<100xi32, #tpu.memory_space<vmem>>) semaphore(%arg28 : memref<!tpu.dma_semaphore, #tpu.memory_space<semaphore_mem>>) {add = true}
      %sub3A_624 = arith.constant 2 : i32
      %sub3A_625 = arith.subi %add3A_601, %sub3A_624 : i32
      %ge3A_626 = arith.constant 0 : i32
      %ge3A_627 = arith.cmpi sge, %sub3A_625, %ge3A_626 : i32
      %add3A_628 = arith.constant 10 : i32
      %add3A_629 = arith.addi %sub3A_625, %add3A_628 : i32
      %lt3A_630 = arith.constant 50 : i32
      %lt3A_631 = arith.cmpi slt, %add3A_629, %lt3A_630 : i32
      %and3A_632 = arith.andi %ge3A_627, %lt3A_631 : i1
      %convert_element_type3A_633 = arith.extui %and3A_632 : i1 to i32
      %cond3A_634 = arith.constant 0 : i32
      %cond3A_635 = arith.cmpi ne, %convert_element_type3A_633, %cond3A_634 : i32
      scf.if %cond3A_635 {
        %dma_wait3A_674 = arith.constant 6 : i32
        %dma_wait3A_675 = arith.constant 0 : i32
        %dma_wait3A_676 = arith.constant 0 : i32
        %dma_wait3A_677 = tpu.memref_slice %arg7[%dma_wait3A_674, %dma_wait3A_675, %dma_wait3A_676] : memref<10x100x64xf32, #tpu.memory_space<vmem>> -> memref<1x100x64xf32, #tpu.memory_space<vmem>>
        %dma_wait3A_678 = tpu.memref_squeeze %dma_wait3A_677 : memref<1x100x64xf32, #tpu.memory_space<vmem>> -> memref<100x64xf32, #tpu.memory_space<vmem>>
        %dma_wait3A_679 = arith.constant 0 : i32
        %dma_wait3A_680 = tpu.memref_slice %arg6[%sub3A_625, %dma_wait3A_679] : memref<50x100xi32, #tpu.memory_space<vmem>> -> memref<1x100xi32, #tpu.memory_space<vmem>>
        %dma_wait3A_681 = tpu.memref_squeeze %dma_wait3A_680 : memref<1x100xi32, #tpu.memory_space<vmem>> -> memref<100xi32, #tpu.memory_space<vmem>>
        %dma_wait3A_682 = arith.constant 0 : i32
        %dma_wait3A_683 = arith.constant 0 : i32
        %dma_wait3A_684 = tpu.memref_slice %arg9[%dma_wait3A_682, %dma_wait3A_683] : memref<10000x64xf32, #tpu.memory_space<vmem_shared>> -> memref<10000x64xf32, #tpu.memory_space<vmem_shared>>
        tpu.wait_indirect_dma semaphore(%arg26 : memref<!tpu.dma_semaphore, #tpu.memory_space<semaphore_mem>>) src(%dma_wait3A_678 : memref<100x64xf32, #tpu.memory_space<vmem>>) dst(%dma_wait3A_684 : memref<10000x64xf32, #tpu.memory_space<vmem_shared>>)
        %add3A_685 = arith.constant 10 : i32
        %add3A_686 = arith.addi %sub3A_625, %add3A_685 : i32
        %dma_start3A_687 = arith.constant 6 : i32
        %dma_start3A_688 = arith.constant 0 : i32
        %dma_start3A_689 = arith.constant 0 : i32
        %dma_start3A_690 = tpu.memref_slice %arg7[%dma_start3A_687, %dma_start3A_688, %dma_start3A_689] : memref<10x100x64xf32, #tpu.memory_space<vmem>> -> memref<1x100x64xf32, #tpu.memory_space<vmem>>
        %dma_start3A_691 = tpu.memref_squeeze %dma_start3A_690 : memref<1x100x64xf32, #tpu.memory_space<vmem>> -> memref<100x64xf32, #tpu.memory_space<vmem>>
        %dma_start3A_692 = arith.constant 0 : i32
        %dma_start3A_693 = tpu.memref_slice %arg5[%add3A_686, %dma_start3A_692] : memref<50x100xi32, #tpu.memory_space<vmem>> -> memref<1x100xi32, #tpu.memory_space<vmem>>
        %dma_start3A_694 = tpu.memref_squeeze %dma_start3A_693 : memref<1x100xi32, #tpu.memory_space<vmem>> -> memref<100xi32, #tpu.memory_space<vmem>>
        %dma_start3A_695 = arith.constant 0 : i32
        %dma_start3A_696 = arith.constant 0 : i32
        %dma_start3A_697 = tpu.memref_slice %arg2[%dma_start3A_695, %dma_start3A_696] : memref<10000x64xf32, #tpu.memory_space<hbm>> -> memref<10000x64xf32, #tpu.memory_space<hbm>>
        tpu.enqueue_indirect_dma source(%dma_start3A_697 : memref<10000x64xf32, #tpu.memory_space<hbm>>) target(%dma_start3A_691 : memref<100x64xf32, #tpu.memory_space<vmem>>) offsets(%dma_start3A_694 : memref<100xi32, #tpu.memory_space<vmem>>) semaphore(%arg16 : memref<!tpu.dma_semaphore, #tpu.memory_space<semaphore_mem>>)
      } else {
      }
      %mul3A_636 = arith.constant 10 : i32
      %mul3A_637 = arith.muli %add3A_297, %mul3A_636 : i32
      %add3A_638 = arith.constant 9 : i32
      %add3A_639 = arith.addi %mul3A_637, %add3A_638 : i32
      %dma_wait3A_640 = arith.constant 9 : i32
      %dma_wait3A_641 = arith.constant 0 : i32
      %dma_wait3A_642 = arith.constant 0 : i32
      %dma_wait3A_643 = tpu.memref_slice %arg7[%dma_wait3A_640, %dma_wait3A_641, %dma_wait3A_642] : memref<10x100x64xf32, #tpu.memory_space<vmem>> -> memref<1x100x64xf32, #tpu.memory_space<vmem>>
      %dma_wait3A_644 = tpu.memref_squeeze %dma_wait3A_643 : memref<1x100x64xf32, #tpu.memory_space<vmem>> -> memref<100x64xf32, #tpu.memory_space<vmem>>
      %dma_wait3A_645 = arith.constant 0 : i32
      %dma_wait3A_646 = tpu.memref_slice %arg5[%add3A_639, %dma_wait3A_645] : memref<50x100xi32, #tpu.memory_space<vmem>> -> memref<1x100xi32, #tpu.memory_space<vmem>>
      %dma_wait3A_647 = tpu.memref_squeeze %dma_wait3A_646 : memref<1x100xi32, #tpu.memory_space<vmem>> -> memref<100xi32, #tpu.memory_space<vmem>>
      %dma_wait3A_648 = arith.constant 0 : i32
      %dma_wait3A_649 = arith.constant 0 : i32
      %dma_wait3A_650 = tpu.memref_slice %arg2[%dma_wait3A_648, %dma_wait3A_649] : memref<10000x64xf32, #tpu.memory_space<hbm>> -> memref<10000x64xf32, #tpu.memory_space<hbm>>
      tpu.wait_indirect_dma semaphore(%arg19 : memref<!tpu.dma_semaphore, #tpu.memory_space<semaphore_mem>>) src(%dma_wait3A_650 : memref<10000x64xf32, #tpu.memory_space<hbm>>) dst(%dma_wait3A_644 : memref<100x64xf32, #tpu.memory_space<vmem>>)
      %dma_start3A_651 = arith.constant 9 : i32
      %dma_start3A_652 = arith.constant 0 : i32
      %dma_start3A_653 = arith.constant 0 : i32
      %dma_start3A_654 = tpu.memref_slice %arg7[%dma_start3A_651, %dma_start3A_652, %dma_start3A_653] : memref<10x100x64xf32, #tpu.memory_space<vmem>> -> memref<1x100x64xf32, #tpu.memory_space<vmem>>
      %dma_start3A_655 = tpu.memref_squeeze %dma_start3A_654 : memref<1x100x64xf32, #tpu.memory_space<vmem>> -> memref<100x64xf32, #tpu.memory_space<vmem>>
      %dma_start3A_656 = arith.constant 0 : i32
      %dma_start3A_657 = tpu.memref_slice %arg6[%add3A_639, %dma_start3A_656] : memref<50x100xi32, #tpu.memory_space<vmem>> -> memref<1x100xi32, #tpu.memory_space<vmem>>
      %dma_start3A_658 = tpu.memref_squeeze %dma_start3A_657 : memref<1x100xi32, #tpu.memory_space<vmem>> -> memref<100xi32, #tpu.memory_space<vmem>>
      %dma_start3A_659 = arith.constant 0 : i32
      %dma_start3A_660 = arith.constant 0 : i32
      %dma_start3A_661 = tpu.memref_slice %arg9[%dma_start3A_659, %dma_start3A_660] : memref<10000x64xf32, #tpu.memory_space<vmem_shared>> -> memref<10000x64xf32, #tpu.memory_space<vmem_shared>>
      tpu.enqueue_indirect_dma source(%dma_start3A_655 : memref<100x64xf32, #tpu.memory_space<vmem>>) target(%dma_start3A_661 : memref<10000x64xf32, #tpu.memory_space<vmem_shared>>) offsets(%dma_start3A_658 : memref<100xi32, #tpu.memory_space<vmem>>) semaphore(%arg29 : memref<!tpu.dma_semaphore, #tpu.memory_space<semaphore_mem>>) {add = true}
      %sub3A_662 = arith.constant 2 : i32
      %sub3A_663 = arith.subi %add3A_639, %sub3A_662 : i32
      %ge3A_664 = arith.constant 0 : i32
      %ge3A_665 = arith.cmpi sge, %sub3A_663, %ge3A_664 : i32
      %add3A_666 = arith.constant 10 : i32
      %add3A_667 = arith.addi %sub3A_663, %add3A_666 : i32
      %lt3A_668 = arith.constant 50 : i32
      %lt3A_669 = arith.cmpi slt, %add3A_667, %lt3A_668 : i32
      %and3A_670 = arith.andi %ge3A_665, %lt3A_669 : i1
      %convert_element_type3A_671 = arith.extui %and3A_670 : i1 to i32
      %cond3A_672 = arith.constant 0 : i32
      %cond3A_673 = arith.cmpi ne, %convert_element_type3A_671, %cond3A_672 : i32
      scf.if %cond3A_673 {
        %dma_wait3A_674 = arith.constant 7 : i32
        %dma_wait3A_675 = arith.constant 0 : i32
        %dma_wait3A_676 = arith.constant 0 : i32
        %dma_wait3A_677 = tpu.memref_slice %arg7[%dma_wait3A_674, %dma_wait3A_675, %dma_wait3A_676] : memref<10x100x64xf32, #tpu.memory_space<vmem>> -> memref<1x100x64xf32, #tpu.memory_space<vmem>>
        %dma_wait3A_678 = tpu.memref_squeeze %dma_wait3A_677 : memref<1x100x64xf32, #tpu.memory_space<vmem>> -> memref<100x64xf32, #tpu.memory_space<vmem>>
        %dma_wait3A_679 = arith.constant 0 : i32
        %dma_wait3A_680 = tpu.memref_slice %arg6[%sub3A_663, %dma_wait3A_679] : memref<50x100xi32, #tpu.memory_space<vmem>> -> memref<1x100xi32, #tpu.memory_space<vmem>>
        %dma_wait3A_681 = tpu.memref_squeeze %dma_wait3A_680 : memref<1x100xi32, #tpu.memory_space<vmem>> -> memref<100xi32, #tpu.memory_space<vmem>>
        %dma_wait3A_682 = arith.constant 0 : i32
        %dma_wait3A_683 = arith.constant 0 : i32
        %dma_wait3A_684 = tpu.memref_slice %arg9[%dma_wait3A_682, %dma_wait3A_683] : memref<10000x64xf32, #tpu.memory_space<vmem_shared>> -> memref<10000x64xf32, #tpu.memory_space<vmem_shared>>
        tpu.wait_indirect_dma semaphore(%arg27 : memref<!tpu.dma_semaphore, #tpu.memory_space<semaphore_mem>>) src(%dma_wait3A_678 : memref<100x64xf32, #tpu.memory_space<vmem>>) dst(%dma_wait3A_684 : memref<10000x64xf32, #tpu.memory_space<vmem_shared>>)
        %add3A_685 = arith.constant 10 : i32
        %add3A_686 = arith.addi %sub3A_663, %add3A_685 : i32
        %dma_start3A_687 = arith.constant 7 : i32
        %dma_start3A_688 = arith.constant 0 : i32
        %dma_start3A_689 = arith.constant 0 : i32
        %dma_start3A_690 = tpu.memref_slice %arg7[%dma_start3A_687, %dma_start3A_688, %dma_start3A_689] : memref<10x100x64xf32, #tpu.memory_space<vmem>> -> memref<1x100x64xf32, #tpu.memory_space<vmem>>
        %dma_start3A_691 = tpu.memref_squeeze %dma_start3A_690 : memref<1x100x64xf32, #tpu.memory_space<vmem>> -> memref<100x64xf32, #tpu.memory_space<vmem>>
        %dma_start3A_692 = arith.constant 0 : i32
        %dma_start3A_693 = tpu.memref_slice %arg5[%add3A_686, %dma_start3A_692] : memref<50x100xi32, #tpu.memory_space<vmem>> -> memref<1x100xi32, #tpu.memory_space<vmem>>
        %dma_start3A_694 = tpu.memref_squeeze %dma_start3A_693 : memref<1x100xi32, #tpu.memory_space<vmem>> -> memref<100xi32, #tpu.memory_space<vmem>>
        %dma_start3A_695 = arith.constant 0 : i32
        %dma_start3A_696 = arith.constant 0 : i32
        %dma_start3A_697 = tpu.memref_slice %arg2[%dma_start3A_695, %dma_start3A_696] : memref<10000x64xf32, #tpu.memory_space<hbm>> -> memref<10000x64xf32, #tpu.memory_space<hbm>>
        tpu.enqueue_indirect_dma source(%dma_start3A_697 : memref<10000x64xf32, #tpu.memory_space<hbm>>) target(%dma_start3A_691 : memref<100x64xf32, #tpu.memory_space<vmem>>) offsets(%dma_start3A_694 : memref<100xi32, #tpu.memory_space<vmem>>) semaphore(%arg17 : memref<!tpu.dma_semaphore, #tpu.memory_space<semaphore_mem>>)
      } else {
      }
    }
    %scan3A_166 = arith.constant 5 : i32
    %dma_wait3A_167 = arith.constant 0 : i32
    %dma_wait3A_168 = arith.constant 40 : i32
    %dma_wait3A_169 = arith.constant 0 : i32
    %dma_wait3A_170 = arith.constant 0 : i32
    %dma_wait3A_171 = tpu.memref_slice %arg7[%dma_wait3A_167, %dma_wait3A_169, %dma_wait3A_170] : memref<10x100x64xf32, #tpu.memory_space<vmem>> -> memref<1x100x64xf32, #tpu.memory_space<vmem>>
    %dma_wait3A_172 = tpu.memref_squeeze %dma_wait3A_171 : memref<1x100x64xf32, #tpu.memory_space<vmem>> -> memref<100x64xf32, #tpu.memory_space<vmem>>
    %dma_wait3A_173 = arith.constant 0 : i32
    %dma_wait3A_174 = tpu.memref_slice %arg6[%dma_wait3A_168, %dma_wait3A_173] : memref<50x100xi32, #tpu.memory_space<vmem>> -> memref<1x100xi32, #tpu.memory_space<vmem>>
    %dma_wait3A_175 = tpu.memref_squeeze %dma_wait3A_174 : memref<1x100xi32, #tpu.memory_space<vmem>> -> memref<100xi32, #tpu.memory_space<vmem>>
    %dma_wait3A_176 = arith.constant 0 : i32
    %dma_wait3A_177 = arith.constant 0 : i32
    %dma_wait3A_178 = tpu.memref_slice %arg9[%dma_wait3A_176, %dma_wait3A_177] : memref<10000x64xf32, #tpu.memory_space<vmem_shared>> -> memref<10000x64xf32, #tpu.memory_space<vmem_shared>>
    tpu.wait_indirect_dma semaphore(%arg20 : memref<!tpu.dma_semaphore, #tpu.memory_space<semaphore_mem>>) src(%dma_wait3A_172 : memref<100x64xf32, #tpu.memory_space<vmem>>) dst(%dma_wait3A_178 : memref<10000x64xf32, #tpu.memory_space<vmem_shared>>)
    %dma_wait3A_179 = arith.constant 1 : i32
    %dma_wait3A_180 = arith.constant 41 : i32
    %dma_wait3A_181 = arith.constant 0 : i32
    %dma_wait3A_182 = arith.constant 0 : i32
    %dma_wait3A_183 = tpu.memref_slice %arg7[%dma_wait3A_179, %dma_wait3A_181, %dma_wait3A_182] : memref<10x100x64xf32, #tpu.memory_space<vmem>> -> memref<1x100x64xf32, #tpu.memory_space<vmem>>
    %dma_wait3A_184 = tpu.memref_squeeze %dma_wait3A_183 : memref<1x100x64xf32, #tpu.memory_space<vmem>> -> memref<100x64xf32, #tpu.memory_space<vmem>>
    %dma_wait3A_185 = arith.constant 0 : i32
    %dma_wait3A_186 = tpu.memref_slice %arg6[%dma_wait3A_180, %dma_wait3A_185] : memref<50x100xi32, #tpu.memory_space<vmem>> -> memref<1x100xi32, #tpu.memory_space<vmem>>
    %dma_wait3A_187 = tpu.memref_squeeze %dma_wait3A_186 : memref<1x100xi32, #tpu.memory_space<vmem>> -> memref<100xi32, #tpu.memory_space<vmem>>
    %dma_wait3A_188 = arith.constant 0 : i32
    %dma_wait3A_189 = arith.constant 0 : i32
    %dma_wait3A_190 = tpu.memref_slice %arg9[%dma_wait3A_188, %dma_wait3A_189] : memref<10000x64xf32, #tpu.memory_space<vmem_shared>> -> memref<10000x64xf32, #tpu.memory_space<vmem_shared>>
    tpu.wait_indirect_dma semaphore(%arg21 : memref<!tpu.dma_semaphore, #tpu.memory_space<semaphore_mem>>) src(%dma_wait3A_184 : memref<100x64xf32, #tpu.memory_space<vmem>>) dst(%dma_wait3A_190 : memref<10000x64xf32, #tpu.memory_space<vmem_shared>>)
    %dma_wait3A_191 = arith.constant 2 : i32
    %dma_wait3A_192 = arith.constant 42 : i32
    %dma_wait3A_193 = arith.constant 0 : i32
    %dma_wait3A_194 = arith.constant 0 : i32
    %dma_wait3A_195 = tpu.memref_slice %arg7[%dma_wait3A_191, %dma_wait3A_193, %dma_wait3A_194] : memref<10x100x64xf32, #tpu.memory_space<vmem>> -> memref<1x100x64xf32, #tpu.memory_space<vmem>>
    %dma_wait3A_196 = tpu.memref_squeeze %dma_wait3A_195 : memref<1x100x64xf32, #tpu.memory_space<vmem>> -> memref<100x64xf32, #tpu.memory_space<vmem>>
    %dma_wait3A_197 = arith.constant 0 : i32
    %dma_wait3A_198 = tpu.memref_slice %arg6[%dma_wait3A_192, %dma_wait3A_197] : memref<50x100xi32, #tpu.memory_space<vmem>> -> memref<1x100xi32, #tpu.memory_space<vmem>>
    %dma_wait3A_199 = tpu.memref_squeeze %dma_wait3A_198 : memref<1x100xi32, #tpu.memory_space<vmem>> -> memref<100xi32, #tpu.memory_space<vmem>>
    %dma_wait3A_200 = arith.constant 0 : i32
    %dma_wait3A_201 = arith.constant 0 : i32
    %dma_wait3A_202 = tpu.memref_slice %arg9[%dma_wait3A_200, %dma_wait3A_201] : memref<10000x64xf32, #tpu.memory_space<vmem_shared>> -> memref<10000x64xf32, #tpu.memory_space<vmem_shared>>
    tpu.wait_indirect_dma semaphore(%arg22 : memref<!tpu.dma_semaphore, #tpu.memory_space<semaphore_mem>>) src(%dma_wait3A_196 : memref<100x64xf32, #tpu.memory_space<vmem>>) dst(%dma_wait3A_202 : memref<10000x64xf32, #tpu.memory_space<vmem_shared>>)
    %dma_wait3A_203 = arith.constant 3 : i32
    %dma_wait3A_204 = arith.constant 43 : i32
    %dma_wait3A_205 = arith.constant 0 : i32
    %dma_wait3A_206 = arith.constant 0 : i32
    %dma_wait3A_207 = tpu.memref_slice %arg7[%dma_wait3A_203, %dma_wait3A_205, %dma_wait3A_206] : memref<10x100x64xf32, #tpu.memory_space<vmem>> -> memref<1x100x64xf32, #tpu.memory_space<vmem>>
    %dma_wait3A_208 = tpu.memref_squeeze %dma_wait3A_207 : memref<1x100x64xf32, #tpu.memory_space<vmem>> -> memref<100x64xf32, #tpu.memory_space<vmem>>
    %dma_wait3A_209 = arith.constant 0 : i32
    %dma_wait3A_210 = tpu.memref_slice %arg6[%dma_wait3A_204, %dma_wait3A_209] : memref<50x100xi32, #tpu.memory_space<vmem>> -> memref<1x100xi32, #tpu.memory_space<vmem>>
    %dma_wait3A_211 = tpu.memref_squeeze %dma_wait3A_210 : memref<1x100xi32, #tpu.memory_space<vmem>> -> memref<100xi32, #tpu.memory_space<vmem>>
    %dma_wait3A_212 = arith.constant 0 : i32
    %dma_wait3A_213 = arith.constant 0 : i32
    %dma_wait3A_214 = tpu.memref_slice %arg9[%dma_wait3A_212, %dma_wait3A_213] : memref<10000x64xf32, #tpu.memory_space<vmem_shared>> -> memref<10000x64xf32, #tpu.memory_space<vmem_shared>>
    tpu.wait_indirect_dma semaphore(%arg23 : memref<!tpu.dma_semaphore, #tpu.memory_space<semaphore_mem>>) src(%dma_wait3A_208 : memref<100x64xf32, #tpu.memory_space<vmem>>) dst(%dma_wait3A_214 : memref<10000x64xf32, #tpu.memory_space<vmem_shared>>)
    %dma_wait3A_215 = arith.constant 4 : i32
    %dma_wait3A_216 = arith.constant 44 : i32
    %dma_wait3A_217 = arith.constant 0 : i32
    %dma_wait3A_218 = arith.constant 0 : i32
    %dma_wait3A_219 = tpu.memref_slice %arg7[%dma_wait3A_215, %dma_wait3A_217, %dma_wait3A_218] : memref<10x100x64xf32, #tpu.memory_space<vmem>> -> memref<1x100x64xf32, #tpu.memory_space<vmem>>
    %dma_wait3A_220 = tpu.memref_squeeze %dma_wait3A_219 : memref<1x100x64xf32, #tpu.memory_space<vmem>> -> memref<100x64xf32, #tpu.memory_space<vmem>>
    %dma_wait3A_221 = arith.constant 0 : i32
    %dma_wait3A_222 = tpu.memref_slice %arg6[%dma_wait3A_216, %dma_wait3A_221] : memref<50x100xi32, #tpu.memory_space<vmem>> -> memref<1x100xi32, #tpu.memory_space<vmem>>
    %dma_wait3A_223 = tpu.memref_squeeze %dma_wait3A_222 : memref<1x100xi32, #tpu.memory_space<vmem>> -> memref<100xi32, #tpu.memory_space<vmem>>
    %dma_wait3A_224 = arith.constant 0 : i32
    %dma_wait3A_225 = arith.constant 0 : i32
    %dma_wait3A_226 = tpu.memref_slice %arg9[%dma_wait3A_224, %dma_wait3A_225] : memref<10000x64xf32, #tpu.memory_space<vmem_shared>> -> memref<10000x64xf32, #tpu.memory_space<vmem_shared>>
    tpu.wait_indirect_dma semaphore(%arg24 : memref<!tpu.dma_semaphore, #tpu.memory_space<semaphore_mem>>) src(%dma_wait3A_220 : memref<100x64xf32, #tpu.memory_space<vmem>>) dst(%dma_wait3A_226 : memref<10000x64xf32, #tpu.memory_space<vmem_shared>>)
    %dma_wait3A_227 = arith.constant 5 : i32
    %dma_wait3A_228 = arith.constant 45 : i32
    %dma_wait3A_229 = arith.constant 0 : i32
    %dma_wait3A_230 = arith.constant 0 : i32
    %dma_wait3A_231 = tpu.memref_slice %arg7[%dma_wait3A_227, %dma_wait3A_229, %dma_wait3A_230] : memref<10x100x64xf32, #tpu.memory_space<vmem>> -> memref<1x100x64xf32, #tpu.memory_space<vmem>>
    %dma_wait3A_232 = tpu.memref_squeeze %dma_wait3A_231 : memref<1x100x64xf32, #tpu.memory_space<vmem>> -> memref<100x64xf32, #tpu.memory_space<vmem>>
    %dma_wait3A_233 = arith.constant 0 : i32
    %dma_wait3A_234 = tpu.memref_slice %arg6[%dma_wait3A_228, %dma_wait3A_233] : memref<50x100xi32, #tpu.memory_space<vmem>> -> memref<1x100xi32, #tpu.memory_space<vmem>>
    %dma_wait3A_235 = tpu.memref_squeeze %dma_wait3A_234 : memref<1x100xi32, #tpu.memory_space<vmem>> -> memref<100xi32, #tpu.memory_space<vmem>>
    %dma_wait3A_236 = arith.constant 0 : i32
    %dma_wait3A_237 = arith.constant 0 : i32
    %dma_wait3A_238 = tpu.memref_slice %arg9[%dma_wait3A_236, %dma_wait3A_237] : memref<10000x64xf32, #tpu.memory_space<vmem_shared>> -> memref<10000x64xf32, #tpu.memory_space<vmem_shared>>
    tpu.wait_indirect_dma semaphore(%arg25 : memref<!tpu.dma_semaphore, #tpu.memory_space<semaphore_mem>>) src(%dma_wait3A_232 : memref<100x64xf32, #tpu.memory_space<vmem>>) dst(%dma_wait3A_238 : memref<10000x64xf32, #tpu.memory_space<vmem_shared>>)
    %dma_wait3A_239 = arith.constant 6 : i32
    %dma_wait3A_240 = arith.constant 46 : i32
    %dma_wait3A_241 = arith.constant 0 : i32
    %dma_wait3A_242 = arith.constant 0 : i32
    %dma_wait3A_243 = tpu.memref_slice %arg7[%dma_wait3A_239, %dma_wait3A_241, %dma_wait3A_242] : memref<10x100x64xf32, #tpu.memory_space<vmem>> -> memref<1x100x64xf32, #tpu.memory_space<vmem>>
    %dma_wait3A_244 = tpu.memref_squeeze %dma_wait3A_243 : memref<1x100x64xf32, #tpu.memory_space<vmem>> -> memref<100x64xf32, #tpu.memory_space<vmem>>
    %dma_wait3A_245 = arith.constant 0 : i32
    %dma_wait3A_246 = tpu.memref_slice %arg6[%dma_wait3A_240, %dma_wait3A_245] : memref<50x100xi32, #tpu.memory_space<vmem>> -> memref<1x100xi32, #tpu.memory_space<vmem>>
    %dma_wait3A_247 = tpu.memref_squeeze %dma_wait3A_246 : memref<1x100xi32, #tpu.memory_space<vmem>> -> memref<100xi32, #tpu.memory_space<vmem>>
    %dma_wait3A_248 = arith.constant 0 : i32
    %dma_wait3A_249 = arith.constant 0 : i32
    %dma_wait3A_250 = tpu.memref_slice %arg9[%dma_wait3A_248, %dma_wait3A_249] : memref<10000x64xf32, #tpu.memory_space<vmem_shared>> -> memref<10000x64xf32, #tpu.memory_space<vmem_shared>>
    tpu.wait_indirect_dma semaphore(%arg26 : memref<!tpu.dma_semaphore, #tpu.memory_space<semaphore_mem>>) src(%dma_wait3A_244 : memref<100x64xf32, #tpu.memory_space<vmem>>) dst(%dma_wait3A_250 : memref<10000x64xf32, #tpu.memory_space<vmem_shared>>)
    %dma_wait3A_251 = arith.constant 7 : i32
    %dma_wait3A_252 = arith.constant 47 : i32
    %dma_wait3A_253 = arith.constant 0 : i32
    %dma_wait3A_254 = arith.constant 0 : i32
    %dma_wait3A_255 = tpu.memref_slice %arg7[%dma_wait3A_251, %dma_wait3A_253, %dma_wait3A_254] : memref<10x100x64xf32, #tpu.memory_space<vmem>> -> memref<1x100x64xf32, #tpu.memory_space<vmem>>
    %dma_wait3A_256 = tpu.memref_squeeze %dma_wait3A_255 : memref<1x100x64xf32, #tpu.memory_space<vmem>> -> memref<100x64xf32, #tpu.memory_space<vmem>>
    %dma_wait3A_257 = arith.constant 0 : i32
    %dma_wait3A_258 = tpu.memref_slice %arg6[%dma_wait3A_252, %dma_wait3A_257] : memref<50x100xi32, #tpu.memory_space<vmem>> -> memref<1x100xi32, #tpu.memory_space<vmem>>
    %dma_wait3A_259 = tpu.memref_squeeze %dma_wait3A_258 : memref<1x100xi32, #tpu.memory_space<vmem>> -> memref<100xi32, #tpu.memory_space<vmem>>
    %dma_wait3A_260 = arith.constant 0 : i32
    %dma_wait3A_261 = arith.constant 0 : i32
    %dma_wait3A_262 = tpu.memref_slice %arg9[%dma_wait3A_260, %dma_wait3A_261] : memref<10000x64xf32, #tpu.memory_space<vmem_shared>> -> memref<10000x64xf32, #tpu.memory_space<vmem_shared>>
    tpu.wait_indirect_dma semaphore(%arg27 : memref<!tpu.dma_semaphore, #tpu.memory_space<semaphore_mem>>) src(%dma_wait3A_256 : memref<100x64xf32, #tpu.memory_space<vmem>>) dst(%dma_wait3A_262 : memref<10000x64xf32, #tpu.memory_space<vmem_shared>>)
    %dma_wait3A_263 = arith.constant 8 : i32
    %dma_wait3A_264 = arith.constant 48 : i32
    %dma_wait3A_265 = arith.constant 0 : i32
    %dma_wait3A_266 = arith.constant 0 : i32
    %dma_wait3A_267 = tpu.memref_slice %arg7[%dma_wait3A_263, %dma_wait3A_265, %dma_wait3A_266] : memref<10x100x64xf32, #tpu.memory_space<vmem>> -> memref<1x100x64xf32, #tpu.memory_space<vmem>>
    %dma_wait3A_268 = tpu.memref_squeeze %dma_wait3A_267 : memref<1x100x64xf32, #tpu.memory_space<vmem>> -> memref<100x64xf32, #tpu.memory_space<vmem>>
    %dma_wait3A_269 = arith.constant 0 : i32
    %dma_wait3A_270 = tpu.memref_slice %arg6[%dma_wait3A_264, %dma_wait3A_269] : memref<50x100xi32, #tpu.memory_space<vmem>> -> memref<1x100xi32, #tpu.memory_space<vmem>>
    %dma_wait3A_271 = tpu.memref_squeeze %dma_wait3A_270 : memref<1x100xi32, #tpu.memory_space<vmem>> -> memref<100xi32, #tpu.memory_space<vmem>>
    %dma_wait3A_272 = arith.constant 0 : i32
    %dma_wait3A_273 = arith.constant 0 : i32
    %dma_wait3A_274 = tpu.memref_slice %arg9[%dma_wait3A_272, %dma_wait3A_273] : memref<10000x64xf32, #tpu.memory_space<vmem_shared>> -> memref<10000x64xf32, #tpu.memory_space<vmem_shared>>
    tpu.wait_indirect_dma semaphore(%arg28 : memref<!tpu.dma_semaphore, #tpu.memory_space<semaphore_mem>>) src(%dma_wait3A_268 : memref<100x64xf32, #tpu.memory_space<vmem>>) dst(%dma_wait3A_274 : memref<10000x64xf32, #tpu.memory_space<vmem_shared>>)
    %dma_wait3A_275 = arith.constant 9 : i32
    %dma_wait3A_276 = arith.constant 49 : i32
    %dma_wait3A_277 = arith.constant 0 : i32
    %dma_wait3A_278 = arith.constant 0 : i32
    %dma_wait3A_279 = tpu.memref_slice %arg7[%dma_wait3A_275, %dma_wait3A_277, %dma_wait3A_278] : memref<10x100x64xf32, #tpu.memory_space<vmem>> -> memref<1x100x64xf32, #tpu.memory_space<vmem>>
    %dma_wait3A_280 = tpu.memref_squeeze %dma_wait3A_279 : memref<1x100x64xf32, #tpu.memory_space<vmem>> -> memref<100x64xf32, #tpu.memory_space<vmem>>
    %dma_wait3A_281 = arith.constant 0 : i32
    %dma_wait3A_282 = tpu.memref_slice %arg6[%dma_wait3A_276, %dma_wait3A_281] : memref<50x100xi32, #tpu.memory_space<vmem>> -> memref<1x100xi32, #tpu.memory_space<vmem>>
    %dma_wait3A_283 = tpu.memref_squeeze %dma_wait3A_282 : memref<1x100xi32, #tpu.memory_space<vmem>> -> memref<100xi32, #tpu.memory_space<vmem>>
    %dma_wait3A_284 = arith.constant 0 : i32
    %dma_wait3A_285 = arith.constant 0 : i32
    %dma_wait3A_286 = tpu.memref_slice %arg9[%dma_wait3A_284, %dma_wait3A_285] : memref<10000x64xf32, #tpu.memory_space<vmem_shared>> -> memref<10000x64xf32, #tpu.memory_space<vmem_shared>>
    tpu.wait_indirect_dma semaphore(%arg29 : memref<!tpu.dma_semaphore, #tpu.memory_space<semaphore_mem>>) src(%dma_wait3A_280 : memref<100x64xf32, #tpu.memory_space<vmem>>) dst(%dma_wait3A_286 : memref<10000x64xf32, #tpu.memory_space<vmem_shared>>)
    %barrier3A_287 = arith.constant 0 : index
    tpu.barrier barrier_id(%barrier3A_287)
    "tpu.region"() ({
      %run_scoped3A = tpu.sem_alloc : memref<!tpu.dma_semaphore, #tpu.memory_space<semaphore_mem>>
      %dma_start3A_293 = arith.constant 0 : i32
      %dma_start3A_294 = tpu.memref_slice %arg4[%arg0, %mul3A_19, %dma_start3A_293] : memref<2x10000x64xf32, #tpu.memory_space<hbm>> -> memref<1x624x64xf32, #tpu.memory_space<hbm>>
      %dma_start3A_295 = tpu.memref_squeeze %dma_start3A_294 : memref<1x624x64xf32, #tpu.memory_space<hbm>> -> memref<624x64xf32, #tpu.memory_space<hbm>>
      %dma_start3A_296 = arith.constant 0 : i32
      %dma_start3A_297 = tpu.memref_slice %arg9[%mul3A_19, %dma_start3A_296] : memref<10000x64xf32, #tpu.memory_space<vmem_shared>> -> memref<624x64xf32, #tpu.memory_space<vmem_shared>>
      tpu.enqueue_dma source(%dma_start3A_297 : memref<624x64xf32, #tpu.memory_space<vmem_shared>>) target(%dma_start3A_295 : memref<624x64xf32, #tpu.memory_space<hbm>>) target_semaphore(%run_scoped3A : memref<!tpu.dma_semaphore, #tpu.memory_space<semaphore_mem>>)
      %dma_wait3A_298 = arith.constant 0 : i32
      %dma_wait3A_299 = tpu.memref_slice %arg4[%arg0, %mul3A_19, %dma_wait3A_298] : memref<2x10000x64xf32, #tpu.memory_space<hbm>> -> memref<1x624x64xf32, #tpu.memory_space<hbm>>
      %dma_wait3A_300 = tpu.memref_squeeze %dma_wait3A_299 : memref<1x624x64xf32, #tpu.memory_space<hbm>> -> memref<624x64xf32, #tpu.memory_space<hbm>>
      %dma_wait3A_301 = arith.constant 0 : i32
      %dma_wait3A_302 = tpu.memref_slice %arg9[%mul3A_19, %dma_wait3A_301] : memref<10000x64xf32, #tpu.memory_space<vmem_shared>> -> memref<624x64xf32, #tpu.memory_space<vmem_shared>>
      tpu.wait_dma2 semaphore(%run_scoped3A : memref<!tpu.dma_semaphore, #tpu.memory_space<semaphore_mem>>) src(%dma_wait3A_302 : memref<624x64xf32, #tpu.memory_space<vmem_shared>>) dst(%dma_wait3A_300 : memref<624x64xf32, #tpu.memory_space<hbm>>)
      tpu.yield
    }) : () -> ()
    %eq3A_288 = arith.constant 15 : i32
    %eq3A_289 = arith.cmpi eq, %arg1, %eq3A_288 : i32
    %convert_element_type3A_290 = arith.extui %eq3A_289 : i1 to i32
    %cond3A_291 = arith.constant 0 : i32
    %cond3A_292 = arith.cmpi ne, %convert_element_type3A_290, %cond3A_291 : i32
    scf.if %cond3A_292 {
      "tpu.region"() ({
        %run_scoped3A = tpu.sem_alloc : memref<!tpu.dma_semaphore, #tpu.memory_space<semaphore_mem>>
        %dma_start3A_293 = arith.constant 9984 : i32
        %dma_start3A_294 = arith.constant 0 : i32
        %dma_start3A_295 = tpu.memref_slice %arg4[%arg0, %dma_start3A_293, %dma_start3A_294] : memref<2x10000x64xf32, #tpu.memory_space<hbm>> -> memref<1x16x64xf32, #tpu.memory_space<hbm>>
        %dma_start3A_296 = tpu.memref_squeeze %dma_start3A_295 : memref<1x16x64xf32, #tpu.memory_space<hbm>> -> memref<16x64xf32, #tpu.memory_space<hbm>>
        %dma_start3A_297 = arith.constant 9984 : i32
        %dma_start3A_298 = arith.constant 0 : i32
        %dma_start3A_299 = tpu.memref_slice %arg9[%dma_start3A_297, %dma_start3A_298] : memref<10000x64xf32, #tpu.memory_space<vmem_shared>> -> memref<16x64xf32, #tpu.memory_space<vmem_shared>>
        tpu.enqueue_dma source(%dma_start3A_299 : memref<16x64xf32, #tpu.memory_space<vmem_shared>>) target(%dma_start3A_296 : memref<16x64xf32, #tpu.memory_space<hbm>>) target_semaphore(%run_scoped3A : memref<!tpu.dma_semaphore, #tpu.memory_space<semaphore_mem>>)
        %dma_wait3A_300 = arith.constant 9984 : i32
        %dma_wait3A_301 = arith.constant 0 : i32
        %dma_wait3A_302 = tpu.memref_slice %arg4[%arg0, %dma_wait3A_300, %dma_wait3A_301] : memref<2x10000x64xf32, #tpu.memory_space<hbm>> -> memref<1x16x64xf32, #tpu.memory_space<hbm>>
        %dma_wait3A_303 = tpu.memref_squeeze %dma_wait3A_302 : memref<1x16x64xf32, #tpu.memory_space<hbm>> -> memref<16x64xf32, #tpu.memory_space<hbm>>
        %dma_wait3A_304 = arith.constant 9984 : i32
        %dma_wait3A_305 = arith.constant 0 : i32
        %dma_wait3A_306 = tpu.memref_slice %arg9[%dma_wait3A_304, %dma_wait3A_305] : memref<10000x64xf32, #tpu.memory_space<vmem_shared>> -> memref<16x64xf32, #tpu.memory_space<vmem_shared>>
        tpu.wait_dma2 semaphore(%run_scoped3A : memref<!tpu.dma_semaphore, #tpu.memory_space<semaphore_mem>>) src(%dma_wait3A_306 : memref<16x64xf32, #tpu.memory_space<vmem_shared>>) dst(%dma_wait3A_303 : memref<16x64xf32, #tpu.memory_space<hbm>>)
        tpu.yield
      }) : () -> ()
    } else {
    }
    return
  }
}

#map = affine_map<(d0, d1) -> (0, 0)>
#map1 = affine_map<(d0, d1) -> (0, 0, 0, 0)>
#map2 = affine_map<(d0, d1) -> (0, 0, 0)>
module attributes {stable_mosaic.version = 14 : i64} {
  func.func @scatter_kernel(%arg0: i32, %arg1: i32, %arg2: memref<10000x64xf32, #tpu.memory_space<hbm>>, %arg3: memref<2x32x50x100xi32, #tpu.memory_space<hbm>>, %arg4: memref<2x10000x64xf32, #tpu.memory_space<hbm>>, %arg5: memref<50x100xi32, #tpu.memory_space<vmem>>, %arg6: memref<50x100xi32, #tpu.memory_space<vmem>>, %arg7: memref<10x100x64xf32, #tpu.memory_space<vmem>>, %arg8: memref<208x64xf32, #tpu.memory_space<vmem>>, %arg9: memref<10000x64xf32, #tpu.memory_space<vmem_shared>>, %arg10: memref<!tpu.dma_semaphore, #tpu.memory_space<semaphore_mem>>, %arg11: memref<!tpu.dma_semaphore, #tpu.memory_space<semaphore_mem>>, %arg12: memref<!tpu.dma_semaphore, #tpu.memory_space<semaphore_mem>>, %arg13: memref<!tpu.dma_semaphore, #tpu.memory_space<semaphore_mem>>, %arg14: memref<!tpu.dma_semaphore, #tpu.memory_space<semaphore_mem>>, %arg15: memref<!tpu.dma_semaphore, #tpu.memory_space<semaphore_mem>>, %arg16: memref<!tpu.dma_semaphore, #tpu.memory_space<semaphore_mem>>, %arg17: memref<!tpu.dma_semaphore, #tpu.memory_space<semaphore_mem>>, %arg18: memref<!tpu.dma_semaphore, #tpu.memory_space<semaphore_mem>>, %arg19: memref<!tpu.dma_semaphore, #tpu.memory_space<semaphore_mem>>, %arg20: memref<!tpu.dma_semaphore, #tpu.memory_space<semaphore_mem>>, %arg21: memref<!tpu.dma_semaphore, #tpu.memory_space<semaphore_mem>>, %arg22: memref<!tpu.dma_semaphore, #tpu.memory_space<semaphore_mem>>, %arg23: memref<!tpu.dma_semaphore, #tpu.memory_space<semaphore_mem>>, %arg24: memref<!tpu.dma_semaphore, #tpu.memory_space<semaphore_mem>>, %arg25: memref<!tpu.dma_semaphore, #tpu.memory_space<semaphore_mem>>, %arg26: memref<!tpu.dma_semaphore, #tpu.memory_space<semaphore_mem>>, %arg27: memref<!tpu.dma_semaphore, #tpu.memory_space<semaphore_mem>>, %arg28: memref<!tpu.dma_semaphore, #tpu.memory_space<semaphore_mem>>, %arg29: memref<!tpu.dma_semaphore, #tpu.memory_space<semaphore_mem>>, %arg30: memref<!tpu.dma_semaphore, #tpu.memory_space<semaphore_mem>>, %arg31: memref<!tpu.dma_semaphore, #tpu.memory_space<semaphore_mem>>) attributes {dimension_semantics = [#tpu.dimension_semantics<core_parallel>, #tpu.dimension_semantics<subcore_parallel>], iteration_bounds = array<i64: 2, 16>, scalar_prefetch = 0 : i64, scratch_operands = 27 : i64, tpu.core_type = #tpu.core_type<sc_vector_subcore>, window_params = [{transform_indices = #map}, {transform_indices = #map1}, {transform_indices = #map2}]} {
    %mul3A = arith.constant 16 : i32
    %mul3A_0 = arith.muli %arg0, %mul3A : i32
    %add3A = arith.addi %mul3A_0, %arg1 : i32
    %dma_start3A = arith.constant 0 : i32
    %dma_start3A_1 = arith.constant 0 : i32
    %dma_start3A_2 = arith.constant 0 : i32
    %dma_start3A_3 = tpu.memref_slice %arg3[%dma_start3A, %add3A, %dma_start3A_1, %dma_start3A_2] : memref<2x32x50x100xi32, #tpu.memory_space<hbm>> -> memref<1x1x50x100xi32, #tpu.memory_space<hbm>>
    %dma_start3A_4 = tpu.memref_squeeze %dma_start3A_3 : memref<1x1x50x100xi32, #tpu.memory_space<hbm>> -> memref<50x100xi32, #tpu.memory_space<hbm>>
    %dma_start3A_5 = arith.constant 0 : i32
    %dma_start3A_6 = arith.constant 0 : i32
    %dma_start3A_7 = tpu.memref_slice %arg3[%dma_start3A, %add3A, %dma_start3A_5, %dma_start3A_6] : memref<2x32x50x100xi32, #tpu.memory_space<hbm>> -> memref<1x1x50x100xi32, #tpu.memory_space<hbm>>
    %dma_start3A_8 = tpu.memref_squeeze %dma_start3A_7 : memref<1x1x50x100xi32, #tpu.memory_space<hbm>> -> memref<50x100xi32, #tpu.memory_space<hbm>>
    tpu.enqueue_dma source(%dma_start3A_8 : memref<50x100xi32, #tpu.memory_space<hbm>>) target(%arg5 : memref<50x100xi32, #tpu.memory_space<vmem>>) target_semaphore(%arg30 : memref<!tpu.dma_semaphore, #tpu.memory_space<semaphore_mem>>)
    %dma_start3A_9 = arith.constant 1 : i32
    %dma_start3A_10 = arith.constant 0 : i32
    %dma_start3A_11 = arith.constant 0 : i32
    %dma_start3A_12 = tpu.memref_slice %arg3[%dma_start3A_9, %add3A, %dma_start3A_10, %dma_start3A_11] : memref<2x32x50x100xi32, #tpu.memory_space<hbm>> -> memref<1x1x50x100xi32, #tpu.memory_space<hbm>>
    %dma_start3A_13 = tpu.memref_squeeze %dma_start3A_12 : memref<1x1x50x100xi32, #tpu.memory_space<hbm>> -> memref<50x100xi32, #tpu.memory_space<hbm>>
    %dma_start3A_14 = arith.constant 0 : i32
    %dma_start3A_15 = arith.constant 0 : i32
    %dma_start3A_16 = tpu.memref_slice %arg3[%dma_start3A_9, %add3A, %dma_start3A_14, %dma_start3A_15] : memref<2x32x50x100xi32, #tpu.memory_space<hbm>> -> memref<1x1x50x100xi32, #tpu.memory_space<hbm>>
    %dma_start3A_17 = tpu.memref_squeeze %dma_start3A_16 : memref<1x1x50x100xi32, #tpu.memory_space<hbm>> -> memref<50x100xi32, #tpu.memory_space<hbm>>
    tpu.enqueue_dma source(%dma_start3A_17 : memref<50x100xi32, #tpu.memory_space<hbm>>) target(%arg6 : memref<50x100xi32, #tpu.memory_space<vmem>>) target_semaphore(%arg31 : memref<!tpu.dma_semaphore, #tpu.memory_space<semaphore_mem>>)
    %mul3A_18 = arith.constant 624 : i32
    %mul3A_19 = arith.muli %arg1, %mul3A_18 : i32
    %eq3A = arith.constant 0 : i32
    %eq3A_20 = arith.cmpi eq, %arg0, %eq3A : i32
    %convert_element_type3A = arith.extui %eq3A_20 : i1 to i32
    %cond3A = arith.constant 0 : i32
    %cond3A_21 = arith.cmpi ne, %convert_element_type3A, %cond3A : i32
    scf.if %cond3A_21 {
      "tpu.region"() ({
        %run_scoped3A = tpu.sem_alloc : memref<!tpu.dma_semaphore, #tpu.memory_space<semaphore_mem>>
        %dma_start3A_298 = arith.constant 0 : i32
        %dma_start3A_299 = tpu.memref_slice %arg9[%mul3A_19, %dma_start3A_298] : memref<10000x64xf32, #tpu.memory_space<vmem_shared>> -> memref<624x64xf32, #tpu.memory_space<vmem_shared>>
        %dma_start3A_300 = arith.constant 0 : i32
        %dma_start3A_301 = tpu.memref_slice %arg2[%mul3A_19, %dma_start3A_300] : memref<10000x64xf32, #tpu.memory_space<hbm>> -> memref<624x64xf32, #tpu.memory_space<hbm>>
        tpu.enqueue_dma source(%dma_start3A_301 : memref<624x64xf32, #tpu.memory_space<hbm>>) target(%dma_start3A_299 : memref<624x64xf32, #tpu.memory_space<vmem_shared>>) target_semaphore(%run_scoped3A : memref<!tpu.dma_semaphore, #tpu.memory_space<semaphore_mem>>)
        %dma_wait3A_302 = arith.constant 0 : i32
        %dma_wait3A_303 = tpu.memref_slice %arg9[%mul3A_19, %dma_wait3A_302] : memref<10000x64xf32, #tpu.memory_space<vmem_shared>> -> memref<624x64xf32, #tpu.memory_space<vmem_shared>>
        %dma_wait3A_304 = arith.constant 0 : i32
        %dma_wait3A_305 = tpu.memref_slice %arg2[%mul3A_19, %dma_wait3A_304] : memref<10000x64xf32, #tpu.memory_space<hbm>> -> memref<624x64xf32, #tpu.memory_space<hbm>>
        tpu.wait_dma2 semaphore(%run_scoped3A : memref<!tpu.dma_semaphore, #tpu.memory_space<semaphore_mem>>) src(%dma_wait3A_305 : memref<624x64xf32, #tpu.memory_space<hbm>>) dst(%dma_wait3A_303 : memref<624x64xf32, #tpu.memory_space<vmem_shared>>)
        tpu.yield
      }) : () -> ()
      %eq3A_293 = arith.constant 15 : i32
      %eq3A_294 = arith.cmpi eq, %arg1, %eq3A_293 : i32
      %convert_element_type3A_295 = arith.extui %eq3A_294 : i1 to i32
      %cond3A_296 = arith.constant 0 : i32
      %cond3A_297 = arith.cmpi ne, %convert_element_type3A_295, %cond3A_296 : i32
      scf.if %cond3A_297 {
        "tpu.region"() ({
          %run_scoped3A = tpu.sem_alloc : memref<!tpu.dma_semaphore, #tpu.memory_space<semaphore_mem>>
          %dma_start3A_298 = arith.constant 9984 : i32
          %dma_start3A_299 = arith.constant 0 : i32
          %dma_start3A_300 = tpu.memref_slice %arg9[%dma_start3A_298, %dma_start3A_299] : memref<10000x64xf32, #tpu.memory_space<vmem_shared>> -> memref<16x64xf32, #tpu.memory_space<vmem_shared>>
          %dma_start3A_301 = arith.constant 9984 : i32
          %dma_start3A_302 = arith.constant 0 : i32
          %dma_start3A_303 = tpu.memref_slice %arg2[%dma_start3A_301, %dma_start3A_302] : memref<10000x64xf32, #tpu.memory_space<hbm>> -> memref<16x64xf32, #tpu.memory_space<hbm>>
          tpu.enqueue_dma source(%dma_start3A_303 : memref<16x64xf32, #tpu.memory_space<hbm>>) target(%dma_start3A_300 : memref<16x64xf32, #tpu.memory_space<vmem_shared>>) target_semaphore(%run_scoped3A : memref<!tpu.dma_semaphore, #tpu.memory_space<semaphore_mem>>)
          %dma_wait3A_304 = arith.constant 9984 : i32
          %dma_wait3A_305 = arith.constant 0 : i32
          %dma_wait3A_306 = tpu.memref_slice %arg9[%dma_wait3A_304, %dma_wait3A_305] : memref<10000x64xf32, #tpu.memory_space<vmem_shared>> -> memref<16x64xf32, #tpu.memory_space<vmem_shared>>
          %dma_wait3A_307 = arith.constant 9984 : i32
          %dma_wait3A_308 = arith.constant 0 : i32
          %dma_wait3A_309 = tpu.memref_slice %arg2[%dma_wait3A_307, %dma_wait3A_308] : memref<10000x64xf32, #tpu.memory_space<hbm>> -> memref<16x64xf32, #tpu.memory_space<hbm>>
          tpu.wait_dma2 semaphore(%run_scoped3A : memref<!tpu.dma_semaphore, #tpu.memory_space<semaphore_mem>>) src(%dma_wait3A_309 : memref<16x64xf32, #tpu.memory_space<hbm>>) dst(%dma_wait3A_306 : memref<16x64xf32, #tpu.memory_space<vmem_shared>>)
          tpu.yield
        }) : () -> ()
      } else {
      }
    } else {
    }
    %ne3A = arith.constant 0 : i32
    %ne3A_22 = arith.cmpi ne, %arg0, %ne3A : i32
    %convert_element_type3A_23 = arith.extui %ne3A_22 : i1 to i32
    %cond3A_24 = arith.constant 0 : i32
    %cond3A_25 = arith.cmpi ne, %convert_element_type3A_23, %cond3A_24 : i32
    scf.if %cond3A_25 {
      %broadcast_in_dim3A = arith.constant 0.000000e+00 : f32
      %broadcast_in_dim3A_293 = vector.broadcast %broadcast_in_dim3A : f32 to vector<16xf32>
      %scan3A_294 = arith.constant 0 : i32
      %scan3A_295 = arith.constant 208 : i32
      %scan3A_296 = arith.addi %scan3A_294, %scan3A_295 : i32
      %scan3A_297 = arith.constant 1 : i32
      scf.for %scan3A_310 = %scan3A_294 to %scan3A_296 step %scan3A_297  : i32 {
        %mul3A_311 = arith.constant 1 : i32
        %mul3A_312 = arith.muli %scan3A_310, %mul3A_311 : i32
        %add3A_313 = arith.constant 0 : i32
        %add3A_314 = arith.addi %add3A_313, %mul3A_312 : i32
        %swap3A = arith.index_cast %add3A_314 : i32 to index
        %swap3A_315 = arith.constant 0 : index
        %swap3A_316 = tpu.vector_load %arg8[%swap3A, %swap3A_315] {strides = array<i32>} : memref<208x64xf32, #tpu.memory_space<vmem>>, vector<1x16xf32>,
        %swap3A_317 = vector.shape_cast %swap3A_316 : vector<1x16xf32> to vector<16xf32>
        %swap3A_318 = vector.shape_cast %broadcast_in_dim3A_293 : vector<16xf32> to vector<1x16xf32>
        tpu.vector_store %arg8[%swap3A, %swap3A_315], %swap3A_318 {strides = array<i32>} : memref<208x64xf32, #tpu.memory_space<vmem>>, vector<1x16xf32>,
        %swap3A_319 = arith.index_cast %add3A_314 : i32 to index
        %swap3A_320 = arith.constant 16 : index
        %swap3A_321 = tpu.vector_load %arg8[%swap3A_319, %swap3A_320] {strides = array<i32>} : memref<208x64xf32, #tpu.memory_space<vmem>>, vector<1x16xf32>,
        %swap3A_322 = vector.shape_cast %swap3A_321 : vector<1x16xf32> to vector<16xf32>
        %swap3A_323 = vector.shape_cast %broadcast_in_dim3A_293 : vector<16xf32> to vector<1x16xf32>
        tpu.vector_store %arg8[%swap3A_319, %swap3A_320], %swap3A_323 {strides = array<i32>} : memref<208x64xf32, #tpu.memory_space<vmem>>, vector<1x16xf32>,
        %swap3A_324 = arith.index_cast %add3A_314 : i32 to index
        %swap3A_325 = arith.constant 32 : index
        %swap3A_326 = tpu.vector_load %arg8[%swap3A_324, %swap3A_325] {strides = array<i32>} : memref<208x64xf32, #tpu.memory_space<vmem>>, vector<1x16xf32>,
        %swap3A_327 = vector.shape_cast %swap3A_326 : vector<1x16xf32> to vector<16xf32>
        %swap3A_328 = vector.shape_cast %broadcast_in_dim3A_293 : vector<16xf32> to vector<1x16xf32>
        tpu.vector_store %arg8[%swap3A_324, %swap3A_325], %swap3A_328 {strides = array<i32>} : memref<208x64xf32, #tpu.memory_space<vmem>>, vector<1x16xf32>,
        %swap3A_329 = arith.index_cast %add3A_314 : i32 to index
        %swap3A_330 = arith.constant 48 : index
        %swap3A_331 = tpu.vector_load %arg8[%swap3A_329, %swap3A_330] {strides = array<i32>} : memref<208x64xf32, #tpu.memory_space<vmem>>, vector<1x16xf32>,
        %swap3A_332 = vector.shape_cast %swap3A_331 : vector<1x16xf32> to vector<16xf32>
        %swap3A_333 = vector.shape_cast %broadcast_in_dim3A_293 : vector<16xf32> to vector<1x16xf32>
        tpu.vector_store %arg8[%swap3A_329, %swap3A_330], %swap3A_333 {strides = array<i32>} : memref<208x64xf32, #tpu.memory_space<vmem>>, vector<1x16xf32>,
      }
      %scan3A_298 = arith.constant 208 : i32
      %add3A_299 = arith.constant 0 : i32
      %add3A_300 = arith.addi %mul3A_19, %add3A_299 : i32
      "tpu.region"() ({
        %run_scoped3A = tpu.sem_alloc : memref<!tpu.dma_semaphore, #tpu.memory_space<semaphore_mem>>
        %dma_start3A_310 = arith.constant 0 : i32
        %dma_start3A_311 = tpu.memref_slice %arg9[%add3A_300, %dma_start3A_310] : memref<10000x64xf32, #tpu.memory_space<vmem_shared>> -> memref<208x64xf32, #tpu.memory_space<vmem_shared>>
        %dma_start3A_312 = arith.constant 0 : i32
        %dma_start3A_313 = tpu.memref_slice %arg9[%add3A_300, %dma_start3A_312] : memref<10000x64xf32, #tpu.memory_space<vmem_shared>> -> memref<208x64xf32, #tpu.memory_space<vmem_shared>>
        tpu.enqueue_dma source(%arg8 : memref<208x64xf32, #tpu.memory_space<vmem>>) target(%dma_start3A_313 : memref<208x64xf32, #tpu.memory_space<vmem_shared>>) target_semaphore(%run_scoped3A : memref<!tpu.dma_semaphore, #tpu.memory_space<semaphore_mem>>)
        %dma_wait3A_314 = arith.constant 0 : i32
        %dma_wait3A_315 = tpu.memref_slice %arg9[%add3A_300, %dma_wait3A_314] : memref<10000x64xf32, #tpu.memory_space<vmem_shared>> -> memref<208x64xf32, #tpu.memory_space<vmem_shared>>
        %dma_wait3A_316 = arith.constant 0 : i32
        %dma_wait3A_317 = tpu.memref_slice %arg9[%add3A_300, %dma_wait3A_316] : memref<10000x64xf32, #tpu.memory_space<vmem_shared>> -> memref<208x64xf32, #tpu.memory_space<vmem_shared>>
        tpu.wait_dma2 semaphore(%run_scoped3A : memref<!tpu.dma_semaphore, #tpu.memory_space<semaphore_mem>>) src(%arg8 : memref<208x64xf32, #tpu.memory_space<vmem>>) dst(%dma_wait3A_317 : memref<208x64xf32, #tpu.memory_space<vmem_shared>>)
        tpu.yield
      }) : () -> ()
      %add3A_301 = arith.constant 208 : i32
      %add3A_302 = arith.addi %mul3A_19, %add3A_301 : i32
      "tpu.region"() ({
        %run_scoped3A = tpu.sem_alloc : memref<!tpu.dma_semaphore, #tpu.memory_space<semaphore_mem>>
        %dma_start3A_310 = arith.constant 0 : i32
        %dma_start3A_311 = tpu.memref_slice %arg9[%add3A_302, %dma_start3A_310] : memref<10000x64xf32, #tpu.memory_space<vmem_shared>> -> memref<208x64xf32, #tpu.memory_space<vmem_shared>>
        %dma_start3A_312 = arith.constant 0 : i32
        %dma_start3A_313 = tpu.memref_slice %arg9[%add3A_302, %dma_start3A_312] : memref<10000x64xf32, #tpu.memory_space<vmem_shared>> -> memref<208x64xf32, #tpu.memory_space<vmem_shared>>
        tpu.enqueue_dma source(%arg8 : memref<208x64xf32, #tpu.memory_space<vmem>>) target(%dma_start3A_313 : memref<208x64xf32, #tpu.memory_space<vmem_shared>>) target_semaphore(%run_scoped3A : memref<!tpu.dma_semaphore, #tpu.memory_space<semaphore_mem>>)
        %dma_wait3A_314 = arith.constant 0 : i32
        %dma_wait3A_315 = tpu.memref_slice %arg9[%add3A_302, %dma_wait3A_314] : memref<10000x64xf32, #tpu.memory_space<vmem_shared>> -> memref<208x64xf32, #tpu.memory_space<vmem_shared>>
        %dma_wait3A_316 = arith.constant 0 : i32
        %dma_wait3A_317 = tpu.memref_slice %arg9[%add3A_302, %dma_wait3A_316] : memref<10000x64xf32, #tpu.memory_space<vmem_shared>> -> memref<208x64xf32, #tpu.memory_space<vmem_shared>>
        tpu.wait_dma2 semaphore(%run_scoped3A : memref<!tpu.dma_semaphore, #tpu.memory_space<semaphore_mem>>) src(%arg8 : memref<208x64xf32, #tpu.memory_space<vmem>>) dst(%dma_wait3A_317 : memref<208x64xf32, #tpu.memory_space<vmem_shared>>)
        tpu.yield
      }) : () -> ()
      %add3A_303 = arith.constant 416 : i32
      %add3A_304 = arith.addi %mul3A_19, %add3A_303 : i32
      "tpu.region"() ({
        %run_scoped3A = tpu.sem_alloc : memref<!tpu.dma_semaphore, #tpu.memory_space<semaphore_mem>>
        %dma_start3A_310 = arith.constant 0 : i32
        %dma_start3A_311 = tpu.memref_slice %arg9[%add3A_304, %dma_start3A_310] : memref<10000x64xf32, #tpu.memory_space<vmem_shared>> -> memref<208x64xf32, #tpu.memory_space<vmem_shared>>
        %dma_start3A_312 = arith.constant 0 : i32
        %dma_start3A_313 = tpu.memref_slice %arg9[%add3A_304, %dma_start3A_312] : memref<10000x64xf32, #tpu.memory_space<vmem_shared>> -> memref<208x64xf32, #tpu.memory_space<vmem_shared>>
        tpu.enqueue_dma source(%arg8 : memref<208x64xf32, #tpu.memory_space<vmem>>) target(%dma_start3A_313 : memref<208x64xf32, #tpu.memory_space<vmem_shared>>) target_semaphore(%run_scoped3A : memref<!tpu.dma_semaphore, #tpu.memory_space<semaphore_mem>>)
        %dma_wait3A_314 = arith.constant 0 : i32
        %dma_wait3A_315 = tpu.memref_slice %arg9[%add3A_304, %dma_wait3A_314] : memref<10000x64xf32, #tpu.memory_space<vmem_shared>> -> memref<208x64xf32, #tpu.memory_space<vmem_shared>>
        %dma_wait3A_316 = arith.constant 0 : i32
        %dma_wait3A_317 = tpu.memref_slice %arg9[%add3A_304, %dma_wait3A_316] : memref<10000x64xf32, #tpu.memory_space<vmem_shared>> -> memref<208x64xf32, #tpu.memory_space<vmem_shared>>
        tpu.wait_dma2 semaphore(%run_scoped3A : memref<!tpu.dma_semaphore, #tpu.memory_space<semaphore_mem>>) src(%arg8 : memref<208x64xf32, #tpu.memory_space<vmem>>) dst(%dma_wait3A_317 : memref<208x64xf32, #tpu.memory_space<vmem_shared>>)
        tpu.yield
      }) : () -> ()
      %eq3A_305 = arith.constant 15 : i32
      %eq3A_306 = arith.cmpi eq, %arg1, %eq3A_305 : i32
      %convert_element_type3A_307 = arith.extui %eq3A_306 : i1 to i32
      %cond3A_308 = arith.constant 0 : i32
      %cond3A_309 = arith.cmpi ne, %convert_element_type3A_307, %cond3A_308 : i32
      scf.if %cond3A_309 {
        "tpu.region"() ({
          %run_scoped3A = tpu.sem_alloc : memref<!tpu.dma_semaphore, #tpu.memory_space<semaphore_mem>>
          %dma_start3A_310 = arith.constant 0 : i32
          %dma_start3A_311 = arith.constant 0 : i32
          %dma_start3A_312 = tpu.memref_slice %arg8[%dma_start3A_310, %dma_start3A_311] : memref<208x64xf32, #tpu.memory_space<vmem>> -> memref<16x64xf32, #tpu.memory_space<vmem>>
          %dma_start3A_313 = arith.constant 9984 : i32
          %dma_start3A_314 = arith.constant 0 : i32
          %dma_start3A_315 = tpu.memref_slice %arg9[%dma_start3A_313, %dma_start3A_314] : memref<10000x64xf32, #tpu.memory_space<vmem_shared>> -> memref<16x64xf32, #tpu.memory_space<vmem_shared>>
          %dma_start3A_316 = arith.constant 9984 : i32
          %dma_start3A_317 = arith.constant 0 : i32
          %dma_start3A_318 = tpu.memref_slice %arg9[%dma_start3A_316, %dma_start3A_317] : memref<10000x64xf32, #tpu.memory_space<vmem_shared>> -> memref<16x64xf32, #tpu.memory_space<vmem_shared>>
          %dma_start3A_319 = arith.constant 0 : i32
          %dma_start3A_320 = arith.constant 0 : i32
          %dma_start3A_321 = tpu.memref_slice %arg8[%dma_start3A_319, %dma_start3A_320] : memref<208x64xf32, #tpu.memory_space<vmem>> -> memref<16x64xf32, #tpu.memory_space<vmem>>
          tpu.enqueue_dma source(%dma_start3A_321 : memref<16x64xf32, #tpu.memory_space<vmem>>) target(%dma_start3A_318 : memref<16x64xf32, #tpu.memory_space<vmem_shared>>) target_semaphore(%run_scoped3A : memref<!tpu.dma_semaphore, #tpu.memory_space<semaphore_mem>>)
          %dma_wait3A_322 = arith.constant 0 : i32
          %dma_wait3A_323 = arith.constant 0 : i32
          %dma_wait3A_324 = tpu.memref_slice %arg8[%dma_wait3A_322, %dma_wait3A_323] : memref<208x64xf32, #tpu.memory_space<vmem>> -> memref<16x64xf32, #tpu.memory_space<vmem>>
          %dma_wait3A_325 = arith.constant 9984 : i32
          %dma_wait3A_326 = arith.constant 0 : i32
          %dma_wait3A_327 = tpu.memref_slice %arg9[%dma_wait3A_325, %dma_wait3A_326] : memref<10000x64xf32, #tpu.memory_space<vmem_shared>> -> memref<16x64xf32, #tpu.memory_space<vmem_shared>>
          %dma_wait3A_328 = arith.constant 9984 : i32
          %dma_wait3A_329 = arith.constant 0 : i32
          %dma_wait3A_330 = tpu.memref_slice %arg9[%dma_wait3A_328, %dma_wait3A_329] : memref<10000x64xf32, #tpu.memory_space<vmem_shared>> -> memref<16x64xf32, #tpu.memory_space<vmem_shared>>
          %dma_wait3A_331 = arith.constant 0 : i32
          %dma_wait3A_332 = arith.constant 0 : i32
          %dma_wait3A_333 = tpu.memref_slice %arg8[%dma_wait3A_331, %dma_wait3A_332] : memref<208x64xf32, #tpu.memory_space<vmem>> -> memref<16x64xf32, #tpu.memory_space<vmem>>
          tpu.wait_dma2 semaphore(%run_scoped3A : memref<!tpu.dma_semaphore, #tpu.memory_space<semaphore_mem>>) src(%dma_wait3A_333 : memref<16x64xf32, #tpu.memory_space<vmem>>) dst(%dma_wait3A_330 : memref<16x64xf32, #tpu.memory_space<vmem_shared>>)
          tpu.yield
        }) : () -> ()
      } else {
      }
    } else {
    }
    %dma_wait3A = arith.constant 0 : i32
    %dma_wait3A_26 = arith.constant 0 : i32
    %dma_wait3A_27 = arith.constant 0 : i32
    %dma_wait3A_28 = tpu.memref_slice %arg3[%dma_wait3A, %add3A, %dma_wait3A_26, %dma_wait3A_27] : memref<2x32x50x100xi32, #tpu.memory_space<hbm>> -> memref<1x1x50x100xi32, #tpu.memory_space<hbm>>
    %dma_wait3A_29 = tpu.memref_squeeze %dma_wait3A_28 : memref<1x1x50x100xi32, #tpu.memory_space<hbm>> -> memref<50x100xi32, #tpu.memory_space<hbm>>
    %dma_wait3A_30 = arith.constant 0 : i32
    %dma_wait3A_31 = arith.constant 0 : i32
    %dma_wait3A_32 = tpu.memref_slice %arg3[%dma_wait3A, %add3A, %dma_wait3A_30, %dma_wait3A_31] : memref<2x32x50x100xi32, #tpu.memory_space<hbm>> -> memref<1x1x50x100xi32, #tpu.memory_space<hbm>>
    %dma_wait3A_33 = tpu.memref_squeeze %dma_wait3A_32 : memref<1x1x50x100xi32, #tpu.memory_space<hbm>> -> memref<50x100xi32, #tpu.memory_space<hbm>>
    tpu.wait_dma2 semaphore(%arg30 : memref<!tpu.dma_semaphore, #tpu.memory_space<semaphore_mem>>) src(%dma_wait3A_33 : memref<50x100xi32, #tpu.memory_space<hbm>>) dst(%arg5 : memref<50x100xi32, #tpu.memory_space<vmem>>)
    %dma_wait3A_34 = arith.constant 1 : i32
    %dma_wait3A_35 = arith.constant 0 : i32
    %dma_wait3A_36 = arith.constant 0 : i32
    %dma_wait3A_37 = tpu.memref_slice %arg3[%dma_wait3A_34, %add3A, %dma_wait3A_35, %dma_wait3A_36] : memref<2x32x50x100xi32, #tpu.memory_space<hbm>> -> memref<1x1x50x100xi32, #tpu.memory_space<hbm>>
    %dma_wait3A_38 = tpu.memref_squeeze %dma_wait3A_37 : memref<1x1x50x100xi32, #tpu.memory_space<hbm>> -> memref<50x100xi32, #tpu.memory_space<hbm>>
    %dma_wait3A_39 = arith.constant 0 : i32
    %dma_wait3A_40 = arith.constant 0 : i32
    %dma_wait3A_41 = tpu.memref_slice %arg3[%dma_wait3A_34, %add3A, %dma_wait3A_39, %dma_wait3A_40] : memref<2x32x50x100xi32, #tpu.memory_space<hbm>> -> memref<1x1x50x100xi32, #tpu.memory_space<hbm>>
    %dma_wait3A_42 = tpu.memref_squeeze %dma_wait3A_41 : memref<1x1x50x100xi32, #tpu.memory_space<hbm>> -> memref<50x100xi32, #tpu.memory_space<hbm>>
    tpu.wait_dma2 semaphore(%arg31 : memref<!tpu.dma_semaphore, #tpu.memory_space<semaphore_mem>>) src(%dma_wait3A_42 : memref<50x100xi32, #tpu.memory_space<hbm>>) dst(%arg6 : memref<50x100xi32, #tpu.memory_space<vmem>>)
    %barrier3A = arith.constant 0 : index
    tpu.barrier barrier_id(%barrier3A)
    %dma_start3A_43 = arith.constant 0 : i32
    %dma_start3A_44 = arith.constant 0 : i32
    %dma_start3A_45 = arith.constant 0 : i32
    %dma_start3A_46 = arith.constant 0 : i32
    %dma_start3A_47 = tpu.memref_slice %arg7[%dma_start3A_44, %dma_start3A_45, %dma_start3A_46] : memref<10x100x64xf32, #tpu.memory_space<vmem>> -> memref<1x100x64xf32, #tpu.memory_space<vmem>>
    %dma_start3A_48 = tpu.memref_squeeze %dma_start3A_47 : memref<1x100x64xf32, #tpu.memory_space<vmem>> -> memref<100x64xf32, #tpu.memory_space<vmem>>
    %dma_start3A_49 = arith.constant 0 : i32
    %dma_start3A_50 = tpu.memref_slice %arg5[%dma_start3A_43, %dma_start3A_49] : memref<50x100xi32, #tpu.memory_space<vmem>> -> memref<1x100xi32, #tpu.memory_space<vmem>>
    %dma_start3A_51 = tpu.memref_squeeze %dma_start3A_50 : memref<1x100xi32, #tpu.memory_space<vmem>> -> memref<100xi32, #tpu.memory_space<vmem>>
    %dma_start3A_52 = arith.constant 0 : i32
    %dma_start3A_53 = arith.constant 0 : i32
    %dma_start3A_54 = tpu.memref_slice %arg2[%dma_start3A_52, %dma_start3A_53] : memref<10000x64xf32, #tpu.memory_space<hbm>> -> memref<10000x64xf32, #tpu.memory_space<hbm>>
    tpu.enqueue_indirect_dma source(%dma_start3A_54 : memref<10000x64xf32, #tpu.memory_space<hbm>>) target(%dma_start3A_48 : memref<100x64xf32, #tpu.memory_space<vmem>>) offsets(%dma_start3A_51 : memref<100xi32, #tpu.memory_space<vmem>>) semaphore(%arg10 : memref<!tpu.dma_semaphore, #tpu.memory_space<semaphore_mem>>)
    %dma_start3A_55 = arith.constant 1 : i32
    %dma_start3A_56 = arith.constant 1 : i32
    %dma_start3A_57 = arith.constant 0 : i32
    %dma_start3A_58 = arith.constant 0 : i32
    %dma_start3A_59 = tpu.memref_slice %arg7[%dma_start3A_56, %dma_start3A_57, %dma_start3A_58] : memref<10x100x64xf32, #tpu.memory_space<vmem>> -> memref<1x100x64xf32, #tpu.memory_space<vmem>>
    %dma_start3A_60 = tpu.memref_squeeze %dma_start3A_59 : memref<1x100x64xf32, #tpu.memory_space<vmem>> -> memref<100x64xf32, #tpu.memory_space<vmem>>
    %dma_start3A_61 = arith.constant 0 : i32
    %dma_start3A_62 = tpu.memref_slice %arg5[%dma_start3A_55, %dma_start3A_61] : memref<50x100xi32, #tpu.memory_space<vmem>> -> memref<1x100xi32, #tpu.memory_space<vmem>>
    %dma_start3A_63 = tpu.memref_squeeze %dma_start3A_62 : memref<1x100xi32, #tpu.memory_space<vmem>> -> memref<100xi32, #tpu.memory_space<vmem>>
    %dma_start3A_64 = arith.constant 0 : i32
    %dma_start3A_65 = arith.constant 0 : i32
    %dma_start3A_66 = tpu.memref_slice %arg2[%dma_start3A_64, %dma_start3A_65] : memref<10000x64xf32, #tpu.memory_space<hbm>> -> memref<10000x64xf32, #tpu.memory_space<hbm>>
    tpu.enqueue_indirect_dma source(%dma_start3A_66 : memref<10000x64xf32, #tpu.memory_space<hbm>>) target(%dma_start3A_60 : memref<100x64xf32, #tpu.memory_space<vmem>>) offsets(%dma_start3A_63 : memref<100xi32, #tpu.memory_space<vmem>>) semaphore(%arg11 : memref<!tpu.dma_semaphore, #tpu.memory_space<semaphore_mem>>)
    %dma_start3A_67 = arith.constant 2 : i32
    %dma_start3A_68 = arith.constant 2 : i32
    %dma_start3A_69 = arith.constant 0 : i32
    %dma_start3A_70 = arith.constant 0 : i32
    %dma_start3A_71 = tpu.memref_slice %arg7[%dma_start3A_68, %dma_start3A_69, %dma_start3A_70] : memref<10x100x64xf32, #tpu.memory_space<vmem>> -> memref<1x100x64xf32, #tpu.memory_space<vmem>>
    %dma_start3A_72 = tpu.memref_squeeze %dma_start3A_71 : memref<1x100x64xf32, #tpu.memory_space<vmem>> -> memref<100x64xf32, #tpu.memory_space<vmem>>
    %dma_start3A_73 = arith.constant 0 : i32
    %dma_start3A_74 = tpu.memref_slice %arg5[%dma_start3A_67, %dma_start3A_73] : memref<50x100xi32, #tpu.memory_space<vmem>> -> memref<1x100xi32, #tpu.memory_space<vmem>>
    %dma_start3A_75 = tpu.memref_squeeze %dma_start3A_74 : memref<1x100xi32, #tpu.memory_space<vmem>> -> memref<100xi32, #tpu.memory_space<vmem>>
    %dma_start3A_76 = arith.constant 0 : i32
    %dma_start3A_77 = arith.constant 0 : i32
    %dma_start3A_78 = tpu.memref_slice %arg2[%dma_start3A_76, %dma_start3A_77] : memref<10000x64xf32, #tpu.memory_space<hbm>> -> memref<10000x64xf32, #tpu.memory_space<hbm>>
    tpu.enqueue_indirect_dma source(%dma_start3A_78 : memref<10000x64xf32, #tpu.memory_space<hbm>>) target(%dma_start3A_72 : memref<100x64xf32, #tpu.memory_space<vmem>>) offsets(%dma_start3A_75 : memref<100xi32, #tpu.memory_space<vmem>>) semaphore(%arg12 : memref<!tpu.dma_semaphore, #tpu.memory_space<semaphore_mem>>)
    %dma_start3A_79 = arith.constant 3 : i32
    %dma_start3A_80 = arith.constant 3 : i32
    %dma_start3A_81 = arith.constant 0 : i32
    %dma_start3A_82 = arith.constant 0 : i32
    %dma_start3A_83 = tpu.memref_slice %arg7[%dma_start3A_80, %dma_start3A_81, %dma_start3A_82] : memref<10x100x64xf32, #tpu.memory_space<vmem>> -> memref<1x100x64xf32, #tpu.memory_space<vmem>>
    %dma_start3A_84 = tpu.memref_squeeze %dma_start3A_83 : memref<1x100x64xf32, #tpu.memory_space<vmem>> -> memref<100x64xf32, #tpu.memory_space<vmem>>
    %dma_start3A_85 = arith.constant 0 : i32
    %dma_start3A_86 = tpu.memref_slice %arg5[%dma_start3A_79, %dma_start3A_85] : memref<50x100xi32, #tpu.memory_space<vmem>> -> memref<1x100xi32, #tpu.memory_space<vmem>>
    %dma_start3A_87 = tpu.memref_squeeze %dma_start3A_86 : memref<1x100xi32, #tpu.memory_space<vmem>> -> memref<100xi32, #tpu.memory_space<vmem>>
    %dma_start3A_88 = arith.constant 0 : i32
    %dma_start3A_89 = arith.constant 0 : i32
    %dma_start3A_90 = tpu.memref_slice %arg2[%dma_start3A_88, %dma_start3A_89] : memref<10000x64xf32, #tpu.memory_space<hbm>> -> memref<10000x64xf32, #tpu.memory_space<hbm>>
    tpu.enqueue_indirect_dma source(%dma_start3A_90 : memref<10000x64xf32, #tpu.memory_space<hbm>>) target(%dma_start3A_84 : memref<100x64xf32, #tpu.memory_space<vmem>>) offsets(%dma_start3A_87 : memref<100xi32, #tpu.memory_space<vmem>>) semaphore(%arg13 : memref<!tpu.dma_semaphore, #tpu.memory_space<semaphore_mem>>)
    %dma_start3A_91 = arith.constant 4 : i32
    %dma_start3A_92 = arith.constant 4 : i32
    %dma_start3A_93 = arith.constant 0 : i32
    %dma_start3A_94 = arith.constant 0 : i32
    %dma_start3A_95 = tpu.memref_slice %arg7[%dma_start3A_92, %dma_start3A_93, %dma_start3A_94] : memref<10x100x64xf32, #tpu.memory_space<vmem>> -> memref<1x100x64xf32, #tpu.memory_space<vmem>>
    %dma_start3A_96 = tpu.memref_squeeze %dma_start3A_95 : memref<1x100x64xf32, #tpu.memory_space<vmem>> -> memref<100x64xf32, #tpu.memory_space<vmem>>
    %dma_start3A_97 = arith.constant 0 : i32
    %dma_start3A_98 = tpu.memref_slice %arg5[%dma_start3A_91, %dma_start3A_97] : memref<50x100xi32, #tpu.memory_space<vmem>> -> memref<1x100xi32, #tpu.memory_space<vmem>>
    %dma_start3A_99 = tpu.memref_squeeze %dma_start3A_98 : memref<1x100xi32, #tpu.memory_space<vmem>> -> memref<100xi32, #tpu.memory_space<vmem>>
    %dma_start3A_100 = arith.constant 0 : i32
    %dma_start3A_101 = arith.constant 0 : i32
    %dma_start3A_102 = tpu.memref_slice %arg2[%dma_start3A_100, %dma_start3A_101] : memref<10000x64xf32, #tpu.memory_space<hbm>> -> memref<10000x64xf32, #tpu.memory_space<hbm>>
    tpu.enqueue_indirect_dma source(%dma_start3A_102 : memref<10000x64xf32, #tpu.memory_space<hbm>>) target(%dma_start3A_96 : memref<100x64xf32, #tpu.memory_space<vmem>>) offsets(%dma_start3A_99 : memref<100xi32, #tpu.memory_space<vmem>>) semaphore(%arg14 : memref<!tpu.dma_semaphore, #tpu.memory_space<semaphore_mem>>)
    %dma_start3A_103 = arith.constant 5 : i32
    %dma_start3A_104 = arith.constant 5 : i32
    %dma_start3A_105 = arith.constant 0 : i32
    %dma_start3A_106 = arith.constant 0 : i32
    %dma_start3A_107 = tpu.memref_slice %arg7[%dma_start3A_104, %dma_start3A_105, %dma_start3A_106] : memref<10x100x64xf32, #tpu.memory_space<vmem>> -> memref<1x100x64xf32, #tpu.memory_space<vmem>>
    %dma_start3A_108 = tpu.memref_squeeze %dma_start3A_107 : memref<1x100x64xf32, #tpu.memory_space<vmem>> -> memref<100x64xf32, #tpu.memory_space<vmem>>
    %dma_start3A_109 = arith.constant 0 : i32
    %dma_start3A_110 = tpu.memref_slice %arg5[%dma_start3A_103, %dma_start3A_109] : memref<50x100xi32, #tpu.memory_space<vmem>> -> memref<1x100xi32, #tpu.memory_space<vmem>>
    %dma_start3A_111 = tpu.memref_squeeze %dma_start3A_110 : memref<1x100xi32, #tpu.memory_space<vmem>> -> memref<100xi32, #tpu.memory_space<vmem>>
    %dma_start3A_112 = arith.constant 0 : i32
    %dma_start3A_113 = arith.constant 0 : i32
    %dma_start3A_114 = tpu.memref_slice %arg2[%dma_start3A_112, %dma_start3A_113] : memref<10000x64xf32, #tpu.memory_space<hbm>> -> memref<10000x64xf32, #tpu.memory_space<hbm>>
    tpu.enqueue_indirect_dma source(%dma_start3A_114 : memref<10000x64xf32, #tpu.memory_space<hbm>>) target(%dma_start3A_108 : memref<100x64xf32, #tpu.memory_space<vmem>>) offsets(%dma_start3A_111 : memref<100xi32, #tpu.memory_space<vmem>>) semaphore(%arg15 : memref<!tpu.dma_semaphore, #tpu.memory_space<semaphore_mem>>)
    %dma_start3A_115 = arith.constant 6 : i32
    %dma_start3A_116 = arith.constant 6 : i32
    %dma_start3A_117 = arith.constant 0 : i32
    %dma_start3A_118 = arith.constant 0 : i32
    %dma_start3A_119 = tpu.memref_slice %arg7[%dma_start3A_116, %dma_start3A_117, %dma_start3A_118] : memref<10x100x64xf32, #tpu.memory_space<vmem>> -> memref<1x100x64xf32, #tpu.memory_space<vmem>>
    %dma_start3A_120 = tpu.memref_squeeze %dma_start3A_119 : memref<1x100x64xf32, #tpu.memory_space<vmem>> -> memref<100x64xf32, #tpu.memory_space<vmem>>
    %dma_start3A_121 = arith.constant 0 : i32
    %dma_start3A_122 = tpu.memref_slice %arg5[%dma_start3A_115, %dma_start3A_121] : memref<50x100xi32, #tpu.memory_space<vmem>> -> memref<1x100xi32, #tpu.memory_space<vmem>>
    %dma_start3A_123 = tpu.memref_squeeze %dma_start3A_122 : memref<1x100xi32, #tpu.memory_space<vmem>> -> memref<100xi32, #tpu.memory_space<vmem>>
    %dma_start3A_124 = arith.constant 0 : i32
    %dma_start3A_125 = arith.constant 0 : i32
    %dma_start3A_126 = tpu.memref_slice %arg2[%dma_start3A_124, %dma_start3A_125] : memref<10000x64xf32, #tpu.memory_space<hbm>> -> memref<10000x64xf32, #tpu.memory_space<hbm>>
    tpu.enqueue_indirect_dma source(%dma_start3A_126 : memref<10000x64xf32, #tpu.memory_space<hbm>>) target(%dma_start3A_120 : memref<100x64xf32, #tpu.memory_space<vmem>>) offsets(%dma_start3A_123 : memref<100xi32, #tpu.memory_space<vmem>>) semaphore(%arg16 : memref<!tpu.dma_semaphore, #tpu.memory_space<semaphore_mem>>)
    %dma_start3A_127 = arith.constant 7 : i32
    %dma_start3A_128 = arith.constant 7 : i32
    %dma_start3A_129 = arith.constant 0 : i32
    %dma_start3A_130 = arith.constant 0 : i32
    %dma_start3A_131 = tpu.memref_slice %arg7[%dma_start3A_128, %dma_start3A_129, %dma_start3A_130] : memref<10x100x64xf32, #tpu.memory_space<vmem>> -> memref<1x100x64xf32, #tpu.memory_space<vmem>>
    %dma_start3A_132 = tpu.memref_squeeze %dma_start3A_131 : memref<1x100x64xf32, #tpu.memory_space<vmem>> -> memref<100x64xf32, #tpu.memory_space<vmem>>
    %dma_start3A_133 = arith.constant 0 : i32
    %dma_start3A_134 = tpu.memref_slice %arg5[%dma_start3A_127, %dma_start3A_133] : memref<50x100xi32, #tpu.memory_space<vmem>> -> memref<1x100xi32, #tpu.memory_space<vmem>>
    %dma_start3A_135 = tpu.memref_squeeze %dma_start3A_134 : memref<1x100xi32, #tpu.memory_space<vmem>> -> memref<100xi32, #tpu.memory_space<vmem>>
    %dma_start3A_136 = arith.constant 0 : i32
    %dma_start3A_137 = arith.constant 0 : i32
    %dma_start3A_138 = tpu.memref_slice %arg2[%dma_start3A_136, %dma_start3A_137] : memref<10000x64xf32, #tpu.memory_space<hbm>> -> memref<10000x64xf32, #tpu.memory_space<hbm>>
    tpu.enqueue_indirect_dma source(%dma_start3A_138 : memref<10000x64xf32, #tpu.memory_space<hbm>>) target(%dma_start3A_132 : memref<100x64xf32, #tpu.memory_space<vmem>>) offsets(%dma_start3A_135 : memref<100xi32, #tpu.memory_space<vmem>>) semaphore(%arg17 : memref<!tpu.dma_semaphore, #tpu.memory_space<semaphore_mem>>)
    %dma_start3A_139 = arith.constant 8 : i32
    %dma_start3A_140 = arith.constant 8 : i32
    %dma_start3A_141 = arith.constant 0 : i32
    %dma_start3A_142 = arith.constant 0 : i32
    %dma_start3A_143 = tpu.memref_slice %arg7[%dma_start3A_140, %dma_start3A_141, %dma_start3A_142] : memref<10x100x64xf32, #tpu.memory_space<vmem>> -> memref<1x100x64xf32, #tpu.memory_space<vmem>>
    %dma_start3A_144 = tpu.memref_squeeze %dma_start3A_143 : memref<1x100x64xf32, #tpu.memory_space<vmem>> -> memref<100x64xf32, #tpu.memory_space<vmem>>
    %dma_start3A_145 = arith.constant 0 : i32
    %dma_start3A_146 = tpu.memref_slice %arg5[%dma_start3A_139, %dma_start3A_145] : memref<50x100xi32, #tpu.memory_space<vmem>> -> memref<1x100xi32, #tpu.memory_space<vmem>>
    %dma_start3A_147 = tpu.memref_squeeze %dma_start3A_146 : memref<1x100xi32, #tpu.memory_space<vmem>> -> memref<100xi32, #tpu.memory_space<vmem>>
    %dma_start3A_148 = arith.constant 0 : i32
    %dma_start3A_149 = arith.constant 0 : i32
    %dma_start3A_150 = tpu.memref_slice %arg2[%dma_start3A_148, %dma_start3A_149] : memref<10000x64xf32, #tpu.memory_space<hbm>> -> memref<10000x64xf32, #tpu.memory_space<hbm>>
    tpu.enqueue_indirect_dma source(%dma_start3A_150 : memref<10000x64xf32, #tpu.memory_space<hbm>>) target(%dma_start3A_144 : memref<100x64xf32, #tpu.memory_space<vmem>>) offsets(%dma_start3A_147 : memref<100xi32, #tpu.memory_space<vmem>>) semaphore(%arg18 : memref<!tpu.dma_semaphore, #tpu.memory_space<semaphore_mem>>)
    %dma_start3A_151 = arith.constant 9 : i32
    %dma_start3A_152 = arith.constant 9 : i32
    %dma_start3A_153 = arith.constant 0 : i32
    %dma_start3A_154 = arith.constant 0 : i32
    %dma_start3A_155 = tpu.memref_slice %arg7[%dma_start3A_152, %dma_start3A_153, %dma_start3A_154] : memref<10x100x64xf32, #tpu.memory_space<vmem>> -> memref<1x100x64xf32, #tpu.memory_space<vmem>>
    %dma_start3A_156 = tpu.memref_squeeze %dma_start3A_155 : memref<1x100x64xf32, #tpu.memory_space<vmem>> -> memref<100x64xf32, #tpu.memory_space<vmem>>
    %dma_start3A_157 = arith.constant 0 : i32
    %dma_start3A_158 = tpu.memref_slice %arg5[%dma_start3A_151, %dma_start3A_157] : memref<50x100xi32, #tpu.memory_space<vmem>> -> memref<1x100xi32, #tpu.memory_space<vmem>>
    %dma_start3A_159 = tpu.memref_squeeze %dma_start3A_158 : memref<1x100xi32, #tpu.memory_space<vmem>> -> memref<100xi32, #tpu.memory_space<vmem>>
    %dma_start3A_160 = arith.constant 0 : i32
    %dma_start3A_161 = arith.constant 0 : i32
    %dma_start3A_162 = tpu.memref_slice %arg2[%dma_start3A_160, %dma_start3A_161] : memref<10000x64xf32, #tpu.memory_space<hbm>> -> memref<10000x64xf32, #tpu.memory_space<hbm>>
    tpu.enqueue_indirect_dma source(%dma_start3A_162 : memref<10000x64xf32, #tpu.memory_space<hbm>>) target(%dma_start3A_156 : memref<100x64xf32, #tpu.memory_space<vmem>>) offsets(%dma_start3A_159 : memref<100xi32, #tpu.memory_space<vmem>>) semaphore(%arg19 : memref<!tpu.dma_semaphore, #tpu.memory_space<semaphore_mem>>)
    %scan3A = arith.constant 0 : i32
    %scan3A_163 = arith.constant 5 : i32
    %scan3A_164 = arith.addi %scan3A, %scan3A_163 : i32
    %scan3A_165 = arith.constant 1 : i32
    scf.for %scan3A_293 = %scan3A to %scan3A_164 step %scan3A_165  : i32 {
      %mul3A_294 = arith.constant 1 : i32
      %mul3A_295 = arith.muli %scan3A_293, %mul3A_294 : i32
      %add3A_296 = arith.constant 0 : i32
      %add3A_297 = arith.addi %add3A_296, %mul3A_295 : i32
      %mul3A_298 = arith.constant 10 : i32
      %mul3A_299 = arith.muli %add3A_297, %mul3A_298 : i32
      %add3A_300 = arith.constant 0 : i32
      %add3A_301 = arith.addi %mul3A_299, %add3A_300 : i32
      %dma_wait3A_302 = arith.constant 0 : i32
      %dma_wait3A_303 = arith.constant 0 : i32
      %dma_wait3A_304 = arith.constant 0 : i32
      %dma_wait3A_305 = tpu.memref_slice %arg7[%dma_wait3A_302, %dma_wait3A_303, %dma_wait3A_304] : memref<10x100x64xf32, #tpu.memory_space<vmem>> -> memref<1x100x64xf32, #tpu.memory_space<vmem>>
      %dma_wait3A_306 = tpu.memref_squeeze %dma_wait3A_305 : memref<1x100x64xf32, #tpu.memory_space<vmem>> -> memref<100x64xf32, #tpu.memory_space<vmem>>
      %dma_wait3A_307 = arith.constant 0 : i32
      %dma_wait3A_308 = tpu.memref_slice %arg5[%add3A_301, %dma_wait3A_307] : memref<50x100xi32, #tpu.memory_space<vmem>> -> memref<1x100xi32, #tpu.memory_space<vmem>>
      %dma_wait3A_309 = tpu.memref_squeeze %dma_wait3A_308 : memref<1x100xi32, #tpu.memory_space<vmem>> -> memref<100xi32, #tpu.memory_space<vmem>>
      %dma_wait3A_310 = arith.constant 0 : i32
      %dma_wait3A_311 = arith.constant 0 : i32
      %dma_wait3A_312 = tpu.memref_slice %arg2[%dma_wait3A_310, %dma_wait3A_311] : memref<10000x64xf32, #tpu.memory_space<hbm>> -> memref<10000x64xf32, #tpu.memory_space<hbm>>
      tpu.wait_indirect_dma semaphore(%arg10 : memref<!tpu.dma_semaphore, #tpu.memory_space<semaphore_mem>>) src(%dma_wait3A_312 : memref<10000x64xf32, #tpu.memory_space<hbm>>) dst(%dma_wait3A_306 : memref<100x64xf32, #tpu.memory_space<vmem>>)
      %dma_start3A_313 = arith.constant 0 : i32
      %dma_start3A_314 = arith.constant 0 : i32
      %dma_start3A_315 = arith.constant 0 : i32
      %dma_start3A_316 = tpu.memref_slice %arg7[%dma_start3A_313, %dma_start3A_314, %dma_start3A_315] : memref<10x100x64xf32, #tpu.memory_space<vmem>> -> memref<1x100x64xf32, #tpu.memory_space<vmem>>
      %dma_start3A_317 = tpu.memref_squeeze %dma_start3A_316 : memref<1x100x64xf32, #tpu.memory_space<vmem>> -> memref<100x64xf32, #tpu.memory_space<vmem>>
      %dma_start3A_318 = arith.constant 0 : i32
      %dma_start3A_319 = tpu.memref_slice %arg6[%add3A_301, %dma_start3A_318] : memref<50x100xi32, #tpu.memory_space<vmem>> -> memref<1x100xi32, #tpu.memory_space<vmem>>
      %dma_start3A_320 = tpu.memref_squeeze %dma_start3A_319 : memref<1x100xi32, #tpu.memory_space<vmem>> -> memref<100xi32, #tpu.memory_space<vmem>>
      %dma_start3A_321 = arith.constant 0 : i32
      %dma_start3A_322 = arith.constant 0 : i32
      %dma_start3A_323 = tpu.memref_slice %arg9[%dma_start3A_321, %dma_start3A_322] : memref<10000x64xf32, #tpu.memory_space<vmem_shared>> -> memref<10000x64xf32, #tpu.memory_space<vmem_shared>>
      tpu.enqueue_indirect_dma source(%dma_start3A_317 : memref<100x64xf32, #tpu.memory_space<vmem>>) target(%dma_start3A_323 : memref<10000x64xf32, #tpu.memory_space<vmem_shared>>) offsets(%dma_start3A_320 : memref<100xi32, #tpu.memory_space<vmem>>) semaphore(%arg20 : memref<!tpu.dma_semaphore, #tpu.memory_space<semaphore_mem>>) {add = true}
      %sub3A = arith.constant 2 : i32
      %sub3A_324 = arith.subi %add3A_301, %sub3A : i32
      %ge3A = arith.constant 0 : i32
      %ge3A_325 = arith.cmpi sge, %sub3A_324, %ge3A : i32
      %add3A_326 = arith.constant 10 : i32
      %add3A_327 = arith.addi %sub3A_324, %add3A_326 : i32
      %lt3A = arith.constant 50 : i32
      %lt3A_328 = arith.cmpi slt, %add3A_327, %lt3A : i32
      %and3A = arith.andi %ge3A_325, %lt3A_328 : i1
      %convert_element_type3A_329 = arith.extui %and3A : i1 to i32
      %cond3A_330 = arith.constant 0 : i32
      %cond3A_331 = arith.cmpi ne, %convert_element_type3A_329, %cond3A_330 : i32
      scf.if %cond3A_331 {
        %dma_wait3A_674 = arith.constant 8 : i32
        %dma_wait3A_675 = arith.constant 0 : i32
        %dma_wait3A_676 = arith.constant 0 : i32
        %dma_wait3A_677 = tpu.memref_slice %arg7[%dma_wait3A_674, %dma_wait3A_675, %dma_wait3A_676] : memref<10x100x64xf32, #tpu.memory_space<vmem>> -> memref<1x100x64xf32, #tpu.memory_space<vmem>>
        %dma_wait3A_678 = tpu.memref_squeeze %dma_wait3A_677 : memref<1x100x64xf32, #tpu.memory_space<vmem>> -> memref<100x64xf32, #tpu.memory_space<vmem>>
        %dma_wait3A_679 = arith.constant 0 : i32
        %dma_wait3A_680 = tpu.memref_slice %arg6[%sub3A_324, %dma_wait3A_679] : memref<50x100xi32, #tpu.memory_space<vmem>> -> memref<1x100xi32, #tpu.memory_space<vmem>>
        %dma_wait3A_681 = tpu.memref_squeeze %dma_wait3A_680 : memref<1x100xi32, #tpu.memory_space<vmem>> -> memref<100xi32, #tpu.memory_space<vmem>>
        %dma_wait3A_682 = arith.constant 0 : i32
        %dma_wait3A_683 = arith.constant 0 : i32
        %dma_wait3A_684 = tpu.memref_slice %arg9[%dma_wait3A_682, %dma_wait3A_683] : memref<10000x64xf32, #tpu.memory_space<vmem_shared>> -> memref<10000x64xf32, #tpu.memory_space<vmem_shared>>
        tpu.wait_indirect_dma semaphore(%arg28 : memref<!tpu.dma_semaphore, #tpu.memory_space<semaphore_mem>>) src(%dma_wait3A_678 : memref<100x64xf32, #tpu.memory_space<vmem>>) dst(%dma_wait3A_684 : memref<10000x64xf32, #tpu.memory_space<vmem_shared>>)
        %add3A_685 = arith.constant 10 : i32
        %add3A_686 = arith.addi %sub3A_324, %add3A_685 : i32
        %dma_start3A_687 = arith.constant 8 : i32
        %dma_start3A_688 = arith.constant 0 : i32
        %dma_start3A_689 = arith.constant 0 : i32
        %dma_start3A_690 = tpu.memref_slice %arg7[%dma_start3A_687, %dma_start3A_688, %dma_start3A_689] : memref<10x100x64xf32, #tpu.memory_space<vmem>> -> memref<1x100x64xf32, #tpu.memory_space<vmem>>
        %dma_start3A_691 = tpu.memref_squeeze %dma_start3A_690 : memref<1x100x64xf32, #tpu.memory_space<vmem>> -> memref<100x64xf32, #tpu.memory_space<vmem>>
        %dma_start3A_692 = arith.constant 0 : i32
        %dma_start3A_693 = tpu.memref_slice %arg5[%add3A_686, %dma_start3A_692] : memref<50x100xi32, #tpu.memory_space<vmem>> -> memref<1x100xi32, #tpu.memory_space<vmem>>
        %dma_start3A_694 = tpu.memref_squeeze %dma_start3A_693 : memref<1x100xi32, #tpu.memory_space<vmem>> -> memref<100xi32, #tpu.memory_space<vmem>>
        %dma_start3A_695 = arith.constant 0 : i32
        %dma_start3A_696 = arith.constant 0 : i32
        %dma_start3A_697 = tpu.memref_slice %arg2[%dma_start3A_695, %dma_start3A_696] : memref<10000x64xf32, #tpu.memory_space<hbm>> -> memref<10000x64xf32, #tpu.memory_space<hbm>>
        tpu.enqueue_indirect_dma source(%dma_start3A_697 : memref<10000x64xf32, #tpu.memory_space<hbm>>) target(%dma_start3A_691 : memref<100x64xf32, #tpu.memory_space<vmem>>) offsets(%dma_start3A_694 : memref<100xi32, #tpu.memory_space<vmem>>) semaphore(%arg18 : memref<!tpu.dma_semaphore, #tpu.memory_space<semaphore_mem>>)
      } else {
      }
      %mul3A_332 = arith.constant 10 : i32
      %mul3A_333 = arith.muli %add3A_297, %mul3A_332 : i32
      %add3A_334 = arith.constant 1 : i32
      %add3A_335 = arith.addi %mul3A_333, %add3A_334 : i32
      %dma_wait3A_336 = arith.constant 1 : i32
      %dma_wait3A_337 = arith.constant 0 : i32
      %dma_wait3A_338 = arith.constant 0 : i32
      %dma_wait3A_339 = tpu.memref_slice %arg7[%dma_wait3A_336, %dma_wait3A_337, %dma_wait3A_338] : memref<10x100x64xf32, #tpu.memory_space<vmem>> -> memref<1x100x64xf32, #tpu.memory_space<vmem>>
      %dma_wait3A_340 = tpu.memref_squeeze %dma_wait3A_339 : memref<1x100x64xf32, #tpu.memory_space<vmem>> -> memref<100x64xf32, #tpu.memory_space<vmem>>
      %dma_wait3A_341 = arith.constant 0 : i32
      %dma_wait3A_342 = tpu.memref_slice %arg5[%add3A_335, %dma_wait3A_341] : memref<50x100xi32, #tpu.memory_space<vmem>> -> memref<1x100xi32, #tpu.memory_space<vmem>>
      %dma_wait3A_343 = tpu.memref_squeeze %dma_wait3A_342 : memref<1x100xi32, #tpu.memory_space<vmem>> -> memref<100xi32, #tpu.memory_space<vmem>>
      %dma_wait3A_344 = arith.constant 0 : i32
      %dma_wait3A_345 = arith.constant 0 : i32
      %dma_wait3A_346 = tpu.memref_slice %arg2[%dma_wait3A_344, %dma_wait3A_345] : memref<10000x64xf32, #tpu.memory_space<hbm>> -> memref<10000x64xf32, #tpu.memory_space<hbm>>
      tpu.wait_indirect_dma semaphore(%arg11 : memref<!tpu.dma_semaphore, #tpu.memory_space<semaphore_mem>>) src(%dma_wait3A_346 : memref<10000x64xf32, #tpu.memory_space<hbm>>) dst(%dma_wait3A_340 : memref<100x64xf32, #tpu.memory_space<vmem>>)
      %dma_start3A_347 = arith.constant 1 : i32
      %dma_start3A_348 = arith.constant 0 : i32
      %dma_start3A_349 = arith.constant 0 : i32
      %dma_start3A_350 = tpu.memref_slice %arg7[%dma_start3A_347, %dma_start3A_348, %dma_start3A_349] : memref<10x100x64xf32, #tpu.memory_space<vmem>> -> memref<1x100x64xf32, #tpu.memory_space<vmem>>
      %dma_start3A_351 = tpu.memref_squeeze %dma_start3A_350 : memref<1x100x64xf32, #tpu.memory_space<vmem>> -> memref<100x64xf32, #tpu.memory_space<vmem>>
      %dma_start3A_352 = arith.constant 0 : i32
      %dma_start3A_353 = tpu.memref_slice %arg6[%add3A_335, %dma_start3A_352] : memref<50x100xi32, #tpu.memory_space<vmem>> -> memref<1x100xi32, #tpu.memory_space<vmem>>
      %dma_start3A_354 = tpu.memref_squeeze %dma_start3A_353 : memref<1x100xi32, #tpu.memory_space<vmem>> -> memref<100xi32, #tpu.memory_space<vmem>>
      %dma_start3A_355 = arith.constant 0 : i32
      %dma_start3A_356 = arith.constant 0 : i32
      %dma_start3A_357 = tpu.memref_slice %arg9[%dma_start3A_355, %dma_start3A_356] : memref<10000x64xf32, #tpu.memory_space<vmem_shared>> -> memref<10000x64xf32, #tpu.memory_space<vmem_shared>>
      tpu.enqueue_indirect_dma source(%dma_start3A_351 : memref<100x64xf32, #tpu.memory_space<vmem>>) target(%dma_start3A_357 : memref<10000x64xf32, #tpu.memory_space<vmem_shared>>) offsets(%dma_start3A_354 : memref<100xi32, #tpu.memory_space<vmem>>) semaphore(%arg21 : memref<!tpu.dma_semaphore, #tpu.memory_space<semaphore_mem>>) {add = true}
      %sub3A_358 = arith.constant 2 : i32
      %sub3A_359 = arith.subi %add3A_335, %sub3A_358 : i32
      %ge3A_360 = arith.constant 0 : i32
      %ge3A_361 = arith.cmpi sge, %sub3A_359, %ge3A_360 : i32
      %add3A_362 = arith.constant 10 : i32
      %add3A_363 = arith.addi %sub3A_359, %add3A_362 : i32
      %lt3A_364 = arith.constant 50 : i32
      %lt3A_365 = arith.cmpi slt, %add3A_363, %lt3A_364 : i32
      %and3A_366 = arith.andi %ge3A_361, %lt3A_365 : i1
      %convert_element_type3A_367 = arith.extui %and3A_366 : i1 to i32
      %cond3A_368 = arith.constant 0 : i32
      %cond3A_369 = arith.cmpi ne, %convert_element_type3A_367, %cond3A_368 : i32
      scf.if %cond3A_369 {
        %dma_wait3A_674 = arith.constant 9 : i32
        %dma_wait3A_675 = arith.constant 0 : i32
        %dma_wait3A_676 = arith.constant 0 : i32
        %dma_wait3A_677 = tpu.memref_slice %arg7[%dma_wait3A_674, %dma_wait3A_675, %dma_wait3A_676] : memref<10x100x64xf32, #tpu.memory_space<vmem>> -> memref<1x100x64xf32, #tpu.memory_space<vmem>>
        %dma_wait3A_678 = tpu.memref_squeeze %dma_wait3A_677 : memref<1x100x64xf32, #tpu.memory_space<vmem>> -> memref<100x64xf32, #tpu.memory_space<vmem>>
        %dma_wait3A_679 = arith.constant 0 : i32
        %dma_wait3A_680 = tpu.memref_slice %arg6[%sub3A_359, %dma_wait3A_679] : memref<50x100xi32, #tpu.memory_space<vmem>> -> memref<1x100xi32, #tpu.memory_space<vmem>>
        %dma_wait3A_681 = tpu.memref_squeeze %dma_wait3A_680 : memref<1x100xi32, #tpu.memory_space<vmem>> -> memref<100xi32, #tpu.memory_space<vmem>>
        %dma_wait3A_682 = arith.constant 0 : i32
        %dma_wait3A_683 = arith.constant 0 : i32
        %dma_wait3A_684 = tpu.memref_slice %arg9[%dma_wait3A_682, %dma_wait3A_683] : memref<10000x64xf32, #tpu.memory_space<vmem_shared>> -> memref<10000x64xf32, #tpu.memory_space<vmem_shared>>
        tpu.wait_indirect_dma semaphore(%arg29 : memref<!tpu.dma_semaphore, #tpu.memory_space<semaphore_mem>>) src(%dma_wait3A_678 : memref<100x64xf32, #tpu.memory_space<vmem>>) dst(%dma_wait3A_684 : memref<10000x64xf32, #tpu.memory_space<vmem_shared>>)
        %add3A_685 = arith.constant 10 : i32
        %add3A_686 = arith.addi %sub3A_359, %add3A_685 : i32
        %dma_start3A_687 = arith.constant 9 : i32
        %dma_start3A_688 = arith.constant 0 : i32
        %dma_start3A_689 = arith.constant 0 : i32
        %dma_start3A_690 = tpu.memref_slice %arg7[%dma_start3A_687, %dma_start3A_688, %dma_start3A_689] : memref<10x100x64xf32, #tpu.memory_space<vmem>> -> memref<1x100x64xf32, #tpu.memory_space<vmem>>
        %dma_start3A_691 = tpu.memref_squeeze %dma_start3A_690 : memref<1x100x64xf32, #tpu.memory_space<vmem>> -> memref<100x64xf32, #tpu.memory_space<vmem>>
        %dma_start3A_692 = arith.constant 0 : i32
        %dma_start3A_693 = tpu.memref_slice %arg5[%add3A_686, %dma_start3A_692] : memref<50x100xi32, #tpu.memory_space<vmem>> -> memref<1x100xi32, #tpu.memory_space<vmem>>
        %dma_start3A_694 = tpu.memref_squeeze %dma_start3A_693 : memref<1x100xi32, #tpu.memory_space<vmem>> -> memref<100xi32, #tpu.memory_space<vmem>>
        %dma_start3A_695 = arith.constant 0 : i32
        %dma_start3A_696 = arith.constant 0 : i32
        %dma_start3A_697 = tpu.memref_slice %arg2[%dma_start3A_695, %dma_start3A_696] : memref<10000x64xf32, #tpu.memory_space<hbm>> -> memref<10000x64xf32, #tpu.memory_space<hbm>>
        tpu.enqueue_indirect_dma source(%dma_start3A_697 : memref<10000x64xf32, #tpu.memory_space<hbm>>) target(%dma_start3A_691 : memref<100x64xf32, #tpu.memory_space<vmem>>) offsets(%dma_start3A_694 : memref<100xi32, #tpu.memory_space<vmem>>) semaphore(%arg19 : memref<!tpu.dma_semaphore, #tpu.memory_space<semaphore_mem>>)
      } else {
      }
      %mul3A_370 = arith.constant 10 : i32
      %mul3A_371 = arith.muli %add3A_297, %mul3A_370 : i32
      %add3A_372 = arith.constant 2 : i32
      %add3A_373 = arith.addi %mul3A_371, %add3A_372 : i32
      %dma_wait3A_374 = arith.constant 2 : i32
      %dma_wait3A_375 = arith.constant 0 : i32
      %dma_wait3A_376 = arith.constant 0 : i32
      %dma_wait3A_377 = tpu.memref_slice %arg7[%dma_wait3A_374, %dma_wait3A_375, %dma_wait3A_376] : memref<10x100x64xf32, #tpu.memory_space<vmem>> -> memref<1x100x64xf32, #tpu.memory_space<vmem>>
      %dma_wait3A_378 = tpu.memref_squeeze %dma_wait3A_377 : memref<1x100x64xf32, #tpu.memory_space<vmem>> -> memref<100x64xf32, #tpu.memory_space<vmem>>
      %dma_wait3A_379 = arith.constant 0 : i32
      %dma_wait3A_380 = tpu.memref_slice %arg5[%add3A_373, %dma_wait3A_379] : memref<50x100xi32, #tpu.memory_space<vmem>> -> memref<1x100xi32, #tpu.memory_space<vmem>>
      %dma_wait3A_381 = tpu.memref_squeeze %dma_wait3A_380 : memref<1x100xi32, #tpu.memory_space<vmem>> -> memref<100xi32, #tpu.memory_space<vmem>>
      %dma_wait3A_382 = arith.constant 0 : i32
      %dma_wait3A_383 = arith.constant 0 : i32
      %dma_wait3A_384 = tpu.memref_slice %arg2[%dma_wait3A_382, %dma_wait3A_383] : memref<10000x64xf32, #tpu.memory_space<hbm>> -> memref<10000x64xf32, #tpu.memory_space<hbm>>
      tpu.wait_indirect_dma semaphore(%arg12 : memref<!tpu.dma_semaphore, #tpu.memory_space<semaphore_mem>>) src(%dma_wait3A_384 : memref<10000x64xf32, #tpu.memory_space<hbm>>) dst(%dma_wait3A_378 : memref<100x64xf32, #tpu.memory_space<vmem>>)
      %dma_start3A_385 = arith.constant 2 : i32
      %dma_start3A_386 = arith.constant 0 : i32
      %dma_start3A_387 = arith.constant 0 : i32
      %dma_start3A_388 = tpu.memref_slice %arg7[%dma_start3A_385, %dma_start3A_386, %dma_start3A_387] : memref<10x100x64xf32, #tpu.memory_space<vmem>> -> memref<1x100x64xf32, #tpu.memory_space<vmem>>
      %dma_start3A_389 = tpu.memref_squeeze %dma_start3A_388 : memref<1x100x64xf32, #tpu.memory_space<vmem>> -> memref<100x64xf32, #tpu.memory_space<vmem>>
      %dma_start3A_390 = arith.constant 0 : i32
      %dma_start3A_391 = tpu.memref_slice %arg6[%add3A_373, %dma_start3A_390] : memref<50x100xi32, #tpu.memory_space<vmem>> -> memref<1x100xi32, #tpu.memory_space<vmem>>
      %dma_start3A_392 = tpu.memref_squeeze %dma_start3A_391 : memref<1x100xi32, #tpu.memory_space<vmem>> -> memref<100xi32, #tpu.memory_space<vmem>>
      %dma_start3A_393 = arith.constant 0 : i32
      %dma_start3A_394 = arith.constant 0 : i32
      %dma_start3A_395 = tpu.memref_slice %arg9[%dma_start3A_393, %dma_start3A_394] : memref<10000x64xf32, #tpu.memory_space<vmem_shared>> -> memref<10000x64xf32, #tpu.memory_space<vmem_shared>>
      tpu.enqueue_indirect_dma source(%dma_start3A_389 : memref<100x64xf32, #tpu.memory_space<vmem>>) target(%dma_start3A_395 : memref<10000x64xf32, #tpu.memory_space<vmem_shared>>) offsets(%dma_start3A_392 : memref<100xi32, #tpu.memory_space<vmem>>) semaphore(%arg22 : memref<!tpu.dma_semaphore, #tpu.memory_space<semaphore_mem>>) {add = true}
      %sub3A_396 = arith.constant 2 : i32
      %sub3A_397 = arith.subi %add3A_373, %sub3A_396 : i32
      %ge3A_398 = arith.constant 0 : i32
      %ge3A_399 = arith.cmpi sge, %sub3A_397, %ge3A_398 : i32
      %add3A_400 = arith.constant 10 : i32
      %add3A_401 = arith.addi %sub3A_397, %add3A_400 : i32
      %lt3A_402 = arith.constant 50 : i32
      %lt3A_403 = arith.cmpi slt, %add3A_401, %lt3A_402 : i32
      %and3A_404 = arith.andi %ge3A_399, %lt3A_403 : i1
      %convert_element_type3A_405 = arith.extui %and3A_404 : i1 to i32
      %cond3A_406 = arith.constant 0 : i32
      %cond3A_407 = arith.cmpi ne, %convert_element_type3A_405, %cond3A_406 : i32
      scf.if %cond3A_407 {
        %dma_wait3A_674 = arith.constant 0 : i32
        %dma_wait3A_675 = arith.constant 0 : i32
        %dma_wait3A_676 = arith.constant 0 : i32
        %dma_wait3A_677 = tpu.memref_slice %arg7[%dma_wait3A_674, %dma_wait3A_675, %dma_wait3A_676] : memref<10x100x64xf32, #tpu.memory_space<vmem>> -> memref<1x100x64xf32, #tpu.memory_space<vmem>>
        %dma_wait3A_678 = tpu.memref_squeeze %dma_wait3A_677 : memref<1x100x64xf32, #tpu.memory_space<vmem>> -> memref<100x64xf32, #tpu.memory_space<vmem>>
        %dma_wait3A_679 = arith.constant 0 : i32
        %dma_wait3A_680 = tpu.memref_slice %arg6[%sub3A_397, %dma_wait3A_679] : memref<50x100xi32, #tpu.memory_space<vmem>> -> memref<1x100xi32, #tpu.memory_space<vmem>>
        %dma_wait3A_681 = tpu.memref_squeeze %dma_wait3A_680 : memref<1x100xi32, #tpu.memory_space<vmem>> -> memref<100xi32, #tpu.memory_space<vmem>>
        %dma_wait3A_682 = arith.constant 0 : i32
        %dma_wait3A_683 = arith.constant 0 : i32
        %dma_wait3A_684 = tpu.memref_slice %arg9[%dma_wait3A_682, %dma_wait3A_683] : memref<10000x64xf32, #tpu.memory_space<vmem_shared>> -> memref<10000x64xf32, #tpu.memory_space<vmem_shared>>
        tpu.wait_indirect_dma semaphore(%arg20 : memref<!tpu.dma_semaphore, #tpu.memory_space<semaphore_mem>>) src(%dma_wait3A_678 : memref<100x64xf32, #tpu.memory_space<vmem>>) dst(%dma_wait3A_684 : memref<10000x64xf32, #tpu.memory_space<vmem_shared>>)
        %add3A_685 = arith.constant 10 : i32
        %add3A_686 = arith.addi %sub3A_397, %add3A_685 : i32
        %dma_start3A_687 = arith.constant 0 : i32
        %dma_start3A_688 = arith.constant 0 : i32
        %dma_start3A_689 = arith.constant 0 : i32
        %dma_start3A_690 = tpu.memref_slice %arg7[%dma_start3A_687, %dma_start3A_688, %dma_start3A_689] : memref<10x100x64xf32, #tpu.memory_space<vmem>> -> memref<1x100x64xf32, #tpu.memory_space<vmem>>
        %dma_start3A_691 = tpu.memref_squeeze %dma_start3A_690 : memref<1x100x64xf32, #tpu.memory_space<vmem>> -> memref<100x64xf32, #tpu.memory_space<vmem>>
        %dma_start3A_692 = arith.constant 0 : i32
        %dma_start3A_693 = tpu.memref_slice %arg5[%add3A_686, %dma_start3A_692] : memref<50x100xi32, #tpu.memory_space<vmem>> -> memref<1x100xi32, #tpu.memory_space<vmem>>
        %dma_start3A_694 = tpu.memref_squeeze %dma_start3A_693 : memref<1x100xi32, #tpu.memory_space<vmem>> -> memref<100xi32, #tpu.memory_space<vmem>>
        %dma_start3A_695 = arith.constant 0 : i32
        %dma_start3A_696 = arith.constant 0 : i32
        %dma_start3A_697 = tpu.memref_slice %arg2[%dma_start3A_695, %dma_start3A_696] : memref<10000x64xf32, #tpu.memory_space<hbm>> -> memref<10000x64xf32, #tpu.memory_space<hbm>>
        tpu.enqueue_indirect_dma source(%dma_start3A_697 : memref<10000x64xf32, #tpu.memory_space<hbm>>) target(%dma_start3A_691 : memref<100x64xf32, #tpu.memory_space<vmem>>) offsets(%dma_start3A_694 : memref<100xi32, #tpu.memory_space<vmem>>) semaphore(%arg10 : memref<!tpu.dma_semaphore, #tpu.memory_space<semaphore_mem>>)
      } else {
      }
      %mul3A_408 = arith.constant 10 : i32
      %mul3A_409 = arith.muli %add3A_297, %mul3A_408 : i32
      %add3A_410 = arith.constant 3 : i32
      %add3A_411 = arith.addi %mul3A_409, %add3A_410 : i32
      %dma_wait3A_412 = arith.constant 3 : i32
      %dma_wait3A_413 = arith.constant 0 : i32
      %dma_wait3A_414 = arith.constant 0 : i32
      %dma_wait3A_415 = tpu.memref_slice %arg7[%dma_wait3A_412, %dma_wait3A_413, %dma_wait3A_414] : memref<10x100x64xf32, #tpu.memory_space<vmem>> -> memref<1x100x64xf32, #tpu.memory_space<vmem>>
      %dma_wait3A_416 = tpu.memref_squeeze %dma_wait3A_415 : memref<1x100x64xf32, #tpu.memory_space<vmem>> -> memref<100x64xf32, #tpu.memory_space<vmem>>
      %dma_wait3A_417 = arith.constant 0 : i32
      %dma_wait3A_418 = tpu.memref_slice %arg5[%add3A_411, %dma_wait3A_417] : memref<50x100xi32, #tpu.memory_space<vmem>> -> memref<1x100xi32, #tpu.memory_space<vmem>>
      %dma_wait3A_419 = tpu.memref_squeeze %dma_wait3A_418 : memref<1x100xi32, #tpu.memory_space<vmem>> -> memref<100xi32, #tpu.memory_space<vmem>>
      %dma_wait3A_420 = arith.constant 0 : i32
      %dma_wait3A_421 = arith.constant 0 : i32
      %dma_wait3A_422 = tpu.memref_slice %arg2[%dma_wait3A_420, %dma_wait3A_421] : memref<10000x64xf32, #tpu.memory_space<hbm>> -> memref<10000x64xf32, #tpu.memory_space<hbm>>
      tpu.wait_indirect_dma semaphore(%arg13 : memref<!tpu.dma_semaphore, #tpu.memory_space<semaphore_mem>>) src(%dma_wait3A_422 : memref<10000x64xf32, #tpu.memory_space<hbm>>) dst(%dma_wait3A_416 : memref<100x64xf32, #tpu.memory_space<vmem>>)
      %dma_start3A_423 = arith.constant 3 : i32
      %dma_start3A_424 = arith.constant 0 : i32
      %dma_start3A_425 = arith.constant 0 : i32
      %dma_start3A_426 = tpu.memref_slice %arg7[%dma_start3A_423, %dma_start3A_424, %dma_start3A_425] : memref<10x100x64xf32, #tpu.memory_space<vmem>> -> memref<1x100x64xf32, #tpu.memory_space<vmem>>
      %dma_start3A_427 = tpu.memref_squeeze %dma_start3A_426 : memref<1x100x64xf32, #tpu.memory_space<vmem>> -> memref<100x64xf32, #tpu.memory_space<vmem>>
      %dma_start3A_428 = arith.constant 0 : i32
      %dma_start3A_429 = tpu.memref_slice %arg6[%add3A_411, %dma_start3A_428] : memref<50x100xi32, #tpu.memory_space<vmem>> -> memref<1x100xi32, #tpu.memory_space<vmem>>
      %dma_start3A_430 = tpu.memref_squeeze %dma_start3A_429 : memref<1x100xi32, #tpu.memory_space<vmem>> -> memref<100xi32, #tpu.memory_space<vmem>>
      %dma_start3A_431 = arith.constant 0 : i32
      %dma_start3A_432 = arith.constant 0 : i32
      %dma_start3A_433 = tpu.memref_slice %arg9[%dma_start3A_431, %dma_start3A_432] : memref<10000x64xf32, #tpu.memory_space<vmem_shared>> -> memref<10000x64xf32, #tpu.memory_space<vmem_shared>>
      tpu.enqueue_indirect_dma source(%dma_start3A_427 : memref<100x64xf32, #tpu.memory_space<vmem>>) target(%dma_start3A_433 : memref<10000x64xf32, #tpu.memory_space<vmem_shared>>) offsets(%dma_start3A_430 : memref<100xi32, #tpu.memory_space<vmem>>) semaphore(%arg23 : memref<!tpu.dma_semaphore, #tpu.memory_space<semaphore_mem>>) {add = true}
      %sub3A_434 = arith.constant 2 : i32
      %sub3A_435 = arith.subi %add3A_411, %sub3A_434 : i32
      %ge3A_436 = arith.constant 0 : i32
      %ge3A_437 = arith.cmpi sge, %sub3A_435, %ge3A_436 : i32
      %add3A_438 = arith.constant 10 : i32
      %add3A_439 = arith.addi %sub3A_435, %add3A_438 : i32
      %lt3A_440 = arith.constant 50 : i32
      %lt3A_441 = arith.cmpi slt, %add3A_439, %lt3A_440 : i32
      %and3A_442 = arith.andi %ge3A_437, %lt3A_441 : i1
      %convert_element_type3A_443 = arith.extui %and3A_442 : i1 to i32
      %cond3A_444 = arith.constant 0 : i32
      %cond3A_445 = arith.cmpi ne, %convert_element_type3A_443, %cond3A_444 : i32
      scf.if %cond3A_445 {
        %dma_wait3A_674 = arith.constant 1 : i32
        %dma_wait3A_675 = arith.constant 0 : i32
        %dma_wait3A_676 = arith.constant 0 : i32
        %dma_wait3A_677 = tpu.memref_slice %arg7[%dma_wait3A_674, %dma_wait3A_675, %dma_wait3A_676] : memref<10x100x64xf32, #tpu.memory_space<vmem>> -> memref<1x100x64xf32, #tpu.memory_space<vmem>>
        %dma_wait3A_678 = tpu.memref_squeeze %dma_wait3A_677 : memref<1x100x64xf32, #tpu.memory_space<vmem>> -> memref<100x64xf32, #tpu.memory_space<vmem>>
        %dma_wait3A_679 = arith.constant 0 : i32
        %dma_wait3A_680 = tpu.memref_slice %arg6[%sub3A_435, %dma_wait3A_679] : memref<50x100xi32, #tpu.memory_space<vmem>> -> memref<1x100xi32, #tpu.memory_space<vmem>>
        %dma_wait3A_681 = tpu.memref_squeeze %dma_wait3A_680 : memref<1x100xi32, #tpu.memory_space<vmem>> -> memref<100xi32, #tpu.memory_space<vmem>>
        %dma_wait3A_682 = arith.constant 0 : i32
        %dma_wait3A_683 = arith.constant 0 : i32
        %dma_wait3A_684 = tpu.memref_slice %arg9[%dma_wait3A_682, %dma_wait3A_683] : memref<10000x64xf32, #tpu.memory_space<vmem_shared>> -> memref<10000x64xf32, #tpu.memory_space<vmem_shared>>
        tpu.wait_indirect_dma semaphore(%arg21 : memref<!tpu.dma_semaphore, #tpu.memory_space<semaphore_mem>>) src(%dma_wait3A_678 : memref<100x64xf32, #tpu.memory_space<vmem>>) dst(%dma_wait3A_684 : memref<10000x64xf32, #tpu.memory_space<vmem_shared>>)
        %add3A_685 = arith.constant 10 : i32
        %add3A_686 = arith.addi %sub3A_435, %add3A_685 : i32
        %dma_start3A_687 = arith.constant 1 : i32
        %dma_start3A_688 = arith.constant 0 : i32
        %dma_start3A_689 = arith.constant 0 : i32
        %dma_start3A_690 = tpu.memref_slice %arg7[%dma_start3A_687, %dma_start3A_688, %dma_start3A_689] : memref<10x100x64xf32, #tpu.memory_space<vmem>> -> memref<1x100x64xf32, #tpu.memory_space<vmem>>
        %dma_start3A_691 = tpu.memref_squeeze %dma_start3A_690 : memref<1x100x64xf32, #tpu.memory_space<vmem>> -> memref<100x64xf32, #tpu.memory_space<vmem>>
        %dma_start3A_692 = arith.constant 0 : i32
        %dma_start3A_693 = tpu.memref_slice %arg5[%add3A_686, %dma_start3A_692] : memref<50x100xi32, #tpu.memory_space<vmem>> -> memref<1x100xi32, #tpu.memory_space<vmem>>
        %dma_start3A_694 = tpu.memref_squeeze %dma_start3A_693 : memref<1x100xi32, #tpu.memory_space<vmem>> -> memref<100xi32, #tpu.memory_space<vmem>>
        %dma_start3A_695 = arith.constant 0 : i32
        %dma_start3A_696 = arith.constant 0 : i32
        %dma_start3A_697 = tpu.memref_slice %arg2[%dma_start3A_695, %dma_start3A_696] : memref<10000x64xf32, #tpu.memory_space<hbm>> -> memref<10000x64xf32, #tpu.memory_space<hbm>>
        tpu.enqueue_indirect_dma source(%dma_start3A_697 : memref<10000x64xf32, #tpu.memory_space<hbm>>) target(%dma_start3A_691 : memref<100x64xf32, #tpu.memory_space<vmem>>) offsets(%dma_start3A_694 : memref<100xi32, #tpu.memory_space<vmem>>) semaphore(%arg11 : memref<!tpu.dma_semaphore, #tpu.memory_space<semaphore_mem>>)
      } else {
      }
      %mul3A_446 = arith.constant 10 : i32
      %mul3A_447 = arith.muli %add3A_297, %mul3A_446 : i32
      %add3A_448 = arith.constant 4 : i32
      %add3A_449 = arith.addi %mul3A_447, %add3A_448 : i32
      %dma_wait3A_450 = arith.constant 4 : i32
      %dma_wait3A_451 = arith.constant 0 : i32
      %dma_wait3A_452 = arith.constant 0 : i32
      %dma_wait3A_453 = tpu.memref_slice %arg7[%dma_wait3A_450, %dma_wait3A_451, %dma_wait3A_452] : memref<10x100x64xf32, #tpu.memory_space<vmem>> -> memref<1x100x64xf32, #tpu.memory_space<vmem>>
      %dma_wait3A_454 = tpu.memref_squeeze %dma_wait3A_453 : memref<1x100x64xf32, #tpu.memory_space<vmem>> -> memref<100x64xf32, #tpu.memory_space<vmem>>
      %dma_wait3A_455 = arith.constant 0 : i32
      %dma_wait3A_456 = tpu.memref_slice %arg5[%add3A_449, %dma_wait3A_455] : memref<50x100xi32, #tpu.memory_space<vmem>> -> memref<1x100xi32, #tpu.memory_space<vmem>>
      %dma_wait3A_457 = tpu.memref_squeeze %dma_wait3A_456 : memref<1x100xi32, #tpu.memory_space<vmem>> -> memref<100xi32, #tpu.memory_space<vmem>>
      %dma_wait3A_458 = arith.constant 0 : i32
      %dma_wait3A_459 = arith.constant 0 : i32
      %dma_wait3A_460 = tpu.memref_slice %arg2[%dma_wait3A_458, %dma_wait3A_459] : memref<10000x64xf32, #tpu.memory_space<hbm>> -> memref<10000x64xf32, #tpu.memory_space<hbm>>
      tpu.wait_indirect_dma semaphore(%arg14 : memref<!tpu.dma_semaphore, #tpu.memory_space<semaphore_mem>>) src(%dma_wait3A_460 : memref<10000x64xf32, #tpu.memory_space<hbm>>) dst(%dma_wait3A_454 : memref<100x64xf32, #tpu.memory_space<vmem>>)
      %dma_start3A_461 = arith.constant 4 : i32
      %dma_start3A_462 = arith.constant 0 : i32
      %dma_start3A_463 = arith.constant 0 : i32
      %dma_start3A_464 = tpu.memref_slice %arg7[%dma_start3A_461, %dma_start3A_462, %dma_start3A_463] : memref<10x100x64xf32, #tpu.memory_space<vmem>> -> memref<1x100x64xf32, #tpu.memory_space<vmem>>
      %dma_start3A_465 = tpu.memref_squeeze %dma_start3A_464 : memref<1x100x64xf32, #tpu.memory_space<vmem>> -> memref<100x64xf32, #tpu.memory_space<vmem>>
      %dma_start3A_466 = arith.constant 0 : i32
      %dma_start3A_467 = tpu.memref_slice %arg6[%add3A_449, %dma_start3A_466] : memref<50x100xi32, #tpu.memory_space<vmem>> -> memref<1x100xi32, #tpu.memory_space<vmem>>
      %dma_start3A_468 = tpu.memref_squeeze %dma_start3A_467 : memref<1x100xi32, #tpu.memory_space<vmem>> -> memref<100xi32, #tpu.memory_space<vmem>>
      %dma_start3A_469 = arith.constant 0 : i32
      %dma_start3A_470 = arith.constant 0 : i32
      %dma_start3A_471 = tpu.memref_slice %arg9[%dma_start3A_469, %dma_start3A_470] : memref<10000x64xf32, #tpu.memory_space<vmem_shared>> -> memref<10000x64xf32, #tpu.memory_space<vmem_shared>>
      tpu.enqueue_indirect_dma source(%dma_start3A_465 : memref<100x64xf32, #tpu.memory_space<vmem>>) target(%dma_start3A_471 : memref<10000x64xf32, #tpu.memory_space<vmem_shared>>) offsets(%dma_start3A_468 : memref<100xi32, #tpu.memory_space<vmem>>) semaphore(%arg24 : memref<!tpu.dma_semaphore, #tpu.memory_space<semaphore_mem>>) {add = true}
      %sub3A_472 = arith.constant 2 : i32
      %sub3A_473 = arith.subi %add3A_449, %sub3A_472 : i32
      %ge3A_474 = arith.constant 0 : i32
      %ge3A_475 = arith.cmpi sge, %sub3A_473, %ge3A_474 : i32
      %add3A_476 = arith.constant 10 : i32
      %add3A_477 = arith.addi %sub3A_473, %add3A_476 : i32
      %lt3A_478 = arith.constant 50 : i32
      %lt3A_479 = arith.cmpi slt, %add3A_477, %lt3A_478 : i32
      %and3A_480 = arith.andi %ge3A_475, %lt3A_479 : i1
      %convert_element_type3A_481 = arith.extui %and3A_480 : i1 to i32
      %cond3A_482 = arith.constant 0 : i32
      %cond3A_483 = arith.cmpi ne, %convert_element_type3A_481, %cond3A_482 : i32
      scf.if %cond3A_483 {
        %dma_wait3A_674 = arith.constant 2 : i32
        %dma_wait3A_675 = arith.constant 0 : i32
        %dma_wait3A_676 = arith.constant 0 : i32
        %dma_wait3A_677 = tpu.memref_slice %arg7[%dma_wait3A_674, %dma_wait3A_675, %dma_wait3A_676] : memref<10x100x64xf32, #tpu.memory_space<vmem>> -> memref<1x100x64xf32, #tpu.memory_space<vmem>>
        %dma_wait3A_678 = tpu.memref_squeeze %dma_wait3A_677 : memref<1x100x64xf32, #tpu.memory_space<vmem>> -> memref<100x64xf32, #tpu.memory_space<vmem>>
        %dma_wait3A_679 = arith.constant 0 : i32
        %dma_wait3A_680 = tpu.memref_slice %arg6[%sub3A_473, %dma_wait3A_679] : memref<50x100xi32, #tpu.memory_space<vmem>> -> memref<1x100xi32, #tpu.memory_space<vmem>>
        %dma_wait3A_681 = tpu.memref_squeeze %dma_wait3A_680 : memref<1x100xi32, #tpu.memory_space<vmem>> -> memref<100xi32, #tpu.memory_space<vmem>>
        %dma_wait3A_682 = arith.constant 0 : i32
        %dma_wait3A_683 = arith.constant 0 : i32
        %dma_wait3A_684 = tpu.memref_slice %arg9[%dma_wait3A_682, %dma_wait3A_683] : memref<10000x64xf32, #tpu.memory_space<vmem_shared>> -> memref<10000x64xf32, #tpu.memory_space<vmem_shared>>
        tpu.wait_indirect_dma semaphore(%arg22 : memref<!tpu.dma_semaphore, #tpu.memory_space<semaphore_mem>>) src(%dma_wait3A_678 : memref<100x64xf32, #tpu.memory_space<vmem>>) dst(%dma_wait3A_684 : memref<10000x64xf32, #tpu.memory_space<vmem_shared>>)
        %add3A_685 = arith.constant 10 : i32
        %add3A_686 = arith.addi %sub3A_473, %add3A_685 : i32
        %dma_start3A_687 = arith.constant 2 : i32
        %dma_start3A_688 = arith.constant 0 : i32
        %dma_start3A_689 = arith.constant 0 : i32
        %dma_start3A_690 = tpu.memref_slice %arg7[%dma_start3A_687, %dma_start3A_688, %dma_start3A_689] : memref<10x100x64xf32, #tpu.memory_space<vmem>> -> memref<1x100x64xf32, #tpu.memory_space<vmem>>
        %dma_start3A_691 = tpu.memref_squeeze %dma_start3A_690 : memref<1x100x64xf32, #tpu.memory_space<vmem>> -> memref<100x64xf32, #tpu.memory_space<vmem>>
        %dma_start3A_692 = arith.constant 0 : i32
        %dma_start3A_693 = tpu.memref_slice %arg5[%add3A_686, %dma_start3A_692] : memref<50x100xi32, #tpu.memory_space<vmem>> -> memref<1x100xi32, #tpu.memory_space<vmem>>
        %dma_start3A_694 = tpu.memref_squeeze %dma_start3A_693 : memref<1x100xi32, #tpu.memory_space<vmem>> -> memref<100xi32, #tpu.memory_space<vmem>>
        %dma_start3A_695 = arith.constant 0 : i32
        %dma_start3A_696 = arith.constant 0 : i32
        %dma_start3A_697 = tpu.memref_slice %arg2[%dma_start3A_695, %dma_start3A_696] : memref<10000x64xf32, #tpu.memory_space<hbm>> -> memref<10000x64xf32, #tpu.memory_space<hbm>>
        tpu.enqueue_indirect_dma source(%dma_start3A_697 : memref<10000x64xf32, #tpu.memory_space<hbm>>) target(%dma_start3A_691 : memref<100x64xf32, #tpu.memory_space<vmem>>) offsets(%dma_start3A_694 : memref<100xi32, #tpu.memory_space<vmem>>) semaphore(%arg12 : memref<!tpu.dma_semaphore, #tpu.memory_space<semaphore_mem>>)
      } else {
      }
      %mul3A_484 = arith.constant 10 : i32
      %mul3A_485 = arith.muli %add3A_297, %mul3A_484 : i32
      %add3A_486 = arith.constant 5 : i32
      %add3A_487 = arith.addi %mul3A_485, %add3A_486 : i32
      %dma_wait3A_488 = arith.constant 5 : i32
      %dma_wait3A_489 = arith.constant 0 : i32
      %dma_wait3A_490 = arith.constant 0 : i32
      %dma_wait3A_491 = tpu.memref_slice %arg7[%dma_wait3A_488, %dma_wait3A_489, %dma_wait3A_490] : memref<10x100x64xf32, #tpu.memory_space<vmem>> -> memref<1x100x64xf32, #tpu.memory_space<vmem>>
      %dma_wait3A_492 = tpu.memref_squeeze %dma_wait3A_491 : memref<1x100x64xf32, #tpu.memory_space<vmem>> -> memref<100x64xf32, #tpu.memory_space<vmem>>
      %dma_wait3A_493 = arith.constant 0 : i32
      %dma_wait3A_494 = tpu.memref_slice %arg5[%add3A_487, %dma_wait3A_493] : memref<50x100xi32, #tpu.memory_space<vmem>> -> memref<1x100xi32, #tpu.memory_space<vmem>>
      %dma_wait3A_495 = tpu.memref_squeeze %dma_wait3A_494 : memref<1x100xi32, #tpu.memory_space<vmem>> -> memref<100xi32, #tpu.memory_space<vmem>>
      %dma_wait3A_496 = arith.constant 0 : i32
      %dma_wait3A_497 = arith.constant 0 : i32
      %dma_wait3A_498 = tpu.memref_slice %arg2[%dma_wait3A_496, %dma_wait3A_497] : memref<10000x64xf32, #tpu.memory_space<hbm>> -> memref<10000x64xf32, #tpu.memory_space<hbm>>
      tpu.wait_indirect_dma semaphore(%arg15 : memref<!tpu.dma_semaphore, #tpu.memory_space<semaphore_mem>>) src(%dma_wait3A_498 : memref<10000x64xf32, #tpu.memory_space<hbm>>) dst(%dma_wait3A_492 : memref<100x64xf32, #tpu.memory_space<vmem>>)
      %dma_start3A_499 = arith.constant 5 : i32
      %dma_start3A_500 = arith.constant 0 : i32
      %dma_start3A_501 = arith.constant 0 : i32
      %dma_start3A_502 = tpu.memref_slice %arg7[%dma_start3A_499, %dma_start3A_500, %dma_start3A_501] : memref<10x100x64xf32, #tpu.memory_space<vmem>> -> memref<1x100x64xf32, #tpu.memory_space<vmem>>
      %dma_start3A_503 = tpu.memref_squeeze %dma_start3A_502 : memref<1x100x64xf32, #tpu.memory_space<vmem>> -> memref<100x64xf32, #tpu.memory_space<vmem>>
      %dma_start3A_504 = arith.constant 0 : i32
      %dma_start3A_505 = tpu.memref_slice %arg6[%add3A_487, %dma_start3A_504] : memref<50x100xi32, #tpu.memory_space<vmem>> -> memref<1x100xi32, #tpu.memory_space<vmem>>
      %dma_start3A_506 = tpu.memref_squeeze %dma_start3A_505 : memref<1x100xi32, #tpu.memory_space<vmem>> -> memref<100xi32, #tpu.memory_space<vmem>>
      %dma_start3A_507 = arith.constant 0 : i32
      %dma_start3A_508 = arith.constant 0 : i32
      %dma_start3A_509 = tpu.memref_slice %arg9[%dma_start3A_507, %dma_start3A_508] : memref<10000x64xf32, #tpu.memory_space<vmem_shared>> -> memref<10000x64xf32, #tpu.memory_space<vmem_shared>>
      tpu.enqueue_indirect_dma source(%dma_start3A_503 : memref<100x64xf32, #tpu.memory_space<vmem>>) target(%dma_start3A_509 : memref<10000x64xf32, #tpu.memory_space<vmem_shared>>) offsets(%dma_start3A_506 : memref<100xi32, #tpu.memory_space<vmem>>) semaphore(%arg25 : memref<!tpu.dma_semaphore, #tpu.memory_space<semaphore_mem>>) {add = true}
      %sub3A_510 = arith.constant 2 : i32
      %sub3A_511 = arith.subi %add3A_487, %sub3A_510 : i32
      %ge3A_512 = arith.constant 0 : i32
      %ge3A_513 = arith.cmpi sge, %sub3A_511, %ge3A_512 : i32
      %add3A_514 = arith.constant 10 : i32
      %add3A_515 = arith.addi %sub3A_511, %add3A_514 : i32
      %lt3A_516 = arith.constant 50 : i32
      %lt3A_517 = arith.cmpi slt, %add3A_515, %lt3A_516 : i32
      %and3A_518 = arith.andi %ge3A_513, %lt3A_517 : i1
      %convert_element_type3A_519 = arith.extui %and3A_518 : i1 to i32
      %cond3A_520 = arith.constant 0 : i32
      %cond3A_521 = arith.cmpi ne, %convert_element_type3A_519, %cond3A_520 : i32
      scf.if %cond3A_521 {
        %dma_wait3A_674 = arith.constant 3 : i32
        %dma_wait3A_675 = arith.constant 0 : i32
        %dma_wait3A_676 = arith.constant 0 : i32
        %dma_wait3A_677 = tpu.memref_slice %arg7[%dma_wait3A_674, %dma_wait3A_675, %dma_wait3A_676] : memref<10x100x64xf32, #tpu.memory_space<vmem>> -> memref<1x100x64xf32, #tpu.memory_space<vmem>>
        %dma_wait3A_678 = tpu.memref_squeeze %dma_wait3A_677 : memref<1x100x64xf32, #tpu.memory_space<vmem>> -> memref<100x64xf32, #tpu.memory_space<vmem>>
        %dma_wait3A_679 = arith.constant 0 : i32
        %dma_wait3A_680 = tpu.memref_slice %arg6[%sub3A_511, %dma_wait3A_679] : memref<50x100xi32, #tpu.memory_space<vmem>> -> memref<1x100xi32, #tpu.memory_space<vmem>>
        %dma_wait3A_681 = tpu.memref_squeeze %dma_wait3A_680 : memref<1x100xi32, #tpu.memory_space<vmem>> -> memref<100xi32, #tpu.memory_space<vmem>>
        %dma_wait3A_682 = arith.constant 0 : i32
        %dma_wait3A_683 = arith.constant 0 : i32
        %dma_wait3A_684 = tpu.memref_slice %arg9[%dma_wait3A_682, %dma_wait3A_683] : memref<10000x64xf32, #tpu.memory_space<vmem_shared>> -> memref<10000x64xf32, #tpu.memory_space<vmem_shared>>
        tpu.wait_indirect_dma semaphore(%arg23 : memref<!tpu.dma_semaphore, #tpu.memory_space<semaphore_mem>>) src(%dma_wait3A_678 : memref<100x64xf32, #tpu.memory_space<vmem>>) dst(%dma_wait3A_684 : memref<10000x64xf32, #tpu.memory_space<vmem_shared>>)
        %add3A_685 = arith.constant 10 : i32
        %add3A_686 = arith.addi %sub3A_511, %add3A_685 : i32
        %dma_start3A_687 = arith.constant 3 : i32
        %dma_start3A_688 = arith.constant 0 : i32
        %dma_start3A_689 = arith.constant 0 : i32
        %dma_start3A_690 = tpu.memref_slice %arg7[%dma_start3A_687, %dma_start3A_688, %dma_start3A_689] : memref<10x100x64xf32, #tpu.memory_space<vmem>> -> memref<1x100x64xf32, #tpu.memory_space<vmem>>
        %dma_start3A_691 = tpu.memref_squeeze %dma_start3A_690 : memref<1x100x64xf32, #tpu.memory_space<vmem>> -> memref<100x64xf32, #tpu.memory_space<vmem>>
        %dma_start3A_692 = arith.constant 0 : i32
        %dma_start3A_693 = tpu.memref_slice %arg5[%add3A_686, %dma_start3A_692] : memref<50x100xi32, #tpu.memory_space<vmem>> -> memref<1x100xi32, #tpu.memory_space<vmem>>
        %dma_start3A_694 = tpu.memref_squeeze %dma_start3A_693 : memref<1x100xi32, #tpu.memory_space<vmem>> -> memref<100xi32, #tpu.memory_space<vmem>>
        %dma_start3A_695 = arith.constant 0 : i32
        %dma_start3A_696 = arith.constant 0 : i32
        %dma_start3A_697 = tpu.memref_slice %arg2[%dma_start3A_695, %dma_start3A_696] : memref<10000x64xf32, #tpu.memory_space<hbm>> -> memref<10000x64xf32, #tpu.memory_space<hbm>>
        tpu.enqueue_indirect_dma source(%dma_start3A_697 : memref<10000x64xf32, #tpu.memory_space<hbm>>) target(%dma_start3A_691 : memref<100x64xf32, #tpu.memory_space<vmem>>) offsets(%dma_start3A_694 : memref<100xi32, #tpu.memory_space<vmem>>) semaphore(%arg13 : memref<!tpu.dma_semaphore, #tpu.memory_space<semaphore_mem>>)
      } else {
      }
      %mul3A_522 = arith.constant 10 : i32
      %mul3A_523 = arith.muli %add3A_297, %mul3A_522 : i32
      %add3A_524 = arith.constant 6 : i32
      %add3A_525 = arith.addi %mul3A_523, %add3A_524 : i32
      %dma_wait3A_526 = arith.constant 6 : i32
      %dma_wait3A_527 = arith.constant 0 : i32
      %dma_wait3A_528 = arith.constant 0 : i32
      %dma_wait3A_529 = tpu.memref_slice %arg7[%dma_wait3A_526, %dma_wait3A_527, %dma_wait3A_528] : memref<10x100x64xf32, #tpu.memory_space<vmem>> -> memref<1x100x64xf32, #tpu.memory_space<vmem>>
      %dma_wait3A_530 = tpu.memref_squeeze %dma_wait3A_529 : memref<1x100x64xf32, #tpu.memory_space<vmem>> -> memref<100x64xf32, #tpu.memory_space<vmem>>
      %dma_wait3A_531 = arith.constant 0 : i32
      %dma_wait3A_532 = tpu.memref_slice %arg5[%add3A_525, %dma_wait3A_531] : memref<50x100xi32, #tpu.memory_space<vmem>> -> memref<1x100xi32, #tpu.memory_space<vmem>>
      %dma_wait3A_533 = tpu.memref_squeeze %dma_wait3A_532 : memref<1x100xi32, #tpu.memory_space<vmem>> -> memref<100xi32, #tpu.memory_space<vmem>>
      %dma_wait3A_534 = arith.constant 0 : i32
      %dma_wait3A_535 = arith.constant 0 : i32
      %dma_wait3A_536 = tpu.memref_slice %arg2[%dma_wait3A_534, %dma_wait3A_535] : memref<10000x64xf32, #tpu.memory_space<hbm>> -> memref<10000x64xf32, #tpu.memory_space<hbm>>
      tpu.wait_indirect_dma semaphore(%arg16 : memref<!tpu.dma_semaphore, #tpu.memory_space<semaphore_mem>>) src(%dma_wait3A_536 : memref<10000x64xf32, #tpu.memory_space<hbm>>) dst(%dma_wait3A_530 : memref<100x64xf32, #tpu.memory_space<vmem>>)
      %dma_start3A_537 = arith.constant 6 : i32
      %dma_start3A_538 = arith.constant 0 : i32
      %dma_start3A_539 = arith.constant 0 : i32
      %dma_start3A_540 = tpu.memref_slice %arg7[%dma_start3A_537, %dma_start3A_538, %dma_start3A_539] : memref<10x100x64xf32, #tpu.memory_space<vmem>> -> memref<1x100x64xf32, #tpu.memory_space<vmem>>
      %dma_start3A_541 = tpu.memref_squeeze %dma_start3A_540 : memref<1x100x64xf32, #tpu.memory_space<vmem>> -> memref<100x64xf32, #tpu.memory_space<vmem>>
      %dma_start3A_542 = arith.constant 0 : i32
      %dma_start3A_543 = tpu.memref_slice %arg6[%add3A_525, %dma_start3A_542] : memref<50x100xi32, #tpu.memory_space<vmem>> -> memref<1x100xi32, #tpu.memory_space<vmem>>
      %dma_start3A_544 = tpu.memref_squeeze %dma_start3A_543 : memref<1x100xi32, #tpu.memory_space<vmem>> -> memref<100xi32, #tpu.memory_space<vmem>>
      %dma_start3A_545 = arith.constant 0 : i32
      %dma_start3A_546 = arith.constant 0 : i32
      %dma_start3A_547 = tpu.memref_slice %arg9[%dma_start3A_545, %dma_start3A_546] : memref<10000x64xf32, #tpu.memory_space<vmem_shared>> -> memref<10000x64xf32, #tpu.memory_space<vmem_shared>>
      tpu.enqueue_indirect_dma source(%dma_start3A_541 : memref<100x64xf32, #tpu.memory_space<vmem>>) target(%dma_start3A_547 : memref<10000x64xf32, #tpu.memory_space<vmem_shared>>) offsets(%dma_start3A_544 : memref<100xi32, #tpu.memory_space<vmem>>) semaphore(%arg26 : memref<!tpu.dma_semaphore, #tpu.memory_space<semaphore_mem>>) {add = true}
      %sub3A_548 = arith.constant 2 : i32
      %sub3A_549 = arith.subi %add3A_525, %sub3A_548 : i32
      %ge3A_550 = arith.constant 0 : i32
      %ge3A_551 = arith.cmpi sge, %sub3A_549, %ge3A_550 : i32
      %add3A_552 = arith.constant 10 : i32
      %add3A_553 = arith.addi %sub3A_549, %add3A_552 : i32
      %lt3A_554 = arith.constant 50 : i32
      %lt3A_555 = arith.cmpi slt, %add3A_553, %lt3A_554 : i32
      %and3A_556 = arith.andi %ge3A_551, %lt3A_555 : i1
      %convert_element_type3A_557 = arith.extui %and3A_556 : i1 to i32
      %cond3A_558 = arith.constant 0 : i32
      %cond3A_559 = arith.cmpi ne, %convert_element_type3A_557, %cond3A_558 : i32
      scf.if %cond3A_559 {
        %dma_wait3A_674 = arith.constant 4 : i32
        %dma_wait3A_675 = arith.constant 0 : i32
        %dma_wait3A_676 = arith.constant 0 : i32
        %dma_wait3A_677 = tpu.memref_slice %arg7[%dma_wait3A_674, %dma_wait3A_675, %dma_wait3A_676] : memref<10x100x64xf32, #tpu.memory_space<vmem>> -> memref<1x100x64xf32, #tpu.memory_space<vmem>>
        %dma_wait3A_678 = tpu.memref_squeeze %dma_wait3A_677 : memref<1x100x64xf32, #tpu.memory_space<vmem>> -> memref<100x64xf32, #tpu.memory_space<vmem>>
        %dma_wait3A_679 = arith.constant 0 : i32
        %dma_wait3A_680 = tpu.memref_slice %arg6[%sub3A_549, %dma_wait3A_679] : memref<50x100xi32, #tpu.memory_space<vmem>> -> memref<1x100xi32, #tpu.memory_space<vmem>>
        %dma_wait3A_681 = tpu.memref_squeeze %dma_wait3A_680 : memref<1x100xi32, #tpu.memory_space<vmem>> -> memref<100xi32, #tpu.memory_space<vmem>>
        %dma_wait3A_682 = arith.constant 0 : i32
        %dma_wait3A_683 = arith.constant 0 : i32
        %dma_wait3A_684 = tpu.memref_slice %arg9[%dma_wait3A_682, %dma_wait3A_683] : memref<10000x64xf32, #tpu.memory_space<vmem_shared>> -> memref<10000x64xf32, #tpu.memory_space<vmem_shared>>
        tpu.wait_indirect_dma semaphore(%arg24 : memref<!tpu.dma_semaphore, #tpu.memory_space<semaphore_mem>>) src(%dma_wait3A_678 : memref<100x64xf32, #tpu.memory_space<vmem>>) dst(%dma_wait3A_684 : memref<10000x64xf32, #tpu.memory_space<vmem_shared>>)
        %add3A_685 = arith.constant 10 : i32
        %add3A_686 = arith.addi %sub3A_549, %add3A_685 : i32
        %dma_start3A_687 = arith.constant 4 : i32
        %dma_start3A_688 = arith.constant 0 : i32
        %dma_start3A_689 = arith.constant 0 : i32
        %dma_start3A_690 = tpu.memref_slice %arg7[%dma_start3A_687, %dma_start3A_688, %dma_start3A_689] : memref<10x100x64xf32, #tpu.memory_space<vmem>> -> memref<1x100x64xf32, #tpu.memory_space<vmem>>
        %dma_start3A_691 = tpu.memref_squeeze %dma_start3A_690 : memref<1x100x64xf32, #tpu.memory_space<vmem>> -> memref<100x64xf32, #tpu.memory_space<vmem>>
        %dma_start3A_692 = arith.constant 0 : i32
        %dma_start3A_693 = tpu.memref_slice %arg5[%add3A_686, %dma_start3A_692] : memref<50x100xi32, #tpu.memory_space<vmem>> -> memref<1x100xi32, #tpu.memory_space<vmem>>
        %dma_start3A_694 = tpu.memref_squeeze %dma_start3A_693 : memref<1x100xi32, #tpu.memory_space<vmem>> -> memref<100xi32, #tpu.memory_space<vmem>>
        %dma_start3A_695 = arith.constant 0 : i32
        %dma_start3A_696 = arith.constant 0 : i32
        %dma_start3A_697 = tpu.memref_slice %arg2[%dma_start3A_695, %dma_start3A_696] : memref<10000x64xf32, #tpu.memory_space<hbm>> -> memref<10000x64xf32, #tpu.memory_space<hbm>>
        tpu.enqueue_indirect_dma source(%dma_start3A_697 : memref<10000x64xf32, #tpu.memory_space<hbm>>) target(%dma_start3A_691 : memref<100x64xf32, #tpu.memory_space<vmem>>) offsets(%dma_start3A_694 : memref<100xi32, #tpu.memory_space<vmem>>) semaphore(%arg14 : memref<!tpu.dma_semaphore, #tpu.memory_space<semaphore_mem>>)
      } else {
      }
      %mul3A_560 = arith.constant 10 : i32
      %mul3A_561 = arith.muli %add3A_297, %mul3A_560 : i32
      %add3A_562 = arith.constant 7 : i32
      %add3A_563 = arith.addi %mul3A_561, %add3A_562 : i32
      %dma_wait3A_564 = arith.constant 7 : i32
      %dma_wait3A_565 = arith.constant 0 : i32
      %dma_wait3A_566 = arith.constant 0 : i32
      %dma_wait3A_567 = tpu.memref_slice %arg7[%dma_wait3A_564, %dma_wait3A_565, %dma_wait3A_566] : memref<10x100x64xf32, #tpu.memory_space<vmem>> -> memref<1x100x64xf32, #tpu.memory_space<vmem>>
      %dma_wait3A_568 = tpu.memref_squeeze %dma_wait3A_567 : memref<1x100x64xf32, #tpu.memory_space<vmem>> -> memref<100x64xf32, #tpu.memory_space<vmem>>
      %dma_wait3A_569 = arith.constant 0 : i32
      %dma_wait3A_570 = tpu.memref_slice %arg5[%add3A_563, %dma_wait3A_569] : memref<50x100xi32, #tpu.memory_space<vmem>> -> memref<1x100xi32, #tpu.memory_space<vmem>>
      %dma_wait3A_571 = tpu.memref_squeeze %dma_wait3A_570 : memref<1x100xi32, #tpu.memory_space<vmem>> -> memref<100xi32, #tpu.memory_space<vmem>>
      %dma_wait3A_572 = arith.constant 0 : i32
      %dma_wait3A_573 = arith.constant 0 : i32
      %dma_wait3A_574 = tpu.memref_slice %arg2[%dma_wait3A_572, %dma_wait3A_573] : memref<10000x64xf32, #tpu.memory_space<hbm>> -> memref<10000x64xf32, #tpu.memory_space<hbm>>
      tpu.wait_indirect_dma semaphore(%arg17 : memref<!tpu.dma_semaphore, #tpu.memory_space<semaphore_mem>>) src(%dma_wait3A_574 : memref<10000x64xf32, #tpu.memory_space<hbm>>) dst(%dma_wait3A_568 : memref<100x64xf32, #tpu.memory_space<vmem>>)
      %dma_start3A_575 = arith.constant 7 : i32
      %dma_start3A_576 = arith.constant 0 : i32
      %dma_start3A_577 = arith.constant 0 : i32
      %dma_start3A_578 = tpu.memref_slice %arg7[%dma_start3A_575, %dma_start3A_576, %dma_start3A_577] : memref<10x100x64xf32, #tpu.memory_space<vmem>> -> memref<1x100x64xf32, #tpu.memory_space<vmem>>
      %dma_start3A_579 = tpu.memref_squeeze %dma_start3A_578 : memref<1x100x64xf32, #tpu.memory_space<vmem>> -> memref<100x64xf32, #tpu.memory_space<vmem>>
      %dma_start3A_580 = arith.constant 0 : i32
      %dma_start3A_581 = tpu.memref_slice %arg6[%add3A_563, %dma_start3A_580] : memref<50x100xi32, #tpu.memory_space<vmem>> -> memref<1x100xi32, #tpu.memory_space<vmem>>
      %dma_start3A_582 = tpu.memref_squeeze %dma_start3A_581 : memref<1x100xi32, #tpu.memory_space<vmem>> -> memref<100xi32, #tpu.memory_space<vmem>>
      %dma_start3A_583 = arith.constant 0 : i32
      %dma_start3A_584 = arith.constant 0 : i32
      %dma_start3A_585 = tpu.memref_slice %arg9[%dma_start3A_583, %dma_start3A_584] : memref<10000x64xf32, #tpu.memory_space<vmem_shared>> -> memref<10000x64xf32, #tpu.memory_space<vmem_shared>>
      tpu.enqueue_indirect_dma source(%dma_start3A_579 : memref<100x64xf32, #tpu.memory_space<vmem>>) target(%dma_start3A_585 : memref<10000x64xf32, #tpu.memory_space<vmem_shared>>) offsets(%dma_start3A_582 : memref<100xi32, #tpu.memory_space<vmem>>) semaphore(%arg27 : memref<!tpu.dma_semaphore, #tpu.memory_space<semaphore_mem>>) {add = true}
      %sub3A_586 = arith.constant 2 : i32
      %sub3A_587 = arith.subi %add3A_563, %sub3A_586 : i32
      %ge3A_588 = arith.constant 0 : i32
      %ge3A_589 = arith.cmpi sge, %sub3A_587, %ge3A_588 : i32
      %add3A_590 = arith.constant 10 : i32
      %add3A_591 = arith.addi %sub3A_587, %add3A_590 : i32
      %lt3A_592 = arith.constant 50 : i32
      %lt3A_593 = arith.cmpi slt, %add3A_591, %lt3A_592 : i32
      %and3A_594 = arith.andi %ge3A_589, %lt3A_593 : i1
      %convert_element_type3A_595 = arith.extui %and3A_594 : i1 to i32
      %cond3A_596 = arith.constant 0 : i32
      %cond3A_597 = arith.cmpi ne, %convert_element_type3A_595, %cond3A_596 : i32
      scf.if %cond3A_597 {
        %dma_wait3A_674 = arith.constant 5 : i32
        %dma_wait3A_675 = arith.constant 0 : i32
        %dma_wait3A_676 = arith.constant 0 : i32
        %dma_wait3A_677 = tpu.memref_slice %arg7[%dma_wait3A_674, %dma_wait3A_675, %dma_wait3A_676] : memref<10x100x64xf32, #tpu.memory_space<vmem>> -> memref<1x100x64xf32, #tpu.memory_space<vmem>>
        %dma_wait3A_678 = tpu.memref_squeeze %dma_wait3A_677 : memref<1x100x64xf32, #tpu.memory_space<vmem>> -> memref<100x64xf32, #tpu.memory_space<vmem>>
        %dma_wait3A_679 = arith.constant 0 : i32
        %dma_wait3A_680 = tpu.memref_slice %arg6[%sub3A_587, %dma_wait3A_679] : memref<50x100xi32, #tpu.memory_space<vmem>> -> memref<1x100xi32, #tpu.memory_space<vmem>>
        %dma_wait3A_681 = tpu.memref_squeeze %dma_wait3A_680 : memref<1x100xi32, #tpu.memory_space<vmem>> -> memref<100xi32, #tpu.memory_space<vmem>>
        %dma_wait3A_682 = arith.constant 0 : i32
        %dma_wait3A_683 = arith.constant 0 : i32
        %dma_wait3A_684 = tpu.memref_slice %arg9[%dma_wait3A_682, %dma_wait3A_683] : memref<10000x64xf32, #tpu.memory_space<vmem_shared>> -> memref<10000x64xf32, #tpu.memory_space<vmem_shared>>
        tpu.wait_indirect_dma semaphore(%arg25 : memref<!tpu.dma_semaphore, #tpu.memory_space<semaphore_mem>>) src(%dma_wait3A_678 : memref<100x64xf32, #tpu.memory_space<vmem>>) dst(%dma_wait3A_684 : memref<10000x64xf32, #tpu.memory_space<vmem_shared>>)
        %add3A_685 = arith.constant 10 : i32
        %add3A_686 = arith.addi %sub3A_587, %add3A_685 : i32
        %dma_start3A_687 = arith.constant 5 : i32
        %dma_start3A_688 = arith.constant 0 : i32
        %dma_start3A_689 = arith.constant 0 : i32
        %dma_start3A_690 = tpu.memref_slice %arg7[%dma_start3A_687, %dma_start3A_688, %dma_start3A_689] : memref<10x100x64xf32, #tpu.memory_space<vmem>> -> memref<1x100x64xf32, #tpu.memory_space<vmem>>
        %dma_start3A_691 = tpu.memref_squeeze %dma_start3A_690 : memref<1x100x64xf32, #tpu.memory_space<vmem>> -> memref<100x64xf32, #tpu.memory_space<vmem>>
        %dma_start3A_692 = arith.constant 0 : i32
        %dma_start3A_693 = tpu.memref_slice %arg5[%add3A_686, %dma_start3A_692] : memref<50x100xi32, #tpu.memory_space<vmem>> -> memref<1x100xi32, #tpu.memory_space<vmem>>
        %dma_start3A_694 = tpu.memref_squeeze %dma_start3A_693 : memref<1x100xi32, #tpu.memory_space<vmem>> -> memref<100xi32, #tpu.memory_space<vmem>>
        %dma_start3A_695 = arith.constant 0 : i32
        %dma_start3A_696 = arith.constant 0 : i32
        %dma_start3A_697 = tpu.memref_slice %arg2[%dma_start3A_695, %dma_start3A_696] : memref<10000x64xf32, #tpu.memory_space<hbm>> -> memref<10000x64xf32, #tpu.memory_space<hbm>>
        tpu.enqueue_indirect_dma source(%dma_start3A_697 : memref<10000x64xf32, #tpu.memory_space<hbm>>) target(%dma_start3A_691 : memref<100x64xf32, #tpu.memory_space<vmem>>) offsets(%dma_start3A_694 : memref<100xi32, #tpu.memory_space<vmem>>) semaphore(%arg15 : memref<!tpu.dma_semaphore, #tpu.memory_space<semaphore_mem>>)
      } else {
      }
      %mul3A_598 = arith.constant 10 : i32
      %mul3A_599 = arith.muli %add3A_297, %mul3A_598 : i32
      %add3A_600 = arith.constant 8 : i32
      %add3A_601 = arith.addi %mul3A_599, %add3A_600 : i32
      %dma_wait3A_602 = arith.constant 8 : i32
      %dma_wait3A_603 = arith.constant 0 : i32
      %dma_wait3A_604 = arith.constant 0 : i32
      %dma_wait3A_605 = tpu.memref_slice %arg7[%dma_wait3A_602, %dma_wait3A_603, %dma_wait3A_604] : memref<10x100x64xf32, #tpu.memory_space<vmem>> -> memref<1x100x64xf32, #tpu.memory_space<vmem>>
      %dma_wait3A_606 = tpu.memref_squeeze %dma_wait3A_605 : memref<1x100x64xf32, #tpu.memory_space<vmem>> -> memref<100x64xf32, #tpu.memory_space<vmem>>
      %dma_wait3A_607 = arith.constant 0 : i32
      %dma_wait3A_608 = tpu.memref_slice %arg5[%add3A_601, %dma_wait3A_607] : memref<50x100xi32, #tpu.memory_space<vmem>> -> memref<1x100xi32, #tpu.memory_space<vmem>>
      %dma_wait3A_609 = tpu.memref_squeeze %dma_wait3A_608 : memref<1x100xi32, #tpu.memory_space<vmem>> -> memref<100xi32, #tpu.memory_space<vmem>>
      %dma_wait3A_610 = arith.constant 0 : i32
      %dma_wait3A_611 = arith.constant 0 : i32
      %dma_wait3A_612 = tpu.memref_slice %arg2[%dma_wait3A_610, %dma_wait3A_611] : memref<10000x64xf32, #tpu.memory_space<hbm>> -> memref<10000x64xf32, #tpu.memory_space<hbm>>
      tpu.wait_indirect_dma semaphore(%arg18 : memref<!tpu.dma_semaphore, #tpu.memory_space<semaphore_mem>>) src(%dma_wait3A_612 : memref<10000x64xf32, #tpu.memory_space<hbm>>) dst(%dma_wait3A_606 : memref<100x64xf32, #tpu.memory_space<vmem>>)
      %dma_start3A_613 = arith.constant 8 : i32
      %dma_start3A_614 = arith.constant 0 : i32
      %dma_start3A_615 = arith.constant 0 : i32
      %dma_start3A_616 = tpu.memref_slice %arg7[%dma_start3A_613, %dma_start3A_614, %dma_start3A_615] : memref<10x100x64xf32, #tpu.memory_space<vmem>> -> memref<1x100x64xf32, #tpu.memory_space<vmem>>
      %dma_start3A_617 = tpu.memref_squeeze %dma_start3A_616 : memref<1x100x64xf32, #tpu.memory_space<vmem>> -> memref<100x64xf32, #tpu.memory_space<vmem>>
      %dma_start3A_618 = arith.constant 0 : i32
      %dma_start3A_619 = tpu.memref_slice %arg6[%add3A_601, %dma_start3A_618] : memref<50x100xi32, #tpu.memory_space<vmem>> -> memref<1x100xi32, #tpu.memory_space<vmem>>
      %dma_start3A_620 = tpu.memref_squeeze %dma_start3A_619 : memref<1x100xi32, #tpu.memory_space<vmem>> -> memref<100xi32, #tpu.memory_space<vmem>>
      %dma_start3A_621 = arith.constant 0 : i32
      %dma_start3A_622 = arith.constant 0 : i32
      %dma_start3A_623 = tpu.memref_slice %arg9[%dma_start3A_621, %dma_start3A_622] : memref<10000x64xf32, #tpu.memory_space<vmem_shared>> -> memref<10000x64xf32, #tpu.memory_space<vmem_shared>>
      tpu.enqueue_indirect_dma source(%dma_start3A_617 : memref<100x64xf32, #tpu.memory_space<vmem>>) target(%dma_start3A_623 : memref<10000x64xf32, #tpu.memory_space<vmem_shared>>) offsets(%dma_start3A_620 : memref<100xi32, #tpu.memory_space<vmem>>) semaphore(%arg28 : memref<!tpu.dma_semaphore, #tpu.memory_space<semaphore_mem>>) {add = true}
      %sub3A_624 = arith.constant 2 : i32
      %sub3A_625 = arith.subi %add3A_601, %sub3A_624 : i32
      %ge3A_626 = arith.constant 0 : i32
      %ge3A_627 = arith.cmpi sge, %sub3A_625, %ge3A_626 : i32
      %add3A_628 = arith.constant 10 : i32
      %add3A_629 = arith.addi %sub3A_625, %add3A_628 : i32
      %lt3A_630 = arith.constant 50 : i32
      %lt3A_631 = arith.cmpi slt, %add3A_629, %lt3A_630 : i32
      %and3A_632 = arith.andi %ge3A_627, %lt3A_631 : i1
      %convert_element_type3A_633 = arith.extui %and3A_632 : i1 to i32
      %cond3A_634 = arith.constant 0 : i32
      %cond3A_635 = arith.cmpi ne, %convert_element_type3A_633, %cond3A_634 : i32
      scf.if %cond3A_635 {
        %dma_wait3A_674 = arith.constant 6 : i32
        %dma_wait3A_675 = arith.constant 0 : i32
        %dma_wait3A_676 = arith.constant 0 : i32
        %dma_wait3A_677 = tpu.memref_slice %arg7[%dma_wait3A_674, %dma_wait3A_675, %dma_wait3A_676] : memref<10x100x64xf32, #tpu.memory_space<vmem>> -> memref<1x100x64xf32, #tpu.memory_space<vmem>>
        %dma_wait3A_678 = tpu.memref_squeeze %dma_wait3A_677 : memref<1x100x64xf32, #tpu.memory_space<vmem>> -> memref<100x64xf32, #tpu.memory_space<vmem>>
        %dma_wait3A_679 = arith.constant 0 : i32
        %dma_wait3A_680 = tpu.memref_slice %arg6[%sub3A_625, %dma_wait3A_679] : memref<50x100xi32, #tpu.memory_space<vmem>> -> memref<1x100xi32, #tpu.memory_space<vmem>>
        %dma_wait3A_681 = tpu.memref_squeeze %dma_wait3A_680 : memref<1x100xi32, #tpu.memory_space<vmem>> -> memref<100xi32, #tpu.memory_space<vmem>>
        %dma_wait3A_682 = arith.constant 0 : i32
        %dma_wait3A_683 = arith.constant 0 : i32
        %dma_wait3A_684 = tpu.memref_slice %arg9[%dma_wait3A_682, %dma_wait3A_683] : memref<10000x64xf32, #tpu.memory_space<vmem_shared>> -> memref<10000x64xf32, #tpu.memory_space<vmem_shared>>
        tpu.wait_indirect_dma semaphore(%arg26 : memref<!tpu.dma_semaphore, #tpu.memory_space<semaphore_mem>>) src(%dma_wait3A_678 : memref<100x64xf32, #tpu.memory_space<vmem>>) dst(%dma_wait3A_684 : memref<10000x64xf32, #tpu.memory_space<vmem_shared>>)
        %add3A_685 = arith.constant 10 : i32
        %add3A_686 = arith.addi %sub3A_625, %add3A_685 : i32
        %dma_start3A_687 = arith.constant 6 : i32
        %dma_start3A_688 = arith.constant 0 : i32
        %dma_start3A_689 = arith.constant 0 : i32
        %dma_start3A_690 = tpu.memref_slice %arg7[%dma_start3A_687, %dma_start3A_688, %dma_start3A_689] : memref<10x100x64xf32, #tpu.memory_space<vmem>> -> memref<1x100x64xf32, #tpu.memory_space<vmem>>
        %dma_start3A_691 = tpu.memref_squeeze %dma_start3A_690 : memref<1x100x64xf32, #tpu.memory_space<vmem>> -> memref<100x64xf32, #tpu.memory_space<vmem>>
        %dma_start3A_692 = arith.constant 0 : i32
        %dma_start3A_693 = tpu.memref_slice %arg5[%add3A_686, %dma_start3A_692] : memref<50x100xi32, #tpu.memory_space<vmem>> -> memref<1x100xi32, #tpu.memory_space<vmem>>
        %dma_start3A_694 = tpu.memref_squeeze %dma_start3A_693 : memref<1x100xi32, #tpu.memory_space<vmem>> -> memref<100xi32, #tpu.memory_space<vmem>>
        %dma_start3A_695 = arith.constant 0 : i32
        %dma_start3A_696 = arith.constant 0 : i32
        %dma_start3A_697 = tpu.memref_slice %arg2[%dma_start3A_695, %dma_start3A_696] : memref<10000x64xf32, #tpu.memory_space<hbm>> -> memref<10000x64xf32, #tpu.memory_space<hbm>>
        tpu.enqueue_indirect_dma source(%dma_start3A_697 : memref<10000x64xf32, #tpu.memory_space<hbm>>) target(%dma_start3A_691 : memref<100x64xf32, #tpu.memory_space<vmem>>) offsets(%dma_start3A_694 : memref<100xi32, #tpu.memory_space<vmem>>) semaphore(%arg16 : memref<!tpu.dma_semaphore, #tpu.memory_space<semaphore_mem>>)
      } else {
      }
      %mul3A_636 = arith.constant 10 : i32
      %mul3A_637 = arith.muli %add3A_297, %mul3A_636 : i32
      %add3A_638 = arith.constant 9 : i32
      %add3A_639 = arith.addi %mul3A_637, %add3A_638 : i32
      %dma_wait3A_640 = arith.constant 9 : i32
      %dma_wait3A_641 = arith.constant 0 : i32
      %dma_wait3A_642 = arith.constant 0 : i32
      %dma_wait3A_643 = tpu.memref_slice %arg7[%dma_wait3A_640, %dma_wait3A_641, %dma_wait3A_642] : memref<10x100x64xf32, #tpu.memory_space<vmem>> -> memref<1x100x64xf32, #tpu.memory_space<vmem>>
      %dma_wait3A_644 = tpu.memref_squeeze %dma_wait3A_643 : memref<1x100x64xf32, #tpu.memory_space<vmem>> -> memref<100x64xf32, #tpu.memory_space<vmem>>
      %dma_wait3A_645 = arith.constant 0 : i32
      %dma_wait3A_646 = tpu.memref_slice %arg5[%add3A_639, %dma_wait3A_645] : memref<50x100xi32, #tpu.memory_space<vmem>> -> memref<1x100xi32, #tpu.memory_space<vmem>>
      %dma_wait3A_647 = tpu.memref_squeeze %dma_wait3A_646 : memref<1x100xi32, #tpu.memory_space<vmem>> -> memref<100xi32, #tpu.memory_space<vmem>>
      %dma_wait3A_648 = arith.constant 0 : i32
      %dma_wait3A_649 = arith.constant 0 : i32
      %dma_wait3A_650 = tpu.memref_slice %arg2[%dma_wait3A_648, %dma_wait3A_649] : memref<10000x64xf32, #tpu.memory_space<hbm>> -> memref<10000x64xf32, #tpu.memory_space<hbm>>
      tpu.wait_indirect_dma semaphore(%arg19 : memref<!tpu.dma_semaphore, #tpu.memory_space<semaphore_mem>>) src(%dma_wait3A_650 : memref<10000x64xf32, #tpu.memory_space<hbm>>) dst(%dma_wait3A_644 : memref<100x64xf32, #tpu.memory_space<vmem>>)
      %dma_start3A_651 = arith.constant 9 : i32
      %dma_start3A_652 = arith.constant 0 : i32
      %dma_start3A_653 = arith.constant 0 : i32
      %dma_start3A_654 = tpu.memref_slice %arg7[%dma_start3A_651, %dma_start3A_652, %dma_start3A_653] : memref<10x100x64xf32, #tpu.memory_space<vmem>> -> memref<1x100x64xf32, #tpu.memory_space<vmem>>
      %dma_start3A_655 = tpu.memref_squeeze %dma_start3A_654 : memref<1x100x64xf32, #tpu.memory_space<vmem>> -> memref<100x64xf32, #tpu.memory_space<vmem>>
      %dma_start3A_656 = arith.constant 0 : i32
      %dma_start3A_657 = tpu.memref_slice %arg6[%add3A_639, %dma_start3A_656] : memref<50x100xi32, #tpu.memory_space<vmem>> -> memref<1x100xi32, #tpu.memory_space<vmem>>
      %dma_start3A_658 = tpu.memref_squeeze %dma_start3A_657 : memref<1x100xi32, #tpu.memory_space<vmem>> -> memref<100xi32, #tpu.memory_space<vmem>>
      %dma_start3A_659 = arith.constant 0 : i32
      %dma_start3A_660 = arith.constant 0 : i32
      %dma_start3A_661 = tpu.memref_slice %arg9[%dma_start3A_659, %dma_start3A_660] : memref<10000x64xf32, #tpu.memory_space<vmem_shared>> -> memref<10000x64xf32, #tpu.memory_space<vmem_shared>>
      tpu.enqueue_indirect_dma source(%dma_start3A_655 : memref<100x64xf32, #tpu.memory_space<vmem>>) target(%dma_start3A_661 : memref<10000x64xf32, #tpu.memory_space<vmem_shared>>) offsets(%dma_start3A_658 : memref<100xi32, #tpu.memory_space<vmem>>) semaphore(%arg29 : memref<!tpu.dma_semaphore, #tpu.memory_space<semaphore_mem>>) {add = true}
      %sub3A_662 = arith.constant 2 : i32
      %sub3A_663 = arith.subi %add3A_639, %sub3A_662 : i32
      %ge3A_664 = arith.constant 0 : i32
      %ge3A_665 = arith.cmpi sge, %sub3A_663, %ge3A_664 : i32
      %add3A_666 = arith.constant 10 : i32
      %add3A_667 = arith.addi %sub3A_663, %add3A_666 : i32
      %lt3A_668 = arith.constant 50 : i32
      %lt3A_669 = arith.cmpi slt, %add3A_667, %lt3A_668 : i32
      %and3A_670 = arith.andi %ge3A_665, %lt3A_669 : i1
      %convert_element_type3A_671 = arith.extui %and3A_670 : i1 to i32
      %cond3A_672 = arith.constant 0 : i32
      %cond3A_673 = arith.cmpi ne, %convert_element_type3A_671, %cond3A_672 : i32
      scf.if %cond3A_673 {
        %dma_wait3A_674 = arith.constant 7 : i32
        %dma_wait3A_675 = arith.constant 0 : i32
        %dma_wait3A_676 = arith.constant 0 : i32
        %dma_wait3A_677 = tpu.memref_slice %arg7[%dma_wait3A_674, %dma_wait3A_675, %dma_wait3A_676] : memref<10x100x64xf32, #tpu.memory_space<vmem>> -> memref<1x100x64xf32, #tpu.memory_space<vmem>>
        %dma_wait3A_678 = tpu.memref_squeeze %dma_wait3A_677 : memref<1x100x64xf32, #tpu.memory_space<vmem>> -> memref<100x64xf32, #tpu.memory_space<vmem>>
        %dma_wait3A_679 = arith.constant 0 : i32
        %dma_wait3A_680 = tpu.memref_slice %arg6[%sub3A_663, %dma_wait3A_679] : memref<50x100xi32, #tpu.memory_space<vmem>> -> memref<1x100xi32, #tpu.memory_space<vmem>>
        %dma_wait3A_681 = tpu.memref_squeeze %dma_wait3A_680 : memref<1x100xi32, #tpu.memory_space<vmem>> -> memref<100xi32, #tpu.memory_space<vmem>>
        %dma_wait3A_682 = arith.constant 0 : i32
        %dma_wait3A_683 = arith.constant 0 : i32
        %dma_wait3A_684 = tpu.memref_slice %arg9[%dma_wait3A_682, %dma_wait3A_683] : memref<10000x64xf32, #tpu.memory_space<vmem_shared>> -> memref<10000x64xf32, #tpu.memory_space<vmem_shared>>
        tpu.wait_indirect_dma semaphore(%arg27 : memref<!tpu.dma_semaphore, #tpu.memory_space<semaphore_mem>>) src(%dma_wait3A_678 : memref<100x64xf32, #tpu.memory_space<vmem>>) dst(%dma_wait3A_684 : memref<10000x64xf32, #tpu.memory_space<vmem_shared>>)
        %add3A_685 = arith.constant 10 : i32
        %add3A_686 = arith.addi %sub3A_663, %add3A_685 : i32
        %dma_start3A_687 = arith.constant 7 : i32
        %dma_start3A_688 = arith.constant 0 : i32
        %dma_start3A_689 = arith.constant 0 : i32
        %dma_start3A_690 = tpu.memref_slice %arg7[%dma_start3A_687, %dma_start3A_688, %dma_start3A_689] : memref<10x100x64xf32, #tpu.memory_space<vmem>> -> memref<1x100x64xf32, #tpu.memory_space<vmem>>
        %dma_start3A_691 = tpu.memref_squeeze %dma_start3A_690 : memref<1x100x64xf32, #tpu.memory_space<vmem>> -> memref<100x64xf32, #tpu.memory_space<vmem>>
        %dma_start3A_692 = arith.constant 0 : i32
        %dma_start3A_693 = tpu.memref_slice %arg5[%add3A_686, %dma_start3A_692] : memref<50x100xi32, #tpu.memory_space<vmem>> -> memref<1x100xi32, #tpu.memory_space<vmem>>
        %dma_start3A_694 = tpu.memref_squeeze %dma_start3A_693 : memref<1x100xi32, #tpu.memory_space<vmem>> -> memref<100xi32, #tpu.memory_space<vmem>>
        %dma_start3A_695 = arith.constant 0 : i32
        %dma_start3A_696 = arith.constant 0 : i32
        %dma_start3A_697 = tpu.memref_slice %arg2[%dma_start3A_695, %dma_start3A_696] : memref<10000x64xf32, #tpu.memory_space<hbm>> -> memref<10000x64xf32, #tpu.memory_space<hbm>>
        tpu.enqueue_indirect_dma source(%dma_start3A_697 : memref<10000x64xf32, #tpu.memory_space<hbm>>) target(%dma_start3A_691 : memref<100x64xf32, #tpu.memory_space<vmem>>) offsets(%dma_start3A_694 : memref<100xi32, #tpu.memory_space<vmem>>) semaphore(%arg17 : memref<!tpu.dma_semaphore, #tpu.memory_space<semaphore_mem>>)
      } else {
      }
    }
    %scan3A_166 = arith.constant 5 : i32
    %dma_wait3A_167 = arith.constant 0 : i32
    %dma_wait3A_168 = arith.constant 40 : i32
    %dma_wait3A_169 = arith.constant 0 : i32
    %dma_wait3A_170 = arith.constant 0 : i32
    %dma_wait3A_171 = tpu.memref_slice %arg7[%dma_wait3A_167, %dma_wait3A_169, %dma_wait3A_170] : memref<10x100x64xf32, #tpu.memory_space<vmem>> -> memref<1x100x64xf32, #tpu.memory_space<vmem>>
    %dma_wait3A_172 = tpu.memref_squeeze %dma_wait3A_171 : memref<1x100x64xf32, #tpu.memory_space<vmem>> -> memref<100x64xf32, #tpu.memory_space<vmem>>
    %dma_wait3A_173 = arith.constant 0 : i32
    %dma_wait3A_174 = tpu.memref_slice %arg6[%dma_wait3A_168, %dma_wait3A_173] : memref<50x100xi32, #tpu.memory_space<vmem>> -> memref<1x100xi32, #tpu.memory_space<vmem>>
    %dma_wait3A_175 = tpu.memref_squeeze %dma_wait3A_174 : memref<1x100xi32, #tpu.memory_space<vmem>> -> memref<100xi32, #tpu.memory_space<vmem>>
    %dma_wait3A_176 = arith.constant 0 : i32
    %dma_wait3A_177 = arith.constant 0 : i32
    %dma_wait3A_178 = tpu.memref_slice %arg9[%dma_wait3A_176, %dma_wait3A_177] : memref<10000x64xf32, #tpu.memory_space<vmem_shared>> -> memref<10000x64xf32, #tpu.memory_space<vmem_shared>>
    tpu.wait_indirect_dma semaphore(%arg20 : memref<!tpu.dma_semaphore, #tpu.memory_space<semaphore_mem>>) src(%dma_wait3A_172 : memref<100x64xf32, #tpu.memory_space<vmem>>) dst(%dma_wait3A_178 : memref<10000x64xf32, #tpu.memory_space<vmem_shared>>)
    %dma_wait3A_179 = arith.constant 1 : i32
    %dma_wait3A_180 = arith.constant 41 : i32
    %dma_wait3A_181 = arith.constant 0 : i32
    %dma_wait3A_182 = arith.constant 0 : i32
    %dma_wait3A_183 = tpu.memref_slice %arg7[%dma_wait3A_179, %dma_wait3A_181, %dma_wait3A_182] : memref<10x100x64xf32, #tpu.memory_space<vmem>> -> memref<1x100x64xf32, #tpu.memory_space<vmem>>
    %dma_wait3A_184 = tpu.memref_squeeze %dma_wait3A_183 : memref<1x100x64xf32, #tpu.memory_space<vmem>> -> memref<100x64xf32, #tpu.memory_space<vmem>>
    %dma_wait3A_185 = arith.constant 0 : i32
    %dma_wait3A_186 = tpu.memref_slice %arg6[%dma_wait3A_180, %dma_wait3A_185] : memref<50x100xi32, #tpu.memory_space<vmem>> -> memref<1x100xi32, #tpu.memory_space<vmem>>
    %dma_wait3A_187 = tpu.memref_squeeze %dma_wait3A_186 : memref<1x100xi32, #tpu.memory_space<vmem>> -> memref<100xi32, #tpu.memory_space<vmem>>
    %dma_wait3A_188 = arith.constant 0 : i32
    %dma_wait3A_189 = arith.constant 0 : i32
    %dma_wait3A_190 = tpu.memref_slice %arg9[%dma_wait3A_188, %dma_wait3A_189] : memref<10000x64xf32, #tpu.memory_space<vmem_shared>> -> memref<10000x64xf32, #tpu.memory_space<vmem_shared>>
    tpu.wait_indirect_dma semaphore(%arg21 : memref<!tpu.dma_semaphore, #tpu.memory_space<semaphore_mem>>) src(%dma_wait3A_184 : memref<100x64xf32, #tpu.memory_space<vmem>>) dst(%dma_wait3A_190 : memref<10000x64xf32, #tpu.memory_space<vmem_shared>>)
    %dma_wait3A_191 = arith.constant 2 : i32
    %dma_wait3A_192 = arith.constant 42 : i32
    %dma_wait3A_193 = arith.constant 0 : i32
    %dma_wait3A_194 = arith.constant 0 : i32
    %dma_wait3A_195 = tpu.memref_slice %arg7[%dma_wait3A_191, %dma_wait3A_193, %dma_wait3A_194] : memref<10x100x64xf32, #tpu.memory_space<vmem>> -> memref<1x100x64xf32, #tpu.memory_space<vmem>>
    %dma_wait3A_196 = tpu.memref_squeeze %dma_wait3A_195 : memref<1x100x64xf32, #tpu.memory_space<vmem>> -> memref<100x64xf32, #tpu.memory_space<vmem>>
    %dma_wait3A_197 = arith.constant 0 : i32
    %dma_wait3A_198 = tpu.memref_slice %arg6[%dma_wait3A_192, %dma_wait3A_197] : memref<50x100xi32, #tpu.memory_space<vmem>> -> memref<1x100xi32, #tpu.memory_space<vmem>>
    %dma_wait3A_199 = tpu.memref_squeeze %dma_wait3A_198 : memref<1x100xi32, #tpu.memory_space<vmem>> -> memref<100xi32, #tpu.memory_space<vmem>>
    %dma_wait3A_200 = arith.constant 0 : i32
    %dma_wait3A_201 = arith.constant 0 : i32
    %dma_wait3A_202 = tpu.memref_slice %arg9[%dma_wait3A_200, %dma_wait3A_201] : memref<10000x64xf32, #tpu.memory_space<vmem_shared>> -> memref<10000x64xf32, #tpu.memory_space<vmem_shared>>
    tpu.wait_indirect_dma semaphore(%arg22 : memref<!tpu.dma_semaphore, #tpu.memory_space<semaphore_mem>>) src(%dma_wait3A_196 : memref<100x64xf32, #tpu.memory_space<vmem>>) dst(%dma_wait3A_202 : memref<10000x64xf32, #tpu.memory_space<vmem_shared>>)
    %dma_wait3A_203 = arith.constant 3 : i32
    %dma_wait3A_204 = arith.constant 43 : i32
    %dma_wait3A_205 = arith.constant 0 : i32
    %dma_wait3A_206 = arith.constant 0 : i32
    %dma_wait3A_207 = tpu.memref_slice %arg7[%dma_wait3A_203, %dma_wait3A_205, %dma_wait3A_206] : memref<10x100x64xf32, #tpu.memory_space<vmem>> -> memref<1x100x64xf32, #tpu.memory_space<vmem>>
    %dma_wait3A_208 = tpu.memref_squeeze %dma_wait3A_207 : memref<1x100x64xf32, #tpu.memory_space<vmem>> -> memref<100x64xf32, #tpu.memory_space<vmem>>
    %dma_wait3A_209 = arith.constant 0 : i32
    %dma_wait3A_210 = tpu.memref_slice %arg6[%dma_wait3A_204, %dma_wait3A_209] : memref<50x100xi32, #tpu.memory_space<vmem>> -> memref<1x100xi32, #tpu.memory_space<vmem>>
    %dma_wait3A_211 = tpu.memref_squeeze %dma_wait3A_210 : memref<1x100xi32, #tpu.memory_space<vmem>> -> memref<100xi32, #tpu.memory_space<vmem>>
    %dma_wait3A_212 = arith.constant 0 : i32
    %dma_wait3A_213 = arith.constant 0 : i32
    %dma_wait3A_214 = tpu.memref_slice %arg9[%dma_wait3A_212, %dma_wait3A_213] : memref<10000x64xf32, #tpu.memory_space<vmem_shared>> -> memref<10000x64xf32, #tpu.memory_space<vmem_shared>>
    tpu.wait_indirect_dma semaphore(%arg23 : memref<!tpu.dma_semaphore, #tpu.memory_space<semaphore_mem>>) src(%dma_wait3A_208 : memref<100x64xf32, #tpu.memory_space<vmem>>) dst(%dma_wait3A_214 : memref<10000x64xf32, #tpu.memory_space<vmem_shared>>)
    %dma_wait3A_215 = arith.constant 4 : i32
    %dma_wait3A_216 = arith.constant 44 : i32
    %dma_wait3A_217 = arith.constant 0 : i32
    %dma_wait3A_218 = arith.constant 0 : i32
    %dma_wait3A_219 = tpu.memref_slice %arg7[%dma_wait3A_215, %dma_wait3A_217, %dma_wait3A_218] : memref<10x100x64xf32, #tpu.memory_space<vmem>> -> memref<1x100x64xf32, #tpu.memory_space<vmem>>
    %dma_wait3A_220 = tpu.memref_squeeze %dma_wait3A_219 : memref<1x100x64xf32, #tpu.memory_space<vmem>> -> memref<100x64xf32, #tpu.memory_space<vmem>>
    %dma_wait3A_221 = arith.constant 0 : i32
    %dma_wait3A_222 = tpu.memref_slice %arg6[%dma_wait3A_216, %dma_wait3A_221] : memref<50x100xi32, #tpu.memory_space<vmem>> -> memref<1x100xi32, #tpu.memory_space<vmem>>
    %dma_wait3A_223 = tpu.memref_squeeze %dma_wait3A_222 : memref<1x100xi32, #tpu.memory_space<vmem>> -> memref<100xi32, #tpu.memory_space<vmem>>
    %dma_wait3A_224 = arith.constant 0 : i32
    %dma_wait3A_225 = arith.constant 0 : i32
    %dma_wait3A_226 = tpu.memref_slice %arg9[%dma_wait3A_224, %dma_wait3A_225] : memref<10000x64xf32, #tpu.memory_space<vmem_shared>> -> memref<10000x64xf32, #tpu.memory_space<vmem_shared>>
    tpu.wait_indirect_dma semaphore(%arg24 : memref<!tpu.dma_semaphore, #tpu.memory_space<semaphore_mem>>) src(%dma_wait3A_220 : memref<100x64xf32, #tpu.memory_space<vmem>>) dst(%dma_wait3A_226 : memref<10000x64xf32, #tpu.memory_space<vmem_shared>>)
    %dma_wait3A_227 = arith.constant 5 : i32
    %dma_wait3A_228 = arith.constant 45 : i32
    %dma_wait3A_229 = arith.constant 0 : i32
    %dma_wait3A_230 = arith.constant 0 : i32
    %dma_wait3A_231 = tpu.memref_slice %arg7[%dma_wait3A_227, %dma_wait3A_229, %dma_wait3A_230] : memref<10x100x64xf32, #tpu.memory_space<vmem>> -> memref<1x100x64xf32, #tpu.memory_space<vmem>>
    %dma_wait3A_232 = tpu.memref_squeeze %dma_wait3A_231 : memref<1x100x64xf32, #tpu.memory_space<vmem>> -> memref<100x64xf32, #tpu.memory_space<vmem>>
    %dma_wait3A_233 = arith.constant 0 : i32
    %dma_wait3A_234 = tpu.memref_slice %arg6[%dma_wait3A_228, %dma_wait3A_233] : memref<50x100xi32, #tpu.memory_space<vmem>> -> memref<1x100xi32, #tpu.memory_space<vmem>>
    %dma_wait3A_235 = tpu.memref_squeeze %dma_wait3A_234 : memref<1x100xi32, #tpu.memory_space<vmem>> -> memref<100xi32, #tpu.memory_space<vmem>>
    %dma_wait3A_236 = arith.constant 0 : i32
    %dma_wait3A_237 = arith.constant 0 : i32
    %dma_wait3A_238 = tpu.memref_slice %arg9[%dma_wait3A_236, %dma_wait3A_237] : memref<10000x64xf32, #tpu.memory_space<vmem_shared>> -> memref<10000x64xf32, #tpu.memory_space<vmem_shared>>
    tpu.wait_indirect_dma semaphore(%arg25 : memref<!tpu.dma_semaphore, #tpu.memory_space<semaphore_mem>>) src(%dma_wait3A_232 : memref<100x64xf32, #tpu.memory_space<vmem>>) dst(%dma_wait3A_238 : memref<10000x64xf32, #tpu.memory_space<vmem_shared>>)
    %dma_wait3A_239 = arith.constant 6 : i32
    %dma_wait3A_240 = arith.constant 46 : i32
    %dma_wait3A_241 = arith.constant 0 : i32
    %dma_wait3A_242 = arith.constant 0 : i32
    %dma_wait3A_243 = tpu.memref_slice %arg7[%dma_wait3A_239, %dma_wait3A_241, %dma_wait3A_242] : memref<10x100x64xf32, #tpu.memory_space<vmem>> -> memref<1x100x64xf32, #tpu.memory_space<vmem>>
    %dma_wait3A_244 = tpu.memref_squeeze %dma_wait3A_243 : memref<1x100x64xf32, #tpu.memory_space<vmem>> -> memref<100x64xf32, #tpu.memory_space<vmem>>
    %dma_wait3A_245 = arith.constant 0 : i32
    %dma_wait3A_246 = tpu.memref_slice %arg6[%dma_wait3A_240, %dma_wait3A_245] : memref<50x100xi32, #tpu.memory_space<vmem>> -> memref<1x100xi32, #tpu.memory_space<vmem>>
    %dma_wait3A_247 = tpu.memref_squeeze %dma_wait3A_246 : memref<1x100xi32, #tpu.memory_space<vmem>> -> memref<100xi32, #tpu.memory_space<vmem>>
    %dma_wait3A_248 = arith.constant 0 : i32
    %dma_wait3A_249 = arith.constant 0 : i32
    %dma_wait3A_250 = tpu.memref_slice %arg9[%dma_wait3A_248, %dma_wait3A_249] : memref<10000x64xf32, #tpu.memory_space<vmem_shared>> -> memref<10000x64xf32, #tpu.memory_space<vmem_shared>>
    tpu.wait_indirect_dma semaphore(%arg26 : memref<!tpu.dma_semaphore, #tpu.memory_space<semaphore_mem>>) src(%dma_wait3A_244 : memref<100x64xf32, #tpu.memory_space<vmem>>) dst(%dma_wait3A_250 : memref<10000x64xf32, #tpu.memory_space<vmem_shared>>)
    %dma_wait3A_251 = arith.constant 7 : i32
    %dma_wait3A_252 = arith.constant 47 : i32
    %dma_wait3A_253 = arith.constant 0 : i32
    %dma_wait3A_254 = arith.constant 0 : i32
    %dma_wait3A_255 = tpu.memref_slice %arg7[%dma_wait3A_251, %dma_wait3A_253, %dma_wait3A_254] : memref<10x100x64xf32, #tpu.memory_space<vmem>> -> memref<1x100x64xf32, #tpu.memory_space<vmem>>
    %dma_wait3A_256 = tpu.memref_squeeze %dma_wait3A_255 : memref<1x100x64xf32, #tpu.memory_space<vmem>> -> memref<100x64xf32, #tpu.memory_space<vmem>>
    %dma_wait3A_257 = arith.constant 0 : i32
    %dma_wait3A_258 = tpu.memref_slice %arg6[%dma_wait3A_252, %dma_wait3A_257] : memref<50x100xi32, #tpu.memory_space<vmem>> -> memref<1x100xi32, #tpu.memory_space<vmem>>
    %dma_wait3A_259 = tpu.memref_squeeze %dma_wait3A_258 : memref<1x100xi32, #tpu.memory_space<vmem>> -> memref<100xi32, #tpu.memory_space<vmem>>
    %dma_wait3A_260 = arith.constant 0 : i32
    %dma_wait3A_261 = arith.constant 0 : i32
    %dma_wait3A_262 = tpu.memref_slice %arg9[%dma_wait3A_260, %dma_wait3A_261] : memref<10000x64xf32, #tpu.memory_space<vmem_shared>> -> memref<10000x64xf32, #tpu.memory_space<vmem_shared>>
    tpu.wait_indirect_dma semaphore(%arg27 : memref<!tpu.dma_semaphore, #tpu.memory_space<semaphore_mem>>) src(%dma_wait3A_256 : memref<100x64xf32, #tpu.memory_space<vmem>>) dst(%dma_wait3A_262 : memref<10000x64xf32, #tpu.memory_space<vmem_shared>>)
    %dma_wait3A_263 = arith.constant 8 : i32
    %dma_wait3A_264 = arith.constant 48 : i32
    %dma_wait3A_265 = arith.constant 0 : i32
    %dma_wait3A_266 = arith.constant 0 : i32
    %dma_wait3A_267 = tpu.memref_slice %arg7[%dma_wait3A_263, %dma_wait3A_265, %dma_wait3A_266] : memref<10x100x64xf32, #tpu.memory_space<vmem>> -> memref<1x100x64xf32, #tpu.memory_space<vmem>>
    %dma_wait3A_268 = tpu.memref_squeeze %dma_wait3A_267 : memref<1x100x64xf32, #tpu.memory_space<vmem>> -> memref<100x64xf32, #tpu.memory_space<vmem>>
    %dma_wait3A_269 = arith.constant 0 : i32
    %dma_wait3A_270 = tpu.memref_slice %arg6[%dma_wait3A_264, %dma_wait3A_269] : memref<50x100xi32, #tpu.memory_space<vmem>> -> memref<1x100xi32, #tpu.memory_space<vmem>>
    %dma_wait3A_271 = tpu.memref_squeeze %dma_wait3A_270 : memref<1x100xi32, #tpu.memory_space<vmem>> -> memref<100xi32, #tpu.memory_space<vmem>>
    %dma_wait3A_272 = arith.constant 0 : i32
    %dma_wait3A_273 = arith.constant 0 : i32
    %dma_wait3A_274 = tpu.memref_slice %arg9[%dma_wait3A_272, %dma_wait3A_273] : memref<10000x64xf32, #tpu.memory_space<vmem_shared>> -> memref<10000x64xf32, #tpu.memory_space<vmem_shared>>
    tpu.wait_indirect_dma semaphore(%arg28 : memref<!tpu.dma_semaphore, #tpu.memory_space<semaphore_mem>>) src(%dma_wait3A_268 : memref<100x64xf32, #tpu.memory_space<vmem>>) dst(%dma_wait3A_274 : memref<10000x64xf32, #tpu.memory_space<vmem_shared>>)
    %dma_wait3A_275 = arith.constant 9 : i32
    %dma_wait3A_276 = arith.constant 49 : i32
    %dma_wait3A_277 = arith.constant 0 : i32
    %dma_wait3A_278 = arith.constant 0 : i32
    %dma_wait3A_279 = tpu.memref_slice %arg7[%dma_wait3A_275, %dma_wait3A_277, %dma_wait3A_278] : memref<10x100x64xf32, #tpu.memory_space<vmem>> -> memref<1x100x64xf32, #tpu.memory_space<vmem>>
    %dma_wait3A_280 = tpu.memref_squeeze %dma_wait3A_279 : memref<1x100x64xf32, #tpu.memory_space<vmem>> -> memref<100x64xf32, #tpu.memory_space<vmem>>
    %dma_wait3A_281 = arith.constant 0 : i32
    %dma_wait3A_282 = tpu.memref_slice %arg6[%dma_wait3A_276, %dma_wait3A_281] : memref<50x100xi32, #tpu.memory_space<vmem>> -> memref<1x100xi32, #tpu.memory_space<vmem>>
    %dma_wait3A_283 = tpu.memref_squeeze %dma_wait3A_282 : memref<1x100xi32, #tpu.memory_space<vmem>> -> memref<100xi32, #tpu.memory_space<vmem>>
    %dma_wait3A_284 = arith.constant 0 : i32
    %dma_wait3A_285 = arith.constant 0 : i32
    %dma_wait3A_286 = tpu.memref_slice %arg9[%dma_wait3A_284, %dma_wait3A_285] : memref<10000x64xf32, #tpu.memory_space<vmem_shared>> -> memref<10000x64xf32, #tpu.memory_space<vmem_shared>>
    tpu.wait_indirect_dma semaphore(%arg29 : memref<!tpu.dma_semaphore, #tpu.memory_space<semaphore_mem>>) src(%dma_wait3A_280 : memref<100x64xf32, #tpu.memory_space<vmem>>) dst(%dma_wait3A_286 : memref<10000x64xf32, #tpu.memory_space<vmem_shared>>)
    %barrier3A_287 = arith.constant 0 : index
    tpu.barrier barrier_id(%barrier3A_287)
    "tpu.region"() ({
      %run_scoped3A = tpu.sem_alloc : memref<!tpu.dma_semaphore, #tpu.memory_space<semaphore_mem>>
      %dma_start3A_293 = arith.constant 0 : i32
      %dma_start3A_294 = tpu.memref_slice %arg4[%arg0, %mul3A_19, %dma_start3A_293] : memref<2x10000x64xf32, #tpu.memory_space<hbm>> -> memref<1x624x64xf32, #tpu.memory_space<hbm>>
      %dma_start3A_295 = tpu.memref_squeeze %dma_start3A_294 : memref<1x624x64xf32, #tpu.memory_space<hbm>> -> memref<624x64xf32, #tpu.memory_space<hbm>>
      %dma_start3A_296 = arith.constant 0 : i32
      %dma_start3A_297 = tpu.memref_slice %arg9[%mul3A_19, %dma_start3A_296] : memref<10000x64xf32, #tpu.memory_space<vmem_shared>> -> memref<624x64xf32, #tpu.memory_space<vmem_shared>>
      tpu.enqueue_dma source(%dma_start3A_297 : memref<624x64xf32, #tpu.memory_space<vmem_shared>>) target(%dma_start3A_295 : memref<624x64xf32, #tpu.memory_space<hbm>>) target_semaphore(%run_scoped3A : memref<!tpu.dma_semaphore, #tpu.memory_space<semaphore_mem>>)
      %dma_wait3A_298 = arith.constant 0 : i32
      %dma_wait3A_299 = tpu.memref_slice %arg4[%arg0, %mul3A_19, %dma_wait3A_298] : memref<2x10000x64xf32, #tpu.memory_space<hbm>> -> memref<1x624x64xf32, #tpu.memory_space<hbm>>
      %dma_wait3A_300 = tpu.memref_squeeze %dma_wait3A_299 : memref<1x624x64xf32, #tpu.memory_space<hbm>> -> memref<624x64xf32, #tpu.memory_space<hbm>>
      %dma_wait3A_301 = arith.constant 0 : i32
      %dma_wait3A_302 = tpu.memref_slice %arg9[%mul3A_19, %dma_wait3A_301] : memref<10000x64xf32, #tpu.memory_space<vmem_shared>> -> memref<624x64xf32, #tpu.memory_space<vmem_shared>>
      tpu.wait_dma2 semaphore(%run_scoped3A : memref<!tpu.dma_semaphore, #tpu.memory_space<semaphore_mem>>) src(%dma_wait3A_302 : memref<624x64xf32, #tpu.memory_space<vmem_shared>>) dst(%dma_wait3A_300 : memref<624x64xf32, #tpu.memory_space<hbm>>)
      tpu.yield
    }) : () -> ()
    %eq3A_288 = arith.constant 15 : i32
    %eq3A_289 = arith.cmpi eq, %arg1, %eq3A_288 : i32
    %convert_element_type3A_290 = arith.extui %eq3A_289 : i1 to i32
    %cond3A_291 = arith.constant 0 : i32
    %cond3A_292 = arith.cmpi ne, %convert_element_type3A_290, %cond3A_291 : i32
    scf.if %cond3A_292 {
      "tpu.region"() ({
        %run_scoped3A = tpu.sem_alloc : memref<!tpu.dma_semaphore, #tpu.memory_space<semaphore_mem>>
        %dma_start3A_293 = arith.constant 9984 : i32
        %dma_start3A_294 = arith.constant 0 : i32
        %dma_start3A_295 = tpu.memref_slice %arg4[%arg0, %dma_start3A_293, %dma_start3A_294] : memref<2x10000x64xf32, #tpu.memory_space<hbm>> -> memref<1x16x64xf32, #tpu.memory_space<hbm>>
        %dma_start3A_296 = tpu.memref_squeeze %dma_start3A_295 : memref<1x16x64xf32, #tpu.memory_space<hbm>> -> memref<16x64xf32, #tpu.memory_space<hbm>>
        %dma_start3A_297 = arith.constant 9984 : i32
        %dma_start3A_298 = arith.constant 0 : i32
        %dma_start3A_299 = tpu.memref_slice %arg9[%dma_start3A_297, %dma_start3A_298] : memref<10000x64xf32, #tpu.memory_space<vmem_shared>> -> memref<16x64xf32, #tpu.memory_space<vmem_shared>>
        tpu.enqueue_dma source(%dma_start3A_299 : memref<16x64xf32, #tpu.memory_space<vmem_shared>>) target(%dma_start3A_296 : memref<16x64xf32, #tpu.memory_space<hbm>>) target_semaphore(%run_scoped3A : memref<!tpu.dma_semaphore, #tpu.memory_space<semaphore_mem>>)
        %dma_wait3A_300 = arith.constant 9984 : i32
        %dma_wait3A_301 = arith.constant 0 : i32
        %dma_wait3A_302 = tpu.memref_slice %arg4[%arg0, %dma_wait3A_300, %dma_wait3A_301] : memref<2x10000x64xf32, #tpu.memory_space<hbm>> -> memref<1x16x64xf32, #tpu.memory_space<hbm>>
        %dma_wait3A_303 = tpu.memref_squeeze %dma_wait3A_302 : memref<1x16x64xf32, #tpu.memory_space<hbm>> -> memref<16x64xf32, #tpu.memory_space<hbm>>
        %dma_wait3A_304 = arith.constant 9984 : i32
        %dma_wait3A_305 = arith.constant 0 : i32
        %dma_wait3A_306 = tpu.memref_slice %arg9[%dma_wait3A_304, %dma_wait3A_305] : memref<10000x64xf32, #tpu.memory_space<vmem_shared>> -> memref<16x64xf32, #tpu.memory_space<vmem_shared>>
        tpu.wait_dma2 semaphore(%run_scoped3A : memref<!tpu.dma_semaphore, #tpu.memory_space<semaphore_mem>>) src(%dma_wait3A_306 : memref<16x64xf32, #tpu.memory_space<vmem_shared>>) dst(%dma_wait3A_303 : memref<16x64xf32, #tpu.memory_space<hbm>>)
        tpu.yield
      }) : () -> ()
    } else {
    }
    return
  }
}

module attributes {stable_mosaic.version = 14 : i64} {
  func.func @_mm_body(%arg0: memref<10000x256xf32, #tpu.memory_space<vmem>>, %arg1: memref<256x64xf32, #tpu.memory_space<vmem>>, %arg2: memref<10000x64xf32, #tpu.memory_space<vmem>>) attributes {dimension_semantics = [], scalar_prefetch = 0 : i64, scratch_operands = 0 : i64, tpu.core_type = #tpu.core_type<tc>} {
    %get3A = arith.constant 0 : index
    %get3A_0 = arith.constant 0 : index
    %get3A_1 = vector.load %arg0[%get3A, %get3A_0] : memref<10000x256xf32, #tpu.memory_space<vmem>>, vector<10000x256xf32>
    %get3A_2 = arith.constant 0 : index
    %get3A_3 = arith.constant 0 : index
    %get3A_4 = vector.load %arg1[%get3A_2, %get3A_3] : memref<256x64xf32, #tpu.memory_space<vmem>>, vector<256x64xf32>
    %dot_general3A = arith.constant dense<0.000000e+00> : vector<10000x64xf32>
    %dot_general3A_5 = tpu.matmul %get3A_1, %get3A_4, %dot_general3A {dimension_numbers = #tpu.dot_dimension_numbers<[1], [0], [0], [1], [0, 0, 1, 1], [], []>, transpose_lhs_hint = false} : vector<10000x256xf32>, vector<256x64xf32>, vector<10000x64xf32> -> vector<10000x64xf32>
    %swap3A = arith.constant 0 : index
    %swap3A_6 = arith.constant 0 : index
    %swap3A_7 = vector.load %arg2[%swap3A, %swap3A_6] : memref<10000x64xf32, #tpu.memory_space<vmem>>, vector<10000x64xf32>
    tpu.vector_store %arg2[%swap3A, %swap3A_6], %dot_general3A_5 {strides = array<i32>} : memref<10000x64xf32, #tpu.memory_space<vmem>>, vector<10000x64xf32>,
    return
  }
}

module attributes {stable_mosaic.version = 14 : i64} {
  func.func @_seg_body(%arg0: memref<2x5000x128xf32, #tpu.memory_space<vmem>>, %arg1: memref<1x64xf32, #tpu.memory_space<vmem>>, %arg2: memref<1x64xf32, #tpu.memory_space<vmem>>, %arg3: memref<1x64xf32, #tpu.memory_space<vmem>>, %arg4: memref<64x64xf32, #tpu.memory_space<vmem>>, %arg5: memref<1x64xf32, #tpu.memory_space<vmem>>, %arg6: memref<1x64xf32, #tpu.memory_space<vmem>>, %arg7: memref<1x64xf32, #tpu.memory_space<vmem>>, %arg8: memref<64x64xf32, #tpu.memory_space<vmem>>, %arg9: memref<5000x128xf32, #tpu.memory_space<vmem>>) attributes {dimension_semantics = [], scalar_prefetch = 0 : i64, scratch_operands = 0 : i64, tpu.core_type = #tpu.core_type<tc>} {
    %get3A = arith.constant 0 : index
    %get3A_0 = arith.constant 0 : index
    %get3A_1 = arith.constant 0 : index
    %get3A_2 = vector.load %arg0[%get3A, %get3A_0, %get3A_1] : memref<2x5000x128xf32, #tpu.memory_space<vmem>>, vector<1x5000x128xf32>
    %get3A_3 = vector.shape_cast %get3A_2 : vector<1x5000x128xf32> to vector<5000x128xf32>
    %get3A_4 = arith.constant 1 : index
    %get3A_5 = arith.constant 0 : index
    %get3A_6 = arith.constant 0 : index
    %get3A_7 = vector.load %arg0[%get3A_4, %get3A_5, %get3A_6] : memref<2x5000x128xf32, #tpu.memory_space<vmem>>, vector<1x5000x128xf32>
    %get3A_8 = vector.shape_cast %get3A_7 : vector<1x5000x128xf32> to vector<5000x128xf32>
    %add3A = arith.addf %get3A_3, %get3A_8 : vector<5000x128xf32>
    %get3A_9 = arith.constant 0 : index
    %get3A_10 = arith.constant 0 : index
    %get3A_11 = vector.load %arg1[%get3A_9, %get3A_10] : memref<1x64xf32, #tpu.memory_space<vmem>>, vector<1x64xf32>
    %concatenate3A = tpu.concatenate %get3A_11, %get3A_11 in 1 : vector<1x64xf32>, vector<1x64xf32> -> vector<1x128xf32>
    %add3A_12 = vector.broadcast %concatenate3A : vector<1x128xf32> to vector<5000x128xf32>
    %add3A_13 = arith.addf %add3A, %add3A_12 : vector<5000x128xf32>
    %reduce_sum3A = arith.constant dense<0.000000e+00> : vector<128xf32>
    %reduce_sum3A_14 = vector.multi_reduction <add>, %add3A_13, %reduce_sum3A [0] : vector<5000x128xf32> to vector<128xf32>
    %broadcast_in_dim3A = vector.shape_cast %reduce_sum3A_14 : vector<128xf32> to vector<1x128xf32>
    %mul3A = arith.mulf %add3A_13, %add3A_13 : vector<5000x128xf32>
    %reduce_sum3A_15 = arith.constant dense<0.000000e+00> : vector<128xf32>
    %reduce_sum3A_16 = vector.multi_reduction <add>, %mul3A, %reduce_sum3A_15 [0] : vector<5000x128xf32> to vector<128xf32>
    %broadcast_in_dim3A_17 = vector.shape_cast %reduce_sum3A_16 : vector<128xf32> to vector<1x128xf32>
    %slice3A = vector.extract_strided_slice %broadcast_in_dim3A {offsets = [0, 0], sizes = [1, 64], strides = [1, 1]} : vector<1x128xf32> to vector<1x64xf32>
    %slice3A_18 = vector.extract_strided_slice %broadcast_in_dim3A_17 {offsets = [0, 0], sizes = [1, 64], strides = [1, 1]} : vector<1x128xf32> to vector<1x64xf32>
    %slice3A_19 = vector.extract_strided_slice %broadcast_in_dim3A {offsets = [0, 64], sizes = [1, 64], strides = [1, 1]} : vector<1x128xf32> to vector<1x64xf32>
    %add3A_20 = arith.addf %slice3A, %slice3A_19 : vector<1x64xf32>
    %slice3A_21 = vector.extract_strided_slice %broadcast_in_dim3A_17 {offsets = [0, 64], sizes = [1, 64], strides = [1, 1]} : vector<1x128xf32> to vector<1x64xf32>
    %add3A_22 = arith.addf %slice3A_18, %slice3A_21 : vector<1x64xf32>
    %mul3A_23 = arith.constant 9.99999974E-5 : f32
    %mul3A_24 = vector.broadcast %mul3A_23 : f32 to vector<1x64xf32>
    %mul3A_25 = arith.mulf %add3A_20, %mul3A_24 : vector<1x64xf32>
    %mul3A_26 = arith.constant 9.99999974E-5 : f32
    %mul3A_27 = vector.broadcast %mul3A_26 : f32 to vector<1x64xf32>
    %mul3A_28 = arith.mulf %add3A_22, %mul3A_27 : vector<1x64xf32>
    %mul3A_29 = arith.mulf %mul3A_25, %mul3A_25 : vector<1x64xf32>
    %sub3A = arith.subf %mul3A_28, %mul3A_29 : vector<1x64xf32>
    %add3A_30 = arith.constant 9.99999974E-6 : f32
    %add3A_31 = vector.broadcast %add3A_30 : f32 to vector<1x64xf32>
    %add3A_32 = arith.addf %sub3A, %add3A_31 : vector<1x64xf32>
    %rsqrt3A = math.rsqrt %add3A_32 : vector<1x64xf32>
    %concatenate3A_33 = tpu.concatenate %mul3A_25, %mul3A_25 in 1 : vector<1x64xf32>, vector<1x64xf32> -> vector<1x128xf32>
    %concatenate3A_34 = tpu.concatenate %rsqrt3A, %rsqrt3A in 1 : vector<1x64xf32>, vector<1x64xf32> -> vector<1x128xf32>
    %sub3A_35 = vector.broadcast %concatenate3A_33 : vector<1x128xf32> to vector<5000x128xf32>
    %sub3A_36 = arith.subf %add3A_13, %sub3A_35 : vector<5000x128xf32>
    %get3A_37 = arith.constant 0 : index
    %get3A_38 = arith.constant 0 : index
    %get3A_39 = vector.load %arg2[%get3A_37, %get3A_38] : memref<1x64xf32, #tpu.memory_space<vmem>>, vector<1x64xf32>
    %concatenate3A_40 = tpu.concatenate %get3A_39, %get3A_39 in 1 : vector<1x64xf32>, vector<1x64xf32> -> vector<1x128xf32>
    %mul3A_41 = arith.mulf %concatenate3A_34, %concatenate3A_40 : vector<1x128xf32>
    %mul3A_42 = vector.broadcast %mul3A_41 : vector<1x128xf32> to vector<5000x128xf32>
    %mul3A_43 = arith.mulf %sub3A_36, %mul3A_42 : vector<5000x128xf32>
    %get3A_44 = arith.constant 0 : index
    %get3A_45 = arith.constant 0 : index
    %get3A_46 = vector.load %arg3[%get3A_44, %get3A_45] : memref<1x64xf32, #tpu.memory_space<vmem>>, vector<1x64xf32>
    %concatenate3A_47 = tpu.concatenate %get3A_46, %get3A_46 in 1 : vector<1x64xf32>, vector<1x64xf32> -> vector<1x128xf32>
    %add3A_48 = vector.broadcast %concatenate3A_47 : vector<1x128xf32> to vector<5000x128xf32>
    %add3A_49 = arith.addf %mul3A_43, %add3A_48 : vector<5000x128xf32>
    %max3A = arith.constant 0.000000e+00 : f32
    %max3A_50 = vector.broadcast %max3A : f32 to vector<5000x128xf32>
    %max3A_51 = arith.maximumf %add3A_49, %max3A_50 : vector<5000x128xf32>
    %get3A_52 = arith.constant 0 : index
    %get3A_53 = arith.constant 0 : index
    %get3A_54 = vector.load %arg4[%get3A_52, %get3A_53] : memref<64x64xf32, #tpu.memory_space<vmem>>, vector<64x64xf32>
    %slice3A_55 = vector.extract_strided_slice %max3A_51 {offsets = [0, 0], sizes = [5000, 64], strides = [1, 1]} : vector<5000x128xf32> to vector<5000x64xf32>
    %dot_general3A = arith.constant dense<0.000000e+00> : vector<5000x64xf32>
    %dot_general3A_56 = tpu.matmul %slice3A_55, %get3A_54, %dot_general3A {dimension_numbers = #tpu.dot_dimension_numbers<[1], [0], [0], [1], [0, 0, 1, 1], [], []>, transpose_lhs_hint = false} : vector<5000x64xf32>, vector<64x64xf32>, vector<5000x64xf32> -> vector<5000x64xf32>
    %slice3A_57 = vector.extract_strided_slice %max3A_51 {offsets = [0, 64], sizes = [5000, 64], strides = [1, 1]} : vector<5000x128xf32> to vector<5000x64xf32>
    %dot_general3A_58 = arith.constant dense<0.000000e+00> : vector<5000x64xf32>
    %dot_general3A_59 = tpu.matmul %slice3A_57, %get3A_54, %dot_general3A_58 {dimension_numbers = #tpu.dot_dimension_numbers<[1], [0], [0], [1], [0, 0, 1, 1], [], []>, transpose_lhs_hint = false} : vector<5000x64xf32>, vector<64x64xf32>, vector<5000x64xf32> -> vector<5000x64xf32>
    %concatenate3A_60 = tpu.concatenate %dot_general3A_56, %dot_general3A_59 in 1 : vector<5000x64xf32>, vector<5000x64xf32> -> vector<5000x128xf32>
    %get3A_61 = arith.constant 0 : index
    %get3A_62 = arith.constant 0 : index
    %get3A_63 = vector.load %arg5[%get3A_61, %get3A_62] : memref<1x64xf32, #tpu.memory_space<vmem>>, vector<1x64xf32>
    %concatenate3A_64 = tpu.concatenate %get3A_63, %get3A_63 in 1 : vector<1x64xf32>, vector<1x64xf32> -> vector<1x128xf32>
    %add3A_65 = vector.broadcast %concatenate3A_64 : vector<1x128xf32> to vector<5000x128xf32>
    %add3A_66 = arith.addf %concatenate3A_60, %add3A_65 : vector<5000x128xf32>
    %reduce_sum3A_67 = arith.constant dense<0.000000e+00> : vector<128xf32>
    %reduce_sum3A_68 = vector.multi_reduction <add>, %add3A_66, %reduce_sum3A_67 [0] : vector<5000x128xf32> to vector<128xf32>
    %broadcast_in_dim3A_69 = vector.shape_cast %reduce_sum3A_68 : vector<128xf32> to vector<1x128xf32>
    %mul3A_70 = arith.mulf %add3A_66, %add3A_66 : vector<5000x128xf32>
    %reduce_sum3A_71 = arith.constant dense<0.000000e+00> : vector<128xf32>
    %reduce_sum3A_72 = vector.multi_reduction <add>, %mul3A_70, %reduce_sum3A_71 [0] : vector<5000x128xf32> to vector<128xf32>
    %broadcast_in_dim3A_73 = vector.shape_cast %reduce_sum3A_72 : vector<128xf32> to vector<1x128xf32>
    %slice3A_74 = vector.extract_strided_slice %broadcast_in_dim3A_69 {offsets = [0, 0], sizes = [1, 64], strides = [1, 1]} : vector<1x128xf32> to vector<1x64xf32>
    %slice3A_75 = vector.extract_strided_slice %broadcast_in_dim3A_73 {offsets = [0, 0], sizes = [1, 64], strides = [1, 1]} : vector<1x128xf32> to vector<1x64xf32>
    %slice3A_76 = vector.extract_strided_slice %broadcast_in_dim3A_69 {offsets = [0, 64], sizes = [1, 64], strides = [1, 1]} : vector<1x128xf32> to vector<1x64xf32>
    %add3A_77 = arith.addf %slice3A_74, %slice3A_76 : vector<1x64xf32>
    %slice3A_78 = vector.extract_strided_slice %broadcast_in_dim3A_73 {offsets = [0, 64], sizes = [1, 64], strides = [1, 1]} : vector<1x128xf32> to vector<1x64xf32>
    %add3A_79 = arith.addf %slice3A_75, %slice3A_78 : vector<1x64xf32>
    %mul3A_80 = arith.constant 9.99999974E-5 : f32
    %mul3A_81 = vector.broadcast %mul3A_80 : f32 to vector<1x64xf32>
    %mul3A_82 = arith.mulf %add3A_77, %mul3A_81 : vector<1x64xf32>
    %mul3A_83 = arith.constant 9.99999974E-5 : f32
    %mul3A_84 = vector.broadcast %mul3A_83 : f32 to vector<1x64xf32>
    %mul3A_85 = arith.mulf %add3A_79, %mul3A_84 : vector<1x64xf32>
    %mul3A_86 = arith.mulf %mul3A_82, %mul3A_82 : vector<1x64xf32>
    %sub3A_87 = arith.subf %mul3A_85, %mul3A_86 : vector<1x64xf32>
    %add3A_88 = arith.constant 9.99999974E-6 : f32
    %add3A_89 = vector.broadcast %add3A_88 : f32 to vector<1x64xf32>
    %add3A_90 = arith.addf %sub3A_87, %add3A_89 : vector<1x64xf32>
    %rsqrt3A_91 = math.rsqrt %add3A_90 : vector<1x64xf32>
    %concatenate3A_92 = tpu.concatenate %mul3A_82, %mul3A_82 in 1 : vector<1x64xf32>, vector<1x64xf32> -> vector<1x128xf32>
    %concatenate3A_93 = tpu.concatenate %rsqrt3A_91, %rsqrt3A_91 in 1 : vector<1x64xf32>, vector<1x64xf32> -> vector<1x128xf32>
    %sub3A_94 = vector.broadcast %concatenate3A_92 : vector<1x128xf32> to vector<5000x128xf32>
    %sub3A_95 = arith.subf %add3A_66, %sub3A_94 : vector<5000x128xf32>
    %get3A_96 = arith.constant 0 : index
    %get3A_97 = arith.constant 0 : index
    %get3A_98 = vector.load %arg6[%get3A_96, %get3A_97] : memref<1x64xf32, #tpu.memory_space<vmem>>, vector<1x64xf32>
    %concatenate3A_99 = tpu.concatenate %get3A_98, %get3A_98 in 1 : vector<1x64xf32>, vector<1x64xf32> -> vector<1x128xf32>
    %mul3A_100 = arith.mulf %concatenate3A_93, %concatenate3A_99 : vector<1x128xf32>
    %mul3A_101 = vector.broadcast %mul3A_100 : vector<1x128xf32> to vector<5000x128xf32>
    %mul3A_102 = arith.mulf %sub3A_95, %mul3A_101 : vector<5000x128xf32>
    %get3A_103 = arith.constant 0 : index
    %get3A_104 = arith.constant 0 : index
    %get3A_105 = vector.load %arg7[%get3A_103, %get3A_104] : memref<1x64xf32, #tpu.memory_space<vmem>>, vector<1x64xf32>
    %concatenate3A_106 = tpu.concatenate %get3A_105, %get3A_105 in 1 : vector<1x64xf32>, vector<1x64xf32> -> vector<1x128xf32>
    %add3A_107 = vector.broadcast %concatenate3A_106 : vector<1x128xf32> to vector<5000x128xf32>
    %add3A_108 = arith.addf %mul3A_102, %add3A_107 : vector<5000x128xf32>
    %max3A_109 = arith.constant 0.000000e+00 : f32
    %max3A_110 = vector.broadcast %max3A_109 : f32 to vector<5000x128xf32>
    %max3A_111 = arith.maximumf %add3A_108, %max3A_110 : vector<5000x128xf32>
    %get3A_112 = arith.constant 0 : index
    %get3A_113 = arith.constant 0 : index
    %get3A_114 = vector.load %arg8[%get3A_112, %get3A_113] : memref<64x64xf32, #tpu.memory_space<vmem>>, vector<64x64xf32>
    %slice3A_115 = vector.extract_strided_slice %max3A_111 {offsets = [0, 0], sizes = [5000, 64], strides = [1, 1]} : vector<5000x128xf32> to vector<5000x64xf32>
    %dot_general3A_116 = arith.constant dense<0.000000e+00> : vector<5000x64xf32>
    %dot_general3A_117 = tpu.matmul %slice3A_115, %get3A_114, %dot_general3A_116 {dimension_numbers = #tpu.dot_dimension_numbers<[1], [0], [0], [1], [0, 0, 1, 1], [], []>, transpose_lhs_hint = false} : vector<5000x64xf32>, vector<64x64xf32>, vector<5000x64xf32> -> vector<5000x64xf32>
    %slice3A_118 = vector.extract_strided_slice %max3A_111 {offsets = [0, 64], sizes = [5000, 64], strides = [1, 1]} : vector<5000x128xf32> to vector<5000x64xf32>
    %dot_general3A_119 = arith.constant dense<0.000000e+00> : vector<5000x64xf32>
    %dot_general3A_120 = tpu.matmul %slice3A_118, %get3A_114, %dot_general3A_119 {dimension_numbers = #tpu.dot_dimension_numbers<[1], [0], [0], [1], [0, 0, 1, 1], [], []>, transpose_lhs_hint = false} : vector<5000x64xf32>, vector<64x64xf32>, vector<5000x64xf32> -> vector<5000x64xf32>
    %concatenate3A_121 = tpu.concatenate %dot_general3A_117, %dot_general3A_120 in 1 : vector<5000x64xf32>, vector<5000x64xf32> -> vector<5000x128xf32>
    %swap3A = arith.constant 0 : index
    %swap3A_122 = arith.constant 0 : index
    %swap3A_123 = vector.load %arg9[%swap3A, %swap3A_122] : memref<5000x128xf32, #tpu.memory_space<vmem>>, vector<5000x128xf32>
    tpu.vector_store %arg9[%swap3A, %swap3A_122], %concatenate3A_121 {strides = array<i32>} : memref<5000x128xf32, #tpu.memory_space<vmem>>, vector<5000x128xf32>,
    return
  }
}

module attributes {stable_mosaic.version = 14 : i64} {
  func.func @_seg_body(%arg0: memref<2x5000x128xf32, #tpu.memory_space<vmem>>, %arg1: memref<1x64xf32, #tpu.memory_space<vmem>>, %arg2: memref<1x64xf32, #tpu.memory_space<vmem>>, %arg3: memref<1x64xf32, #tpu.memory_space<vmem>>, %arg4: memref<64x64xf32, #tpu.memory_space<vmem>>, %arg5: memref<1x64xf32, #tpu.memory_space<vmem>>, %arg6: memref<1x64xf32, #tpu.memory_space<vmem>>, %arg7: memref<1x64xf32, #tpu.memory_space<vmem>>, %arg8: memref<64x32xf32, #tpu.memory_space<vmem>>, %arg9: memref<5000x64xf32, #tpu.memory_space<vmem>>) attributes {dimension_semantics = [], scalar_prefetch = 0 : i64, scratch_operands = 0 : i64, tpu.core_type = #tpu.core_type<tc>} {
    %get3A = arith.constant 0 : index
    %get3A_0 = arith.constant 0 : index
    %get3A_1 = arith.constant 0 : index
    %get3A_2 = vector.load %arg0[%get3A, %get3A_0, %get3A_1] : memref<2x5000x128xf32, #tpu.memory_space<vmem>>, vector<1x5000x128xf32>
    %get3A_3 = vector.shape_cast %get3A_2 : vector<1x5000x128xf32> to vector<5000x128xf32>
    %get3A_4 = arith.constant 1 : index
    %get3A_5 = arith.constant 0 : index
    %get3A_6 = arith.constant 0 : index
    %get3A_7 = vector.load %arg0[%get3A_4, %get3A_5, %get3A_6] : memref<2x5000x128xf32, #tpu.memory_space<vmem>>, vector<1x5000x128xf32>
    %get3A_8 = vector.shape_cast %get3A_7 : vector<1x5000x128xf32> to vector<5000x128xf32>
    %add3A = arith.addf %get3A_3, %get3A_8 : vector<5000x128xf32>
    %get3A_9 = arith.constant 0 : index
    %get3A_10 = arith.constant 0 : index
    %get3A_11 = vector.load %arg1[%get3A_9, %get3A_10] : memref<1x64xf32, #tpu.memory_space<vmem>>, vector<1x64xf32>
    %concatenate3A = tpu.concatenate %get3A_11, %get3A_11 in 1 : vector<1x64xf32>, vector<1x64xf32> -> vector<1x128xf32>
    %add3A_12 = vector.broadcast %concatenate3A : vector<1x128xf32> to vector<5000x128xf32>
    %add3A_13 = arith.addf %add3A, %add3A_12 : vector<5000x128xf32>
    %reduce_sum3A = arith.constant dense<0.000000e+00> : vector<128xf32>
    %reduce_sum3A_14 = vector.multi_reduction <add>, %add3A_13, %reduce_sum3A [0] : vector<5000x128xf32> to vector<128xf32>
    %broadcast_in_dim3A = vector.shape_cast %reduce_sum3A_14 : vector<128xf32> to vector<1x128xf32>
    %mul3A = arith.mulf %add3A_13, %add3A_13 : vector<5000x128xf32>
    %reduce_sum3A_15 = arith.constant dense<0.000000e+00> : vector<128xf32>
    %reduce_sum3A_16 = vector.multi_reduction <add>, %mul3A, %reduce_sum3A_15 [0] : vector<5000x128xf32> to vector<128xf32>
    %broadcast_in_dim3A_17 = vector.shape_cast %reduce_sum3A_16 : vector<128xf32> to vector<1x128xf32>
    %slice3A = vector.extract_strided_slice %broadcast_in_dim3A {offsets = [0, 0], sizes = [1, 64], strides = [1, 1]} : vector<1x128xf32> to vector<1x64xf32>
    %slice3A_18 = vector.extract_strided_slice %broadcast_in_dim3A_17 {offsets = [0, 0], sizes = [1, 64], strides = [1, 1]} : vector<1x128xf32> to vector<1x64xf32>
    %slice3A_19 = vector.extract_strided_slice %broadcast_in_dim3A {offsets = [0, 64], sizes = [1, 64], strides = [1, 1]} : vector<1x128xf32> to vector<1x64xf32>
    %add3A_20 = arith.addf %slice3A, %slice3A_19 : vector<1x64xf32>
    %slice3A_21 = vector.extract_strided_slice %broadcast_in_dim3A_17 {offsets = [0, 64], sizes = [1, 64], strides = [1, 1]} : vector<1x128xf32> to vector<1x64xf32>
    %add3A_22 = arith.addf %slice3A_18, %slice3A_21 : vector<1x64xf32>
    %mul3A_23 = arith.constant 9.99999974E-5 : f32
    %mul3A_24 = vector.broadcast %mul3A_23 : f32 to vector<1x64xf32>
    %mul3A_25 = arith.mulf %add3A_20, %mul3A_24 : vector<1x64xf32>
    %mul3A_26 = arith.constant 9.99999974E-5 : f32
    %mul3A_27 = vector.broadcast %mul3A_26 : f32 to vector<1x64xf32>
    %mul3A_28 = arith.mulf %add3A_22, %mul3A_27 : vector<1x64xf32>
    %mul3A_29 = arith.mulf %mul3A_25, %mul3A_25 : vector<1x64xf32>
    %sub3A = arith.subf %mul3A_28, %mul3A_29 : vector<1x64xf32>
    %add3A_30 = arith.constant 9.99999974E-6 : f32
    %add3A_31 = vector.broadcast %add3A_30 : f32 to vector<1x64xf32>
    %add3A_32 = arith.addf %sub3A, %add3A_31 : vector<1x64xf32>
    %rsqrt3A = math.rsqrt %add3A_32 : vector<1x64xf32>
    %concatenate3A_33 = tpu.concatenate %mul3A_25, %mul3A_25 in 1 : vector<1x64xf32>, vector<1x64xf32> -> vector<1x128xf32>
    %concatenate3A_34 = tpu.concatenate %rsqrt3A, %rsqrt3A in 1 : vector<1x64xf32>, vector<1x64xf32> -> vector<1x128xf32>
    %sub3A_35 = vector.broadcast %concatenate3A_33 : vector<1x128xf32> to vector<5000x128xf32>
    %sub3A_36 = arith.subf %add3A_13, %sub3A_35 : vector<5000x128xf32>
    %get3A_37 = arith.constant 0 : index
    %get3A_38 = arith.constant 0 : index
    %get3A_39 = vector.load %arg2[%get3A_37, %get3A_38] : memref<1x64xf32, #tpu.memory_space<vmem>>, vector<1x64xf32>
    %concatenate3A_40 = tpu.concatenate %get3A_39, %get3A_39 in 1 : vector<1x64xf32>, vector<1x64xf32> -> vector<1x128xf32>
    %mul3A_41 = arith.mulf %concatenate3A_34, %concatenate3A_40 : vector<1x128xf32>
    %mul3A_42 = vector.broadcast %mul3A_41 : vector<1x128xf32> to vector<5000x128xf32>
    %mul3A_43 = arith.mulf %sub3A_36, %mul3A_42 : vector<5000x128xf32>
    %get3A_44 = arith.constant 0 : index
    %get3A_45 = arith.constant 0 : index
    %get3A_46 = vector.load %arg3[%get3A_44, %get3A_45] : memref<1x64xf32, #tpu.memory_space<vmem>>, vector<1x64xf32>
    %concatenate3A_47 = tpu.concatenate %get3A_46, %get3A_46 in 1 : vector<1x64xf32>, vector<1x64xf32> -> vector<1x128xf32>
    %add3A_48 = vector.broadcast %concatenate3A_47 : vector<1x128xf32> to vector<5000x128xf32>
    %add3A_49 = arith.addf %mul3A_43, %add3A_48 : vector<5000x128xf32>
    %max3A = arith.constant 0.000000e+00 : f32
    %max3A_50 = vector.broadcast %max3A : f32 to vector<5000x128xf32>
    %max3A_51 = arith.maximumf %add3A_49, %max3A_50 : vector<5000x128xf32>
    %get3A_52 = arith.constant 0 : index
    %get3A_53 = arith.constant 0 : index
    %get3A_54 = vector.load %arg4[%get3A_52, %get3A_53] : memref<64x64xf32, #tpu.memory_space<vmem>>, vector<64x64xf32>
    %slice3A_55 = vector.extract_strided_slice %max3A_51 {offsets = [0, 0], sizes = [5000, 64], strides = [1, 1]} : vector<5000x128xf32> to vector<5000x64xf32>
    %dot_general3A = arith.constant dense<0.000000e+00> : vector<5000x64xf32>
    %dot_general3A_56 = tpu.matmul %slice3A_55, %get3A_54, %dot_general3A {dimension_numbers = #tpu.dot_dimension_numbers<[1], [0], [0], [1], [0, 0, 1, 1], [], []>, transpose_lhs_hint = false} : vector<5000x64xf32>, vector<64x64xf32>, vector<5000x64xf32> -> vector<5000x64xf32>
    %slice3A_57 = vector.extract_strided_slice %max3A_51 {offsets = [0, 64], sizes = [5000, 64], strides = [1, 1]} : vector<5000x128xf32> to vector<5000x64xf32>
    %dot_general3A_58 = arith.constant dense<0.000000e+00> : vector<5000x64xf32>
    %dot_general3A_59 = tpu.matmul %slice3A_57, %get3A_54, %dot_general3A_58 {dimension_numbers = #tpu.dot_dimension_numbers<[1], [0], [0], [1], [0, 0, 1, 1], [], []>, transpose_lhs_hint = false} : vector<5000x64xf32>, vector<64x64xf32>, vector<5000x64xf32> -> vector<5000x64xf32>
    %concatenate3A_60 = tpu.concatenate %dot_general3A_56, %dot_general3A_59 in 1 : vector<5000x64xf32>, vector<5000x64xf32> -> vector<5000x128xf32>
    %get3A_61 = arith.constant 0 : index
    %get3A_62 = arith.constant 0 : index
    %get3A_63 = vector.load %arg5[%get3A_61, %get3A_62] : memref<1x64xf32, #tpu.memory_space<vmem>>, vector<1x64xf32>
    %concatenate3A_64 = tpu.concatenate %get3A_63, %get3A_63 in 1 : vector<1x64xf32>, vector<1x64xf32> -> vector<1x128xf32>
    %add3A_65 = vector.broadcast %concatenate3A_64 : vector<1x128xf32> to vector<5000x128xf32>
    %add3A_66 = arith.addf %concatenate3A_60, %add3A_65 : vector<5000x128xf32>
    %reduce_sum3A_67 = arith.constant dense<0.000000e+00> : vector<128xf32>
    %reduce_sum3A_68 = vector.multi_reduction <add>, %add3A_66, %reduce_sum3A_67 [0] : vector<5000x128xf32> to vector<128xf32>
    %broadcast_in_dim3A_69 = vector.shape_cast %reduce_sum3A_68 : vector<128xf32> to vector<1x128xf32>
    %mul3A_70 = arith.mulf %add3A_66, %add3A_66 : vector<5000x128xf32>
    %reduce_sum3A_71 = arith.constant dense<0.000000e+00> : vector<128xf32>
    %reduce_sum3A_72 = vector.multi_reduction <add>, %mul3A_70, %reduce_sum3A_71 [0] : vector<5000x128xf32> to vector<128xf32>
    %broadcast_in_dim3A_73 = vector.shape_cast %reduce_sum3A_72 : vector<128xf32> to vector<1x128xf32>
    %slice3A_74 = vector.extract_strided_slice %broadcast_in_dim3A_69 {offsets = [0, 0], sizes = [1, 64], strides = [1, 1]} : vector<1x128xf32> to vector<1x64xf32>
    %slice3A_75 = vector.extract_strided_slice %broadcast_in_dim3A_73 {offsets = [0, 0], sizes = [1, 64], strides = [1, 1]} : vector<1x128xf32> to vector<1x64xf32>
    %slice3A_76 = vector.extract_strided_slice %broadcast_in_dim3A_69 {offsets = [0, 64], sizes = [1, 64], strides = [1, 1]} : vector<1x128xf32> to vector<1x64xf32>
    %add3A_77 = arith.addf %slice3A_74, %slice3A_76 : vector<1x64xf32>
    %slice3A_78 = vector.extract_strided_slice %broadcast_in_dim3A_73 {offsets = [0, 64], sizes = [1, 64], strides = [1, 1]} : vector<1x128xf32> to vector<1x64xf32>
    %add3A_79 = arith.addf %slice3A_75, %slice3A_78 : vector<1x64xf32>
    %mul3A_80 = arith.constant 9.99999974E-5 : f32
    %mul3A_81 = vector.broadcast %mul3A_80 : f32 to vector<1x64xf32>
    %mul3A_82 = arith.mulf %add3A_77, %mul3A_81 : vector<1x64xf32>
    %mul3A_83 = arith.constant 9.99999974E-5 : f32
    %mul3A_84 = vector.broadcast %mul3A_83 : f32 to vector<1x64xf32>
    %mul3A_85 = arith.mulf %add3A_79, %mul3A_84 : vector<1x64xf32>
    %mul3A_86 = arith.mulf %mul3A_82, %mul3A_82 : vector<1x64xf32>
    %sub3A_87 = arith.subf %mul3A_85, %mul3A_86 : vector<1x64xf32>
    %add3A_88 = arith.constant 9.99999974E-6 : f32
    %add3A_89 = vector.broadcast %add3A_88 : f32 to vector<1x64xf32>
    %add3A_90 = arith.addf %sub3A_87, %add3A_89 : vector<1x64xf32>
    %rsqrt3A_91 = math.rsqrt %add3A_90 : vector<1x64xf32>
    %concatenate3A_92 = tpu.concatenate %mul3A_82, %mul3A_82 in 1 : vector<1x64xf32>, vector<1x64xf32> -> vector<1x128xf32>
    %concatenate3A_93 = tpu.concatenate %rsqrt3A_91, %rsqrt3A_91 in 1 : vector<1x64xf32>, vector<1x64xf32> -> vector<1x128xf32>
    %sub3A_94 = vector.broadcast %concatenate3A_92 : vector<1x128xf32> to vector<5000x128xf32>
    %sub3A_95 = arith.subf %add3A_66, %sub3A_94 : vector<5000x128xf32>
    %get3A_96 = arith.constant 0 : index
    %get3A_97 = arith.constant 0 : index
    %get3A_98 = vector.load %arg6[%get3A_96, %get3A_97] : memref<1x64xf32, #tpu.memory_space<vmem>>, vector<1x64xf32>
    %concatenate3A_99 = tpu.concatenate %get3A_98, %get3A_98 in 1 : vector<1x64xf32>, vector<1x64xf32> -> vector<1x128xf32>
    %mul3A_100 = arith.mulf %concatenate3A_93, %concatenate3A_99 : vector<1x128xf32>
    %mul3A_101 = vector.broadcast %mul3A_100 : vector<1x128xf32> to vector<5000x128xf32>
    %mul3A_102 = arith.mulf %sub3A_95, %mul3A_101 : vector<5000x128xf32>
    %get3A_103 = arith.constant 0 : index
    %get3A_104 = arith.constant 0 : index
    %get3A_105 = vector.load %arg7[%get3A_103, %get3A_104] : memref<1x64xf32, #tpu.memory_space<vmem>>, vector<1x64xf32>
    %concatenate3A_106 = tpu.concatenate %get3A_105, %get3A_105 in 1 : vector<1x64xf32>, vector<1x64xf32> -> vector<1x128xf32>
    %add3A_107 = vector.broadcast %concatenate3A_106 : vector<1x128xf32> to vector<5000x128xf32>
    %add3A_108 = arith.addf %mul3A_102, %add3A_107 : vector<5000x128xf32>
    %max3A_109 = arith.constant 0.000000e+00 : f32
    %max3A_110 = vector.broadcast %max3A_109 : f32 to vector<5000x128xf32>
    %max3A_111 = arith.maximumf %add3A_108, %max3A_110 : vector<5000x128xf32>
    %get3A_112 = arith.constant 0 : index
    %get3A_113 = arith.constant 0 : index
    %get3A_114 = vector.load %arg8[%get3A_112, %get3A_113] : memref<64x32xf32, #tpu.memory_space<vmem>>, vector<64x32xf32>
    %slice3A_115 = vector.extract_strided_slice %max3A_111 {offsets = [0, 0], sizes = [5000, 64], strides = [1, 1]} : vector<5000x128xf32> to vector<5000x64xf32>
    %dot_general3A_116 = arith.constant dense<0.000000e+00> : vector<5000x32xf32>
    %dot_general3A_117 = tpu.matmul %slice3A_115, %get3A_114, %dot_general3A_116 {dimension_numbers = #tpu.dot_dimension_numbers<[1], [0], [0], [1], [0, 0, 1, 1], [], []>, transpose_lhs_hint = false} : vector<5000x64xf32>, vector<64x32xf32>, vector<5000x32xf32> -> vector<5000x32xf32>
    %slice3A_118 = vector.extract_strided_slice %max3A_111 {offsets = [0, 64], sizes = [5000, 64], strides = [1, 1]} : vector<5000x128xf32> to vector<5000x64xf32>
    %dot_general3A_119 = arith.constant dense<0.000000e+00> : vector<5000x32xf32>
    %dot_general3A_120 = tpu.matmul %slice3A_118, %get3A_114, %dot_general3A_119 {dimension_numbers = #tpu.dot_dimension_numbers<[1], [0], [0], [1], [0, 0, 1, 1], [], []>, transpose_lhs_hint = false} : vector<5000x64xf32>, vector<64x32xf32>, vector<5000x32xf32> -> vector<5000x32xf32>
    %concatenate3A_121 = tpu.concatenate %dot_general3A_117, %dot_general3A_120 in 1 : vector<5000x32xf32>, vector<5000x32xf32> -> vector<5000x64xf32>
    %swap3A = arith.constant 0 : index
    %swap3A_122 = arith.constant 0 : index
    %swap3A_123 = vector.load %arg9[%swap3A, %swap3A_122] : memref<5000x64xf32, #tpu.memory_space<vmem>>, vector<5000x64xf32>
    tpu.vector_store %arg9[%swap3A, %swap3A_122], %concatenate3A_121 {strides = array<i32>} : memref<5000x64xf32, #tpu.memory_space<vmem>>, vector<5000x64xf32>,
    return
  }
}

module attributes {stable_mosaic.version = 14 : i64} {
  func.func @_final_body(%arg0: memref<2x2500x128xf32, #tpu.memory_space<vmem>>, %arg1: memref<1x32xf32, #tpu.memory_space<vmem>>, %arg2: memref<1x32xf32, #tpu.memory_space<vmem>>, %arg3: memref<1x32xf32, #tpu.memory_space<vmem>>, %arg4: memref<32x32xf32, #tpu.memory_space<vmem>>, %arg5: memref<1x32xf32, #tpu.memory_space<vmem>>, %arg6: memref<1x32xf32, #tpu.memory_space<vmem>>, %arg7: memref<1x32xf32, #tpu.memory_space<vmem>>, %arg8: memref<4x2500xi32, #tpu.memory_space<vmem>>, %arg9: memref<32x10xf32, #tpu.memory_space<vmem>>, %arg10: memref<1x10xf32, #tpu.memory_space<vmem>>, %arg11: memref<64x10xf32, #tpu.memory_space<vmem>>) attributes {dimension_semantics = [], scalar_prefetch = 0 : i64, scratch_operands = 0 : i64, tpu.core_type = #tpu.core_type<tc>} {
    %get3A = arith.constant 0 : index
    %get3A_0 = arith.constant 0 : index
    %get3A_1 = arith.constant 0 : index
    %get3A_2 = vector.load %arg0[%get3A, %get3A_0, %get3A_1] : memref<2x2500x128xf32, #tpu.memory_space<vmem>>, vector<1x2500x128xf32>
    %get3A_3 = vector.shape_cast %get3A_2 : vector<1x2500x128xf32> to vector<2500x128xf32>
    %get3A_4 = arith.constant 1 : index
    %get3A_5 = arith.constant 0 : index
    %get3A_6 = arith.constant 0 : index
    %get3A_7 = vector.load %arg0[%get3A_4, %get3A_5, %get3A_6] : memref<2x2500x128xf32, #tpu.memory_space<vmem>>, vector<1x2500x128xf32>
    %get3A_8 = vector.shape_cast %get3A_7 : vector<1x2500x128xf32> to vector<2500x128xf32>
    %add3A = arith.addf %get3A_3, %get3A_8 : vector<2500x128xf32>
    %get3A_9 = arith.constant 0 : index
    %get3A_10 = arith.constant 0 : index
    %get3A_11 = vector.load %arg1[%get3A_9, %get3A_10] : memref<1x32xf32, #tpu.memory_space<vmem>>, vector<1x32xf32>
    %concatenate3A = tpu.concatenate %get3A_11, %get3A_11, %get3A_11, %get3A_11 in 1 : vector<1x32xf32>, vector<1x32xf32>, vector<1x32xf32>, vector<1x32xf32> -> vector<1x128xf32>
    %add3A_12 = vector.broadcast %concatenate3A : vector<1x128xf32> to vector<2500x128xf32>
    %add3A_13 = arith.addf %add3A, %add3A_12 : vector<2500x128xf32>
    %reduce_sum3A = arith.constant dense<0.000000e+00> : vector<128xf32>
    %reduce_sum3A_14 = vector.multi_reduction <add>, %add3A_13, %reduce_sum3A [0] : vector<2500x128xf32> to vector<128xf32>
    %broadcast_in_dim3A = vector.shape_cast %reduce_sum3A_14 : vector<128xf32> to vector<1x128xf32>
    %mul3A = arith.mulf %add3A_13, %add3A_13 : vector<2500x128xf32>
    %reduce_sum3A_15 = arith.constant dense<0.000000e+00> : vector<128xf32>
    %reduce_sum3A_16 = vector.multi_reduction <add>, %mul3A, %reduce_sum3A_15 [0] : vector<2500x128xf32> to vector<128xf32>
    %broadcast_in_dim3A_17 = vector.shape_cast %reduce_sum3A_16 : vector<128xf32> to vector<1x128xf32>
    %slice3A = vector.extract_strided_slice %broadcast_in_dim3A {offsets = [0, 0], sizes = [1, 32], strides = [1, 1]} : vector<1x128xf32> to vector<1x32xf32>
    %slice3A_18 = vector.extract_strided_slice %broadcast_in_dim3A_17 {offsets = [0, 0], sizes = [1, 32], strides = [1, 1]} : vector<1x128xf32> to vector<1x32xf32>
    %slice3A_19 = vector.extract_strided_slice %broadcast_in_dim3A {offsets = [0, 32], sizes = [1, 32], strides = [1, 1]} : vector<1x128xf32> to vector<1x32xf32>
    %add3A_20 = arith.addf %slice3A, %slice3A_19 : vector<1x32xf32>
    %slice3A_21 = vector.extract_strided_slice %broadcast_in_dim3A_17 {offsets = [0, 32], sizes = [1, 32], strides = [1, 1]} : vector<1x128xf32> to vector<1x32xf32>
    %add3A_22 = arith.addf %slice3A_18, %slice3A_21 : vector<1x32xf32>
    %slice3A_23 = vector.extract_strided_slice %broadcast_in_dim3A {offsets = [0, 64], sizes = [1, 32], strides = [1, 1]} : vector<1x128xf32> to vector<1x32xf32>
    %add3A_24 = arith.addf %add3A_20, %slice3A_23 : vector<1x32xf32>
    %slice3A_25 = vector.extract_strided_slice %broadcast_in_dim3A_17 {offsets = [0, 64], sizes = [1, 32], strides = [1, 1]} : vector<1x128xf32> to vector<1x32xf32>
    %add3A_26 = arith.addf %add3A_22, %slice3A_25 : vector<1x32xf32>
    %slice3A_27 = vector.extract_strided_slice %broadcast_in_dim3A {offsets = [0, 96], sizes = [1, 32], strides = [1, 1]} : vector<1x128xf32> to vector<1x32xf32>
    %add3A_28 = arith.addf %add3A_24, %slice3A_27 : vector<1x32xf32>
    %slice3A_29 = vector.extract_strided_slice %broadcast_in_dim3A_17 {offsets = [0, 96], sizes = [1, 32], strides = [1, 1]} : vector<1x128xf32> to vector<1x32xf32>
    %add3A_30 = arith.addf %add3A_26, %slice3A_29 : vector<1x32xf32>
    %mul3A_31 = arith.constant 9.99999974E-5 : f32
    %mul3A_32 = vector.broadcast %mul3A_31 : f32 to vector<1x32xf32>
    %mul3A_33 = arith.mulf %add3A_28, %mul3A_32 : vector<1x32xf32>
    %mul3A_34 = arith.constant 9.99999974E-5 : f32
    %mul3A_35 = vector.broadcast %mul3A_34 : f32 to vector<1x32xf32>
    %mul3A_36 = arith.mulf %add3A_30, %mul3A_35 : vector<1x32xf32>
    %mul3A_37 = arith.mulf %mul3A_33, %mul3A_33 : vector<1x32xf32>
    %sub3A = arith.subf %mul3A_36, %mul3A_37 : vector<1x32xf32>
    %add3A_38 = arith.constant 9.99999974E-6 : f32
    %add3A_39 = vector.broadcast %add3A_38 : f32 to vector<1x32xf32>
    %add3A_40 = arith.addf %sub3A, %add3A_39 : vector<1x32xf32>
    %rsqrt3A = math.rsqrt %add3A_40 : vector<1x32xf32>
    %concatenate3A_41 = tpu.concatenate %mul3A_33, %mul3A_33, %mul3A_33, %mul3A_33 in 1 : vector<1x32xf32>, vector<1x32xf32>, vector<1x32xf32>, vector<1x32xf32> -> vector<1x128xf32>
    %concatenate3A_42 = tpu.concatenate %rsqrt3A, %rsqrt3A, %rsqrt3A, %rsqrt3A in 1 : vector<1x32xf32>, vector<1x32xf32>, vector<1x32xf32>, vector<1x32xf32> -> vector<1x128xf32>
    %sub3A_43 = vector.broadcast %concatenate3A_41 : vector<1x128xf32> to vector<2500x128xf32>
    %sub3A_44 = arith.subf %add3A_13, %sub3A_43 : vector<2500x128xf32>
    %get3A_45 = arith.constant 0 : index
    %get3A_46 = arith.constant 0 : index
    %get3A_47 = vector.load %arg2[%get3A_45, %get3A_46] : memref<1x32xf32, #tpu.memory_space<vmem>>, vector<1x32xf32>
    %concatenate3A_48 = tpu.concatenate %get3A_47, %get3A_47, %get3A_47, %get3A_47 in 1 : vector<1x32xf32>, vector<1x32xf32>, vector<1x32xf32>, vector<1x32xf32> -> vector<1x128xf32>
    %mul3A_49 = arith.mulf %concatenate3A_42, %concatenate3A_48 : vector<1x128xf32>
    %mul3A_50 = vector.broadcast %mul3A_49 : vector<1x128xf32> to vector<2500x128xf32>
    %mul3A_51 = arith.mulf %sub3A_44, %mul3A_50 : vector<2500x128xf32>
    %get3A_52 = arith.constant 0 : index
    %get3A_53 = arith.constant 0 : index
    %get3A_54 = vector.load %arg3[%get3A_52, %get3A_53] : memref<1x32xf32, #tpu.memory_space<vmem>>, vector<1x32xf32>
    %concatenate3A_55 = tpu.concatenate %get3A_54, %get3A_54, %get3A_54, %get3A_54 in 1 : vector<1x32xf32>, vector<1x32xf32>, vector<1x32xf32>, vector<1x32xf32> -> vector<1x128xf32>
    %add3A_56 = vector.broadcast %concatenate3A_55 : vector<1x128xf32> to vector<2500x128xf32>
    %add3A_57 = arith.addf %mul3A_51, %add3A_56 : vector<2500x128xf32>
    %max3A = arith.constant 0.000000e+00 : f32
    %max3A_58 = vector.broadcast %max3A : f32 to vector<2500x128xf32>
    %max3A_59 = arith.maximumf %add3A_57, %max3A_58 : vector<2500x128xf32>
    %get3A_60 = arith.constant 0 : index
    %get3A_61 = arith.constant 0 : index
    %get3A_62 = vector.load %arg4[%get3A_60, %get3A_61] : memref<32x32xf32, #tpu.memory_space<vmem>>, vector<32x32xf32>
    %slice3A_63 = vector.extract_strided_slice %max3A_59 {offsets = [0, 0], sizes = [2500, 32], strides = [1, 1]} : vector<2500x128xf32> to vector<2500x32xf32>
    %dot_general3A = arith.constant dense<0.000000e+00> : vector<2500x32xf32>
    %dot_general3A_64 = tpu.matmul %slice3A_63, %get3A_62, %dot_general3A {dimension_numbers = #tpu.dot_dimension_numbers<[1], [0], [0], [1], [0, 0, 1, 1], [], []>, transpose_lhs_hint = false} : vector<2500x32xf32>, vector<32x32xf32>, vector<2500x32xf32> -> vector<2500x32xf32>
    %slice3A_65 = vector.extract_strided_slice %max3A_59 {offsets = [0, 32], sizes = [2500, 32], strides = [1, 1]} : vector<2500x128xf32> to vector<2500x32xf32>
    %dot_general3A_66 = arith.constant dense<0.000000e+00> : vector<2500x32xf32>
    %dot_general3A_67 = tpu.matmul %slice3A_65, %get3A_62, %dot_general3A_66 {dimension_numbers = #tpu.dot_dimension_numbers<[1], [0], [0], [1], [0, 0, 1, 1], [], []>, transpose_lhs_hint = false} : vector<2500x32xf32>, vector<32x32xf32>, vector<2500x32xf32> -> vector<2500x32xf32>
    %slice3A_68 = vector.extract_strided_slice %max3A_59 {offsets = [0, 64], sizes = [2500, 32], strides = [1, 1]} : vector<2500x128xf32> to vector<2500x32xf32>
    %dot_general3A_69 = arith.constant dense<0.000000e+00> : vector<2500x32xf32>
    %dot_general3A_70 = tpu.matmul %slice3A_68, %get3A_62, %dot_general3A_69 {dimension_numbers = #tpu.dot_dimension_numbers<[1], [0], [0], [1], [0, 0, 1, 1], [], []>, transpose_lhs_hint = false} : vector<2500x32xf32>, vector<32x32xf32>, vector<2500x32xf32> -> vector<2500x32xf32>
    %slice3A_71 = vector.extract_strided_slice %max3A_59 {offsets = [0, 96], sizes = [2500, 32], strides = [1, 1]} : vector<2500x128xf32> to vector<2500x32xf32>
    %dot_general3A_72 = arith.constant dense<0.000000e+00> : vector<2500x32xf32>
    %dot_general3A_73 = tpu.matmul %slice3A_71, %get3A_62, %dot_general3A_72 {dimension_numbers = #tpu.dot_dimension_numbers<[1], [0], [0], [1], [0, 0, 1, 1], [], []>, transpose_lhs_hint = false} : vector<2500x32xf32>, vector<32x32xf32>, vector<2500x32xf32> -> vector<2500x32xf32>
    %concatenate3A_74 = tpu.concatenate %dot_general3A_64, %dot_general3A_67, %dot_general3A_70, %dot_general3A_73 in 1 : vector<2500x32xf32>, vector<2500x32xf32>, vector<2500x32xf32>, vector<2500x32xf32> -> vector<2500x128xf32>
    %get3A_75 = arith.constant 0 : index
    %get3A_76 = arith.constant 0 : index
    %get3A_77 = vector.load %arg5[%get3A_75, %get3A_76] : memref<1x32xf32, #tpu.memory_space<vmem>>, vector<1x32xf32>
    %concatenate3A_78 = tpu.concatenate %get3A_77, %get3A_77, %get3A_77, %get3A_77 in 1 : vector<1x32xf32>, vector<1x32xf32>, vector<1x32xf32>, vector<1x32xf32> -> vector<1x128xf32>
    %add3A_79 = vector.broadcast %concatenate3A_78 : vector<1x128xf32> to vector<2500x128xf32>
    %add3A_80 = arith.addf %concatenate3A_74, %add3A_79 : vector<2500x128xf32>
    %reduce_sum3A_81 = arith.constant dense<0.000000e+00> : vector<128xf32>
    %reduce_sum3A_82 = vector.multi_reduction <add>, %add3A_80, %reduce_sum3A_81 [0] : vector<2500x128xf32> to vector<128xf32>
    %broadcast_in_dim3A_83 = vector.shape_cast %reduce_sum3A_82 : vector<128xf32> to vector<1x128xf32>
    %mul3A_84 = arith.mulf %add3A_80, %add3A_80 : vector<2500x128xf32>
    %reduce_sum3A_85 = arith.constant dense<0.000000e+00> : vector<128xf32>
    %reduce_sum3A_86 = vector.multi_reduction <add>, %mul3A_84, %reduce_sum3A_85 [0] : vector<2500x128xf32> to vector<128xf32>
    %broadcast_in_dim3A_87 = vector.shape_cast %reduce_sum3A_86 : vector<128xf32> to vector<1x128xf32>
    %slice3A_88 = vector.extract_strided_slice %broadcast_in_dim3A_83 {offsets = [0, 0], sizes = [1, 32], strides = [1, 1]} : vector<1x128xf32> to vector<1x32xf32>
    %slice3A_89 = vector.extract_strided_slice %broadcast_in_dim3A_87 {offsets = [0, 0], sizes = [1, 32], strides = [1, 1]} : vector<1x128xf32> to vector<1x32xf32>
    %slice3A_90 = vector.extract_strided_slice %broadcast_in_dim3A_83 {offsets = [0, 32], sizes = [1, 32], strides = [1, 1]} : vector<1x128xf32> to vector<1x32xf32>
    %add3A_91 = arith.addf %slice3A_88, %slice3A_90 : vector<1x32xf32>
    %slice3A_92 = vector.extract_strided_slice %broadcast_in_dim3A_87 {offsets = [0, 32], sizes = [1, 32], strides = [1, 1]} : vector<1x128xf32> to vector<1x32xf32>
    %add3A_93 = arith.addf %slice3A_89, %slice3A_92 : vector<1x32xf32>
    %slice3A_94 = vector.extract_strided_slice %broadcast_in_dim3A_83 {offsets = [0, 64], sizes = [1, 32], strides = [1, 1]} : vector<1x128xf32> to vector<1x32xf32>
    %add3A_95 = arith.addf %add3A_91, %slice3A_94 : vector<1x32xf32>
    %slice3A_96 = vector.extract_strided_slice %broadcast_in_dim3A_87 {offsets = [0, 64], sizes = [1, 32], strides = [1, 1]} : vector<1x128xf32> to vector<1x32xf32>
    %add3A_97 = arith.addf %add3A_93, %slice3A_96 : vector<1x32xf32>
    %slice3A_98 = vector.extract_strided_slice %broadcast_in_dim3A_83 {offsets = [0, 96], sizes = [1, 32], strides = [1, 1]} : vector<1x128xf32> to vector<1x32xf32>
    %add3A_99 = arith.addf %add3A_95, %slice3A_98 : vector<1x32xf32>
    %slice3A_100 = vector.extract_strided_slice %broadcast_in_dim3A_87 {offsets = [0, 96], sizes = [1, 32], strides = [1, 1]} : vector<1x128xf32> to vector<1x32xf32>
    %add3A_101 = arith.addf %add3A_97, %slice3A_100 : vector<1x32xf32>
    %mul3A_102 = arith.constant 9.99999974E-5 : f32
    %mul3A_103 = vector.broadcast %mul3A_102 : f32 to vector<1x32xf32>
    %mul3A_104 = arith.mulf %add3A_99, %mul3A_103 : vector<1x32xf32>
    %mul3A_105 = arith.constant 9.99999974E-5 : f32
    %mul3A_106 = vector.broadcast %mul3A_105 : f32 to vector<1x32xf32>
    %mul3A_107 = arith.mulf %add3A_101, %mul3A_106 : vector<1x32xf32>
    %mul3A_108 = arith.mulf %mul3A_104, %mul3A_104 : vector<1x32xf32>
    %sub3A_109 = arith.subf %mul3A_107, %mul3A_108 : vector<1x32xf32>
    %add3A_110 = arith.constant 9.99999974E-6 : f32
    %add3A_111 = vector.broadcast %add3A_110 : f32 to vector<1x32xf32>
    %add3A_112 = arith.addf %sub3A_109, %add3A_111 : vector<1x32xf32>
    %rsqrt3A_113 = math.rsqrt %add3A_112 : vector<1x32xf32>
    %concatenate3A_114 = tpu.concatenate %mul3A_104, %mul3A_104, %mul3A_104, %mul3A_104 in 1 : vector<1x32xf32>, vector<1x32xf32>, vector<1x32xf32>, vector<1x32xf32> -> vector<1x128xf32>
    %concatenate3A_115 = tpu.concatenate %rsqrt3A_113, %rsqrt3A_113, %rsqrt3A_113, %rsqrt3A_113 in 1 : vector<1x32xf32>, vector<1x32xf32>, vector<1x32xf32>, vector<1x32xf32> -> vector<1x128xf32>
    %sub3A_116 = vector.broadcast %concatenate3A_114 : vector<1x128xf32> to vector<2500x128xf32>
    %sub3A_117 = arith.subf %add3A_80, %sub3A_116 : vector<2500x128xf32>
    %get3A_118 = arith.constant 0 : index
    %get3A_119 = arith.constant 0 : index
    %get3A_120 = vector.load %arg6[%get3A_118, %get3A_119] : memref<1x32xf32, #tpu.memory_space<vmem>>, vector<1x32xf32>
    %concatenate3A_121 = tpu.concatenate %get3A_120, %get3A_120, %get3A_120, %get3A_120 in 1 : vector<1x32xf32>, vector<1x32xf32>, vector<1x32xf32>, vector<1x32xf32> -> vector<1x128xf32>
    %mul3A_122 = arith.mulf %concatenate3A_115, %concatenate3A_121 : vector<1x128xf32>
    %mul3A_123 = vector.broadcast %mul3A_122 : vector<1x128xf32> to vector<2500x128xf32>
    %mul3A_124 = arith.mulf %sub3A_117, %mul3A_123 : vector<2500x128xf32>
    %get3A_125 = arith.constant 0 : index
    %get3A_126 = arith.constant 0 : index
    %get3A_127 = vector.load %arg7[%get3A_125, %get3A_126] : memref<1x32xf32, #tpu.memory_space<vmem>>, vector<1x32xf32>
    %concatenate3A_128 = tpu.concatenate %get3A_127, %get3A_127, %get3A_127, %get3A_127 in 1 : vector<1x32xf32>, vector<1x32xf32>, vector<1x32xf32>, vector<1x32xf32> -> vector<1x128xf32>
    %add3A_129 = vector.broadcast %concatenate3A_128 : vector<1x128xf32> to vector<2500x128xf32>
    %add3A_130 = arith.addf %mul3A_124, %add3A_129 : vector<2500x128xf32>
    %max3A_131 = arith.constant 0.000000e+00 : f32
    %max3A_132 = vector.broadcast %max3A_131 : f32 to vector<2500x128xf32>
    %max3A_133 = arith.maximumf %add3A_130, %max3A_132 : vector<2500x128xf32>
    %iota3A = tpu.iota {dimensions = array<i32: 0>} : vector<64x2500xi32>
    %broadcast_in_dim3A_134 = arith.constant 1.000000e+00 : f32
    %broadcast_in_dim3A_135 = vector.broadcast %broadcast_in_dim3A_134 : f32 to vector<2500x1xf32>
    %broadcast_in_dim3A_136 = arith.constant 0.000000e+00 : f32
    %broadcast_in_dim3A_137 = vector.broadcast %broadcast_in_dim3A_136 : f32 to vector<64x33xf32>
    %get3A_138 = arith.constant 0 : index
    %get3A_139 = arith.constant 0 : index
    %get3A_140 = vector.load %arg8[%get3A_138, %get3A_139] : memref<4x2500xi32, #tpu.memory_space<vmem>>, vector<1x2500xi32>
    %get3A_141 = vector.shape_cast %get3A_140 : vector<1x2500xi32> to vector<2500xi32>
    %broadcast_in_dim3A_142 = vector.shape_cast %get3A_141 : vector<2500xi32> to vector<1x2500xi32>
    %eq3A = vector.broadcast %broadcast_in_dim3A_142 : vector<1x2500xi32> to vector<64x2500xi32>
    %eq3A_143 = arith.cmpi eq, %eq3A, %iota3A : vector<64x2500xi32>
    %convert_element_type3A = arith.extui %eq3A_143 : vector<64x2500xi1> to vector<64x2500xi32>
    %convert_element_type3A_144 = arith.sitofp %convert_element_type3A : vector<64x2500xi32> to vector<64x2500xf32>
    %slice3A_145 = vector.extract_strided_slice %max3A_133 {offsets = [0, 0], sizes = [2500, 32], strides = [1, 1]} : vector<2500x128xf32> to vector<2500x32xf32>
    %concatenate3A_146 = tpu.concatenate %slice3A_145, %broadcast_in_dim3A_135 in 1 : vector<2500x32xf32>, vector<2500x1xf32> -> vector<2500x33xf32>
    %dot_general3A_147 = arith.constant dense<0.000000e+00> : vector<64x33xf32>
    %dot_general3A_148 = tpu.matmul %convert_element_type3A_144, %concatenate3A_146, %dot_general3A_147 {dimension_numbers = #tpu.dot_dimension_numbers<[1], [0], [0], [1], [0, 0, 1, 1], [], []>, transpose_lhs_hint = false} : vector<64x2500xf32>, vector<2500x33xf32>, vector<64x33xf32> -> vector<64x33xf32>
    %add3A_149 = arith.addf %broadcast_in_dim3A_137, %dot_general3A_148 : vector<64x33xf32>
    %get3A_150 = arith.constant 1 : index
    %get3A_151 = arith.constant 0 : index
    %get3A_152 = vector.load %arg8[%get3A_150, %get3A_151] : memref<4x2500xi32, #tpu.memory_space<vmem>>, vector<1x2500xi32>
    %get3A_153 = vector.shape_cast %get3A_152 : vector<1x2500xi32> to vector<2500xi32>
    %broadcast_in_dim3A_154 = vector.shape_cast %get3A_153 : vector<2500xi32> to vector<1x2500xi32>
    %eq3A_155 = vector.broadcast %broadcast_in_dim3A_154 : vector<1x2500xi32> to vector<64x2500xi32>
    %eq3A_156 = arith.cmpi eq, %eq3A_155, %iota3A : vector<64x2500xi32>
    %convert_element_type3A_157 = arith.extui %eq3A_156 : vector<64x2500xi1> to vector<64x2500xi32>
    %convert_element_type3A_158 = arith.sitofp %convert_element_type3A_157 : vector<64x2500xi32> to vector<64x2500xf32>
    %slice3A_159 = vector.extract_strided_slice %max3A_133 {offsets = [0, 32], sizes = [2500, 32], strides = [1, 1]} : vector<2500x128xf32> to vector<2500x32xf32>
    %concatenate3A_160 = tpu.concatenate %slice3A_159, %broadcast_in_dim3A_135 in 1 : vector<2500x32xf32>, vector<2500x1xf32> -> vector<2500x33xf32>
    %dot_general3A_161 = arith.constant dense<0.000000e+00> : vector<64x33xf32>
    %dot_general3A_162 = tpu.matmul %convert_element_type3A_158, %concatenate3A_160, %dot_general3A_161 {dimension_numbers = #tpu.dot_dimension_numbers<[1], [0], [0], [1], [0, 0, 1, 1], [], []>, transpose_lhs_hint = false} : vector<64x2500xf32>, vector<2500x33xf32>, vector<64x33xf32> -> vector<64x33xf32>
    %add3A_163 = arith.addf %add3A_149, %dot_general3A_162 : vector<64x33xf32>
    %get3A_164 = arith.constant 2 : index
    %get3A_165 = arith.constant 0 : index
    %get3A_166 = vector.load %arg8[%get3A_164, %get3A_165] : memref<4x2500xi32, #tpu.memory_space<vmem>>, vector<1x2500xi32>
    %get3A_167 = vector.shape_cast %get3A_166 : vector<1x2500xi32> to vector<2500xi32>
    %broadcast_in_dim3A_168 = vector.shape_cast %get3A_167 : vector<2500xi32> to vector<1x2500xi32>
    %eq3A_169 = vector.broadcast %broadcast_in_dim3A_168 : vector<1x2500xi32> to vector<64x2500xi32>
    %eq3A_170 = arith.cmpi eq, %eq3A_169, %iota3A : vector<64x2500xi32>
    %convert_element_type3A_171 = arith.extui %eq3A_170 : vector<64x2500xi1> to vector<64x2500xi32>
    %convert_element_type3A_172 = arith.sitofp %convert_element_type3A_171 : vector<64x2500xi32> to vector<64x2500xf32>
    %slice3A_173 = vector.extract_strided_slice %max3A_133 {offsets = [0, 64], sizes = [2500, 32], strides = [1, 1]} : vector<2500x128xf32> to vector<2500x32xf32>
    %concatenate3A_174 = tpu.concatenate %slice3A_173, %broadcast_in_dim3A_135 in 1 : vector<2500x32xf32>, vector<2500x1xf32> -> vector<2500x33xf32>
    %dot_general3A_175 = arith.constant dense<0.000000e+00> : vector<64x33xf32>
    %dot_general3A_176 = tpu.matmul %convert_element_type3A_172, %concatenate3A_174, %dot_general3A_175 {dimension_numbers = #tpu.dot_dimension_numbers<[1], [0], [0], [1], [0, 0, 1, 1], [], []>, transpose_lhs_hint = false} : vector<64x2500xf32>, vector<2500x33xf32>, vector<64x33xf32> -> vector<64x33xf32>
    %add3A_177 = arith.addf %add3A_163, %dot_general3A_176 : vector<64x33xf32>
    %get3A_178 = arith.constant 3 : index
    %get3A_179 = arith.constant 0 : index
    %get3A_180 = vector.load %arg8[%get3A_178, %get3A_179] : memref<4x2500xi32, #tpu.memory_space<vmem>>, vector<1x2500xi32>
    %get3A_181 = vector.shape_cast %get3A_180 : vector<1x2500xi32> to vector<2500xi32>
    %broadcast_in_dim3A_182 = vector.shape_cast %get3A_181 : vector<2500xi32> to vector<1x2500xi32>
    %eq3A_183 = vector.broadcast %broadcast_in_dim3A_182 : vector<1x2500xi32> to vector<64x2500xi32>
    %eq3A_184 = arith.cmpi eq, %eq3A_183, %iota3A : vector<64x2500xi32>
    %convert_element_type3A_185 = arith.extui %eq3A_184 : vector<64x2500xi1> to vector<64x2500xi32>
    %convert_element_type3A_186 = arith.sitofp %convert_element_type3A_185 : vector<64x2500xi32> to vector<64x2500xf32>
    %slice3A_187 = vector.extract_strided_slice %max3A_133 {offsets = [0, 96], sizes = [2500, 32], strides = [1, 1]} : vector<2500x128xf32> to vector<2500x32xf32>
    %concatenate3A_188 = tpu.concatenate %slice3A_187, %broadcast_in_dim3A_135 in 1 : vector<2500x32xf32>, vector<2500x1xf32> -> vector<2500x33xf32>
    %dot_general3A_189 = arith.constant dense<0.000000e+00> : vector<64x33xf32>
    %dot_general3A_190 = tpu.matmul %convert_element_type3A_186, %concatenate3A_188, %dot_general3A_189 {dimension_numbers = #tpu.dot_dimension_numbers<[1], [0], [0], [1], [0, 0, 1, 1], [], []>, transpose_lhs_hint = false} : vector<64x2500xf32>, vector<2500x33xf32>, vector<64x33xf32> -> vector<64x33xf32>
    %add3A_191 = arith.addf %add3A_177, %dot_general3A_190 : vector<64x33xf32>
    %slice3A_192 = vector.extract_strided_slice %add3A_191 {offsets = [0, 0], sizes = [64, 32], strides = [1, 1]} : vector<64x33xf32> to vector<64x32xf32>
    %slice3A_193 = vector.extract_strided_slice %add3A_191 {offsets = [0, 32], sizes = [64, 1], strides = [1, 1]} : vector<64x33xf32> to vector<64x1xf32>
    %max3A_194 = arith.constant 1.000000e+00 : f32
    %max3A_195 = vector.broadcast %max3A_194 : f32 to vector<64x1xf32>
    %max3A_196 = arith.maximumf %slice3A_193, %max3A_195 : vector<64x1xf32>
    %div3A = vector.broadcast %max3A_196 : vector<64x1xf32> to vector<64x32xf32>
    %div3A_197 = arith.divf %slice3A_192, %div3A : vector<64x32xf32>
    %get3A_198 = arith.constant 0 : index
    %get3A_199 = arith.constant 0 : index
    %get3A_200 = vector.load %arg9[%get3A_198, %get3A_199] : memref<32x10xf32, #tpu.memory_space<vmem>>, vector<32x10xf32>
    %dot_general3A_201 = arith.constant dense<0.000000e+00> : vector<64x10xf32>
    %dot_general3A_202 = tpu.matmul %div3A_197, %get3A_200, %dot_general3A_201 {dimension_numbers = #tpu.dot_dimension_numbers<[1], [0], [0], [1], [0, 0, 1, 1], [], []>, transpose_lhs_hint = false} : vector<64x32xf32>, vector<32x10xf32>, vector<64x10xf32> -> vector<64x10xf32>
    %get3A_203 = arith.constant 0 : index
    %get3A_204 = arith.constant 0 : index
    %get3A_205 = vector.load %arg10[%get3A_203, %get3A_204] : memref<1x10xf32, #tpu.memory_space<vmem>>, vector<1x10xf32>
    %add3A_206 = vector.broadcast %get3A_205 : vector<1x10xf32> to vector<64x10xf32>
    %add3A_207 = arith.addf %dot_general3A_202, %add3A_206 : vector<64x10xf32>
    %swap3A = arith.constant 0 : index
    %swap3A_208 = arith.constant 0 : index
    %swap3A_209 = vector.load %arg11[%swap3A, %swap3A_208] : memref<64x10xf32, #tpu.memory_space<vmem>>, vector<64x10xf32>
    tpu.vector_store %arg11[%swap3A, %swap3A_208], %add3A_207 {strides = array<i32>} : memref<64x10xf32, #tpu.memory_space<vmem>>, vector<64x10xf32>,
    return
  }
}

</mosaic_0001>

<sc_bundles>
// kernel: kernel.12.cloned.1.call-start
scs
__scs_entry_jumppad:
0x0: {  	(pc) =	sbr.rel $0x88, $3  }
0x1: {  	(tag) =	ssettag $0x0;
	lr =	simm.s32 $0x1  }
0x2: {  	[smem:$0x3F84] =	sst lr;
	_ =	strace $0xD0000000  }
0x3: {  	_ = 	snop  }
0x4: {  	_ = 	snop  }
0x5: {  	_ = 	snop  }
0x6: {  	_ = 	snop  }
0x7: {  	_ = 	snop  }
__scs_overlays_trampoline_lowered:
0x8: {  	[smem:$0x3F93] =	sst s0  }
0x9: {  	[smem:$0x3F94] =	sst s1  }
0xa: {  	[smem:$0x3F95] =	sst s2  }
0xb: {  	[smem:$0x3F96] =	sst s3  }
0xc: {  	[smem:$0x3F97] =	sst s4  }
0xd: {  	[smem:$0x3F98] =	sst s5  }
0xe: {  	[smem:$0x3F99] =	sst s6  }
0xf: {  	[smem:$0x3F9A] =	sst s7  }
0x10: {  	[smem:$0x3F9B] =	sst s8  }
0x11: {  	[smem:$0x3F9C] =	sst s9;
	s0 =	simm.s32 @!p0 $0x0  }
0x12: {  	s1 =	sld [smem:$0x3F82];
	s0 =	simm.s32 @p0 $0x1  }
0x13: {  	[smem:$0x3F9D] =	sst s0;
	s0 =	simm.s32 @!p1 $0x0  }
0x14: {  	s2 =	sld [smem:$0x3F81];
	s0 =	simm.s32 @p1 $0x1  }
0x15: {  	[smem:$0x3F9E] =	sst s0;
	s0 =	simm.s32 @!p2 $0x0  }
0x16: {  	s3 =	sld [smem:$0x3FDB];
	s0 =	simm.s32 @p2 $0x1  }
0x17: {  	s4 =	simm.s32 $0x1BF5;
	[smem:$0x3FA0] =	sst s0  }
0x18: {  	s0 =	sld [smem:$0x3F83];
	_ =	swait.ge [sflag:s4], $0x0  }
0x19: {  	s7 =	sld [smem:$0x3F84]  }
0x1a: {  	s8 =	sadd.s32 $0xFFFFE003, lr  }
0x1b: {  	s9 =	sadd.s32 $0xFFFFFEF7, lr;
	s5 =	simm.s32 $0xFFFFFFFF;
	p2 =	slt.u32 s8, $0xFFFFF086  }
0x1c: {  	p1 =	slt.u32 s9, $0xF7A;
	s5 =	simm.s32 @!p2 $0x0  }
0x1d: {  	s5 =	simm.s32 @p1 $0x1;
	p0 =	seq.s32 s7, s2  }
0x1e: {  	s7 =	smul.u32 @!p0 $0xF7A, s2;
	p2 =	seq.s32 @!p0 s5, $0x0  }
0x1f: {  	s9 =	smul.u32 $0xF7A, s1;
	s8 =	simm.s32 @!p0 $0x1BF5;
	p2 =	por !p2, p0  }
0x20: {  	[sflag:s8] =	ssyncset.s32 @!p0 $0xFFFFF086;
	s6 =	sadd.s32 @!p0 s3, s7;
	s7 =	simm.s32 @!p0 $0x108  }
0x21: {  	s3 =	sadd.s32 s3, s9;
	s6 =	sadd.s32 @!p0 $0x88, s6;
	s7 =	simm.s32 @p2 $0x1082  }
0x22: {  	[simem:s7], [sflag:s8] =	dma.local @!p0 [hbm:s6], $0xF7A  }
0x23: {  	s9 =	sor.u32 $0xD0000000, s2;
	s6 =	simm.s32 $0x108;
	_ =	swait.ge @!p0 [sflag:s8], $0x0  }
0x24: {  	s3 =	sadd.s32 $0x88, s3;
	s6 =	simm.s32 @!p1 $0x1082;
	[sflag:s4] =	ssyncset.s32 $0xFFFFF086  }
0x25: {  	[simem:s6], [sflag:s4] =	dma.local [hbm:s3], $0xF7A  }
0x26: {  	[smem:$0x3F84] =	sst s1;
	(tag) =	ssettag s2;
	_ =	strace s9  }
0x27: {  	s1 =	sld [smem:$0x3F94]  }
0x28: {  	s2 =	sld [smem:$0x3F95]  }
0x29: {  	s4 =	sld [smem:$0x3F97]  }
0x2a: {  	p0 =	seq.s32 s5, $0x0;
	s5 =	sld [smem:$0x3F98]  }
0x2b: {  	s6 =	sld [smem:$0x3F99]  }
0x2c: {  	s7 =	sld [smem:$0x3F9A]  }
0x2d: {  	s3 =	simm.s32 $0x108;
	s8 =	sld [smem:$0x3F9B]  }
0x2e: {  	s3 =	simm.s32 @!p0 $0x1082;
	s9 =	sld [smem:$0x3F9C]  }
0x2f: {  	lr =	sadd.s32 s0, s3;
	s0 =	sld [smem:$0x3F93]  }
0x30: {  	s3 =	sld [smem:$0x3F96]  }
0x31: {  	[smem:$0x3F9F] =	sst s10  }
0x32: {  	s10 =	sld [smem:$0x3F9D];
	_ =	sdelay $0x3  }
0x33: {  	p0 =	seq.s32 s10, $0x1;
	s10 =	sld [smem:$0x3F9F];
	_ =	sdelay $0x3  }
0x34: {  	[smem:$0x3F9F] =	sst s10  }
0x35: {  	s10 =	sld [smem:$0x3F9E];
	_ =	sdelay $0x3  }
0x36: {  	p1 =	seq.s32 s10, $0x1;
	s10 =	sld [smem:$0x3F9F];
	_ =	sdelay $0x3  }
0x37: {  	[smem:$0x3F9F] =	sst s10  }
0x38: {  	s10 =	sld [smem:$0x3FA0]  }
0x39: {  	_ = 	snop;
	(pc) =	sbr.ind lr, $3  }
0x3a: {  	_ = 	snop  }
0x3b: {  	_ = 	snop  }
0x3c: {  	p2 =	seq.s32 s10, $0x1;
	s10 =	sld [smem:$0x3F9F]  }
0x3d: {  	_ =	shalt  }
0x3e: {  	_ =	shalt  }
0x3f: {  	_ =	shalt  }
0x40: {  	_ =	shalt  }
0x41: {  	_ =	shalt  }
0x42: {  	_ =	shalt  }
0x43: {  	_ =	shalt  }
0x44: {  	_ =	shalt  }
0x45: {  	_ =	shalt  }
0x46: {  	_ =	shalt  }
0x47: {  	_ =	shalt  }
0x48: {  	_ =	shalt  }
0x49: {  	_ =	shalt  }
0x4a: {  	_ =	shalt  }
0x4b: {  	_ =	shalt  }
0x4c: {  	_ =	shalt  }
0x4d: {  	_ =	shalt  }
0x4e: {  	_ =	shalt  }
0x4f: {  	_ =	shalt  }
0x50: {  	_ =	shalt  }
0x51: {  	_ =	shalt  }
0x52: {  	_ =	shalt  }
0x53: {  	_ =	shalt  }
0x54: {  	_ =	shalt  }
0x55: {  	_ =	shalt  }
0x56: {  	_ =	shalt  }
0x57: {  	_ =	shalt  }
0x58: {  	_ =	shalt  }
0x59: {  	_ =	shalt  }
0x5a: {  	_ =	shalt  }
0x5b: {  	_ =	shalt  }
0x5c: {  	_ =	shalt  }
0x5d: {  	_ =	shalt  }
0x5e: {  	_ =	shalt  }
0x5f: {  	_ =	shalt  }
0x60: {  	_ =	shalt  }
0x61: {  	_ =	shalt  }
0x62: {  	_ =	shalt  }
0x63: {  	_ =	shalt  }
0x64: {  	_ =	shalt  }
0x65: {  	_ =	shalt  }
0x66: {  	_ =	shalt  }
0x67: {  	_ =	shalt  }
0x68: {  	_ =	shalt  }
0x69: {  	_ =	shalt  }
0x6a: {  	_ =	shalt  }
0x6b: {  	_ =	shalt  }
0x6c: {  	_ =	shalt  }
0x6d: {  	_ =	shalt  }
0x6e: {  	_ =	shalt  }
0x6f: {  	_ =	shalt  }
0x70: {  	_ =	shalt  }
0x71: {  	_ =	shalt  }
0x72: {  	_ =	shalt  }
0x73: {  	_ =	shalt  }
0x74: {  	_ =	shalt  }
0x75: {  	_ =	shalt  }
0x76: {  	_ =	shalt  }
0x77: {  	_ =	shalt  }
0x78: {  	_ =	shalt  }
0x79: {  	_ =	shalt  }
0x7a: {  	_ =	shalt  }
0x7b: {  	_ =	shalt  }
0x7c: {  	_ =	shalt  }
0x7d: {  	_ =	shalt  }
0x7e: {  	_ =	shalt  }
0x7f: {  	_ =	shalt  }
0x80: {  	_ =	shalt  }
0x81: {  	_ =	shalt  }
0x82: {  	_ =	shalt  }
0x83: {  	_ =	shalt  }
0x84: {  	_ =	shalt  }
0x85: {  	_ =	shalt  }
0x86: {  	_ =	shalt  }
0x87: {  	_ =	shalt  }
.Lfunc_end0:
.L_simem_size_0:
called_computation.1_lowered:
.L_overlay_start_0:
0x88: {  	s2 =	sld [smem:$0x3FD9]  }
0x89: {  	s3 =	sld [smem:$0x3FFE];
	_ =	sdelay $0x1  }
0x8a: {  	s1 =	srdreg.scid  }
0x8b: {  	s0 =	sand.u32 $0x1, s1  }
0x8c: {  	s16 =	sshll.u32 s0, $0xA;
	s2 =	sadd.s32 s3, s2  }
0x8d: {  	s2 =	sadd.s32 s2, s16  }
0x8e: {  	[smem:$0x3FAB] =	sst s2  }
0x8f: {  	_ = 	snop  }
0x90: {  	(tm) =	ssettm $0x1  }
0x91: {  	s17 =	sld [smem:$0x3FFB];
	_ =	sdelay $0x3  }
0x92: {  	_ =	strace s17  }
0x93: {  	s2 =	sld [smem:$0x3FFC];
	_ =	sdelay $0x3  }
0x94: {  	_ =	strace s2  }
0x95: {  	s2 =	sld [smem:$0x3FFD];
	_ =	sdelay $0x3  }
0x96: {  	_ =	strace s2  }
0x97: {  	_ =	strace $0x8FFFFFFF  }
0x98: {  	s18 =	sld [smem:$0x3FDB];
	_ =	sdelay $0x1  }
0x99: {  	s19 =	simm.s32 $_scs_section_size  }
0x9a: {  	s4 =	simm.s32 $_size__tile_overlayer_lowered;
	s5 =	simm.s32 $_tile_overlayer_lowered  }
0x9b: {  	s22 =	simm.s32 $0x1BFF;
	s21 =	sshll.u32 s5, $0x1;
	s2 =	sadd.s32 s19, s18  }
0x9c: {  	s6 =	simm.s32 $0x0;
	s20 =	sshll.u32 s4, $0x1;
	s4 =	sadd.s32 s21, s2  }
0x9d: {  	[timem:s6], [sflag:s22] =	dma.local [hbm:s4], s20  }
0x9e: {  	_ =	swait.ge [sflag:s22], s20  }
0x9f: {  	s3 =	ssub.s32 $0x0, s20;
	[sflag:s22] =	ssyncset.done $0x0  }
0xa0: {  	[sflag:s22] =	ssyncadd.s32 s3;
	_ =	sdelay $0x1  }
0xa1: {  	s23 =	simm.s32 $0x1B8B  }
0xa2: {  	_ =	swait.ge [sflag:s23], $0x1  }
0xa3: {  	[sflag:s23] =	ssyncset.done $0x0  }
0xa4: {  	s25 =	simm.s32 $0x1B8E;
	s24 =	sld [smem:$0x3FFE];
	[sflag:s23] =	ssyncadd.s32 $0xFFFFFFFF  }
0xa5: {  	s26 =	simm.s32 $execute0_lowered;
	[smem:$0x3FD2] =	sst s25  }
0xa6: {  	s4 =	sshll.u32 s26, $0x1;
	_ =	strace $0x80000049;
	[dreg:$0x1] =	wrdreg $0xFFFFFFFF  }
0xa7: {  	s28 =	simm.s32 $_size_execute0_lowered;
	s2 =	sadd.s32 s2, s4;
	[dreg:$0x0] =	wrdreg $0x0  }
0xa8: {  	s4 =	sshll.u32 s28, $0x1;
	[dreg:$0x2] =	wrdreg s2  }
0xa9: {  	[dreg:$0x3] =	wrdreg s4  }
0xaa: {  	[dreg:$0x4] =	wrdreg $0xC0  }
0xab: {  	_ =	task [dreg:s6], $0x5FFFF  }
0xac: {  	[dreg:$0x1] =	wrdreg $0xFFFFFFFF  }
0xad: {  	[dreg:$0x0] =	wrdreg $0x60  }
0xae: {  	[dreg:$0x2] =	wrdreg s24  }
0xaf: {  	[dreg:$0x3] =	wrdreg $0x156A00  }
0xb0: {  	[dreg:$0x4] =	wrdreg $0x9  }
0xb1: {  	_ =	task.clear_ibuf [dreg:s6], $0x5FFFF;
	_ =	strace $0x90000049  }
0xb2: {  	s29 =	simm.s32 $0x9;
	_ =	strace $0x8000004B  }
0xb3: {  	_ =	swait.ge [sflag:s29], $0x1  }
0xb4: {  	[sflag:s29] =	ssyncadd.s32 $0xFFFFFFFF  }
0xb5: {  	_ =	strace $0x9000004B  }
0xb6: {  	_ =	sfence  }
0xb7: {  	s30 =	sld [smem:$0x0];
	_ =	sdelay $0x2  }
0xb8: {  	s31 =	sshll.u32 s1, $0xD;
	s1 =	sshrl.u32 s1, $0x2  }
0xb9: {  	s3 =	sand.u32 $0x4000, s31;
	s1 =	sadd.s32 s1, s30  }
0xba: {  	s0 =	sor.u32 s3, s0;
	s1 =	sshll.u32 s1, $0x11  }
0xbb: {  	s0 =	sor.u32 s1, s0  }
0xbc: {  	s0 =	sadd.s32 $0x8F2B, s0  }
0xbd: {  	[sflag:s0] =	ssyncadd.remote.s32 $0x1  }
0xbe: {  	_ =	sfence.sel $0xFFFF  }
0xbf: {  	[dreg:$0x0] =	wrdreg $0xFFFFFFFF;
	(pc) =	sbr.abs _section_cstart, $3  }
0xc0: {  	[dreg:$0x1] =	wrdreg $0xFFFFFFFF  }
0xc1: {  	_ =	task.clear_ibuf [dreg:s6], $0x2FFFF;
	_ =	strace $0x9FFFFFFF  }
0xc2: {  	(tm) =	ssettm $0x7FFFFFFF  }
0xc3: {  	_ =	shalt  }
tec
execute0_lowered:
.L_overlay_start_1:
0x0: {  	(tag) =	ssettag $0x1  }
0x1: {  	s0 =	srdreg.scid;
	s1 =	rddreg [dreg:$0x0]  }
0x2: {  	s2 =	rddreg [dreg:$0x1];
	s10 =	stileid.u32;
	s4 =	simm.s32 $0x0  }
0x3: {  	s29 =	simm.s32 $0x5AA0;
	s30 =	simm.s32 $0xF0A0;
	s12 =	simm.s32 $0x7  }
0x4: {  	s28 =	simm.s32 $0x9;
	s31 =	simm.s32 $0xA;
	s15 =	simm.s32 $0x11  }
0x5: {  	s0 =	sand.u32 $0x1, s0;
	[smem:$0x7FF] =	sst s4;
	s7 =	smul.u32 $0x27000, s10  }
0x6: {  	s4 =	sadd.s32 $0x32A00, s1;
	s8 =	sadd.s32 $0xB800, s1;
	s18 =	smul.u32 $0x9C00, s10  }
0x7: {  	s11 =	sadd.s32 $0x9C000, s2;
	p1 =	sne.s32 s10, $0xF;
	s25 =	sshll.u32 s10, $0x6  }
0x8: {  	s3 =	sshll.u32 s0, $0x4;
	_ =	strace $0x8000004A;
	s5 =	ssub.s32 $0x2, s0  }
0x9: {  	s19 =	smul.u32 $0x9C400, s0;
	p0 =	sne.s32 s0, $0x0;
	s0 =	sor.u32 $0x1C17, s25  }
0xa: {  	[dreg:$0x8] =	wrdreg s11;
	s25 =	simm.s32 $0xD7A0;
	s3 =	sor.u32 s10, s3  }
0xb: {  	s6 =	sshrl.u32 s5, $0x1;
	s17 =	sshrl.u32 s7, $0x2;
	s20 =	sadd.s32 s18, s2  }
0xc: {  	s21 =	sshrl.u32 s18, $0x3;
	[dreg:$0xe] =	wrdreg s0;
	s0 =	sshrl.u32 @!p1 s11, $0x3  }
0xd: {  	s11 =	simm.s32 $0xBEA0;
	s10 =	simm.s32 $0x1;
	s3 =	smul.u32 $0x1450, s3  }
0xe: {  	s5 =	ssub.s32 s5, s6;
	s6 =	sadd.s32 s17, s2;
	s7 =	sadd.s32 s18, s19  }
0xf: {  	s26 =	sshrl.u32 s20, $0x3;
	[dreg:$0x10] =	wrdreg s0;
	s0 =	simm.s32 $0x109A0  }
0x10: {  	s20 =	simm.s32 $0x0;
	s9 =	sadd.s32 $0x3400, s6;
	[dreg:$0x5] =	wrdreg s6  }
0x11: {  	s6 =	sadd.s32 $0x6800, s6;
	s7 =	sshrl.u32 s7, $0x3;
	[dreg:$0xf] =	wrdreg s26  }
0x12: {  	s24 =	smax.u32 s5, $0x1;
	s26 =	simm.s32 $0x41A0;
	[dreg:$0x6] =	wrdreg s9  }
0x13: {  	s3 =	sshrl.u32 s3, $0x3;
	[dreg:$0x7] =	wrdreg s6;
	s9 =	sadd.s32 s4, s21  }
0x14: {  	s22 =	sadd.s32 s8, s7;
	[dreg:$0xd] =	wrdreg s24;
	s24 =	simm.s32 $0x28A0  }
0x15: {  	s21 =	simm.s32 $0x12;
	s3 =	sadd.s32 s3, s1;
	[dreg:$0x9] =	wrdreg s9  }
0x16: {  	s1 =	sadd.s32 $0x46200, s1;
	[dreg:$0xb] =	wrdreg s22;
	s16 =	sadd.s32 $0x1400, s3  }
.Ltmp0:
0x17: {  	s3 =	sadd.s32 $0x6540, s3;
	[dreg:$0xa] =	wrdreg s1;
	(pc) =	sbr.rel .LBB2_1-.Ltmp0, $4  }
0x18: {  	s9 =	simm.s32 $0x3;
	[dreg:$0x4] =	wrdreg s3;
	s3 =	sshrl.u32 s19, $0x3  }
0x19: {  	[dreg:$0x3] =	wrdreg s16;
	s19 =	simm.s32 $0x17;
	s23 =	sadd.s32 s8, s3  }
0x1a: {  	s16 =	simm.s32 $0x5;
	s8 =	simm.s32 $0x2;
	s1 =	sadd.s32 $0x13800, s23  }
0x1b: {  	v0 =	vimm.f32 $0.0e+00;
	s23 =	simm.s32 $0x64;
	[dreg:$0xc] =	wrdreg s1;
	s1 =	simm.s32 $0x8CA0  }
.LBB2_9:
0x1c: {  	_ =	swait.ge [sflag:s31], $0x1900  }
0x1d: {  	[sflag:s31] =	ssyncset.done $0x0  }
0x1e: {  	s3 =	simm.s32 $0xB;
	[sflag:s31] =	ssyncadd.s32 $0xFFFFE700  }
0x1f: {  	[spmem:s2] =	stream.indirect.scatter.add.f32 [tilespmem:s0], [sflag:$0x14], $0x40, s5, s23, $0xb8;
	[tilespmem:$0x1F2E0] =	vst v63  }
0x20: {  	_ =	swait.ge [sflag:s3], $0x1900  }
0x21: {  	[sflag:s3] =	ssyncset.done $0x0  }
0x22: {  	s22 =	simm.s32 $0xC;
	[sflag:s3] =	ssyncadd.s32 $0xFFFFE700  }
0x23: {  	_ =	swait.ge [sflag:s22], $0x1900  }
0x24: {  	[sflag:s22] =	ssyncset.done $0x0  }
0x25: {  	s5 =	simm.s32 $0xD;
	[sflag:s22] =	ssyncadd.s32 $0xFFFFE700  }
0x26: {  	_ =	swait.ge [sflag:s5], $0x1900  }
0x27: {  	[sflag:s5] =	ssyncset.done $0x0  }
0x28: {  	s6 =	simm.s32 $0xE;
	[sflag:s5] =	ssyncadd.s32 $0xFFFFE700  }
0x29: {  	_ =	swait.ge [sflag:s6], $0x1900  }
0x2a: {  	[sflag:s6] =	ssyncset.done $0x0  }
0x2b: {  	s7 =	simm.s32 $0xF;
	[sflag:s6] =	ssyncadd.s32 $0xFFFFE700  }
0x2c: {  	_ =	swait.ge [sflag:s7], $0x1900  }
0x2d: {  	[sflag:s7] =	ssyncset.done $0x0  }
0x2e: {  	s13 =	simm.s32 $0x10;
	[sflag:s7] =	ssyncadd.s32 $0xFFFFE700  }
0x2f: {  	_ =	swait.ge [sflag:s13], $0x1900  }
0x30: {  	[sflag:s13] =	ssyncset.done $0x0  }
0x31: {  	[sflag:s13] =	ssyncadd.s32 $0xFFFFE700  }
0x32: {  	_ =	swait.ge [sflag:s15], $0x1900  }
0x33: {  	[sflag:s15] =	ssyncset.done $0x0  }
0x34: {  	[sflag:s15] =	ssyncadd.s32 $0xFFFFE700  }
0x35: {  	_ =	swait.ge [sflag:s21], $0x1900  }
0x36: {  	[sflag:s21] =	ssyncset.done $0x0  }
0x37: {  	s14 =	simm.s32 $0x13;
	[sflag:s21] =	ssyncadd.s32 $0xFFFFE700  }
0x38: {  	_ =	swait.ge [sflag:s14], $0x1900  }
0x39: {  	[sflag:s14] =	ssyncset.done $0x0  }
0x3a: {  	s17 =	simm.s32 $0x14;
	[sflag:s14] =	ssyncadd.s32 $0xFFFFE700  }
0x3b: {  	_ =	swait.ge [sflag:s17], $0x1900  }
0x3c: {  	[sflag:s17] =	ssyncset.done $0x0  }
0x3d: {  	[sflag:s17] =	ssyncadd.s32 $0xFFFFE700  }
0x3e: {  	[bflag:$0x0] =	sbarrier.arrive $0xFFFF  }
0x3f: {  	s18 =	rddreg [dreg:$0xb]  }
0x40: {  	s5 =	rddreg [dreg:$0xe]  }
0x41: {  	s6 =	rddreg [dreg:$0xf]  }
0x42: {  	[hbm:s18], [sflag:s5] =	dma.local [spmem:s6], $0x1380  }
0x43: {  	_ =	swait.ge [sflag:s19], $0x1380  }
0x44: {  	[sflag:s19] =	ssyncset.done $0x0;
	s3 =	rddreg [dreg:$0xc]  }
0x45: {  	s6 =	rddreg [dreg:$0x10];
	[sflag:s19] =	ssyncadd.s32 $0xFFFFEC80  }
0x46: {  	[hbm:s3], [sflag:s5] =	dma.local @!p1 [spmem:s6], $0x80  }
0x47: {  	s3 =	simm.s32 @!p1 $0x17  }
0x48: {  	_ =	swait.ge @!p1 [sflag:s3], $0x80  }
0x49: {  	s20 =	sadd.s32 $0x1, s20;
	s22 =	rddreg [dreg:$0xd]  }
0x4a: {  	p2 =	sne.s32 s20, s22  }
.Ltmp1:
0x4b: {  	_ = 	snop;
	(pc) =	sbr.rel @!p2 .LBB2_10-.Ltmp1, $3  }
0x4c: {  	_ =	sdelay $0x1  }
0x4d: {  	[sflag:s3] =	ssyncset.done @!p1 $0x0  }
0x4e: {  	[sflag:s3] =	ssyncadd.s32 @!p1 $0xFFFFFF80  }
.LBB2_1:
.Ltmp2:
0x4f: {  	(pc) =	sbr.rel @p0 .LBB2_3-.Ltmp2, $4  }
0x50: {  	s3 =	simm.s32 $0x0;
	s5 =	rddreg [dreg:$0x3]  }
0x51: {  	[tilespmem:s3], [sflag:$0x15] =	stream.linear.gather [hbm4b:s5+s3], $0x1450, $0x38;
	[tilespmem:$0x1F2E0] =	vst v63  }
0x52: {  	s22 =	rddreg [dreg:$0x4];
	s6 =	simm.s32 $0x1450  }
0x53: {  	[tilespmem:s6], [sflag:$0x16] =	stream.linear.gather [hbm4b:s22+s3], $0x1450, $0x38;
	[tilespmem:$0x1F2E0] =	vst v63  }
0x54: {  	s3 =	rddreg [dreg:$0x9]  }
0x55: {  	s5 =	rddreg [dreg:$0xe]  }
0x56: {  	s6 =	rddreg [dreg:$0xf]  }
0x57: {  	[spmem:s6], [sflag:s5] =	dma.local [hbm:s3], $0x1380  }
0x58: {  	_ =	swait.ge [sflag:s19], $0x1380  }
0x59: {  	[sflag:s19] =	ssyncset.done $0x0;
	s3 =	rddreg [dreg:$0xa]  }
0x5a: {  	s6 =	rddreg [dreg:$0x10];
	[sflag:s19] =	ssyncadd.s32 $0xFFFFEC80  }
0x5b: {  	[spmem:s6], [sflag:s5] =	dma.local @!p1 [hbm:s3], $0x80  }
.Ltmp3:
0x5c: {  	_ = 	snop;
	(pc) =	sbr.rel .LBB2_6-.Ltmp3, $4  }
0x5d: {  	s3 =	simm.s32 @!p1 $0x17  }
0x5e: {  	_ =	swait.ge @!p1 [sflag:s3], $0x80  }
0x5f: {  	[sflag:s3] =	ssyncset.done @!p1 $0x0  }
0x60: {  	[sflag:s3] =	ssyncadd.s32 @!p1 $0xFFFFFF80  }
.LBB2_3:
0x61: {  	s5 =	simm.s32 $0x100;
	s3 =	simm.s32 $0x0  }
.LBB2_4:
0x62: {  	p2 =	sne.s32 s5, $0xCF00;
	[tilespmem:s3+$0x122D0] =	vst v0;
	s6 =	smov.u32 s5;
	s5 =	sadd.s32 $0x100, s5  }
.Ltmp4:
0x63: {  	[tilespmem:s3+$0x122C0] =	vst v0;
	(pc) =	sbr.rel @p2 .LBB2_4-.Ltmp4, $3  }
0x64: {  	[tilespmem:s3+$0x122A0] =	vst v0  }
0x65: {  	[tilespmem:s3+$0x122B0] =	vst v0;
	_ =	sdelay $0x1  }
0x66: {  	s3 =	sshra.s32 s6, $0x2  }
0x67: {  	[tilespmem:s3+$0x122D0] =	vst v0  }
0x68: {  	[tilespmem:s3+$0x122C0] =	vst v0  }
0x69: {  	[tilespmem:s3+$0x122A0] =	vst v0  }
0x6a: {  	[tilespmem:s3+$0x122B0] =	vst v0;
	s17 =	rddreg [dreg:$0x5];
	s5 =	simm.s32 $0x122A0  }
0x6b: {  	[spmem:s17] =	stream.linear.scatter [tilespmem:s5], [sflag:$0x17], $0x3400, $0x38;
	[tilespmem:$0x1F2E0] =	vst v63  }
0x6c: {  	_ =	swait.ge [sflag:s19], $0x3400  }
0x6d: {  	[sflag:s19] =	ssyncset.done $0x0  }
0x6e: {  	s18 =	rddreg [dreg:$0x6];
	[sflag:s19] =	ssyncadd.s32 $0xFFFFCC00  }
0x6f: {  	[spmem:s18] =	stream.linear.scatter [tilespmem:s5], [sflag:$0x17], $0x3400, $0x38;
	[tilespmem:$0x1F2E0] =	vst v63  }
0x70: {  	_ =	swait.ge [sflag:s19], $0x3400  }
0x71: {  	[sflag:s19] =	ssyncset.done $0x0  }
0x72: {  	s22 =	rddreg [dreg:$0x7];
	[sflag:s19] =	ssyncadd.s32 $0xFFFFCC00  }
0x73: {  	[spmem:s22] =	stream.linear.scatter [tilespmem:s5], [sflag:$0x17], $0x3400, $0x38;
	[tilespmem:$0x1F2E0] =	vst v63  }
0x74: {  	_ =	swait.ge [sflag:s19], $0x3400  }
0x75: {  	[sflag:s19] =	ssyncset.done $0x0  }
0x76: {  	s3 =	simm.s32 @!p1 $0x122A0;
	s5 =	rddreg [dreg:$0x8];
	[sflag:s19] =	ssyncadd.s32 $0xFFFFCC00  }
0x77: {  	[spmem:s5] =	stream.linear.scatter @!p1 [tilespmem:s3], [sflag:$0x17], $0x400, $0x38;
	[tilespmem:$0x1F2E0] =	vst v63  }
0x78: {  	s3 =	simm.s32 @!p1 $0x17  }
0x79: {  	_ =	swait.ge @!p1 [sflag:s3], $0x400  }
0x7a: {  	[sflag:s3] =	ssyncset.done @!p1 $0x0  }
0x7b: {  	[sflag:s3] =	ssyncadd.s32 @!p1 $0xFFFFFC00  }
.LBB2_6:
0x7c: {  	s3 =	simm.s32 $0x15  }
0x7d: {  	_ =	swait.ge [sflag:s3], $0x1450  }
0x7e: {  	[sflag:s3] =	ssyncset.done $0x0  }
0x7f: {  	s14 =	simm.s32 $0x16;
	[sflag:s3] =	ssyncadd.s32 $0xFFFFEBB0  }
0x80: {  	_ =	swait.ge [sflag:s14], $0x1450  }
0x81: {  	[sflag:s14] =	ssyncset.done $0x0  }
0x82: {  	[sflag:s14] =	ssyncadd.s32 $0xFFFFEBB0  }
0x83: {  	s7 =	simm.s32 $0x0;
	[bflag:$0x0] =	sbarrier.arrive $0xFFFF  }
0x84: {  	[tilespmem:s24], [sflag:$0x1] =	stream.indirect.gather [hbm4b:s4+s23], $0x40, s7, s23, $0xb8;
	[tilespmem:$0x1F2E0] =	vst v63  }
0x85: {  	s17 =	simm.s32 $0x68  }
0x86: {  	[tilespmem:s26], [sflag:$0x2] =	stream.indirect.gather [hbm4b:s4+s23], $0x40, s17, s23, $0xb8;
	[tilespmem:$0x1F2E0] =	vst v63  }
0x87: {  	s18 =	simm.s32 $0xD0  }
0x88: {  	[tilespmem:s29], [sflag:$0x3] =	stream.indirect.gather [hbm4b:s4+s23], $0x40, s18, s23, $0xb8;
	[tilespmem:$0x1F2E0] =	vst v63  }
0x89: {  	s22 =	simm.s32 $0x138;
	s5 =	simm.s32 $0x73A0  }
0x8a: {  	[tilespmem:s5], [sflag:$0x4] =	stream.indirect.gather [hbm4b:s4+s23], $0x40, s22, s23, $0xb8;
	[tilespmem:$0x1F2E0] =	vst v63  }
0x8b: {  	s5 =	simm.s32 $0x1A0  }
0x8c: {  	[tilespmem:s1], [sflag:$0x5] =	stream.indirect.gather [hbm4b:s4+s23], $0x40, s5, s23, $0xb8;
	[tilespmem:$0x1F2E0] =	vst v63  }
0x8d: {  	s6 =	simm.s32 $0x208;
	s13 =	simm.s32 $0xA5A0  }
0x8e: {  	[tilespmem:s13], [sflag:$0x6] =	stream.indirect.gather [hbm4b:s4+s23], $0x40, s6, s23, $0xb8;
	[tilespmem:$0x1F2E0] =	vst v63  }
0x8f: {  	s14 =	simm.s32 $0x270  }
0x90: {  	[tilespmem:s11], [sflag:$0x7] =	stream.indirect.gather [hbm4b:s4+s23], $0x40, s14, s23, $0xb8;
	[tilespmem:$0x1F2E0] =	vst v63  }
0x91: {  	s17 =	simm.s32 $0x2D8  }
0x92: {  	[tilespmem:s25], [sflag:$0x8] =	stream.indirect.gather [hbm4b:s4+s23], $0x40, s17, s23, $0xb8;
	[tilespmem:$0x1F2E0] =	vst v63  }
0x93: {  	s18 =	simm.s32 $0x340  }
0x94: {  	[tilespmem:s30], [sflag:$0x9] =	stream.indirect.gather [hbm4b:s4+s23], $0x40, s18, s23, $0xb8;
	[tilespmem:$0x1F2E0] =	vst v63  }
0x95: {  	s22 =	simm.s32 $0x3A8  }
0x96: {  	[tilespmem:s0], [sflag:$0xA] =	stream.indirect.gather [hbm4b:s4+s23], $0x40, s22, s23, $0xb8;
	[tilespmem:$0x1F2E0] =	vst v63  }
.LBB2_7:
0x97: {  	_ =	swait.ge [sflag:s10], $0x1900  }
0x98: {  	s3 =	sshra.s32 s7, $0x2;
	[sflag:s10] =	ssyncset.done $0x0  }
0x99: {  	p2 =	seq.s32 s7, $0x0;
	s5 =	sadd.s32 $0x1450, s3;
	[sflag:s10] =	ssyncadd.s32 $0xFFFFE700  }
0x9a: {  	[spmem:s2] =	stream.indirect.scatter.add.f32 [tilespmem:s24], [sflag:$0xB], $0x40, s5, s23, $0xb8;
	[tilespmem:$0x1F2E0] =	vst v63  }
0x9b: {  	s5 =	simm.s32 @!p2 $0x13  }
0x9c: {  	_ =	swait.ge @!p2 [sflag:s5], $0x1900  }
0x9d: {  	[sflag:s5] =	ssyncset.done @!p2 $0x0  }
0x9e: {  	[sflag:s5] =	ssyncadd.s32 @!p2 $0xFFFFE700;
	s5 =	sshra.s32 @!p2 s7, $0x2  }
0x9f: {  	s13 =	simm.s32 @!p2 $0x64;
	s14 =	simm.s32 @!p2 $0xF0A0;
	s6 =	sadd.s32 @!p2 $0x340, s5  }
0xa0: {  	[tilespmem:s14], [sflag:$0x9] =	stream.indirect.gather @!p2 [hbm4b:s4+s13], $0x40, s6, s13, $0xb8;
	[tilespmem:$0x1F2E0] =	vst v63  }
0xa1: {  	_ =	swait.ge [sflag:s8], $0x1900  }
0xa2: {  	[sflag:s8] =	ssyncset.done $0x0  }
0xa3: {  	s14 =	sadd.s32 $0x14B8, s3;
	s6 =	simm.s32 @!p2 $0x14;
	[sflag:s8] =	ssyncadd.s32 $0xFFFFE700  }
0xa4: {  	[spmem:s2] =	stream.indirect.scatter.add.f32 [tilespmem:s26], [sflag:$0xC], $0x40, s14, s23, $0xb8;
	[tilespmem:$0x1F2E0] =	vst v63  }
0xa5: {  	_ =	swait.ge @!p2 [sflag:s6], $0x1900  }
0xa6: {  	[sflag:s6] =	ssyncset.done @!p2 $0x0  }
0xa7: {  	s5 =	sadd.s32 @!p2 $0x3A8, s5;
	[sflag:s6] =	ssyncadd.s32 @!p2 $0xFFFFE700;
	s6 =	simm.s32 @!p2 $0x109A0  }
0xa8: {  	[tilespmem:s6], [sflag:$0xA] =	stream.indirect.gather @!p2 [hbm4b:s4+s13], $0x40, s5, s13, $0xb8;
	[tilespmem:$0x1F2E0] =	vst v63  }
0xa9: {  	_ =	swait.ge [sflag:s9], $0x1900  }
0xaa: {  	p2 =	seq.s32 s7, $0x4100;
	[sflag:s9] =	ssyncset.done $0x0  }
0xab: {  	s17 =	sadd.s32 $0x1520, s3;
	s5 =	simm.s32 @p2 $0x4;
	[sflag:s9] =	ssyncadd.s32 $0xFFFFE700  }
0xac: {  	[spmem:s2] =	stream.indirect.scatter.add.f32 [tilespmem:s29], [sflag:$0xD], $0x40, s17, s23, $0xb8;
	[tilespmem:$0x1F2E0] =	vst v63  }
0xad: {  	_ =	swait.ge @p2 [sflag:s5], $0x1900  }
0xae: {  	s13 =	sshra.s32 @p2 s7, $0x2;
	s14 =	simm.s32 @p2 $0x64;
	[sflag:s5] =	ssyncset.done @p2 $0x0  }
0xaf: {  	s6 =	simm.s32 @p2 $0x73A0;
	[sflag:s5] =	ssyncadd.s32 @p2 $0xFFFFE700;
	s5 =	sadd.s32 @p2 $0x1588, s13  }
0xb0: {  	[spmem:s2] =	stream.indirect.scatter.add.f32 @p2 [tilespmem:s6], [sflag:$0xE], $0x40, s5, s14, $0xb8;
	[tilespmem:$0x1F2E0] =	vst v63  }
0xb1: {  	s5 =	simm.s32 @!p2 $0xB  }
0xb2: {  	_ =	swait.ge @!p2 [sflag:s5], $0x1900  }
0xb3: {  	[sflag:s5] =	ssyncset.done @!p2 $0x0  }
0xb4: {  	[sflag:s5] =	ssyncadd.s32 @!p2 $0xFFFFE700;
	s5 =	sshra.s32 @!p2 s7, $0x2  }
0xb5: {  	s22 =	simm.s32 @!p2 $0x28A0;
	s6 =	simm.s32 @!p2 $0x64;
	s18 =	sadd.s32 @!p2 $0x410, s5  }
0xb6: {  	[tilespmem:s22], [sflag:$0x1] =	stream.indirect.gather @!p2 [hbm4b:s4+s6], $0x40, s18, s6, $0xb8;
	[tilespmem:$0x1F2E0] =	vst v63  }
0xb7: {  	s18 =	simm.s32 @!p2 $0x4  }
0xb8: {  	_ =	swait.ge @!p2 [sflag:s18], $0x1900  }
0xb9: {  	[sflag:s18] =	ssyncset.done @!p2 $0x0  }
0xba: {  	s22 =	simm.s32 @!p2 $0x73A0;
	[sflag:s18] =	ssyncadd.s32 @!p2 $0xFFFFE700;
	s18 =	sadd.s32 @!p2 $0x1588, s5  }
0xbb: {  	[spmem:s2] =	stream.indirect.scatter.add.f32 @!p2 [tilespmem:s22], [sflag:$0xE], $0x40, s18, s6, $0xb8;
	[tilespmem:$0x1F2E0] =	vst v63  }
0xbc: {  	s18 =	simm.s32 @!p2 $0xC  }
0xbd: {  	_ =	swait.ge @!p2 [sflag:s18], $0x1900  }
0xbe: {  	[sflag:s18] =	ssyncset.done @!p2 $0x0  }
0xbf: {  	s17 =	simm.s32 @!p2 $0x41A0;
	[sflag:s18] =	ssyncadd.s32 @!p2 $0xFFFFE700;
	s18 =	sadd.s32 @!p2 $0x478, s5  }
0xc0: {  	[tilespmem:s17], [sflag:$0x2] =	stream.indirect.gather @!p2 [hbm4b:s4+s6], $0x40, s18, s6, $0xb8;
	[tilespmem:$0x1F2E0] =	vst v63  }
0xc1: {  	_ =	swait.ge [sflag:s16], $0x1900  }
0xc2: {  	[sflag:s16] =	ssyncset.done $0x0  }
0xc3: {  	s18 =	sadd.s32 $0x15F0, s3;
	s17 =	simm.s32 @p2 $0x6;
	[sflag:s16] =	ssyncadd.s32 $0xFFFFE700  }
0xc4: {  	[spmem:s2] =	stream.indirect.scatter.add.f32 [tilespmem:s1], [sflag:$0xF], $0x40, s18, s23, $0xb8;
	[tilespmem:$0x1F2E0] =	vst v63  }
0xc5: {  	_ =	swait.ge @p2 [sflag:s17], $0x1900  }
0xc6: {  	[sflag:s17] =	ssyncset.done @p2 $0x0  }
0xc7: {  	s18 =	simm.s32 @p2 $0xA5A0;
	[sflag:s17] =	ssyncadd.s32 @p2 $0xFFFFE700;
	s17 =	sadd.s32 @p2 $0x1658, s13  }
0xc8: {  	[spmem:s2] =	stream.indirect.scatter.add.f32 @p2 [tilespmem:s18], [sflag:$0x10], $0x40, s17, s14, $0xb8;
	[tilespmem:$0x1F2E0] =	vst v63  }
0xc9: {  	s17 =	simm.s32 @!p2 $0xD  }
0xca: {  	_ =	swait.ge @!p2 [sflag:s17], $0x1900  }
0xcb: {  	[sflag:s17] =	ssyncset.done @!p2 $0x0  }
0xcc: {  	s18 =	simm.s32 @!p2 $0x5AA0;
	[sflag:s17] =	ssyncadd.s32 @!p2 $0xFFFFE700;
	s17 =	sadd.s32 @!p2 $0x4E0, s5  }
0xcd: {  	[tilespmem:s18], [sflag:$0x3] =	stream.indirect.gather @!p2 [hbm4b:s4+s6], $0x40, s17, s6, $0xb8;
	[tilespmem:$0x1F2E0] =	vst v63  }
0xce: {  	s17 =	simm.s32 @!p2 $0x6  }
0xcf: {  	_ =	swait.ge @!p2 [sflag:s17], $0x1900  }
0xd0: {  	[sflag:s17] =	ssyncset.done @!p2 $0x0  }
0xd1: {  	s18 =	simm.s32 @!p2 $0xA5A0;
	[sflag:s17] =	ssyncadd.s32 @!p2 $0xFFFFE700;
	s17 =	sadd.s32 @!p2 $0x1658, s5  }
0xd2: {  	[spmem:s2] =	stream.indirect.scatter.add.f32 @!p2 [tilespmem:s18], [sflag:$0x10], $0x40, s17, s6, $0xb8;
	[tilespmem:$0x1F2E0] =	vst v63  }
0xd3: {  	s17 =	simm.s32 @!p2 $0xE  }
0xd4: {  	_ =	swait.ge @!p2 [sflag:s17], $0x1900  }
0xd5: {  	[sflag:s17] =	ssyncset.done @!p2 $0x0  }
0xd6: {  	[sflag:s17] =	ssyncadd.s32 @!p2 $0xFFFFE700;
	s17 =	sadd.s32 @!p2 $0x548, s5  }
0xd7: {  	[tilespmem:s22], [sflag:$0x4] =	stream.indirect.gather @!p2 [hbm4b:s4+s6], $0x40, s17, s6, $0xb8;
	[tilespmem:$0x1F2E0] =	vst v63  }
0xd8: {  	_ =	swait.ge [sflag:s12], $0x1900  }
0xd9: {  	[sflag:s12] =	ssyncset.done $0x0  }
0xda: {  	s22 =	sadd.s32 $0x16C0, s3;
	s17 =	simm.s32 @p2 $0x8;
	[sflag:s12] =	ssyncadd.s32 $0xFFFFE700  }
0xdb: {  	[spmem:s2] =	stream.indirect.scatter.add.f32 [tilespmem:s11], [sflag:$0x11], $0x40, s22, s23, $0xb8;
	[tilespmem:$0x1F2E0] =	vst v63  }
0xdc: {  	_ =	swait.ge @p2 [sflag:s17], $0x1900  }
0xdd: {  	[sflag:s17] =	ssyncset.done @p2 $0x0  }
0xde: {  	s13 =	sadd.s32 @p2 $0x1728, s13;
	[sflag:s17] =	ssyncadd.s32 @p2 $0xFFFFE700;
	s17 =	simm.s32 @p2 $0xD7A0  }
0xdf: {  	[spmem:s2] =	stream.indirect.scatter.add.f32 @p2 [tilespmem:s17], [sflag:$0x12], $0x40, s13, s14, $0xb8;
	[tilespmem:$0x1F2E0] =	vst v63  }
0xe0: {  	s13 =	simm.s32 @!p2 $0xF  }
0xe1: {  	_ =	swait.ge @!p2 [sflag:s13], $0x1900  }
0xe2: {  	[sflag:s13] =	ssyncset.done @!p2 $0x0  }
0xe3: {  	s14 =	simm.s32 @!p2 $0x8CA0;
	[sflag:s13] =	ssyncadd.s32 @!p2 $0xFFFFE700;
	s13 =	sadd.s32 @!p2 $0x5B0, s5  }
0xe4: {  	[tilespmem:s14], [sflag:$0x5] =	stream.indirect.gather @!p2 [hbm4b:s4+s6], $0x40, s13, s6, $0xb8;
	[tilespmem:$0x1F2E0] =	vst v63  }
0xe5: {  	s13 =	simm.s32 @!p2 $0x8  }
0xe6: {  	_ =	swait.ge @!p2 [sflag:s13], $0x1900  }
0xe7: {  	[sflag:s13] =	ssyncset.done @!p2 $0x0  }
0xe8: {  	s14 =	simm.s32 @!p2 $0xD7A0;
	[sflag:s13] =	ssyncadd.s32 @!p2 $0xFFFFE700;
	s13 =	sadd.s32 @!p2 $0x1728, s5  }
0xe9: {  	[spmem:s2] =	stream.indirect.scatter.add.f32 @!p2 [tilespmem:s14], [sflag:$0x12], $0x40, s13, s6, $0xb8;
	[tilespmem:$0x1F2E0] =	vst v63  }
0xea: {  	s13 =	simm.s32 @!p2 $0x10  }
0xeb: {  	_ =	swait.ge @!p2 [sflag:s13], $0x1900  }
0xec: {  	[sflag:s13] =	ssyncset.done @!p2 $0x0  }
0xed: {  	s5 =	sadd.s32 @!p2 $0x618, s5;
	[sflag:s13] =	ssyncadd.s32 @!p2 $0xFFFFE700  }
0xee: {  	[tilespmem:s18], [sflag:$0x6] =	stream.indirect.gather @!p2 [hbm4b:s4+s6], $0x40, s5, s6, $0xb8;
	[tilespmem:$0x1F2E0] =	vst v63  }
.Ltmp5:
0xef: {  	_ = 	snop;
	(pc) =	sbr.rel @p2 .LBB2_9-.Ltmp5, $4  }
0xf0: {  	_ =	swait.ge [sflag:s28], $0x1900  }
0xf1: {  	[sflag:s28] =	ssyncset.done $0x0  }
0xf2: {  	s22 =	sadd.s32 $0x1790, s3;
	s5 =	sadd.s32 $0x17F8, s3;
	[sflag:s28] =	ssyncadd.s32 $0xFFFFE700  }
0xf3: {  	[spmem:s2] =	stream.indirect.scatter.add.f32 [tilespmem:s30], [sflag:$0x13], $0x40, s22, s23, $0xb8;
	[tilespmem:$0x1F2E0] =	vst v63  }
0xf4: {  	_ =	swait.ge [sflag:s15], $0x1900  }
0xf5: {  	[sflag:s15] =	ssyncset.done $0x0  }
0xf6: {  	s6 =	sadd.s32 $0x680, s3;
	[sflag:s15] =	ssyncadd.s32 $0xFFFFE700  }
0xf7: {  	[tilespmem:s11], [sflag:$0x7] =	stream.indirect.gather [hbm4b:s4+s23], $0x40, s6, s23, $0xb8;
	[tilespmem:$0x1F2E0] =	vst v63  }
0xf8: {  	_ =	swait.ge [sflag:s31], $0x1900  }
0xf9: {  	[sflag:s31] =	ssyncset.done $0x0  }
0xfa: {  	[sflag:s31] =	ssyncadd.s32 $0xFFFFE700  }
0xfb: {  	[spmem:s2] =	stream.indirect.scatter.add.f32 [tilespmem:s0], [sflag:$0x14], $0x40, s5, s23, $0xb8;
	[tilespmem:$0x1F2E0] =	vst v63  }
.Ltmp6:
0xfc: {  	_ = 	snop;
	(pc) =	sbr.rel .LBB2_7-.Ltmp6, $4  }
0xfd: {  	_ =	swait.ge [sflag:s21], $0x1900  }
0xfe: {  	[sflag:s21] =	ssyncset.done $0x0  }
0xff: {  	s22 =	sadd.s32 $0x6E8, s3;
	s7 =	sadd.s32 $0x1040, s7;
	[sflag:s21] =	ssyncadd.s32 $0xFFFFE700  }
0x100: {  	[tilespmem:s25], [sflag:$0x8] =	stream.indirect.gather [hbm4b:s4+s23], $0x40, s22, s23, $0xb8;
	[tilespmem:$0x1F2E0] =	vst v63  }
.LBB2_10:
0x101: {  	_ =	sfence.sel $0x180000  }
0x102: {  	[bflag:$0x0] =	sbarrier.arrive $0xFFFF  }
0x103: {  	_ =	strace $0x9000004A  }
0x104: {  	s0 =	stileid.u32;
	[bflag:$0x2] =	sbarrier.arrive $0xFFFF  }
0x105: {  	p0 =	sne.s32 s0, $0x0;
	s0 =	rddreg [dreg:$0x2]  }
0x106: {  	s0 =	sadd.s32 @!p0 $0x100000, s0  }
0x107: {  	[sflag:s0] =	ssyncadd.tile.s32 @!p0 $0x1;
	_ =	shalt  }
.Lfunc_end2:
_tile_overlayer_lowered:
.L_overlay_start_2:
0x108: {  	(tag) =	ssettag $0x2  }
0x109: {  	s0 =	rddreg [dreg:$0x0];
	s2 =	stileid.u32  }
0x10a: {  	s1 =	rddreg [dreg:$0x1];
	p0 =	sne.s32 s2, $0x0  }
0x10b: {  	s3 =	rddreg [dreg:$0x2];
	[bflag:$0x3] =	sbarrier.arrive $0xFFFF;
	s2 =	simm.s32 @!p0 $0x1C17  }
0x10c: {  	[timem:s3], [sflag:s2] =	dma.local @!p0 [hbm:s0], s1  }
0x10d: {  	s0 =	simm.s32 @!p0 $0x17  }
0x10e: {  	_ =	swait.ge @!p0 [sflag:s0], s1  }
0x10f: {  	s1 =	ssub.s32 @!p0 $0x0, s1;
	[sflag:s0] =	ssyncset.done @!p0 $0x0  }
0x110: {  	[sflag:s0] =	ssyncadd.s32 @!p0 s1  }
0x111: {  	[bflag:$0x3] =	sbarrier.arrive $0xFFFF  }
0x112: {  	_ =	shalt  }

// kernel: kernel.15.cloned.1.call-start
scs
__scs_entry_jumppad:
0x0: {  	(pc) =	sbr.rel $0x88, $3  }
0x1: {  	(tag) =	ssettag $0x0;
	lr =	simm.s32 $0x1  }
0x2: {  	[smem:$0x3F84] =	sst lr;
	_ =	strace $0xD0000000  }
0x3: {  	_ = 	snop  }
0x4: {  	_ = 	snop  }
0x5: {  	_ = 	snop  }
0x6: {  	_ = 	snop  }
0x7: {  	_ = 	snop  }
__scs_overlays_trampoline_lowered:
0x8: {  	[smem:$0x3F93] =	sst s0  }
0x9: {  	[smem:$0x3F94] =	sst s1  }
0xa: {  	[smem:$0x3F95] =	sst s2  }
0xb: {  	[smem:$0x3F96] =	sst s3  }
0xc: {  	[smem:$0x3F97] =	sst s4  }
0xd: {  	[smem:$0x3F98] =	sst s5  }
0xe: {  	[smem:$0x3F99] =	sst s6  }
0xf: {  	[smem:$0x3F9A] =	sst s7  }
0x10: {  	[smem:$0x3F9B] =	sst s8  }
0x11: {  	[smem:$0x3F9C] =	sst s9;
	s0 =	simm.s32 @!p0 $0x0  }
0x12: {  	s1 =	sld [smem:$0x3F82];
	s0 =	simm.s32 @p0 $0x1  }
0x13: {  	[smem:$0x3F9D] =	sst s0;
	s0 =	simm.s32 @!p1 $0x0  }
0x14: {  	s2 =	sld [smem:$0x3F81];
	s0 =	simm.s32 @p1 $0x1  }
0x15: {  	[smem:$0x3F9E] =	sst s0;
	s0 =	simm.s32 @!p2 $0x0  }
0x16: {  	s3 =	sld [smem:$0x3FDB];
	s0 =	simm.s32 @p2 $0x1  }
0x17: {  	s4 =	simm.s32 $0x1BF5;
	[smem:$0x3FA0] =	sst s0  }
0x18: {  	s0 =	sld [smem:$0x3F83];
	_ =	swait.ge [sflag:s4], $0x0  }
0x19: {  	s7 =	sld [smem:$0x3F84]  }
0x1a: {  	s8 =	sadd.s32 $0xFFFFE003, lr  }
0x1b: {  	s9 =	sadd.s32 $0xFFFFFEF7, lr;
	s5 =	simm.s32 $0xFFFFFFFF;
	p2 =	slt.u32 s8, $0xFFFFF086  }
0x1c: {  	p1 =	slt.u32 s9, $0xF7A;
	s5 =	simm.s32 @!p2 $0x0  }
0x1d: {  	s5 =	simm.s32 @p1 $0x1;
	p0 =	seq.s32 s7, s2  }
0x1e: {  	s7 =	smul.u32 @!p0 $0xF7A, s2;
	p2 =	seq.s32 @!p0 s5, $0x0  }
0x1f: {  	s9 =	smul.u32 $0xF7A, s1;
	s8 =	simm.s32 @!p0 $0x1BF5;
	p2 =	por !p2, p0  }
0x20: {  	[sflag:s8] =	ssyncset.s32 @!p0 $0xFFFFF086;
	s6 =	sadd.s32 @!p0 s3, s7;
	s7 =	simm.s32 @!p0 $0x108  }
0x21: {  	s3 =	sadd.s32 s3, s9;
	s6 =	sadd.s32 @!p0 $0x88, s6;
	s7 =	simm.s32 @p2 $0x1082  }
0x22: {  	[simem:s7], [sflag:s8] =	dma.local @!p0 [hbm:s6], $0xF7A  }
0x23: {  	s9 =	sor.u32 $0xD0000000, s2;
	s6 =	simm.s32 $0x108;
	_ =	swait.ge @!p0 [sflag:s8], $0x0  }
0x24: {  	s3 =	sadd.s32 $0x88, s3;
	s6 =	simm.s32 @!p1 $0x1082;
	[sflag:s4] =	ssyncset.s32 $0xFFFFF086  }
0x25: {  	[simem:s6], [sflag:s4] =	dma.local [hbm:s3], $0xF7A  }
0x26: {  	[smem:$0x3F84] =	sst s1;
	(tag) =	ssettag s2;
	_ =	strace s9  }
0x27: {  	s1 =	sld [smem:$0x3F94]  }
0x28: {  	s2 =	sld [smem:$0x3F95]  }
0x29: {  	s4 =	sld [smem:$0x3F97]  }
0x2a: {  	p0 =	seq.s32 s5, $0x0;
	s5 =	sld [smem:$0x3F98]  }
0x2b: {  	s6 =	sld [smem:$0x3F99]  }
0x2c: {  	s7 =	sld [smem:$0x3F9A]  }
0x2d: {  	s3 =	simm.s32 $0x108;
	s8 =	sld [smem:$0x3F9B]  }
0x2e: {  	s3 =	simm.s32 @!p0 $0x1082;
	s9 =	sld [smem:$0x3F9C]  }
0x2f: {  	lr =	sadd.s32 s0, s3;
	s0 =	sld [smem:$0x3F93]  }
0x30: {  	s3 =	sld [smem:$0x3F96]  }
0x31: {  	[smem:$0x3F9F] =	sst s10  }
0x32: {  	s10 =	sld [smem:$0x3F9D];
	_ =	sdelay $0x3  }
0x33: {  	p0 =	seq.s32 s10, $0x1;
	s10 =	sld [smem:$0x3F9F];
	_ =	sdelay $0x3  }
0x34: {  	[smem:$0x3F9F] =	sst s10  }
0x35: {  	s10 =	sld [smem:$0x3F9E];
	_ =	sdelay $0x3  }
0x36: {  	p1 =	seq.s32 s10, $0x1;
	s10 =	sld [smem:$0x3F9F];
	_ =	sdelay $0x3  }
0x37: {  	[smem:$0x3F9F] =	sst s10  }
0x38: {  	s10 =	sld [smem:$0x3FA0]  }
0x39: {  	_ = 	snop;
	(pc) =	sbr.ind lr, $3  }
0x3a: {  	_ = 	snop  }
0x3b: {  	_ = 	snop  }
0x3c: {  	p2 =	seq.s32 s10, $0x1;
	s10 =	sld [smem:$0x3F9F]  }
0x3d: {  	_ =	shalt  }
0x3e: {  	_ =	shalt  }
0x3f: {  	_ =	shalt  }
0x40: {  	_ =	shalt  }
0x41: {  	_ =	shalt  }
0x42: {  	_ =	shalt  }
0x43: {  	_ =	shalt  }
0x44: {  	_ =	shalt  }
0x45: {  	_ =	shalt  }
0x46: {  	_ =	shalt  }
0x47: {  	_ =	shalt  }
0x48: {  	_ =	shalt  }
0x49: {  	_ =	shalt  }
0x4a: {  	_ =	shalt  }
0x4b: {  	_ =	shalt  }
0x4c: {  	_ =	shalt  }
0x4d: {  	_ =	shalt  }
0x4e: {  	_ =	shalt  }
0x4f: {  	_ =	shalt  }
0x50: {  	_ =	shalt  }
0x51: {  	_ =	shalt  }
0x52: {  	_ =	shalt  }
0x53: {  	_ =	shalt  }
0x54: {  	_ =	shalt  }
0x55: {  	_ =	shalt  }
0x56: {  	_ =	shalt  }
0x57: {  	_ =	shalt  }
0x58: {  	_ =	shalt  }
0x59: {  	_ =	shalt  }
0x5a: {  	_ =	shalt  }
0x5b: {  	_ =	shalt  }
0x5c: {  	_ =	shalt  }
0x5d: {  	_ =	shalt  }
0x5e: {  	_ =	shalt  }
0x5f: {  	_ =	shalt  }
0x60: {  	_ =	shalt  }
0x61: {  	_ =	shalt  }
0x62: {  	_ =	shalt  }
0x63: {  	_ =	shalt  }
0x64: {  	_ =	shalt  }
0x65: {  	_ =	shalt  }
0x66: {  	_ =	shalt  }
0x67: {  	_ =	shalt  }
0x68: {  	_ =	shalt  }
0x69: {  	_ =	shalt  }
0x6a: {  	_ =	shalt  }
0x6b: {  	_ =	shalt  }
0x6c: {  	_ =	shalt  }
0x6d: {  	_ =	shalt  }
0x6e: {  	_ =	shalt  }
0x6f: {  	_ =	shalt  }
0x70: {  	_ =	shalt  }
0x71: {  	_ =	shalt  }
0x72: {  	_ =	shalt  }
0x73: {  	_ =	shalt  }
0x74: {  	_ =	shalt  }
0x75: {  	_ =	shalt  }
0x76: {  	_ =	shalt  }
0x77: {  	_ =	shalt  }
0x78: {  	_ =	shalt  }
0x79: {  	_ =	shalt  }
0x7a: {  	_ =	shalt  }
0x7b: {  	_ =	shalt  }
0x7c: {  	_ =	shalt  }
0x7d: {  	_ =	shalt  }
0x7e: {  	_ =	shalt  }
0x7f: {  	_ =	shalt  }
0x80: {  	_ =	shalt  }
0x81: {  	_ =	shalt  }
0x82: {  	_ =	shalt  }
0x83: {  	_ =	shalt  }
0x84: {  	_ =	shalt  }
0x85: {  	_ =	shalt  }
0x86: {  	_ =	shalt  }
0x87: {  	_ =	shalt  }
.Lfunc_end0:
.L_simem_size_0:
called_computation.2_lowered:
.L_overlay_start_0:
0x88: {  	s2 =	sld [smem:$0x3FD9]  }
0x89: {  	s3 =	sld [smem:$0x3FFE];
	_ =	sdelay $0x1  }
0x8a: {  	s1 =	srdreg.scid  }
0x8b: {  	s0 =	sand.u32 $0x1, s1  }
0x8c: {  	s16 =	sshll.u32 s0, $0xA;
	s2 =	sadd.s32 s3, s2  }
0x8d: {  	s2 =	sadd.s32 s2, s16  }
0x8e: {  	[smem:$0x3FAB] =	sst s2  }
0x8f: {  	_ = 	snop  }
0x90: {  	(tm) =	ssettm $0x1  }
0x91: {  	s17 =	sld [smem:$0x3FFB];
	_ =	sdelay $0x3  }
0x92: {  	_ =	strace s17  }
0x93: {  	s2 =	sld [smem:$0x3FFC];
	_ =	sdelay $0x3  }
0x94: {  	_ =	strace s2  }
0x95: {  	s2 =	sld [smem:$0x3FFD];
	_ =	sdelay $0x3  }
0x96: {  	_ =	strace s2  }
0x97: {  	_ =	strace $0x8FFFFFFF  }
0x98: {  	s18 =	sld [smem:$0x3FDB];
	_ =	sdelay $0x1  }
0x99: {  	s19 =	simm.s32 $_scs_section_size  }
0x9a: {  	s4 =	simm.s32 $_size__tile_overlayer_lowered;
	s5 =	simm.s32 $_tile_overlayer_lowered  }
0x9b: {  	s22 =	simm.s32 $0x1BFF;
	s21 =	sshll.u32 s5, $0x1;
	s2 =	sadd.s32 s19, s18  }
0x9c: {  	s6 =	simm.s32 $0x0;
	s20 =	sshll.u32 s4, $0x1;
	s4 =	sadd.s32 s21, s2  }
0x9d: {  	[timem:s6], [sflag:s22] =	dma.local [hbm:s4], s20  }
0x9e: {  	_ =	swait.ge [sflag:s22], s20  }
0x9f: {  	s3 =	ssub.s32 $0x0, s20;
	[sflag:s22] =	ssyncset.done $0x0  }
0xa0: {  	[sflag:s22] =	ssyncadd.s32 s3;
	_ =	sdelay $0x1  }
0xa1: {  	s23 =	simm.s32 $0x1B8B  }
0xa2: {  	_ =	swait.ge [sflag:s23], $0x1  }
0xa3: {  	[sflag:s23] =	ssyncset.done $0x0  }
0xa4: {  	s25 =	simm.s32 $0x1B8E;
	s24 =	sld [smem:$0x3FFE];
	[sflag:s23] =	ssyncadd.s32 $0xFFFFFFFF  }
0xa5: {  	s26 =	simm.s32 $execute0_lowered;
	[smem:$0x3FD2] =	sst s25  }
0xa6: {  	s4 =	sshll.u32 s26, $0x1;
	_ =	strace $0x8000004C;
	[dreg:$0x1] =	wrdreg $0xFFFFFFFF  }
0xa7: {  	s28 =	simm.s32 $_size_execute0_lowered;
	s2 =	sadd.s32 s2, s4;
	[dreg:$0x0] =	wrdreg $0x0  }
0xa8: {  	s4 =	sshll.u32 s28, $0x1;
	[dreg:$0x2] =	wrdreg s2  }
0xa9: {  	[dreg:$0x3] =	wrdreg s4  }
0xaa: {  	[dreg:$0x4] =	wrdreg $0xC0  }
0xab: {  	_ =	task [dreg:s6], $0x5FFFF  }
0xac: {  	[dreg:$0x1] =	wrdreg $0xFFFFFFFF  }
0xad: {  	[dreg:$0x0] =	wrdreg $0x60  }
0xae: {  	[dreg:$0x2] =	wrdreg s24  }
0xaf: {  	[dreg:$0x3] =	wrdreg $0xBFA00  }
0xb0: {  	[dreg:$0x4] =	wrdreg $0x9  }
0xb1: {  	_ =	task.clear_ibuf [dreg:s6], $0x5FFFF;
	_ =	strace $0x9000004C  }
0xb2: {  	s29 =	simm.s32 $0x9;
	_ =	strace $0x8000004E  }
0xb3: {  	_ =	swait.ge [sflag:s29], $0x1  }
0xb4: {  	[sflag:s29] =	ssyncadd.s32 $0xFFFFFFFF  }
0xb5: {  	_ =	strace $0x9000004E  }
0xb6: {  	_ =	sfence  }
0xb7: {  	s30 =	sld [smem:$0x0];
	_ =	sdelay $0x2  }
0xb8: {  	s31 =	sshll.u32 s1, $0xD;
	s1 =	sshrl.u32 s1, $0x2  }
0xb9: {  	s3 =	sand.u32 $0x4000, s31;
	s1 =	sadd.s32 s1, s30  }
0xba: {  	s0 =	sor.u32 s3, s0;
	s1 =	sshll.u32 s1, $0x11  }
0xbb: {  	s0 =	sor.u32 s1, s0  }
0xbc: {  	s0 =	sadd.s32 $0x8F2B, s0  }
0xbd: {  	[sflag:s0] =	ssyncadd.remote.s32 $0x1  }
0xbe: {  	_ =	sfence.sel $0xFFFF  }
0xbf: {  	[dreg:$0x0] =	wrdreg $0xFFFFFFFF;
	(pc) =	sbr.abs _section_cstart, $3  }
0xc0: {  	[dreg:$0x1] =	wrdreg $0xFFFFFFFF  }
0xc1: {  	_ =	task.clear_ibuf [dreg:s6], $0x2FFFF;
	_ =	strace $0x9FFFFFFF  }
0xc2: {  	(tm) =	ssettm $0x7FFFFFFF  }
0xc3: {  	_ =	shalt  }
tec
execute0_lowered:
.L_overlay_start_1:
0x0: {  	(tag) =	ssettag $0x1  }
0x1: {  	s0 =	srdreg.scid;
	s1 =	rddreg [dreg:$0x0]  }
0x2: {  	s2 =	rddreg [dreg:$0x1];
	s10 =	stileid.u32;
	s4 =	simm.s32 $0x0  }
0x3: {  	s29 =	simm.s32 $0x41A0;
	s30 =	simm.s32 $0x8CA0;
	s12 =	simm.s32 $0x7  }
0x4: {  	s28 =	simm.s32 $0x9;
	s31 =	simm.s32 $0xA;
	s15 =	simm.s32 $0x11  }
0x5: {  	s0 =	sand.u32 $0x1, s0;
	[smem:$0x7FF] =	sst s4;
	s7 =	smul.u32 $0x13800, s10  }
0x6: {  	s4 =	sadd.s32 $0xB800, s1;
	s8 =	sadd.s32 $0x15600, s1;
	s18 =	smul.u32 $0x4E00, s10  }
0x7: {  	s11 =	sadd.s32 $0x4E000, s2;
	p1 =	sne.s32 s10, $0xF;
	s25 =	sshll.u32 s10, $0x6  }
0x8: {  	s3 =	sshll.u32 s0, $0x4;
	_ =	strace $0x8000004D;
	s5 =	ssub.s32 $0x2, s0  }
0x9: {  	s19 =	smul.u32 $0x4E200, s0;
	p0 =	sne.s32 s0, $0x0;
	s0 =	sor.u32 $0x1C17, s25  }
0xa: {  	[dreg:$0x8] =	wrdreg s11;
	s25 =	simm.s32 $0x8020;
	s3 =	sor.u32 s10, s3  }
0xb: {  	s6 =	sshrl.u32 s5, $0x1;
	s17 =	sshrl.u32 s7, $0x2;
	s20 =	sadd.s32 s18, s2  }
0xc: {  	s21 =	sshrl.u32 s18, $0x3;
	[dreg:$0xe] =	wrdreg s0;
	s0 =	sshrl.u32 @!p1 s11, $0x3  }
0xd: {  	s11 =	simm.s32 $0x73A0;
	s10 =	simm.s32 $0x1;
	s3 =	smul.u32 $0x1450, s3  }
0xe: {  	s5 =	ssub.s32 s5, s6;
	s6 =	sadd.s32 s17, s2;
	s7 =	sadd.s32 s18, s19  }
0xf: {  	s26 =	sshrl.u32 s20, $0x3;
	[dreg:$0x10] =	wrdreg s0;
	s0 =	simm.s32 $0x9920  }
0x10: {  	s20 =	simm.s32 $0x0;
	s9 =	sadd.s32 $0x1A00, s6;
	[dreg:$0x5] =	wrdreg s6  }
0x11: {  	s6 =	sadd.s32 $0x3400, s6;
	s7 =	sshrl.u32 s7, $0x3;
	[dreg:$0xf] =	wrdreg s26  }
0x12: {  	s24 =	smax.u32 s5, $0x1;
	s26 =	simm.s32 $0x3520;
	[dreg:$0x6] =	wrdreg s9  }
0x13: {  	s3 =	sshrl.u32 s3, $0x3;
	[dreg:$0x7] =	wrdreg s6;
	s9 =	sadd.s32 s4, s21  }
0x14: {  	s22 =	sadd.s32 s8, s7;
	[dreg:$0xd] =	wrdreg s24;
	s24 =	simm.s32 $0x28A0  }
0x15: {  	s21 =	simm.s32 $0x12;
	s3 =	sadd.s32 s3, s1;
	[dreg:$0x9] =	wrdreg s9  }
0x16: {  	s1 =	sadd.s32 $0x15400, s1;
	[dreg:$0xb] =	wrdreg s22;
	s16 =	sadd.s32 $0x1400, s3  }
.Ltmp0:
0x17: {  	s3 =	sadd.s32 $0x6540, s3;
	[dreg:$0xa] =	wrdreg s1;
	(pc) =	sbr.rel .LBB2_1-.Ltmp0, $4  }
0x18: {  	s9 =	simm.s32 $0x3;
	[dreg:$0x4] =	wrdreg s3;
	s3 =	sshrl.u32 s19, $0x3  }
0x19: {  	[dreg:$0x3] =	wrdreg s16;
	s19 =	simm.s32 $0x17;
	s23 =	sadd.s32 s8, s3  }
0x1a: {  	s16 =	simm.s32 $0x5;
	s8 =	simm.s32 $0x2;
	s1 =	sadd.s32 $0x9C00, s23  }
0x1b: {  	v0 =	vimm.f32 $0.0e+00;
	s23 =	simm.s32 $0x64;
	[dreg:$0xc] =	wrdreg s1;
	s1 =	simm.s32 $0x5AA0  }
.LBB2_9:
0x1c: {  	_ =	swait.ge [sflag:s31], $0xC80  }
0x1d: {  	[sflag:s31] =	ssyncset.done $0x0  }
0x1e: {  	s3 =	simm.s32 $0xB;
	[sflag:s31] =	ssyncadd.s32 $0xFFFFF380  }
0x1f: {  	[spmem:s2] =	stream.indirect.scatter.add.f32 [tilespmem:s0], [sflag:$0x14], $0x20, s5, s23, $0xb8;
	[tilespmem:$0x10DC0] =	vst v63  }
0x20: {  	_ =	swait.ge [sflag:s3], $0xC80  }
0x21: {  	[sflag:s3] =	ssyncset.done $0x0  }
0x22: {  	s22 =	simm.s32 $0xC;
	[sflag:s3] =	ssyncadd.s32 $0xFFFFF380  }
0x23: {  	_ =	swait.ge [sflag:s22], $0xC80  }
0x24: {  	[sflag:s22] =	ssyncset.done $0x0  }
0x25: {  	s5 =	simm.s32 $0xD;
	[sflag:s22] =	ssyncadd.s32 $0xFFFFF380  }
0x26: {  	_ =	swait.ge [sflag:s5], $0xC80  }
0x27: {  	[sflag:s5] =	ssyncset.done $0x0  }
0x28: {  	s6 =	simm.s32 $0xE;
	[sflag:s5] =	ssyncadd.s32 $0xFFFFF380  }
0x29: {  	_ =	swait.ge [sflag:s6], $0xC80  }
0x2a: {  	[sflag:s6] =	ssyncset.done $0x0  }
0x2b: {  	s7 =	simm.s32 $0xF;
	[sflag:s6] =	ssyncadd.s32 $0xFFFFF380  }
0x2c: {  	_ =	swait.ge [sflag:s7], $0xC80  }
0x2d: {  	[sflag:s7] =	ssyncset.done $0x0  }
0x2e: {  	s13 =	simm.s32 $0x10;
	[sflag:s7] =	ssyncadd.s32 $0xFFFFF380  }
0x2f: {  	_ =	swait.ge [sflag:s13], $0xC80  }
0x30: {  	[sflag:s13] =	ssyncset.done $0x0  }
0x31: {  	[sflag:s13] =	ssyncadd.s32 $0xFFFFF380  }
0x32: {  	_ =	swait.ge [sflag:s15], $0xC80  }
0x33: {  	[sflag:s15] =	ssyncset.done $0x0  }
0x34: {  	[sflag:s15] =	ssyncadd.s32 $0xFFFFF380  }
0x35: {  	_ =	swait.ge [sflag:s21], $0xC80  }
0x36: {  	[sflag:s21] =	ssyncset.done $0x0  }
0x37: {  	s14 =	simm.s32 $0x13;
	[sflag:s21] =	ssyncadd.s32 $0xFFFFF380  }
0x38: {  	_ =	swait.ge [sflag:s14], $0xC80  }
0x39: {  	[sflag:s14] =	ssyncset.done $0x0  }
0x3a: {  	s17 =	simm.s32 $0x14;
	[sflag:s14] =	ssyncadd.s32 $0xFFFFF380  }
0x3b: {  	_ =	swait.ge [sflag:s17], $0xC80  }
0x3c: {  	[sflag:s17] =	ssyncset.done $0x0  }
0x3d: {  	[sflag:s17] =	ssyncadd.s32 $0xFFFFF380  }
0x3e: {  	[bflag:$0x0] =	sbarrier.arrive $0xFFFF  }
0x3f: {  	s18 =	rddreg [dreg:$0xb]  }
0x40: {  	s5 =	rddreg [dreg:$0xe]  }
0x41: {  	s6 =	rddreg [dreg:$0xf]  }
0x42: {  	[hbm:s18], [sflag:s5] =	dma.local [spmem:s6], $0x9C0  }
0x43: {  	_ =	swait.ge [sflag:s19], $0x9C0  }
0x44: {  	[sflag:s19] =	ssyncset.done $0x0;
	s3 =	rddreg [dreg:$0xc]  }
0x45: {  	s6 =	rddreg [dreg:$0x10];
	[sflag:s19] =	ssyncadd.s32 $0xFFFFF640  }
0x46: {  	[hbm:s3], [sflag:s5] =	dma.local @!p1 [spmem:s6], $0x40  }
0x47: {  	s3 =	simm.s32 @!p1 $0x17  }
0x48: {  	_ =	swait.ge @!p1 [sflag:s3], $0x40  }
0x49: {  	s20 =	sadd.s32 $0x1, s20;
	s22 =	rddreg [dreg:$0xd]  }
0x4a: {  	p2 =	sne.s32 s20, s22  }
.Ltmp1:
0x4b: {  	_ = 	snop;
	(pc) =	sbr.rel @!p2 .LBB2_10-.Ltmp1, $3  }
0x4c: {  	_ =	sdelay $0x1  }
0x4d: {  	[sflag:s3] =	ssyncset.done @!p1 $0x0  }
0x4e: {  	[sflag:s3] =	ssyncadd.s32 @!p1 $0xFFFFFFC0  }
.LBB2_1:
.Ltmp2:
0x4f: {  	(pc) =	sbr.rel @p0 .LBB2_3-.Ltmp2, $4  }
0x50: {  	s3 =	simm.s32 $0x0;
	s5 =	rddreg [dreg:$0x3]  }
0x51: {  	[tilespmem:s3], [sflag:$0x15] =	stream.linear.gather [hbm4b:s5+s3], $0x1450, $0x38;
	[tilespmem:$0x10DC0] =	vst v63  }
0x52: {  	s22 =	rddreg [dreg:$0x4];
	s6 =	simm.s32 $0x1450  }
0x53: {  	[tilespmem:s6], [sflag:$0x16] =	stream.linear.gather [hbm4b:s22+s3], $0x1450, $0x38;
	[tilespmem:$0x10DC0] =	vst v63  }
0x54: {  	s3 =	rddreg [dreg:$0x9]  }
0x55: {  	s5 =	rddreg [dreg:$0xe]  }
0x56: {  	s6 =	rddreg [dreg:$0xf]  }
0x57: {  	[spmem:s6], [sflag:s5] =	dma.local [hbm:s3], $0x9C0  }
0x58: {  	_ =	swait.ge [sflag:s19], $0x9C0  }
0x59: {  	[sflag:s19] =	ssyncset.done $0x0;
	s3 =	rddreg [dreg:$0xa]  }
0x5a: {  	s6 =	rddreg [dreg:$0x10];
	[sflag:s19] =	ssyncadd.s32 $0xFFFFF640  }
0x5b: {  	[spmem:s6], [sflag:s5] =	dma.local @!p1 [hbm:s3], $0x40  }
.Ltmp3:
0x5c: {  	_ = 	snop;
	(pc) =	sbr.rel .LBB2_6-.Ltmp3, $4  }
0x5d: {  	s3 =	simm.s32 @!p1 $0x17  }
0x5e: {  	_ =	swait.ge @!p1 [sflag:s3], $0x40  }
0x5f: {  	[sflag:s3] =	ssyncset.done @!p1 $0x0  }
0x60: {  	[sflag:s3] =	ssyncadd.s32 @!p1 $0xFFFFFFC0  }
.LBB2_3:
0x61: {  	s3 =	simm.s32 $0x80;
	s5 =	simm.s32 $0x0  }
.LBB2_4:
0x62: {  	p2 =	sne.s32 s3, $0x6780;
	[tilespmem:s5+$0xA5A0] =	vst v0;
	s6 =	smov.u32 s3;
	s3 =	sadd.s32 $0x80, s3  }
.Ltmp4:
0x63: {  	[tilespmem:s5+$0xA5B0] =	vst v0;
	(pc) =	sbr.rel @p2 .LBB2_4-.Ltmp4, $2  }
0x64: {  	_ =	sdelay $0x2  }
0x65: {  	s5 =	sshra.s32 s6, $0x2  }
0x66: {  	[tilespmem:s5+$0xA5A0] =	vst v0  }
0x67: {  	[tilespmem:s5+$0xA5B0] =	vst v0;
	s3 =	rddreg [dreg:$0x5];
	s17 =	simm.s32 $0xA5A0  }
0x68: {  	[spmem:s3] =	stream.linear.scatter [tilespmem:s17], [sflag:$0x17], $0x1A00, $0x38;
	[tilespmem:$0x10DC0] =	vst v63  }
0x69: {  	_ =	swait.ge [sflag:s19], $0x1A00  }
0x6a: {  	[sflag:s19] =	ssyncset.done $0x0  }
0x6b: {  	s18 =	rddreg [dreg:$0x6];
	[sflag:s19] =	ssyncadd.s32 $0xFFFFE600  }
0x6c: {  	[spmem:s18] =	stream.linear.scatter [tilespmem:s17], [sflag:$0x17], $0x1A00, $0x38;
	[tilespmem:$0x10DC0] =	vst v63  }
0x6d: {  	_ =	swait.ge [sflag:s19], $0x1A00  }
0x6e: {  	[sflag:s19] =	ssyncset.done $0x0  }
0x6f: {  	s22 =	rddreg [dreg:$0x7];
	[sflag:s19] =	ssyncadd.s32 $0xFFFFE600  }
0x70: {  	[spmem:s22] =	stream.linear.scatter [tilespmem:s17], [sflag:$0x17], $0x1A00, $0x38;
	[tilespmem:$0x10DC0] =	vst v63  }
0x71: {  	_ =	swait.ge [sflag:s19], $0x1A00  }
0x72: {  	[sflag:s19] =	ssyncset.done $0x0  }
0x73: {  	s3 =	simm.s32 @!p1 $0xA5A0;
	s5 =	rddreg [dreg:$0x8];
	[sflag:s19] =	ssyncadd.s32 $0xFFFFE600  }
0x74: {  	[spmem:s5] =	stream.linear.scatter @!p1 [tilespmem:s3], [sflag:$0x17], $0x200, $0x38;
	[tilespmem:$0x10DC0] =	vst v63  }
0x75: {  	s3 =	simm.s32 @!p1 $0x17  }
0x76: {  	_ =	swait.ge @!p1 [sflag:s3], $0x200  }
0x77: {  	[sflag:s3] =	ssyncset.done @!p1 $0x0  }
0x78: {  	[sflag:s3] =	ssyncadd.s32 @!p1 $0xFFFFFE00  }
.LBB2_6:
0x79: {  	s3 =	simm.s32 $0x15  }
0x7a: {  	_ =	swait.ge [sflag:s3], $0x1450  }
0x7b: {  	[sflag:s3] =	ssyncset.done $0x0  }
0x7c: {  	s14 =	simm.s32 $0x16;
	[sflag:s3] =	ssyncadd.s32 $0xFFFFEBB0  }
0x7d: {  	_ =	swait.ge [sflag:s14], $0x1450  }
0x7e: {  	[sflag:s14] =	ssyncset.done $0x0  }
0x7f: {  	[sflag:s14] =	ssyncadd.s32 $0xFFFFEBB0  }
0x80: {  	s7 =	simm.s32 $0x0;
	[bflag:$0x0] =	sbarrier.arrive $0xFFFF  }
0x81: {  	[tilespmem:s24], [sflag:$0x1] =	stream.indirect.gather [hbm4b:s4+s23], $0x20, s7, s23, $0xb8;
	[tilespmem:$0x10DC0] =	vst v63  }
0x82: {  	s17 =	simm.s32 $0x68  }
0x83: {  	[tilespmem:s26], [sflag:$0x2] =	stream.indirect.gather [hbm4b:s4+s23], $0x20, s17, s23, $0xb8;
	[tilespmem:$0x10DC0] =	vst v63  }
0x84: {  	s18 =	simm.s32 $0xD0  }
0x85: {  	[tilespmem:s29], [sflag:$0x3] =	stream.indirect.gather [hbm4b:s4+s23], $0x20, s18, s23, $0xb8;
	[tilespmem:$0x10DC0] =	vst v63  }
0x86: {  	s22 =	simm.s32 $0x138;
	s5 =	simm.s32 $0x4E20  }
0x87: {  	[tilespmem:s5], [sflag:$0x4] =	stream.indirect.gather [hbm4b:s4+s23], $0x20, s22, s23, $0xb8;
	[tilespmem:$0x10DC0] =	vst v63  }
0x88: {  	s5 =	simm.s32 $0x1A0  }
0x89: {  	[tilespmem:s1], [sflag:$0x5] =	stream.indirect.gather [hbm4b:s4+s23], $0x20, s5, s23, $0xb8;
	[tilespmem:$0x10DC0] =	vst v63  }
0x8a: {  	s6 =	simm.s32 $0x208;
	s13 =	simm.s32 $0x6720  }
0x8b: {  	[tilespmem:s13], [sflag:$0x6] =	stream.indirect.gather [hbm4b:s4+s23], $0x20, s6, s23, $0xb8;
	[tilespmem:$0x10DC0] =	vst v63  }
0x8c: {  	s14 =	simm.s32 $0x270  }
0x8d: {  	[tilespmem:s11], [sflag:$0x7] =	stream.indirect.gather [hbm4b:s4+s23], $0x20, s14, s23, $0xb8;
	[tilespmem:$0x10DC0] =	vst v63  }
0x8e: {  	s17 =	simm.s32 $0x2D8  }
0x8f: {  	[tilespmem:s25], [sflag:$0x8] =	stream.indirect.gather [hbm4b:s4+s23], $0x20, s17, s23, $0xb8;
	[tilespmem:$0x10DC0] =	vst v63  }
0x90: {  	s18 =	simm.s32 $0x340  }
0x91: {  	[tilespmem:s30], [sflag:$0x9] =	stream.indirect.gather [hbm4b:s4+s23], $0x20, s18, s23, $0xb8;
	[tilespmem:$0x10DC0] =	vst v63  }
0x92: {  	s22 =	simm.s32 $0x3A8  }
0x93: {  	[tilespmem:s0], [sflag:$0xA] =	stream.indirect.gather [hbm4b:s4+s23], $0x20, s22, s23, $0xb8;
	[tilespmem:$0x10DC0] =	vst v63  }
.LBB2_7:
0x94: {  	_ =	swait.ge [sflag:s10], $0xC80  }
0x95: {  	s3 =	sshra.s32 s7, $0x2;
	[sflag:s10] =	ssyncset.done $0x0  }
0x96: {  	p2 =	seq.s32 s7, $0x0;
	s5 =	sadd.s32 $0x1450, s3;
	[sflag:s10] =	ssyncadd.s32 $0xFFFFF380  }
0x97: {  	[spmem:s2] =	stream.indirect.scatter.add.f32 [tilespmem:s24], [sflag:$0xB], $0x20, s5, s23, $0xb8;
	[tilespmem:$0x10DC0] =	vst v63  }
0x98: {  	s5 =	simm.s32 @!p2 $0x13  }
0x99: {  	_ =	swait.ge @!p2 [sflag:s5], $0xC80  }
0x9a: {  	[sflag:s5] =	ssyncset.done @!p2 $0x0  }
0x9b: {  	[sflag:s5] =	ssyncadd.s32 @!p2 $0xFFFFF380;
	s5 =	sshra.s32 @!p2 s7, $0x2  }
0x9c: {  	s13 =	simm.s32 @!p2 $0x64;
	s14 =	simm.s32 @!p2 $0x8CA0;
	s6 =	sadd.s32 @!p2 $0x340, s5  }
0x9d: {  	[tilespmem:s14], [sflag:$0x9] =	stream.indirect.gather @!p2 [hbm4b:s4+s13], $0x20, s6, s13, $0xb8;
	[tilespmem:$0x10DC0] =	vst v63  }
0x9e: {  	_ =	swait.ge [sflag:s8], $0xC80  }
0x9f: {  	[sflag:s8] =	ssyncset.done $0x0  }
0xa0: {  	s14 =	sadd.s32 $0x14B8, s3;
	s6 =	simm.s32 @!p2 $0x14;
	[sflag:s8] =	ssyncadd.s32 $0xFFFFF380  }
0xa1: {  	[spmem:s2] =	stream.indirect.scatter.add.f32 [tilespmem:s26], [sflag:$0xC], $0x20, s14, s23, $0xb8;
	[tilespmem:$0x10DC0] =	vst v63  }
0xa2: {  	_ =	swait.ge @!p2 [sflag:s6], $0xC80  }
0xa3: {  	[sflag:s6] =	ssyncset.done @!p2 $0x0  }
0xa4: {  	s5 =	sadd.s32 @!p2 $0x3A8, s5;
	[sflag:s6] =	ssyncadd.s32 @!p2 $0xFFFFF380;
	s6 =	simm.s32 @!p2 $0x9920  }
0xa5: {  	[tilespmem:s6], [sflag:$0xA] =	stream.indirect.gather @!p2 [hbm4b:s4+s13], $0x20, s5, s13, $0xb8;
	[tilespmem:$0x10DC0] =	vst v63  }
0xa6: {  	_ =	swait.ge [sflag:s9], $0xC80  }
0xa7: {  	p2 =	seq.s32 s7, $0x4100;
	[sflag:s9] =	ssyncset.done $0x0  }
0xa8: {  	s17 =	sadd.s32 $0x1520, s3;
	s5 =	simm.s32 @p2 $0x4;
	[sflag:s9] =	ssyncadd.s32 $0xFFFFF380  }
0xa9: {  	[spmem:s2] =	stream.indirect.scatter.add.f32 [tilespmem:s29], [sflag:$0xD], $0x20, s17, s23, $0xb8;
	[tilespmem:$0x10DC0] =	vst v63  }
0xaa: {  	_ =	swait.ge @p2 [sflag:s5], $0xC80  }
0xab: {  	s13 =	sshra.s32 @p2 s7, $0x2;
	s14 =	simm.s32 @p2 $0x64;
	[sflag:s5] =	ssyncset.done @p2 $0x0  }
0xac: {  	s6 =	simm.s32 @p2 $0x4E20;
	[sflag:s5] =	ssyncadd.s32 @p2 $0xFFFFF380;
	s5 =	sadd.s32 @p2 $0x1588, s13  }
0xad: {  	[spmem:s2] =	stream.indirect.scatter.add.f32 @p2 [tilespmem:s6], [sflag:$0xE], $0x20, s5, s14, $0xb8;
	[tilespmem:$0x10DC0] =	vst v63  }
0xae: {  	s5 =	simm.s32 @!p2 $0xB  }
0xaf: {  	_ =	swait.ge @!p2 [sflag:s5], $0xC80  }
0xb0: {  	[sflag:s5] =	ssyncset.done @!p2 $0x0  }
0xb1: {  	[sflag:s5] =	ssyncadd.s32 @!p2 $0xFFFFF380;
	s5 =	sshra.s32 @!p2 s7, $0x2  }
0xb2: {  	s22 =	simm.s32 @!p2 $0x28A0;
	s6 =	simm.s32 @!p2 $0x64;
	s18 =	sadd.s32 @!p2 $0x410, s5  }
0xb3: {  	[tilespmem:s22], [sflag:$0x1] =	stream.indirect.gather @!p2 [hbm4b:s4+s6], $0x20, s18, s6, $0xb8;
	[tilespmem:$0x10DC0] =	vst v63  }
0xb4: {  	s18 =	simm.s32 @!p2 $0x4  }
0xb5: {  	_ =	swait.ge @!p2 [sflag:s18], $0xC80  }
0xb6: {  	[sflag:s18] =	ssyncset.done @!p2 $0x0  }
0xb7: {  	s22 =	simm.s32 @!p2 $0x4E20;
	[sflag:s18] =	ssyncadd.s32 @!p2 $0xFFFFF380;
	s18 =	sadd.s32 @!p2 $0x1588, s5  }
0xb8: {  	[spmem:s2] =	stream.indirect.scatter.add.f32 @!p2 [tilespmem:s22], [sflag:$0xE], $0x20, s18, s6, $0xb8;
	[tilespmem:$0x10DC0] =	vst v63  }
0xb9: {  	s18 =	simm.s32 @!p2 $0xC  }
0xba: {  	_ =	swait.ge @!p2 [sflag:s18], $0xC80  }
0xbb: {  	[sflag:s18] =	ssyncset.done @!p2 $0x0  }
0xbc: {  	s17 =	simm.s32 @!p2 $0x3520;
	[sflag:s18] =	ssyncadd.s32 @!p2 $0xFFFFF380;
	s18 =	sadd.s32 @!p2 $0x478, s5  }
0xbd: {  	[tilespmem:s17], [sflag:$0x2] =	stream.indirect.gather @!p2 [hbm4b:s4+s6], $0x20, s18, s6, $0xb8;
	[tilespmem:$0x10DC0] =	vst v63  }
0xbe: {  	_ =	swait.ge [sflag:s16], $0xC80  }
0xbf: {  	[sflag:s16] =	ssyncset.done $0x0  }
0xc0: {  	s18 =	sadd.s32 $0x15F0, s3;
	s17 =	simm.s32 @p2 $0x6;
	[sflag:s16] =	ssyncadd.s32 $0xFFFFF380  }
0xc1: {  	[spmem:s2] =	stream.indirect.scatter.add.f32 [tilespmem:s1], [sflag:$0xF], $0x20, s18, s23, $0xb8;
	[tilespmem:$0x10DC0] =	vst v63  }
0xc2: {  	_ =	swait.ge @p2 [sflag:s17], $0xC80  }
0xc3: {  	[sflag:s17] =	ssyncset.done @p2 $0x0  }
0xc4: {  	s18 =	simm.s32 @p2 $0x6720;
	[sflag:s17] =	ssyncadd.s32 @p2 $0xFFFFF380;
	s17 =	sadd.s32 @p2 $0x1658, s13  }
0xc5: {  	[spmem:s2] =	stream.indirect.scatter.add.f32 @p2 [tilespmem:s18], [sflag:$0x10], $0x20, s17, s14, $0xb8;
	[tilespmem:$0x10DC0] =	vst v63  }
0xc6: {  	s17 =	simm.s32 @!p2 $0xD  }
0xc7: {  	_ =	swait.ge @!p2 [sflag:s17], $0xC80  }
0xc8: {  	[sflag:s17] =	ssyncset.done @!p2 $0x0  }
0xc9: {  	s18 =	simm.s32 @!p2 $0x41A0;
	[sflag:s17] =	ssyncadd.s32 @!p2 $0xFFFFF380;
	s17 =	sadd.s32 @!p2 $0x4E0, s5  }
0xca: {  	[tilespmem:s18], [sflag:$0x3] =	stream.indirect.gather @!p2 [hbm4b:s4+s6], $0x20, s17, s6, $0xb8;
	[tilespmem:$0x10DC0] =	vst v63  }
0xcb: {  	s17 =	simm.s32 @!p2 $0x6  }
0xcc: {  	_ =	swait.ge @!p2 [sflag:s17], $0xC80  }
0xcd: {  	[sflag:s17] =	ssyncset.done @!p2 $0x0  }
0xce: {  	s18 =	simm.s32 @!p2 $0x6720;
	[sflag:s17] =	ssyncadd.s32 @!p2 $0xFFFFF380;
	s17 =	sadd.s32 @!p2 $0x1658, s5  }
0xcf: {  	[spmem:s2] =	stream.indirect.scatter.add.f32 @!p2 [tilespmem:s18], [sflag:$0x10], $0x20, s17, s6, $0xb8;
	[tilespmem:$0x10DC0] =	vst v63  }
0xd0: {  	s17 =	simm.s32 @!p2 $0xE  }
0xd1: {  	_ =	swait.ge @!p2 [sflag:s17], $0xC80  }
0xd2: {  	[sflag:s17] =	ssyncset.done @!p2 $0x0  }
0xd3: {  	[sflag:s17] =	ssyncadd.s32 @!p2 $0xFFFFF380;
	s17 =	sadd.s32 @!p2 $0x548, s5  }
0xd4: {  	[tilespmem:s22], [sflag:$0x4] =	stream.indirect.gather @!p2 [hbm4b:s4+s6], $0x20, s17, s6, $0xb8;
	[tilespmem:$0x10DC0] =	vst v63  }
0xd5: {  	_ =	swait.ge [sflag:s12], $0xC80  }
0xd6: {  	[sflag:s12] =	ssyncset.done $0x0  }
0xd7: {  	s22 =	sadd.s32 $0x16C0, s3;
	s17 =	simm.s32 @p2 $0x8;
	[sflag:s12] =	ssyncadd.s32 $0xFFFFF380  }
0xd8: {  	[spmem:s2] =	stream.indirect.scatter.add.f32 [tilespmem:s11], [sflag:$0x11], $0x20, s22, s23, $0xb8;
	[tilespmem:$0x10DC0] =	vst v63  }
0xd9: {  	_ =	swait.ge @p2 [sflag:s17], $0xC80  }
0xda: {  	[sflag:s17] =	ssyncset.done @p2 $0x0  }
0xdb: {  	s13 =	sadd.s32 @p2 $0x1728, s13;
	[sflag:s17] =	ssyncadd.s32 @p2 $0xFFFFF380;
	s17 =	simm.s32 @p2 $0x8020  }
0xdc: {  	[spmem:s2] =	stream.indirect.scatter.add.f32 @p2 [tilespmem:s17], [sflag:$0x12], $0x20, s13, s14, $0xb8;
	[tilespmem:$0x10DC0] =	vst v63  }
0xdd: {  	s13 =	simm.s32 @!p2 $0xF  }
0xde: {  	_ =	swait.ge @!p2 [sflag:s13], $0xC80  }
0xdf: {  	[sflag:s13] =	ssyncset.done @!p2 $0x0  }
0xe0: {  	s14 =	simm.s32 @!p2 $0x5AA0;
	[sflag:s13] =	ssyncadd.s32 @!p2 $0xFFFFF380;
	s13 =	sadd.s32 @!p2 $0x5B0, s5  }
0xe1: {  	[tilespmem:s14], [sflag:$0x5] =	stream.indirect.gather @!p2 [hbm4b:s4+s6], $0x20, s13, s6, $0xb8;
	[tilespmem:$0x10DC0] =	vst v63  }
0xe2: {  	s13 =	simm.s32 @!p2 $0x8  }
0xe3: {  	_ =	swait.ge @!p2 [sflag:s13], $0xC80  }
0xe4: {  	[sflag:s13] =	ssyncset.done @!p2 $0x0  }
0xe5: {  	s14 =	simm.s32 @!p2 $0x8020;
	[sflag:s13] =	ssyncadd.s32 @!p2 $0xFFFFF380;
	s13 =	sadd.s32 @!p2 $0x1728, s5  }
0xe6: {  	[spmem:s2] =	stream.indirect.scatter.add.f32 @!p2 [tilespmem:s14], [sflag:$0x12], $0x20, s13, s6, $0xb8;
	[tilespmem:$0x10DC0] =	vst v63  }
0xe7: {  	s13 =	simm.s32 @!p2 $0x10  }
0xe8: {  	_ =	swait.ge @!p2 [sflag:s13], $0xC80  }
0xe9: {  	[sflag:s13] =	ssyncset.done @!p2 $0x0  }
0xea: {  	s5 =	sadd.s32 @!p2 $0x618, s5;
	[sflag:s13] =	ssyncadd.s32 @!p2 $0xFFFFF380  }
0xeb: {  	[tilespmem:s18], [sflag:$0x6] =	stream.indirect.gather @!p2 [hbm4b:s4+s6], $0x20, s5, s6, $0xb8;
	[tilespmem:$0x10DC0] =	vst v63  }
.Ltmp5:
0xec: {  	_ = 	snop;
	(pc) =	sbr.rel @p2 .LBB2_9-.Ltmp5, $4  }
0xed: {  	_ =	swait.ge [sflag:s28], $0xC80  }
0xee: {  	[sflag:s28] =	ssyncset.done $0x0  }
0xef: {  	s22 =	sadd.s32 $0x1790, s3;
	s5 =	sadd.s32 $0x17F8, s3;
	[sflag:s28] =	ssyncadd.s32 $0xFFFFF380  }
0xf0: {  	[spmem:s2] =	stream.indirect.scatter.add.f32 [tilespmem:s30], [sflag:$0x13], $0x20, s22, s23, $0xb8;
	[tilespmem:$0x10DC0] =	vst v63  }
0xf1: {  	_ =	swait.ge [sflag:s15], $0xC80  }
0xf2: {  	[sflag:s15] =	ssyncset.done $0x0  }
0xf3: {  	s6 =	sadd.s32 $0x680, s3;
	[sflag:s15] =	ssyncadd.s32 $0xFFFFF380  }
0xf4: {  	[tilespmem:s11], [sflag:$0x7] =	stream.indirect.gather [hbm4b:s4+s23], $0x20, s6, s23, $0xb8;
	[tilespmem:$0x10DC0] =	vst v63  }
0xf5: {  	_ =	swait.ge [sflag:s31], $0xC80  }
0xf6: {  	[sflag:s31] =	ssyncset.done $0x0  }
0xf7: {  	[sflag:s31] =	ssyncadd.s32 $0xFFFFF380  }
0xf8: {  	[spmem:s2] =	stream.indirect.scatter.add.f32 [tilespmem:s0], [sflag:$0x14], $0x20, s5, s23, $0xb8;
	[tilespmem:$0x10DC0] =	vst v63  }
.Ltmp6:
0xf9: {  	_ = 	snop;
	(pc) =	sbr.rel .LBB2_7-.Ltmp6, $4  }
0xfa: {  	_ =	swait.ge [sflag:s21], $0xC80  }
0xfb: {  	[sflag:s21] =	ssyncset.done $0x0  }
0xfc: {  	s22 =	sadd.s32 $0x6E8, s3;
	s7 =	sadd.s32 $0x1040, s7;
	[sflag:s21] =	ssyncadd.s32 $0xFFFFF380  }
0xfd: {  	[tilespmem:s25], [sflag:$0x8] =	stream.indirect.gather [hbm4b:s4+s23], $0x20, s22, s23, $0xb8;
	[tilespmem:$0x10DC0] =	vst v63  }
.LBB2_10:
0xfe: {  	_ =	sfence.sel $0x180000  }
0xff: {  	[bflag:$0x0] =	sbarrier.arrive $0xFFFF  }
0x100: {  	_ =	strace $0x9000004D  }
0x101: {  	s0 =	stileid.u32;
	[bflag:$0x2] =	sbarrier.arrive $0xFFFF  }
0x102: {  	p0 =	sne.s32 s0, $0x0;
	s0 =	rddreg [dreg:$0x2]  }
0x103: {  	s0 =	sadd.s32 @!p0 $0x100000, s0  }
0x104: {  	[sflag:s0] =	ssyncadd.tile.s32 @!p0 $0x1;
	_ =	shalt  }
.Lfunc_end2:
_tile_overlayer_lowered:
.L_overlay_start_2:
0x105: {  	(tag) =	ssettag $0x2  }
0x106: {  	s0 =	rddreg [dreg:$0x0];
	s2 =	stileid.u32  }
0x107: {  	s1 =	rddreg [dreg:$0x1];
	p0 =	sne.s32 s2, $0x0  }
0x108: {  	s3 =	rddreg [dreg:$0x2];
	[bflag:$0x3] =	sbarrier.arrive $0xFFFF;
	s2 =	simm.s32 @!p0 $0x1C17  }
0x109: {  	[timem:s3], [sflag:s2] =	dma.local @!p0 [hbm:s0], s1  }
0x10a: {  	s0 =	simm.s32 @!p0 $0x17  }
0x10b: {  	_ =	swait.ge @!p0 [sflag:s0], s1  }
0x10c: {  	s1 =	ssub.s32 @!p0 $0x0, s1;
	[sflag:s0] =	ssyncset.done @!p0 $0x0  }
0x10d: {  	[sflag:s0] =	ssyncadd.s32 @!p0 s1  }
0x10e: {  	[bflag:$0x3] =	sbarrier.arrive $0xFFFF  }
0x10f: {  	_ =	shalt  }

// kernel: kernel.9.cloned.1.call-start
scs
__scs_entry_jumppad:
0x0: {  	(pc) =	sbr.rel $0x88, $3  }
0x1: {  	(tag) =	ssettag $0x0;
	lr =	simm.s32 $0x1  }
0x2: {  	[smem:$0x3F84] =	sst lr;
	_ =	strace $0xD0000000  }
0x3: {  	_ = 	snop  }
0x4: {  	_ = 	snop  }
0x5: {  	_ = 	snop  }
0x6: {  	_ = 	snop  }
0x7: {  	_ = 	snop  }
__scs_overlays_trampoline_lowered:
0x8: {  	[smem:$0x3F93] =	sst s0  }
0x9: {  	[smem:$0x3F94] =	sst s1  }
0xa: {  	[smem:$0x3F95] =	sst s2  }
0xb: {  	[smem:$0x3F96] =	sst s3  }
0xc: {  	[smem:$0x3F97] =	sst s4  }
0xd: {  	[smem:$0x3F98] =	sst s5  }
0xe: {  	[smem:$0x3F99] =	sst s6  }
0xf: {  	[smem:$0x3F9A] =	sst s7  }
0x10: {  	[smem:$0x3F9B] =	sst s8  }
0x11: {  	[smem:$0x3F9C] =	sst s9;
	s0 =	simm.s32 @!p0 $0x0  }
0x12: {  	s1 =	sld [smem:$0x3F82];
	s0 =	simm.s32 @p0 $0x1  }
0x13: {  	[smem:$0x3F9D] =	sst s0;
	s0 =	simm.s32 @!p1 $0x0  }
0x14: {  	s2 =	sld [smem:$0x3F81];
	s0 =	simm.s32 @p1 $0x1  }
0x15: {  	[smem:$0x3F9E] =	sst s0;
	s0 =	simm.s32 @!p2 $0x0  }
0x16: {  	s3 =	sld [smem:$0x3FDB];
	s0 =	simm.s32 @p2 $0x1  }
0x17: {  	s4 =	simm.s32 $0x1BF5;
	[smem:$0x3FA0] =	sst s0  }
0x18: {  	s0 =	sld [smem:$0x3F83];
	_ =	swait.ge [sflag:s4], $0x0  }
0x19: {  	s7 =	sld [smem:$0x3F84]  }
0x1a: {  	s8 =	sadd.s32 $0xFFFFE003, lr  }
0x1b: {  	s9 =	sadd.s32 $0xFFFFFEF7, lr;
	s5 =	simm.s32 $0xFFFFFFFF;
	p2 =	slt.u32 s8, $0xFFFFF086  }
0x1c: {  	p1 =	slt.u32 s9, $0xF7A;
	s5 =	simm.s32 @!p2 $0x0  }
0x1d: {  	s5 =	simm.s32 @p1 $0x1;
	p0 =	seq.s32 s7, s2  }
0x1e: {  	s7 =	smul.u32 @!p0 $0xF7A, s2;
	p2 =	seq.s32 @!p0 s5, $0x0  }
0x1f: {  	s9 =	smul.u32 $0xF7A, s1;
	s8 =	simm.s32 @!p0 $0x1BF5;
	p2 =	por !p2, p0  }
0x20: {  	[sflag:s8] =	ssyncset.s32 @!p0 $0xFFFFF086;
	s6 =	sadd.s32 @!p0 s3, s7;
	s7 =	simm.s32 @!p0 $0x108  }
0x21: {  	s3 =	sadd.s32 s3, s9;
	s6 =	sadd.s32 @!p0 $0x88, s6;
	s7 =	simm.s32 @p2 $0x1082  }
0x22: {  	[simem:s7], [sflag:s8] =	dma.local @!p0 [hbm:s6], $0xF7A  }
0x23: {  	s9 =	sor.u32 $0xD0000000, s2;
	s6 =	simm.s32 $0x108;
	_ =	swait.ge @!p0 [sflag:s8], $0x0  }
0x24: {  	s3 =	sadd.s32 $0x88, s3;
	s6 =	simm.s32 @!p1 $0x1082;
	[sflag:s4] =	ssyncset.s32 $0xFFFFF086  }
0x25: {  	[simem:s6], [sflag:s4] =	dma.local [hbm:s3], $0xF7A  }
0x26: {  	[smem:$0x3F84] =	sst s1;
	(tag) =	ssettag s2;
	_ =	strace s9  }
0x27: {  	s1 =	sld [smem:$0x3F94]  }
0x28: {  	s2 =	sld [smem:$0x3F95]  }
0x29: {  	s4 =	sld [smem:$0x3F97]  }
0x2a: {  	p0 =	seq.s32 s5, $0x0;
	s5 =	sld [smem:$0x3F98]  }
0x2b: {  	s6 =	sld [smem:$0x3F99]  }
0x2c: {  	s7 =	sld [smem:$0x3F9A]  }
0x2d: {  	s3 =	simm.s32 $0x108;
	s8 =	sld [smem:$0x3F9B]  }
0x2e: {  	s3 =	simm.s32 @!p0 $0x1082;
	s9 =	sld [smem:$0x3F9C]  }
0x2f: {  	lr =	sadd.s32 s0, s3;
	s0 =	sld [smem:$0x3F93]  }
0x30: {  	s3 =	sld [smem:$0x3F96]  }
0x31: {  	[smem:$0x3F9F] =	sst s10  }
0x32: {  	s10 =	sld [smem:$0x3F9D];
	_ =	sdelay $0x3  }
0x33: {  	p0 =	seq.s32 s10, $0x1;
	s10 =	sld [smem:$0x3F9F];
	_ =	sdelay $0x3  }
0x34: {  	[smem:$0x3F9F] =	sst s10  }
0x35: {  	s10 =	sld [smem:$0x3F9E];
	_ =	sdelay $0x3  }
0x36: {  	p1 =	seq.s32 s10, $0x1;
	s10 =	sld [smem:$0x3F9F];
	_ =	sdelay $0x3  }
0x37: {  	[smem:$0x3F9F] =	sst s10  }
0x38: {  	s10 =	sld [smem:$0x3FA0]  }
0x39: {  	_ = 	snop;
	(pc) =	sbr.ind lr, $3  }
0x3a: {  	_ = 	snop  }
0x3b: {  	_ = 	snop  }
0x3c: {  	p2 =	seq.s32 s10, $0x1;
	s10 =	sld [smem:$0x3F9F]  }
0x3d: {  	_ =	shalt  }
0x3e: {  	_ =	shalt  }
0x3f: {  	_ =	shalt  }
0x40: {  	_ =	shalt  }
0x41: {  	_ =	shalt  }
0x42: {  	_ =	shalt  }
0x43: {  	_ =	shalt  }
0x44: {  	_ =	shalt  }
0x45: {  	_ =	shalt  }
0x46: {  	_ =	shalt  }
0x47: {  	_ =	shalt  }
0x48: {  	_ =	shalt  }
0x49: {  	_ =	shalt  }
0x4a: {  	_ =	shalt  }
0x4b: {  	_ =	shalt  }
0x4c: {  	_ =	shalt  }
0x4d: {  	_ =	shalt  }
0x4e: {  	_ =	shalt  }
0x4f: {  	_ =	shalt  }
0x50: {  	_ =	shalt  }
0x51: {  	_ =	shalt  }
0x52: {  	_ =	shalt  }
0x53: {  	_ =	shalt  }
0x54: {  	_ =	shalt  }
0x55: {  	_ =	shalt  }
0x56: {  	_ =	shalt  }
0x57: {  	_ =	shalt  }
0x58: {  	_ =	shalt  }
0x59: {  	_ =	shalt  }
0x5a: {  	_ =	shalt  }
0x5b: {  	_ =	shalt  }
0x5c: {  	_ =	shalt  }
0x5d: {  	_ =	shalt  }
0x5e: {  	_ =	shalt  }
0x5f: {  	_ =	shalt  }
0x60: {  	_ =	shalt  }
0x61: {  	_ =	shalt  }
0x62: {  	_ =	shalt  }
0x63: {  	_ =	shalt  }
0x64: {  	_ =	shalt  }
0x65: {  	_ =	shalt  }
0x66: {  	_ =	shalt  }
0x67: {  	_ =	shalt  }
0x68: {  	_ =	shalt  }
0x69: {  	_ =	shalt  }
0x6a: {  	_ =	shalt  }
0x6b: {  	_ =	shalt  }
0x6c: {  	_ =	shalt  }
0x6d: {  	_ =	shalt  }
0x6e: {  	_ =	shalt  }
0x6f: {  	_ =	shalt  }
0x70: {  	_ =	shalt  }
0x71: {  	_ =	shalt  }
0x72: {  	_ =	shalt  }
0x73: {  	_ =	shalt  }
0x74: {  	_ =	shalt  }
0x75: {  	_ =	shalt  }
0x76: {  	_ =	shalt  }
0x77: {  	_ =	shalt  }
0x78: {  	_ =	shalt  }
0x79: {  	_ =	shalt  }
0x7a: {  	_ =	shalt  }
0x7b: {  	_ =	shalt  }
0x7c: {  	_ =	shalt  }
0x7d: {  	_ =	shalt  }
0x7e: {  	_ =	shalt  }
0x7f: {  	_ =	shalt  }
0x80: {  	_ =	shalt  }
0x81: {  	_ =	shalt  }
0x82: {  	_ =	shalt  }
0x83: {  	_ =	shalt  }
0x84: {  	_ =	shalt  }
0x85: {  	_ =	shalt  }
0x86: {  	_ =	shalt  }
0x87: {  	_ =	shalt  }
.Lfunc_end0:
.L_simem_size_0:
called_computation_lowered:
.L_overlay_start_0:
0x88: {  	s2 =	sld [smem:$0x3FD9]  }
0x89: {  	s3 =	sld [smem:$0x3FFE];
	_ =	sdelay $0x1  }
0x8a: {  	s1 =	srdreg.scid  }
0x8b: {  	s0 =	sand.u32 $0x1, s1  }
0x8c: {  	s16 =	sshll.u32 s0, $0xA;
	s2 =	sadd.s32 s3, s2  }
0x8d: {  	s2 =	sadd.s32 s2, s16  }
0x8e: {  	[smem:$0x3FAB] =	sst s2  }
0x8f: {  	_ = 	snop  }
0x90: {  	(tm) =	ssettm $0x1  }
0x91: {  	s17 =	sld [smem:$0x3FFB];
	_ =	sdelay $0x3  }
0x92: {  	_ =	strace s17  }
0x93: {  	s2 =	sld [smem:$0x3FFC];
	_ =	sdelay $0x3  }
0x94: {  	_ =	strace s2  }
0x95: {  	s2 =	sld [smem:$0x3FFD];
	_ =	sdelay $0x3  }
0x96: {  	_ =	strace s2  }
0x97: {  	_ =	strace $0x8FFFFFFF  }
0x98: {  	s18 =	sld [smem:$0x3FDB];
	_ =	sdelay $0x1  }
0x99: {  	s19 =	simm.s32 $_scs_section_size  }
0x9a: {  	s4 =	simm.s32 $_size__tile_overlayer_lowered;
	s5 =	simm.s32 $_tile_overlayer_lowered  }
0x9b: {  	s22 =	simm.s32 $0x1BFF;
	s21 =	sshll.u32 s5, $0x1;
	s2 =	sadd.s32 s19, s18  }
0x9c: {  	s6 =	simm.s32 $0x0;
	s20 =	sshll.u32 s4, $0x1;
	s4 =	sadd.s32 s21, s2  }
0x9d: {  	[timem:s6], [sflag:s22] =	dma.local [hbm:s4], s20  }
0x9e: {  	_ =	swait.ge [sflag:s22], s20  }
0x9f: {  	s3 =	ssub.s32 $0x0, s20;
	[sflag:s22] =	ssyncset.done $0x0  }
0xa0: {  	[sflag:s22] =	ssyncadd.s32 s3;
	_ =	sdelay $0x1  }
0xa1: {  	s23 =	simm.s32 $0x1B8B  }
0xa2: {  	_ =	swait.ge [sflag:s23], $0x1  }
0xa3: {  	[sflag:s23] =	ssyncset.done $0x0  }
0xa4: {  	s25 =	simm.s32 $0x1B8E;
	s24 =	sld [smem:$0x3FFE];
	[sflag:s23] =	ssyncadd.s32 $0xFFFFFFFF  }
0xa5: {  	s26 =	simm.s32 $execute0_lowered;
	[smem:$0x3FD2] =	sst s25  }
0xa6: {  	s4 =	sshll.u32 s26, $0x1;
	_ =	strace $0x80000046;
	[dreg:$0x1] =	wrdreg $0xFFFFFFFF  }
0xa7: {  	s28 =	simm.s32 $_size_execute0_lowered;
	s2 =	sadd.s32 s2, s4;
	[dreg:$0x0] =	wrdreg $0x0  }
0xa8: {  	s4 =	sshll.u32 s28, $0x1;
	[dreg:$0x2] =	wrdreg s2  }
0xa9: {  	[dreg:$0x3] =	wrdreg s4  }
0xaa: {  	[dreg:$0x4] =	wrdreg $0xC0  }
0xab: {  	_ =	task [dreg:s6], $0x5FFFF  }
0xac: {  	[dreg:$0x1] =	wrdreg $0xFFFFFFFF  }
0xad: {  	[dreg:$0x0] =	wrdreg $0x60  }
0xae: {  	[dreg:$0x2] =	wrdreg s24  }
0xaf: {  	[dreg:$0x3] =	wrdreg $0x156A00  }
0xb0: {  	[dreg:$0x4] =	wrdreg $0x9  }
0xb1: {  	_ =	task.clear_ibuf [dreg:s6], $0x5FFFF;
	_ =	strace $0x90000046  }
0xb2: {  	s29 =	simm.s32 $0x9;
	_ =	strace $0x80000048  }
0xb3: {  	_ =	swait.ge [sflag:s29], $0x1  }
0xb4: {  	[sflag:s29] =	ssyncadd.s32 $0xFFFFFFFF  }
0xb5: {  	_ =	strace $0x90000048  }
0xb6: {  	_ =	sfence  }
0xb7: {  	s30 =	sld [smem:$0x0];
	_ =	sdelay $0x2  }
0xb8: {  	s31 =	sshll.u32 s1, $0xD;
	s1 =	sshrl.u32 s1, $0x2  }
0xb9: {  	s3 =	sand.u32 $0x4000, s31;
	s1 =	sadd.s32 s1, s30  }
0xba: {  	s0 =	sor.u32 s3, s0;
	s1 =	sshll.u32 s1, $0x11  }
0xbb: {  	s0 =	sor.u32 s1, s0  }
0xbc: {  	s0 =	sadd.s32 $0x8F2B, s0  }
0xbd: {  	[sflag:s0] =	ssyncadd.remote.s32 $0x1  }
0xbe: {  	_ =	sfence.sel $0xFFFF  }
0xbf: {  	[dreg:$0x0] =	wrdreg $0xFFFFFFFF;
	(pc) =	sbr.abs _section_cstart, $3  }
0xc0: {  	[dreg:$0x1] =	wrdreg $0xFFFFFFFF  }
0xc1: {  	_ =	task.clear_ibuf [dreg:s6], $0x2FFFF;
	_ =	strace $0x9FFFFFFF  }
0xc2: {  	(tm) =	ssettm $0x7FFFFFFF  }
0xc3: {  	_ =	shalt  }
tec
execute0_lowered:
.L_overlay_start_1:
0x0: {  	(tag) =	ssettag $0x1  }
0x1: {  	s0 =	srdreg.scid;
	s1 =	rddreg [dreg:$0x0]  }
0x2: {  	s2 =	rddreg [dreg:$0x1];
	s10 =	stileid.u32;
	s4 =	simm.s32 $0x0  }
0x3: {  	s29 =	simm.s32 $0x5AA0;
	s30 =	simm.s32 $0xF0A0;
	s12 =	simm.s32 $0x7  }
0x4: {  	s28 =	simm.s32 $0x9;
	s31 =	simm.s32 $0xA;
	s15 =	simm.s32 $0x11  }
0x5: {  	s0 =	sand.u32 $0x1, s0;
	[smem:$0x7FF] =	sst s4;
	s7 =	smul.u32 $0x27000, s10  }
0x6: {  	s4 =	sadd.s32 $0x33A00, s1;
	s8 =	sadd.s32 $0xB800, s1;
	s18 =	smul.u32 $0x9C00, s10  }
0x7: {  	s11 =	sadd.s32 $0x9C000, s2;
	p1 =	sne.s32 s10, $0xF;
	s25 =	sshll.u32 s10, $0x6  }
0x8: {  	s3 =	sshll.u32 s0, $0x4;
	_ =	strace $0x80000047;
	s5 =	ssub.s32 $0x2, s0  }
0x9: {  	s19 =	smul.u32 $0x9C400, s0;
	p0 =	sne.s32 s0, $0x0;
	s0 =	sor.u32 $0x1C17, s25  }
0xa: {  	[dreg:$0x8] =	wrdreg s11;
	s25 =	simm.s32 $0xD7A0;
	s3 =	sor.u32 s10, s3  }
0xb: {  	s6 =	sshrl.u32 s5, $0x1;
	s17 =	sshrl.u32 s7, $0x2;
	s20 =	sadd.s32 s18, s2  }
0xc: {  	s21 =	sshrl.u32 s18, $0x3;
	[dreg:$0xe] =	wrdreg s0;
	s0 =	sshrl.u32 @!p1 s11, $0x3  }
0xd: {  	s11 =	simm.s32 $0xBEA0;
	s10 =	simm.s32 $0x1;
	s3 =	smul.u32 $0x1450, s3  }
0xe: {  	s5 =	ssub.s32 s5, s6;
	s6 =	sadd.s32 s17, s2;
	s7 =	sadd.s32 s18, s19  }
0xf: {  	s26 =	sshrl.u32 s20, $0x3;
	[dreg:$0x10] =	wrdreg s0;
	s0 =	simm.s32 $0x109A0  }
0x10: {  	s20 =	simm.s32 $0x0;
	s9 =	sadd.s32 $0x3400, s6;
	[dreg:$0x5] =	wrdreg s6  }
0x11: {  	s6 =	sadd.s32 $0x6800, s6;
	s7 =	sshrl.u32 s7, $0x3;
	[dreg:$0xf] =	wrdreg s26  }
0x12: {  	s24 =	smax.u32 s5, $0x1;
	s26 =	simm.s32 $0x41A0;
	[dreg:$0x6] =	wrdreg s9  }
0x13: {  	s3 =	sshrl.u32 s3, $0x3;
	[dreg:$0x7] =	wrdreg s6;
	s9 =	sadd.s32 s4, s21  }
0x14: {  	s22 =	sadd.s32 s8, s7;
	[dreg:$0xd] =	wrdreg s24;
	s24 =	simm.s32 $0x28A0  }
0x15: {  	s21 =	simm.s32 $0x12;
	s3 =	sadd.s32 s3, s1;
	[dreg:$0x9] =	wrdreg s9  }
0x16: {  	s1 =	sadd.s32 $0x47200, s1;
	[dreg:$0xb] =	wrdreg s22;
	s16 =	sadd.s32 $0x1400, s3  }
.Ltmp0:
0x17: {  	s3 =	sadd.s32 $0x6540, s3;
	[dreg:$0xa] =	wrdreg s1;
	(pc) =	sbr.rel .LBB2_1-.Ltmp0, $4  }
0x18: {  	s9 =	simm.s32 $0x3;
	[dreg:$0x4] =	wrdreg s3;
	s3 =	sshrl.u32 s19, $0x3  }
0x19: {  	[dreg:$0x3] =	wrdreg s16;
	s19 =	simm.s32 $0x17;
	s23 =	sadd.s32 s8, s3  }
0x1a: {  	s16 =	simm.s32 $0x5;
	s8 =	simm.s32 $0x2;
	s1 =	sadd.s32 $0x13800, s23  }
0x1b: {  	v0 =	vimm.f32 $0.0e+00;
	s23 =	simm.s32 $0x64;
	[dreg:$0xc] =	wrdreg s1;
	s1 =	simm.s32 $0x8CA0  }
.LBB2_9:
0x1c: {  	_ =	swait.ge [sflag:s31], $0x1900  }
0x1d: {  	[sflag:s31] =	ssyncset.done $0x0  }
0x1e: {  	s3 =	simm.s32 $0xB;
	[sflag:s31] =	ssyncadd.s32 $0xFFFFE700  }
0x1f: {  	[spmem:s2] =	stream.indirect.scatter.add.f32 [tilespmem:s0], [sflag:$0x14], $0x40, s5, s23, $0xb8;
	[tilespmem:$0x1F2E0] =	vst v63  }
0x20: {  	_ =	swait.ge [sflag:s3], $0x1900  }
0x21: {  	[sflag:s3] =	ssyncset.done $0x0  }
0x22: {  	s22 =	simm.s32 $0xC;
	[sflag:s3] =	ssyncadd.s32 $0xFFFFE700  }
0x23: {  	_ =	swait.ge [sflag:s22], $0x1900  }
0x24: {  	[sflag:s22] =	ssyncset.done $0x0  }
0x25: {  	s5 =	simm.s32 $0xD;
	[sflag:s22] =	ssyncadd.s32 $0xFFFFE700  }
0x26: {  	_ =	swait.ge [sflag:s5], $0x1900  }
0x27: {  	[sflag:s5] =	ssyncset.done $0x0  }
0x28: {  	s6 =	simm.s32 $0xE;
	[sflag:s5] =	ssyncadd.s32 $0xFFFFE700  }
0x29: {  	_ =	swait.ge [sflag:s6], $0x1900  }
0x2a: {  	[sflag:s6] =	ssyncset.done $0x0  }
0x2b: {  	s7 =	simm.s32 $0xF;
	[sflag:s6] =	ssyncadd.s32 $0xFFFFE700  }
0x2c: {  	_ =	swait.ge [sflag:s7], $0x1900  }
0x2d: {  	[sflag:s7] =	ssyncset.done $0x0  }
0x2e: {  	s13 =	simm.s32 $0x10;
	[sflag:s7] =	ssyncadd.s32 $0xFFFFE700  }
0x2f: {  	_ =	swait.ge [sflag:s13], $0x1900  }
0x30: {  	[sflag:s13] =	ssyncset.done $0x0  }
0x31: {  	[sflag:s13] =	ssyncadd.s32 $0xFFFFE700  }
0x32: {  	_ =	swait.ge [sflag:s15], $0x1900  }
0x33: {  	[sflag:s15] =	ssyncset.done $0x0  }
0x34: {  	[sflag:s15] =	ssyncadd.s32 $0xFFFFE700  }
0x35: {  	_ =	swait.ge [sflag:s21], $0x1900  }
0x36: {  	[sflag:s21] =	ssyncset.done $0x0  }
0x37: {  	s14 =	simm.s32 $0x13;
	[sflag:s21] =	ssyncadd.s32 $0xFFFFE700  }
0x38: {  	_ =	swait.ge [sflag:s14], $0x1900  }
0x39: {  	[sflag:s14] =	ssyncset.done $0x0  }
0x3a: {  	s17 =	simm.s32 $0x14;
	[sflag:s14] =	ssyncadd.s32 $0xFFFFE700  }
0x3b: {  	_ =	swait.ge [sflag:s17], $0x1900  }
0x3c: {  	[sflag:s17] =	ssyncset.done $0x0  }
0x3d: {  	[sflag:s17] =	ssyncadd.s32 $0xFFFFE700  }
0x3e: {  	[bflag:$0x0] =	sbarrier.arrive $0xFFFF  }
0x3f: {  	s18 =	rddreg [dreg:$0xb]  }
0x40: {  	s5 =	rddreg [dreg:$0xe]  }
0x41: {  	s6 =	rddreg [dreg:$0xf]  }
0x42: {  	[hbm:s18], [sflag:s5] =	dma.local [spmem:s6], $0x1380  }
0x43: {  	_ =	swait.ge [sflag:s19], $0x1380  }
0x44: {  	[sflag:s19] =	ssyncset.done $0x0;
	s3 =	rddreg [dreg:$0xc]  }
0x45: {  	s6 =	rddreg [dreg:$0x10];
	[sflag:s19] =	ssyncadd.s32 $0xFFFFEC80  }
0x46: {  	[hbm:s3], [sflag:s5] =	dma.local @!p1 [spmem:s6], $0x80  }
0x47: {  	s3 =	simm.s32 @!p1 $0x17  }
0x48: {  	_ =	swait.ge @!p1 [sflag:s3], $0x80  }
0x49: {  	s20 =	sadd.s32 $0x1, s20;
	s22 =	rddreg [dreg:$0xd]  }
0x4a: {  	p2 =	sne.s32 s20, s22  }
.Ltmp1:
0x4b: {  	_ = 	snop;
	(pc) =	sbr.rel @!p2 .LBB2_10-.Ltmp1, $3  }
0x4c: {  	_ =	sdelay $0x1  }
0x4d: {  	[sflag:s3] =	ssyncset.done @!p1 $0x0  }
0x4e: {  	[sflag:s3] =	ssyncadd.s32 @!p1 $0xFFFFFF80  }
.LBB2_1:
.Ltmp2:
0x4f: {  	(pc) =	sbr.rel @p0 .LBB2_3-.Ltmp2, $4  }
0x50: {  	s3 =	simm.s32 $0x0;
	s5 =	rddreg [dreg:$0x3]  }
0x51: {  	[tilespmem:s3], [sflag:$0x15] =	stream.linear.gather [hbm4b:s5+s3], $0x1450, $0x38;
	[tilespmem:$0x1F2E0] =	vst v63  }
0x52: {  	s22 =	rddreg [dreg:$0x4];
	s6 =	simm.s32 $0x1450  }
0x53: {  	[tilespmem:s6], [sflag:$0x16] =	stream.linear.gather [hbm4b:s22+s3], $0x1450, $0x38;
	[tilespmem:$0x1F2E0] =	vst v63  }
0x54: {  	s3 =	rddreg [dreg:$0x9]  }
0x55: {  	s5 =	rddreg [dreg:$0xe]  }
0x56: {  	s6 =	rddreg [dreg:$0xf]  }
0x57: {  	[spmem:s6], [sflag:s5] =	dma.local [hbm:s3], $0x1380  }
0x58: {  	_ =	swait.ge [sflag:s19], $0x1380  }
0x59: {  	[sflag:s19] =	ssyncset.done $0x0;
	s3 =	rddreg [dreg:$0xa]  }
0x5a: {  	s6 =	rddreg [dreg:$0x10];
	[sflag:s19] =	ssyncadd.s32 $0xFFFFEC80  }
0x5b: {  	[spmem:s6], [sflag:s5] =	dma.local @!p1 [hbm:s3], $0x80  }
.Ltmp3:
0x5c: {  	_ = 	snop;
	(pc) =	sbr.rel .LBB2_6-.Ltmp3, $4  }
0x5d: {  	s3 =	simm.s32 @!p1 $0x17  }
0x5e: {  	_ =	swait.ge @!p1 [sflag:s3], $0x80  }
0x5f: {  	[sflag:s3] =	ssyncset.done @!p1 $0x0  }
0x60: {  	[sflag:s3] =	ssyncadd.s32 @!p1 $0xFFFFFF80  }
.LBB2_3:
0x61: {  	s5 =	simm.s32 $0x100;
	s3 =	simm.s32 $0x0  }
.LBB2_4:
0x62: {  	p2 =	sne.s32 s5, $0xCF00;
	[tilespmem:s3+$0x122D0] =	vst v0;
	s6 =	smov.u32 s5;
	s5 =	sadd.s32 $0x100, s5  }
.Ltmp4:
0x63: {  	[tilespmem:s3+$0x122C0] =	vst v0;
	(pc) =	sbr.rel @p2 .LBB2_4-.Ltmp4, $3  }
0x64: {  	[tilespmem:s3+$0x122A0] =	vst v0  }
0x65: {  	[tilespmem:s3+$0x122B0] =	vst v0;
	_ =	sdelay $0x1  }
0x66: {  	s3 =	sshra.s32 s6, $0x2  }
0x67: {  	[tilespmem:s3+$0x122D0] =	vst v0  }
0x68: {  	[tilespmem:s3+$0x122C0] =	vst v0  }
0x69: {  	[tilespmem:s3+$0x122A0] =	vst v0  }
0x6a: {  	[tilespmem:s3+$0x122B0] =	vst v0;
	s17 =	rddreg [dreg:$0x5];
	s5 =	simm.s32 $0x122A0  }
0x6b: {  	[spmem:s17] =	stream.linear.scatter [tilespmem:s5], [sflag:$0x17], $0x3400, $0x38;
	[tilespmem:$0x1F2E0] =	vst v63  }
0x6c: {  	_ =	swait.ge [sflag:s19], $0x3400  }
0x6d: {  	[sflag:s19] =	ssyncset.done $0x0  }
0x6e: {  	s18 =	rddreg [dreg:$0x6];
	[sflag:s19] =	ssyncadd.s32 $0xFFFFCC00  }
0x6f: {  	[spmem:s18] =	stream.linear.scatter [tilespmem:s5], [sflag:$0x17], $0x3400, $0x38;
	[tilespmem:$0x1F2E0] =	vst v63  }
0x70: {  	_ =	swait.ge [sflag:s19], $0x3400  }
0x71: {  	[sflag:s19] =	ssyncset.done $0x0  }
0x72: {  	s22 =	rddreg [dreg:$0x7];
	[sflag:s19] =	ssyncadd.s32 $0xFFFFCC00  }
0x73: {  	[spmem:s22] =	stream.linear.scatter [tilespmem:s5], [sflag:$0x17], $0x3400, $0x38;
	[tilespmem:$0x1F2E0] =	vst v63  }
0x74: {  	_ =	swait.ge [sflag:s19], $0x3400  }
0x75: {  	[sflag:s19] =	ssyncset.done $0x0  }
0x76: {  	s3 =	simm.s32 @!p1 $0x122A0;
	s5 =	rddreg [dreg:$0x8];
	[sflag:s19] =	ssyncadd.s32 $0xFFFFCC00  }
0x77: {  	[spmem:s5] =	stream.linear.scatter @!p1 [tilespmem:s3], [sflag:$0x17], $0x400, $0x38;
	[tilespmem:$0x1F2E0] =	vst v63  }
0x78: {  	s3 =	simm.s32 @!p1 $0x17  }
0x79: {  	_ =	swait.ge @!p1 [sflag:s3], $0x400  }
0x7a: {  	[sflag:s3] =	ssyncset.done @!p1 $0x0  }
0x7b: {  	[sflag:s3] =	ssyncadd.s32 @!p1 $0xFFFFFC00  }
.LBB2_6:
0x7c: {  	s3 =	simm.s32 $0x15  }
0x7d: {  	_ =	swait.ge [sflag:s3], $0x1450  }
0x7e: {  	[sflag:s3] =	ssyncset.done $0x0  }
0x7f: {  	s14 =	simm.s32 $0x16;
	[sflag:s3] =	ssyncadd.s32 $0xFFFFEBB0  }
0x80: {  	_ =	swait.ge [sflag:s14], $0x1450  }
0x81: {  	[sflag:s14] =	ssyncset.done $0x0  }
0x82: {  	[sflag:s14] =	ssyncadd.s32 $0xFFFFEBB0  }
0x83: {  	s7 =	simm.s32 $0x0;
	[bflag:$0x0] =	sbarrier.arrive $0xFFFF  }
0x84: {  	[tilespmem:s24], [sflag:$0x1] =	stream.indirect.gather [hbm4b:s4+s23], $0x40, s7, s23, $0xb8;
	[tilespmem:$0x1F2E0] =	vst v63  }
0x85: {  	s17 =	simm.s32 $0x68  }
0x86: {  	[tilespmem:s26], [sflag:$0x2] =	stream.indirect.gather [hbm4b:s4+s23], $0x40, s17, s23, $0xb8;
	[tilespmem:$0x1F2E0] =	vst v63  }
0x87: {  	s18 =	simm.s32 $0xD0  }
0x88: {  	[tilespmem:s29], [sflag:$0x3] =	stream.indirect.gather [hbm4b:s4+s23], $0x40, s18, s23, $0xb8;
	[tilespmem:$0x1F2E0] =	vst v63  }
0x89: {  	s22 =	simm.s32 $0x138;
	s5 =	simm.s32 $0x73A0  }
0x8a: {  	[tilespmem:s5], [sflag:$0x4] =	stream.indirect.gather [hbm4b:s4+s23], $0x40, s22, s23, $0xb8;
	[tilespmem:$0x1F2E0] =	vst v63  }
0x8b: {  	s5 =	simm.s32 $0x1A0  }
0x8c: {  	[tilespmem:s1], [sflag:$0x5] =	stream.indirect.gather [hbm4b:s4+s23], $0x40, s5, s23, $0xb8;
	[tilespmem:$0x1F2E0] =	vst v63  }
0x8d: {  	s6 =	simm.s32 $0x208;
	s13 =	simm.s32 $0xA5A0  }
0x8e: {  	[tilespmem:s13], [sflag:$0x6] =	stream.indirect.gather [hbm4b:s4+s23], $0x40, s6, s23, $0xb8;
	[tilespmem:$0x1F2E0] =	vst v63  }
0x8f: {  	s14 =	simm.s32 $0x270  }
0x90: {  	[tilespmem:s11], [sflag:$0x7] =	stream.indirect.gather [hbm4b:s4+s23], $0x40, s14, s23, $0xb8;
	[tilespmem:$0x1F2E0] =	vst v63  }
0x91: {  	s17 =	simm.s32 $0x2D8  }
0x92: {  	[tilespmem:s25], [sflag:$0x8] =	stream.indirect.gather [hbm4b:s4+s23], $0x40, s17, s23, $0xb8;
	[tilespmem:$0x1F2E0] =	vst v63  }
0x93: {  	s18 =	simm.s32 $0x340  }
0x94: {  	[tilespmem:s30], [sflag:$0x9] =	stream.indirect.gather [hbm4b:s4+s23], $0x40, s18, s23, $0xb8;
	[tilespmem:$0x1F2E0] =	vst v63  }
0x95: {  	s22 =	simm.s32 $0x3A8  }
0x96: {  	[tilespmem:s0], [sflag:$0xA] =	stream.indirect.gather [hbm4b:s4+s23], $0x40, s22, s23, $0xb8;
	[tilespmem:$0x1F2E0] =	vst v63  }
.LBB2_7:
0x97: {  	_ =	swait.ge [sflag:s10], $0x1900  }
0x98: {  	s3 =	sshra.s32 s7, $0x2;
	[sflag:s10] =	ssyncset.done $0x0  }
0x99: {  	p2 =	seq.s32 s7, $0x0;
	s5 =	sadd.s32 $0x1450, s3;
	[sflag:s10] =	ssyncadd.s32 $0xFFFFE700  }
0x9a: {  	[spmem:s2] =	stream.indirect.scatter.add.f32 [tilespmem:s24], [sflag:$0xB], $0x40, s5, s23, $0xb8;
	[tilespmem:$0x1F2E0] =	vst v63  }
0x9b: {  	s5 =	simm.s32 @!p2 $0x13  }
0x9c: {  	_ =	swait.ge @!p2 [sflag:s5], $0x1900  }
0x9d: {  	[sflag:s5] =	ssyncset.done @!p2 $0x0  }
0x9e: {  	[sflag:s5] =	ssyncadd.s32 @!p2 $0xFFFFE700;
	s5 =	sshra.s32 @!p2 s7, $0x2  }
0x9f: {  	s13 =	simm.s32 @!p2 $0x64;
	s14 =	simm.s32 @!p2 $0xF0A0;
	s6 =	sadd.s32 @!p2 $0x340, s5  }
0xa0: {  	[tilespmem:s14], [sflag:$0x9] =	stream.indirect.gather @!p2 [hbm4b:s4+s13], $0x40, s6, s13, $0xb8;
	[tilespmem:$0x1F2E0] =	vst v63  }
0xa1: {  	_ =	swait.ge [sflag:s8], $0x1900  }
0xa2: {  	[sflag:s8] =	ssyncset.done $0x0  }
0xa3: {  	s14 =	sadd.s32 $0x14B8, s3;
	s6 =	simm.s32 @!p2 $0x14;
	[sflag:s8] =	ssyncadd.s32 $0xFFFFE700  }
0xa4: {  	[spmem:s2] =	stream.indirect.scatter.add.f32 [tilespmem:s26], [sflag:$0xC], $0x40, s14, s23, $0xb8;
	[tilespmem:$0x1F2E0] =	vst v63  }
0xa5: {  	_ =	swait.ge @!p2 [sflag:s6], $0x1900  }
0xa6: {  	[sflag:s6] =	ssyncset.done @!p2 $0x0  }
0xa7: {  	s5 =	sadd.s32 @!p2 $0x3A8, s5;
	[sflag:s6] =	ssyncadd.s32 @!p2 $0xFFFFE700;
	s6 =	simm.s32 @!p2 $0x109A0  }
0xa8: {  	[tilespmem:s6], [sflag:$0xA] =	stream.indirect.gather @!p2 [hbm4b:s4+s13], $0x40, s5, s13, $0xb8;
	[tilespmem:$0x1F2E0] =	vst v63  }
0xa9: {  	_ =	swait.ge [sflag:s9], $0x1900  }
0xaa: {  	p2 =	seq.s32 s7, $0x4100;
	[sflag:s9] =	ssyncset.done $0x0  }
0xab: {  	s17 =	sadd.s32 $0x1520, s3;
	s5 =	simm.s32 @p2 $0x4;
	[sflag:s9] =	ssyncadd.s32 $0xFFFFE700  }
0xac: {  	[spmem:s2] =	stream.indirect.scatter.add.f32 [tilespmem:s29], [sflag:$0xD], $0x40, s17, s23, $0xb8;
	[tilespmem:$0x1F2E0] =	vst v63  }
0xad: {  	_ =	swait.ge @p2 [sflag:s5], $0x1900  }
0xae: {  	s13 =	sshra.s32 @p2 s7, $0x2;
	s14 =	simm.s32 @p2 $0x64;
	[sflag:s5] =	ssyncset.done @p2 $0x0  }
0xaf: {  	s6 =	simm.s32 @p2 $0x73A0;
	[sflag:s5] =	ssyncadd.s32 @p2 $0xFFFFE700;
	s5 =	sadd.s32 @p2 $0x1588, s13  }
0xb0: {  	[spmem:s2] =	stream.indirect.scatter.add.f32 @p2 [tilespmem:s6], [sflag:$0xE], $0x40, s5, s14, $0xb8;
	[tilespmem:$0x1F2E0] =	vst v63  }
0xb1: {  	s5 =	simm.s32 @!p2 $0xB  }
0xb2: {  	_ =	swait.ge @!p2 [sflag:s5], $0x1900  }
0xb3: {  	[sflag:s5] =	ssyncset.done @!p2 $0x0  }
0xb4: {  	[sflag:s5] =	ssyncadd.s32 @!p2 $0xFFFFE700;
	s5 =	sshra.s32 @!p2 s7, $0x2  }
0xb5: {  	s22 =	simm.s32 @!p2 $0x28A0;
	s6 =	simm.s32 @!p2 $0x64;
	s18 =	sadd.s32 @!p2 $0x410, s5  }
0xb6: {  	[tilespmem:s22], [sflag:$0x1] =	stream.indirect.gather @!p2 [hbm4b:s4+s6], $0x40, s18, s6, $0xb8;
	[tilespmem:$0x1F2E0] =	vst v63  }
0xb7: {  	s18 =	simm.s32 @!p2 $0x4  }
0xb8: {  	_ =	swait.ge @!p2 [sflag:s18], $0x1900  }
0xb9: {  	[sflag:s18] =	ssyncset.done @!p2 $0x0  }
0xba: {  	s22 =	simm.s32 @!p2 $0x73A0;
	[sflag:s18] =	ssyncadd.s32 @!p2 $0xFFFFE700;
	s18 =	sadd.s32 @!p2 $0x1588, s5  }
0xbb: {  	[spmem:s2] =	stream.indirect.scatter.add.f32 @!p2 [tilespmem:s22], [sflag:$0xE], $0x40, s18, s6, $0xb8;
	[tilespmem:$0x1F2E0] =	vst v63  }
0xbc: {  	s18 =	simm.s32 @!p2 $0xC  }
0xbd: {  	_ =	swait.ge @!p2 [sflag:s18], $0x1900  }
0xbe: {  	[sflag:s18] =	ssyncset.done @!p2 $0x0  }
0xbf: {  	s17 =	simm.s32 @!p2 $0x41A0;
	[sflag:s18] =	ssyncadd.s32 @!p2 $0xFFFFE700;
	s18 =	sadd.s32 @!p2 $0x478, s5  }
0xc0: {  	[tilespmem:s17], [sflag:$0x2] =	stream.indirect.gather @!p2 [hbm4b:s4+s6], $0x40, s18, s6, $0xb8;
	[tilespmem:$0x1F2E0] =	vst v63  }
0xc1: {  	_ =	swait.ge [sflag:s16], $0x1900  }
0xc2: {  	[sflag:s16] =	ssyncset.done $0x0  }
0xc3: {  	s18 =	sadd.s32 $0x15F0, s3;
	s17 =	simm.s32 @p2 $0x6;
	[sflag:s16] =	ssyncadd.s32 $0xFFFFE700  }
0xc4: {  	[spmem:s2] =	stream.indirect.scatter.add.f32 [tilespmem:s1], [sflag:$0xF], $0x40, s18, s23, $0xb8;
	[tilespmem:$0x1F2E0] =	vst v63  }
0xc5: {  	_ =	swait.ge @p2 [sflag:s17], $0x1900  }
0xc6: {  	[sflag:s17] =	ssyncset.done @p2 $0x0  }
0xc7: {  	s18 =	simm.s32 @p2 $0xA5A0;
	[sflag:s17] =	ssyncadd.s32 @p2 $0xFFFFE700;
	s17 =	sadd.s32 @p2 $0x1658, s13  }
0xc8: {  	[spmem:s2] =	stream.indirect.scatter.add.f32 @p2 [tilespmem:s18], [sflag:$0x10], $0x40, s17, s14, $0xb8;
	[tilespmem:$0x1F2E0] =	vst v63  }
0xc9: {  	s17 =	simm.s32 @!p2 $0xD  }
0xca: {  	_ =	swait.ge @!p2 [sflag:s17], $0x1900  }
0xcb: {  	[sflag:s17] =	ssyncset.done @!p2 $0x0  }
0xcc: {  	s18 =	simm.s32 @!p2 $0x5AA0;
	[sflag:s17] =	ssyncadd.s32 @!p2 $0xFFFFE700;
	s17 =	sadd.s32 @!p2 $0x4E0, s5  }
0xcd: {  	[tilespmem:s18], [sflag:$0x3] =	stream.indirect.gather @!p2 [hbm4b:s4+s6], $0x40, s17, s6, $0xb8;
	[tilespmem:$0x1F2E0] =	vst v63  }
0xce: {  	s17 =	simm.s32 @!p2 $0x6  }
0xcf: {  	_ =	swait.ge @!p2 [sflag:s17], $0x1900  }
0xd0: {  	[sflag:s17] =	ssyncset.done @!p2 $0x0  }
0xd1: {  	s18 =	simm.s32 @!p2 $0xA5A0;
	[sflag:s17] =	ssyncadd.s32 @!p2 $0xFFFFE700;
	s17 =	sadd.s32 @!p2 $0x1658, s5  }
0xd2: {  	[spmem:s2] =	stream.indirect.scatter.add.f32 @!p2 [tilespmem:s18], [sflag:$0x10], $0x40, s17, s6, $0xb8;
	[tilespmem:$0x1F2E0] =	vst v63  }
0xd3: {  	s17 =	simm.s32 @!p2 $0xE  }
0xd4: {  	_ =	swait.ge @!p2 [sflag:s17], $0x1900  }
0xd5: {  	[sflag:s17] =	ssyncset.done @!p2 $0x0  }
0xd6: {  	[sflag:s17] =	ssyncadd.s32 @!p2 $0xFFFFE700;
	s17 =	sadd.s32 @!p2 $0x548, s5  }
0xd7: {  	[tilespmem:s22], [sflag:$0x4] =	stream.indirect.gather @!p2 [hbm4b:s4+s6], $0x40, s17, s6, $0xb8;
	[tilespmem:$0x1F2E0] =	vst v63  }
0xd8: {  	_ =	swait.ge [sflag:s12], $0x1900  }
0xd9: {  	[sflag:s12] =	ssyncset.done $0x0  }
0xda: {  	s22 =	sadd.s32 $0x16C0, s3;
	s17 =	simm.s32 @p2 $0x8;
	[sflag:s12] =	ssyncadd.s32 $0xFFFFE700  }
0xdb: {  	[spmem:s2] =	stream.indirect.scatter.add.f32 [tilespmem:s11], [sflag:$0x11], $0x40, s22, s23, $0xb8;
	[tilespmem:$0x1F2E0] =	vst v63  }
0xdc: {  	_ =	swait.ge @p2 [sflag:s17], $0x1900  }
0xdd: {  	[sflag:s17] =	ssyncset.done @p2 $0x0  }
0xde: {  	s13 =	sadd.s32 @p2 $0x1728, s13;
	[sflag:s17] =	ssyncadd.s32 @p2 $0xFFFFE700;
	s17 =	simm.s32 @p2 $0xD7A0  }
0xdf: {  	[spmem:s2] =	stream.indirect.scatter.add.f32 @p2 [tilespmem:s17], [sflag:$0x12], $0x40, s13, s14, $0xb8;
	[tilespmem:$0x1F2E0] =	vst v63  }
0xe0: {  	s13 =	simm.s32 @!p2 $0xF  }
0xe1: {  	_ =	swait.ge @!p2 [sflag:s13], $0x1900  }
0xe2: {  	[sflag:s13] =	ssyncset.done @!p2 $0x0  }
0xe3: {  	s14 =	simm.s32 @!p2 $0x8CA0;
	[sflag:s13] =	ssyncadd.s32 @!p2 $0xFFFFE700;
	s13 =	sadd.s32 @!p2 $0x5B0, s5  }
0xe4: {  	[tilespmem:s14], [sflag:$0x5] =	stream.indirect.gather @!p2 [hbm4b:s4+s6], $0x40, s13, s6, $0xb8;
	[tilespmem:$0x1F2E0] =	vst v63  }
0xe5: {  	s13 =	simm.s32 @!p2 $0x8  }
0xe6: {  	_ =	swait.ge @!p2 [sflag:s13], $0x1900  }
0xe7: {  	[sflag:s13] =	ssyncset.done @!p2 $0x0  }
0xe8: {  	s14 =	simm.s32 @!p2 $0xD7A0;
	[sflag:s13] =	ssyncadd.s32 @!p2 $0xFFFFE700;
	s13 =	sadd.s32 @!p2 $0x1728, s5  }
0xe9: {  	[spmem:s2] =	stream.indirect.scatter.add.f32 @!p2 [tilespmem:s14], [sflag:$0x12], $0x40, s13, s6, $0xb8;
	[tilespmem:$0x1F2E0] =	vst v63  }
0xea: {  	s13 =	simm.s32 @!p2 $0x10  }
0xeb: {  	_ =	swait.ge @!p2 [sflag:s13], $0x1900  }
0xec: {  	[sflag:s13] =	ssyncset.done @!p2 $0x0  }
0xed: {  	s5 =	sadd.s32 @!p2 $0x618, s5;
	[sflag:s13] =	ssyncadd.s32 @!p2 $0xFFFFE700  }
0xee: {  	[tilespmem:s18], [sflag:$0x6] =	stream.indirect.gather @!p2 [hbm4b:s4+s6], $0x40, s5, s6, $0xb8;
	[tilespmem:$0x1F2E0] =	vst v63  }
.Ltmp5:
0xef: {  	_ = 	snop;
	(pc) =	sbr.rel @p2 .LBB2_9-.Ltmp5, $4  }
0xf0: {  	_ =	swait.ge [sflag:s28], $0x1900  }
0xf1: {  	[sflag:s28] =	ssyncset.done $0x0  }
0xf2: {  	s22 =	sadd.s32 $0x1790, s3;
	s5 =	sadd.s32 $0x17F8, s3;
	[sflag:s28] =	ssyncadd.s32 $0xFFFFE700  }
0xf3: {  	[spmem:s2] =	stream.indirect.scatter.add.f32 [tilespmem:s30], [sflag:$0x13], $0x40, s22, s23, $0xb8;
	[tilespmem:$0x1F2E0] =	vst v63  }
0xf4: {  	_ =	swait.ge [sflag:s15], $0x1900  }
0xf5: {  	[sflag:s15] =	ssyncset.done $0x0  }
0xf6: {  	s6 =	sadd.s32 $0x680, s3;
	[sflag:s15] =	ssyncadd.s32 $0xFFFFE700  }
0xf7: {  	[tilespmem:s11], [sflag:$0x7] =	stream.indirect.gather [hbm4b:s4+s23], $0x40, s6, s23, $0xb8;
	[tilespmem:$0x1F2E0] =	vst v63  }
0xf8: {  	_ =	swait.ge [sflag:s31], $0x1900  }
0xf9: {  	[sflag:s31] =	ssyncset.done $0x0  }
0xfa: {  	[sflag:s31] =	ssyncadd.s32 $0xFFFFE700  }
0xfb: {  	[spmem:s2] =	stream.indirect.scatter.add.f32 [tilespmem:s0], [sflag:$0x14], $0x40, s5, s23, $0xb8;
	[tilespmem:$0x1F2E0] =	vst v63  }
.Ltmp6:
0xfc: {  	_ = 	snop;
	(pc) =	sbr.rel .LBB2_7-.Ltmp6, $4  }
0xfd: {  	_ =	swait.ge [sflag:s21], $0x1900  }
0xfe: {  	[sflag:s21] =	ssyncset.done $0x0  }
0xff: {  	s22 =	sadd.s32 $0x6E8, s3;
	s7 =	sadd.s32 $0x1040, s7;
	[sflag:s21] =	ssyncadd.s32 $0xFFFFE700  }
0x100: {  	[tilespmem:s25], [sflag:$0x8] =	stream.indirect.gather [hbm4b:s4+s23], $0x40, s22, s23, $0xb8;
	[tilespmem:$0x1F2E0] =	vst v63  }
.LBB2_10:
0x101: {  	_ =	sfence.sel $0x180000  }
0x102: {  	[bflag:$0x0] =	sbarrier.arrive $0xFFFF  }
0x103: {  	_ =	strace $0x90000047  }
0x104: {  	s0 =	stileid.u32;
	[bflag:$0x2] =	sbarrier.arrive $0xFFFF  }
0x105: {  	p0 =	sne.s32 s0, $0x0;
	s0 =	rddreg [dreg:$0x2]  }
0x106: {  	s0 =	sadd.s32 @!p0 $0x100000, s0  }
0x107: {  	[sflag:s0] =	ssyncadd.tile.s32 @!p0 $0x1;
	_ =	shalt  }
.Lfunc_end2:
_tile_overlayer_lowered:
.L_overlay_start_2:
0x108: {  	(tag) =	ssettag $0x2  }
0x109: {  	s0 =	rddreg [dreg:$0x0];
	s2 =	stileid.u32  }
0x10a: {  	s1 =	rddreg [dreg:$0x1];
	p0 =	sne.s32 s2, $0x0  }
0x10b: {  	s3 =	rddreg [dreg:$0x2];
	[bflag:$0x3] =	sbarrier.arrive $0xFFFF;
	s2 =	simm.s32 @!p0 $0x1C17  }
0x10c: {  	[timem:s3], [sflag:s2] =	dma.local @!p0 [hbm:s0], s1  }
0x10d: {  	s0 =	simm.s32 @!p0 $0x17  }
0x10e: {  	_ =	swait.ge @!p0 [sflag:s0], s1  }
0x10f: {  	s1 =	ssub.s32 @!p0 $0x0, s1;
	[sflag:s0] =	ssyncset.done @!p0 $0x0  }
0x110: {  	[sflag:s0] =	ssyncadd.s32 @!p0 s1  }
0x111: {  	[bflag:$0x3] =	sbarrier.arrive $0xFFFF  }
0x112: {  	_ =	shalt  }

</sc_bundles>
